<compile_context>
chip_gen: v7x
topology: tpu7x:2x2x1
jax: 0.10.2.dev20260603
libtpu: 0.0.44.dev20260713+nightly
codegen_flags: <defaults>
</compile_context>

<pallas_src>
import functools
import numpy as np
import jax
import jax.numpy as jnp
from jax import lax
from jax.experimental import pallas as pl
from jax.experimental.pallas import tpu as pltpu
from jax.experimental.pallas import tpu_sc as plsc

_LAYER_IDX = 6
_NUM_LAYERS = 12
_DIM = 2048

_NSTRIPE = 16
_R = 128
_NQ = 4
_RING = _NQ * _R
_MAXOFF = 128


def _shift_offsets(v_len, d_v):
    i = np.arange(d_v, dtype=np.float64)
    e = (_LAYER_IDX * _DIM + i) / (_NUM_LAYERS * _DIM)
    return np.ceil(np.power(float(v_len), e)).astype(np.int64)


@functools.lru_cache(maxsize=None)
def _build(B, N, D):
    off = _shift_offsets(N, D)
    assert off.min() >= 1 and off.max() <= _MAXOFF
    delta_np = (_MAXOFF - off).astype(np.int32)
    CPW = D // _NSTRIPE
    NC16 = CPW // 16
    NBLK = N // _R
    LINMASK = _RING * CPW - 1
    assert N % _RING == 0 and D % _NSTRIPE == 0 and CPW == 128
    assert B % 2 == 0 and NBLK % 2 == 0

    mesh = plsc.VectorSubcoreMesh(core_axis_name="c", subcore_axis_name="s")

    @functools.partial(
        pl.kernel,
        out_type=jax.ShapeDtypeStruct((B, N, D), jnp.float32),
        mesh=mesh,
        compiler_params=pltpu.CompilerParams(needs_layout_passes=False),
        scratch_types=[
            pltpu.VMEM((CPW,), jnp.int32),
            pltpu.VMEM((_RING, CPW), jnp.float32),
            pltpu.VMEM((2, _R, CPW), jnp.float32),
            pltpu.SemaphoreType.DMA,
            pltpu.SemaphoreType.DMA,
            pltpu.SemaphoreType.DMA,
            pltpu.SemaphoreType.DMA,
            pltpu.SemaphoreType.DMA,
            pltpu.SemaphoreType.DMA,
        ],
    )
    def swd(v_hbm, delta_hbm, out_hbm, delta_v, ring_v, dst_v,
            semi0, semi1, semi2, semi3, semo0, semo1):
        wid = lax.axis_index("s") * 2 + lax.axis_index("c")
        stripe = wid // 2
        half = wid % 2
        c0 = stripe * CPW
        pltpu.sync_copy(delta_hbm.at[pl.ds(c0, CPW)], delta_v)
        iota = lax.iota(jnp.int32, 16)
        zero16 = iota * 0
        bneg = [((delta_v[pl.ds(c * 16, 16)] - _MAXOFF) << 7)
                + (c * 16 + iota) for c in range(NC16)]
        semi = [semi0, semi1, semi2, semi3]
        semo = [semo0, semo1]

        def start_stage(b, s, q):
            pltpu.async_copy(
                v_hbm.at[b, pl.ds(s * _R, _R), pl.ds(c0, CPW)],
                ring_v.at[pl.ds(q * _R, _R)], semi[q])

        def start_tail(b):
            pltpu.async_copy(
                v_hbm.at[b, pl.ds(N - _R, _R), pl.ds(c0, CPW)],
                ring_v.at[pl.ds((_NQ - 1) * _R, _R)], semi[_NQ - 1])

        def wait_stage(q):
            pltpu.make_async_copy(
                v_hbm.at[0, pl.ds(0, _R), pl.ds(c0, CPW)],
                ring_v.at[pl.ds(q * _R, _R)], semi[q]).wait()

        def start_out(b, jj, k):
            pltpu.async_copy(
                dst_v.at[k], out_hbm.at[b, pl.ds(jj * _R, _R), pl.ds(c0, CPW)],
                semo[k])

        def wait_out(k):
            pltpu.make_async_copy(
                dst_v.at[k], out_hbm.at[0, pl.ds(0, _R), pl.ds(c0, CPW)],
                semo[k]).wait()

        def compute(q, kd):
            dbuf = dst_v.at[kd]

            @plsc.parallel_loop(0, _R // 2, unroll=1)
            def pair(p):
                rs = ((2 * p) << 7) + (q << 14)
                ts = [bneg[c] + rs for c in range(NC16)]
                if q == 0:
                    lo_lin = [t & LINMASK for t in ts]
                    hi_lin = [(t + CPW) & LINMASK for t in ts]
                else:
                    lo_lin = ts
                    hi_lin = [t + CPW for t in ts]
                los = [plsc.load_gather(ring_v, [zero16, lo_lin[c]])
                       for c in range(NC16)]
                his = [plsc.load_gather(ring_v, [zero16, hi_lin[c]])
                       for c in range(NC16)]
                r = 2 * p
                for c in range(NC16):
                    dbuf[r, pl.ds(c * 16, 16)] = jnp.minimum(los[c], his[c])
                    dbuf[r + 1, pl.ds(c * 16, 16)] = jnp.maximum(los[c], his[c])

        for bi in range(B // 2):
            b = half * (B // 2) + bi
            start_tail(b)
            start_stage(b, 0, 0)
            start_stage(b, 1, 1)

            @pl.loop(0, NBLK, step=_NQ)
            def slot(j):
                for k in range(_NQ):
                    jj = j + k

                    @pl.when(jj + 2 < NBLK)
                    def _():
                        start_stage(b, jj + 2, (k + 2) % _NQ)

                    if k == 0:
                        @pl.when(jj == 0)
                        def _():
                            wait_stage(_NQ - 1)

                    wait_stage(k)

                    if bi == 0:
                        @pl.when(jj >= 2)
                        def _():
                            wait_out(k % 2)
                    else:
                        wait_out(k % 2)

                    compute(k, k % 2)
                    start_out(b, jj, k % 2)

        for k in range(2):
            wait_out(k)

    def call(v, delta):
        return swd(v, delta)

    return call, jnp.asarray(delta_np)


def kernel(v):
    B, N, D = v.shape
    call, delta = _build(B, N, D)
    return call(v, delta)

# --- scband reference (transcript-rebuilt; emitter-appended) ---
"""Pipeline reference for scband-swd-exp-17205638988372 (READ-ONLY COPY).

The authoritative reference and input builder live on the scoring server;
editing this copy changes nothing except your own understanding.
"""

import jax, jax.numpy as jnp
import numpy as np

LAYER_IDX = 6
NUM_LAYERS = 12
DIM = 2048
LEN_SORT_WINDOW = 2


def _shift_matrix(v_len, d_v):
    # shift_offset_i = ceil(v_len ** ((layer_idx*dim + i) / (num_layers*dim)))
    i = np.arange(d_v, dtype=np.float64)
    off = np.ceil(np.power(float(v_len), (LAYER_IDX * DIM + i) / (NUM_LAYERS * DIM))).astype(np.int64)
    # torch.cat([col[-off:], col[:-off]]) is a roll by `off`: element j becomes (j - off) mod v_len
    j = np.arange(v_len, dtype=np.int64)
    return (j[:, None] - off[None, :]) % v_len  # [v_len, d_v]


def setup_inputs(seed: int = 0) -> dict:
    key = jax.random.key(seed)
    v = jax.random.normal(key, (4, 4096, 2048), dtype=jnp.float32)
    return {"v": v}


def reference(v):
    B, v_len, d_v = v.shape
    sm = jnp.asarray(_shift_matrix(v_len, d_v))           # [v_len, d_v] int64
    idx = jnp.broadcast_to(sm[None], (B, v_len, d_v))     # repeat over batch
    v_shifted = jnp.take_along_axis(v, idx, axis=1)       # gather along sequence dim
    v_shifted = v_shifted.reshape(B, -1, LEN_SORT_WINDOW, d_v)
    v_sorted = jnp.sort(v_shifted, axis=2)                # ascending (descending=False)
    out = v_sorted.reshape(B, v_len, d_v)
    return out

if __name__ == "__main__":
    import jax
    _d = setup_inputs()
    print(jax.jit(kernel)(*tuple(_d.values())))

</pallas_src>

<mosaic_0001>
#map = affine_map<(d0, d1) -> (0, 0, 0)>
#map1 = affine_map<(d0, d1) -> (0)>
module attributes {stable_mosaic.version = 14 : i64} {
  func.func @swd(%arg0: i32, %arg1: i32, %arg2: memref<4x4096x2048xf32, #tpu.memory_space<hbm>>, %arg3: memref<2048xi32, #tpu.memory_space<hbm>>, %arg4: memref<4x4096x2048xf32, #tpu.memory_space<hbm>>, %arg5: memref<128xi32, #tpu.memory_space<vmem>>, %arg6: memref<512x128xf32, #tpu.memory_space<vmem>>, %arg7: memref<2x128x128xf32, #tpu.memory_space<vmem>>, %arg8: memref<!tpu.dma_semaphore, #tpu.memory_space<semaphore_mem>>, %arg9: memref<!tpu.dma_semaphore, #tpu.memory_space<semaphore_mem>>, %arg10: memref<!tpu.dma_semaphore, #tpu.memory_space<semaphore_mem>>, %arg11: memref<!tpu.dma_semaphore, #tpu.memory_space<semaphore_mem>>, %arg12: memref<!tpu.dma_semaphore, #tpu.memory_space<semaphore_mem>>, %arg13: memref<!tpu.dma_semaphore, #tpu.memory_space<semaphore_mem>>) attributes {dimension_semantics = [#tpu.dimension_semantics<core_parallel>, #tpu.dimension_semantics<subcore_parallel>], iteration_bounds = array<i64: 2, 16>, scalar_prefetch = 0 : i64, scratch_operands = 9 : i64, tpu.core_type = #tpu.core_type<sc_vector_subcore>, window_params = [{transform_indices = #map}, {transform_indices = #map1}, {transform_indices = #map}]} {
    %mul3A = arith.constant 2 : i32
    %mul3A_0 = arith.muli %arg1, %mul3A : i32
    %add3A = arith.addi %mul3A_0, %arg0 : i32
    %jit3A = arith.constant 2 : i32
    %div3A = arith.divsi %add3A, %jit3A : i32
    %sign3A = arith.constant 0 : i32
    %sign3A_1 = arith.cmpi sgt, %add3A, %sign3A : i32
    %sign3A_2 = arith.extui %sign3A_1 : i1 to i32
    %sign3A_3 = arith.constant 0 : i32
    %sign3A_4 = arith.cmpi slt, %add3A, %sign3A_3 : i32
    %sign3A_5 = arith.extui %sign3A_4 : i1 to i32
    %sign3A_6 = arith.subi %sign3A_2, %sign3A_5 : i32
    %sign3A_7 = arith.constant 0 : i32
    %sign3A_8 = arith.cmpi sgt, %jit3A, %sign3A_7 : i32
    %sign3A_9 = arith.extui %sign3A_8 : i1 to i32
    %sign3A_10 = arith.constant 0 : i32
    %sign3A_11 = arith.cmpi slt, %jit3A, %sign3A_10 : i32
    %sign3A_12 = arith.extui %sign3A_11 : i1 to i32
    %sign3A_13 = arith.subi %sign3A_9, %sign3A_12 : i32
    %ne3A = arith.cmpi ne, %sign3A_6, %sign3A_13 : i32
    %rem3A = arith.remsi %add3A, %jit3A : i32
    %ne3A_14 = arith.constant 0 : i32
    %ne3A_15 = arith.cmpi ne, %rem3A, %ne3A_14 : i32
    %and3A = arith.andi %ne3A, %ne3A_15 : i1
    %sub3A = arith.constant 1 : i32
    %sub3A_16 = arith.subi %div3A, %sub3A : i32
    %select_n3A = arith.select %and3A, %sub3A_16, %div3A : i32
    %jit3A_17 = arith.constant 2 : i32
    %eq3A = arith.constant 0 : i32
    %eq3A_18 = arith.cmpi eq, %jit3A_17, %eq3A : i32
    %jit3A_19 = arith.constant 1 : i32
    %select_n3A_20 = arith.select %eq3A_18, %jit3A_19, %jit3A_17 : i32
    %rem3A_21 = arith.remsi %add3A, %select_n3A_20 : i32
    %ne3A_22 = arith.constant 0 : i32
    %ne3A_23 = arith.cmpi ne, %rem3A_21, %ne3A_22 : i32
    %lt3A = arith.constant 0 : i32
    %lt3A_24 = arith.cmpi slt, %rem3A_21, %lt3A : i32
    %lt3A_25 = arith.constant 0 : i32
    %lt3A_26 = arith.cmpi slt, %select_n3A_20, %lt3A_25 : i32
    %ne3A_27 = arith.xori %lt3A_24, %lt3A_26 : i1
    %and3A_28 = arith.andi %ne3A_27, %ne3A_23 : i1
    %add3A_29 = arith.addi %rem3A_21, %select_n3A_20 : i32
    %select_n3A_30 = arith.select %and3A_28, %add3A_29, %rem3A_21 : i32
    %mul3A_31 = arith.constant 128 : i32
    %mul3A_32 = arith.muli %select_n3A, %mul3A_31 : i32
    "tpu.region"() ({
      %run_scoped3A = tpu.sem_alloc : memref<!tpu.dma_semaphore, #tpu.memory_space<semaphore_mem>>
      %dma_start3A_249 = tpu.memref_slice %arg3[%mul3A_32] : memref<2048xi32, #tpu.memory_space<hbm>> -> memref<128xi32, #tpu.memory_space<hbm>>
      %dma_start3A_250 = tpu.memref_slice %arg3[%mul3A_32] : memref<2048xi32, #tpu.memory_space<hbm>> -> memref<128xi32, #tpu.memory_space<hbm>>
      tpu.enqueue_dma source(%dma_start3A_250 : memref<128xi32, #tpu.memory_space<hbm>>) target(%arg5 : memref<128xi32, #tpu.memory_space<vmem>>) target_semaphore(%run_scoped3A : memref<!tpu.dma_semaphore, #tpu.memory_space<semaphore_mem>>)
      %dma_wait3A_251 = tpu.memref_slice %arg3[%mul3A_32] : memref<2048xi32, #tpu.memory_space<hbm>> -> memref<128xi32, #tpu.memory_space<hbm>>
      %dma_wait3A_252 = tpu.memref_slice %arg3[%mul3A_32] : memref<2048xi32, #tpu.memory_space<hbm>> -> memref<128xi32, #tpu.memory_space<hbm>>
      tpu.wait_dma2 semaphore(%run_scoped3A : memref<!tpu.dma_semaphore, #tpu.memory_space<semaphore_mem>>) src(%dma_wait3A_252 : memref<128xi32, #tpu.memory_space<hbm>>) dst(%arg5 : memref<128xi32, #tpu.memory_space<vmem>>)
      tpu.yield
    }) : () -> ()
    %iota3A = tpu.iota {dimensions = array<i32: 0>} : vector<16xi32>
    %mul3A_33 = arith.constant 0 : i32
    %mul3A_34 = vector.broadcast %mul3A_33 : i32 to vector<16xi32>
    %mul3A_35 = arith.muli %iota3A, %mul3A_34 : vector<16xi32>
    %get3A = arith.constant 0 : index
    %get3A_36 = tpu.vector_load %arg5[%get3A] {strides = array<i32>} : memref<128xi32, #tpu.memory_space<vmem>>, vector<16xi32>,
    %sub3A_37 = arith.constant 128 : i32
    %sub3A_38 = vector.broadcast %sub3A_37 : i32 to vector<16xi32>
    %sub3A_39 = arith.subi %get3A_36, %sub3A_38 : vector<16xi32>
    %shift_left3A = arith.constant 7 : i32
    %shift_left3A_40 = vector.broadcast %shift_left3A : i32 to vector<16xi32>
    %shift_left3A_41 = arith.shli %sub3A_39, %shift_left3A_40 : vector<16xi32>
    %add3A_42 = arith.constant 0 : i32
    %add3A_43 = vector.broadcast %add3A_42 : i32 to vector<16xi32>
    %add3A_44 = arith.addi %add3A_43, %iota3A : vector<16xi32>
    %add3A_45 = arith.addi %shift_left3A_41, %add3A_44 : vector<16xi32>
    %get3A_46 = arith.constant 16 : index
    %get3A_47 = tpu.vector_load %arg5[%get3A_46] {strides = array<i32>} : memref<128xi32, #tpu.memory_space<vmem>>, vector<16xi32>,
    %sub3A_48 = arith.constant 128 : i32
    %sub3A_49 = vector.broadcast %sub3A_48 : i32 to vector<16xi32>
    %sub3A_50 = arith.subi %get3A_47, %sub3A_49 : vector<16xi32>
    %shift_left3A_51 = arith.constant 7 : i32
    %shift_left3A_52 = vector.broadcast %shift_left3A_51 : i32 to vector<16xi32>
    %shift_left3A_53 = arith.shli %sub3A_50, %shift_left3A_52 : vector<16xi32>
    %add3A_54 = arith.constant 16 : i32
    %add3A_55 = vector.broadcast %add3A_54 : i32 to vector<16xi32>
    %add3A_56 = arith.addi %add3A_55, %iota3A : vector<16xi32>
    %add3A_57 = arith.addi %shift_left3A_53, %add3A_56 : vector<16xi32>
    %get3A_58 = arith.constant 32 : index
    %get3A_59 = tpu.vector_load %arg5[%get3A_58] {strides = array<i32>} : memref<128xi32, #tpu.memory_space<vmem>>, vector<16xi32>,
    %sub3A_60 = arith.constant 128 : i32
    %sub3A_61 = vector.broadcast %sub3A_60 : i32 to vector<16xi32>
    %sub3A_62 = arith.subi %get3A_59, %sub3A_61 : vector<16xi32>
    %shift_left3A_63 = arith.constant 7 : i32
    %shift_left3A_64 = vector.broadcast %shift_left3A_63 : i32 to vector<16xi32>
    %shift_left3A_65 = arith.shli %sub3A_62, %shift_left3A_64 : vector<16xi32>
    %add3A_66 = arith.constant 32 : i32
    %add3A_67 = vector.broadcast %add3A_66 : i32 to vector<16xi32>
    %add3A_68 = arith.addi %add3A_67, %iota3A : vector<16xi32>
    %add3A_69 = arith.addi %shift_left3A_65, %add3A_68 : vector<16xi32>
    %get3A_70 = arith.constant 48 : index
    %get3A_71 = tpu.vector_load %arg5[%get3A_70] {strides = array<i32>} : memref<128xi32, #tpu.memory_space<vmem>>, vector<16xi32>,
    %sub3A_72 = arith.constant 128 : i32
    %sub3A_73 = vector.broadcast %sub3A_72 : i32 to vector<16xi32>
    %sub3A_74 = arith.subi %get3A_71, %sub3A_73 : vector<16xi32>
    %shift_left3A_75 = arith.constant 7 : i32
    %shift_left3A_76 = vector.broadcast %shift_left3A_75 : i32 to vector<16xi32>
    %shift_left3A_77 = arith.shli %sub3A_74, %shift_left3A_76 : vector<16xi32>
    %add3A_78 = arith.constant 48 : i32
    %add3A_79 = vector.broadcast %add3A_78 : i32 to vector<16xi32>
    %add3A_80 = arith.addi %add3A_79, %iota3A : vector<16xi32>
    %add3A_81 = arith.addi %shift_left3A_77, %add3A_80 : vector<16xi32>
    %get3A_82 = arith.constant 64 : index
    %get3A_83 = tpu.vector_load %arg5[%get3A_82] {strides = array<i32>} : memref<128xi32, #tpu.memory_space<vmem>>, vector<16xi32>,
    %sub3A_84 = arith.constant 128 : i32
    %sub3A_85 = vector.broadcast %sub3A_84 : i32 to vector<16xi32>
    %sub3A_86 = arith.subi %get3A_83, %sub3A_85 : vector<16xi32>
    %shift_left3A_87 = arith.constant 7 : i32
    %shift_left3A_88 = vector.broadcast %shift_left3A_87 : i32 to vector<16xi32>
    %shift_left3A_89 = arith.shli %sub3A_86, %shift_left3A_88 : vector<16xi32>
    %add3A_90 = arith.constant 64 : i32
    %add3A_91 = vector.broadcast %add3A_90 : i32 to vector<16xi32>
    %add3A_92 = arith.addi %add3A_91, %iota3A : vector<16xi32>
    %add3A_93 = arith.addi %shift_left3A_89, %add3A_92 : vector<16xi32>
    %get3A_94 = arith.constant 80 : index
    %get3A_95 = tpu.vector_load %arg5[%get3A_94] {strides = array<i32>} : memref<128xi32, #tpu.memory_space<vmem>>, vector<16xi32>,
    %sub3A_96 = arith.constant 128 : i32
    %sub3A_97 = vector.broadcast %sub3A_96 : i32 to vector<16xi32>
    %sub3A_98 = arith.subi %get3A_95, %sub3A_97 : vector<16xi32>
    %shift_left3A_99 = arith.constant 7 : i32
    %shift_left3A_100 = vector.broadcast %shift_left3A_99 : i32 to vector<16xi32>
    %shift_left3A_101 = arith.shli %sub3A_98, %shift_left3A_100 : vector<16xi32>
    %add3A_102 = arith.constant 80 : i32
    %add3A_103 = vector.broadcast %add3A_102 : i32 to vector<16xi32>
    %add3A_104 = arith.addi %add3A_103, %iota3A : vector<16xi32>
    %add3A_105 = arith.addi %shift_left3A_101, %add3A_104 : vector<16xi32>
    %get3A_106 = arith.constant 96 : index
    %get3A_107 = tpu.vector_load %arg5[%get3A_106] {strides = array<i32>} : memref<128xi32, #tpu.memory_space<vmem>>, vector<16xi32>,
    %sub3A_108 = arith.constant 128 : i32
    %sub3A_109 = vector.broadcast %sub3A_108 : i32 to vector<16xi32>
    %sub3A_110 = arith.subi %get3A_107, %sub3A_109 : vector<16xi32>
    %shift_left3A_111 = arith.constant 7 : i32
    %shift_left3A_112 = vector.broadcast %shift_left3A_111 : i32 to vector<16xi32>
    %shift_left3A_113 = arith.shli %sub3A_110, %shift_left3A_112 : vector<16xi32>
    %add3A_114 = arith.constant 96 : i32
    %add3A_115 = vector.broadcast %add3A_114 : i32 to vector<16xi32>
    %add3A_116 = arith.addi %add3A_115, %iota3A : vector<16xi32>
    %add3A_117 = arith.addi %shift_left3A_113, %add3A_116 : vector<16xi32>
    %get3A_118 = arith.constant 112 : index
    %get3A_119 = tpu.vector_load %arg5[%get3A_118] {strides = array<i32>} : memref<128xi32, #tpu.memory_space<vmem>>, vector<16xi32>,
    %sub3A_120 = arith.constant 128 : i32
    %sub3A_121 = vector.broadcast %sub3A_120 : i32 to vector<16xi32>
    %sub3A_122 = arith.subi %get3A_119, %sub3A_121 : vector<16xi32>
    %shift_left3A_123 = arith.constant 7 : i32
    %shift_left3A_124 = vector.broadcast %shift_left3A_123 : i32 to vector<16xi32>
    %shift_left3A_125 = arith.shli %sub3A_122, %shift_left3A_124 : vector<16xi32>
    %add3A_126 = arith.constant 112 : i32
    %add3A_127 = vector.broadcast %add3A_126 : i32 to vector<16xi32>
    %add3A_128 = arith.addi %add3A_127, %iota3A : vector<16xi32>
    %add3A_129 = arith.addi %shift_left3A_125, %add3A_128 : vector<16xi32>
    %mul3A_130 = arith.constant 2 : i32
    %mul3A_131 = arith.muli %select_n3A_30, %mul3A_130 : i32
    %add3A_132 = arith.constant 0 : i32
    %add3A_133 = arith.addi %mul3A_131, %add3A_132 : i32
    %dma_start3A = arith.constant 384 : i32
    %dma_start3A_134 = arith.constant 0 : i32
    %dma_start3A_135 = tpu.memref_slice %arg6[%dma_start3A, %dma_start3A_134] : memref<512x128xf32, #tpu.memory_space<vmem>> -> memref<128x128xf32, #tpu.memory_space<vmem>>
    %dma_start3A_136 = arith.constant 3968 : i32
    %dma_start3A_137 = tpu.memref_slice %arg2[%add3A_133, %dma_start3A_136, %mul3A_32] : memref<4x4096x2048xf32, #tpu.memory_space<hbm>> -> memref<1x128x128xf32, #tpu.memory_space<hbm>>
    %dma_start3A_138 = tpu.memref_squeeze %dma_start3A_137 : memref<1x128x128xf32, #tpu.memory_space<hbm>> -> memref<128x128xf32, #tpu.memory_space<hbm>>
    %dma_start3A_139 = arith.constant 384 : i32
    %dma_start3A_140 = arith.constant 0 : i32
    %dma_start3A_141 = tpu.memref_slice %arg6[%dma_start3A_139, %dma_start3A_140] : memref<512x128xf32, #tpu.memory_space<vmem>> -> memref<128x128xf32, #tpu.memory_space<vmem>>
    %dma_start3A_142 = arith.constant 3968 : i32
    %dma_start3A_143 = tpu.memref_slice %arg2[%add3A_133, %dma_start3A_142, %mul3A_32] : memref<4x4096x2048xf32, #tpu.memory_space<hbm>> -> memref<1x128x128xf32, #tpu.memory_space<hbm>>
    %dma_start3A_144 = tpu.memref_squeeze %dma_start3A_143 : memref<1x128x128xf32, #tpu.memory_space<hbm>> -> memref<128x128xf32, #tpu.memory_space<hbm>>
    tpu.enqueue_dma source(%dma_start3A_144 : memref<128x128xf32, #tpu.memory_space<hbm>>) target(%dma_start3A_141 : memref<128x128xf32, #tpu.memory_space<vmem>>) target_semaphore(%arg11 : memref<!tpu.dma_semaphore, #tpu.memory_space<semaphore_mem>>)
    %dma_start3A_145 = arith.constant 0 : i32
    %dma_start3A_146 = arith.constant 0 : i32
    %dma_start3A_147 = tpu.memref_slice %arg6[%dma_start3A_145, %dma_start3A_146] : memref<512x128xf32, #tpu.memory_space<vmem>> -> memref<128x128xf32, #tpu.memory_space<vmem>>
    %dma_start3A_148 = arith.constant 0 : i32
    %dma_start3A_149 = tpu.memref_slice %arg2[%add3A_133, %dma_start3A_148, %mul3A_32] : memref<4x4096x2048xf32, #tpu.memory_space<hbm>> -> memref<1x128x128xf32, #tpu.memory_space<hbm>>
    %dma_start3A_150 = tpu.memref_squeeze %dma_start3A_149 : memref<1x128x128xf32, #tpu.memory_space<hbm>> -> memref<128x128xf32, #tpu.memory_space<hbm>>
    %dma_start3A_151 = arith.constant 0 : i32
    %dma_start3A_152 = arith.constant 0 : i32
    %dma_start3A_153 = tpu.memref_slice %arg6[%dma_start3A_151, %dma_start3A_152] : memref<512x128xf32, #tpu.memory_space<vmem>> -> memref<128x128xf32, #tpu.memory_space<vmem>>
    %dma_start3A_154 = arith.constant 0 : i32
    %dma_start3A_155 = tpu.memref_slice %arg2[%add3A_133, %dma_start3A_154, %mul3A_32] : memref<4x4096x2048xf32, #tpu.memory_space<hbm>> -> memref<1x128x128xf32, #tpu.memory_space<hbm>>
    %dma_start3A_156 = tpu.memref_squeeze %dma_start3A_155 : memref<1x128x128xf32, #tpu.memory_space<hbm>> -> memref<128x128xf32, #tpu.memory_space<hbm>>
    tpu.enqueue_dma source(%dma_start3A_156 : memref<128x128xf32, #tpu.memory_space<hbm>>) target(%dma_start3A_153 : memref<128x128xf32, #tpu.memory_space<vmem>>) target_semaphore(%arg8 : memref<!tpu.dma_semaphore, #tpu.memory_space<semaphore_mem>>)
    %dma_start3A_157 = arith.constant 128 : i32
    %dma_start3A_158 = arith.constant 0 : i32
    %dma_start3A_159 = tpu.memref_slice %arg6[%dma_start3A_157, %dma_start3A_158] : memref<512x128xf32, #tpu.memory_space<vmem>> -> memref<128x128xf32, #tpu.memory_space<vmem>>
    %dma_start3A_160 = arith.constant 128 : i32
    %dma_start3A_161 = tpu.memref_slice %arg2[%add3A_133, %dma_start3A_160, %mul3A_32] : memref<4x4096x2048xf32, #tpu.memory_space<hbm>> -> memref<1x128x128xf32, #tpu.memory_space<hbm>>
    %dma_start3A_162 = tpu.memref_squeeze %dma_start3A_161 : memref<1x128x128xf32, #tpu.memory_space<hbm>> -> memref<128x128xf32, #tpu.memory_space<hbm>>
    %dma_start3A_163 = arith.constant 128 : i32
    %dma_start3A_164 = arith.constant 0 : i32
    %dma_start3A_165 = tpu.memref_slice %arg6[%dma_start3A_163, %dma_start3A_164] : memref<512x128xf32, #tpu.memory_space<vmem>> -> memref<128x128xf32, #tpu.memory_space<vmem>>
    %dma_start3A_166 = arith.constant 128 : i32
    %dma_start3A_167 = tpu.memref_slice %arg2[%add3A_133, %dma_start3A_166, %mul3A_32] : memref<4x4096x2048xf32, #tpu.memory_space<hbm>> -> memref<1x128x128xf32, #tpu.memory_space<hbm>>
    %dma_start3A_168 = tpu.memref_squeeze %dma_start3A_167 : memref<1x128x128xf32, #tpu.memory_space<hbm>> -> memref<128x128xf32, #tpu.memory_space<hbm>>
    tpu.enqueue_dma source(%dma_start3A_168 : memref<128x128xf32, #tpu.memory_space<hbm>>) target(%dma_start3A_165 : memref<128x128xf32, #tpu.memory_space<vmem>>) target_semaphore(%arg9 : memref<!tpu.dma_semaphore, #tpu.memory_space<semaphore_mem>>)
    %scan3A = arith.constant 0 : i32
    %scan3A_169 = arith.constant 8 : i32
    %scan3A_170 = arith.addi %scan3A, %scan3A_169 : i32
    %scan3A_171 = arith.constant 1 : i32
    scf.for %scan3A_249 = %scan3A to %scan3A_170 step %scan3A_171  : i32 {
      %mul3A_250 = arith.constant 4 : i32
      %mul3A_251 = arith.muli %scan3A_249, %mul3A_250 : i32
      %add3A_252 = arith.constant 0 : i32
      %add3A_253 = arith.addi %add3A_252, %mul3A_251 : i32
      %add3A_254 = arith.constant 0 : i32
      %add3A_255 = arith.addi %add3A_253, %add3A_254 : i32
      %add3A_256 = arith.constant 2 : i32
      %add3A_257 = arith.addi %add3A_255, %add3A_256 : i32
      %lt3A_258 = arith.constant 32 : i32
      %lt3A_259 = arith.cmpi slt, %add3A_257, %lt3A_258 : i32
      %convert_element_type3A = arith.extui %lt3A_259 : i1 to i32
      %cond3A = arith.constant 0 : i32
      %cond3A_260 = arith.cmpi ne, %convert_element_type3A, %cond3A : i32
      scf.if %cond3A_260 {
        %add3A_439 = arith.constant 2 : i32
        %add3A_440 = arith.addi %add3A_255, %add3A_439 : i32
        %mul3A_441 = arith.constant 128 : i32
        %mul3A_442 = arith.muli %add3A_440, %mul3A_441 : i32
        %dma_start3A_443 = arith.constant 256 : i32
        %dma_start3A_444 = arith.constant 0 : i32
        %dma_start3A_445 = tpu.memref_slice %arg6[%dma_start3A_443, %dma_start3A_444] : memref<512x128xf32, #tpu.memory_space<vmem>> -> memref<128x128xf32, #tpu.memory_space<vmem>>
        %dma_start3A_446 = tpu.memref_slice %arg2[%add3A_133, %mul3A_442, %mul3A_32] : memref<4x4096x2048xf32, #tpu.memory_space<hbm>> -> memref<1x128x128xf32, #tpu.memory_space<hbm>>
        %dma_start3A_447 = tpu.memref_squeeze %dma_start3A_446 : memref<1x128x128xf32, #tpu.memory_space<hbm>> -> memref<128x128xf32, #tpu.memory_space<hbm>>
        %dma_start3A_448 = arith.constant 256 : i32
        %dma_start3A_449 = arith.constant 0 : i32
        %dma_start3A_450 = tpu.memref_slice %arg6[%dma_start3A_448, %dma_start3A_449] : memref<512x128xf32, #tpu.memory_space<vmem>> -> memref<128x128xf32, #tpu.memory_space<vmem>>
        %dma_start3A_451 = tpu.memref_slice %arg2[%add3A_133, %mul3A_442, %mul3A_32] : memref<4x4096x2048xf32, #tpu.memory_space<hbm>> -> memref<1x128x128xf32, #tpu.memory_space<hbm>>
        %dma_start3A_452 = tpu.memref_squeeze %dma_start3A_451 : memref<1x128x128xf32, #tpu.memory_space<hbm>> -> memref<128x128xf32, #tpu.memory_space<hbm>>
        tpu.enqueue_dma source(%dma_start3A_452 : memref<128x128xf32, #tpu.memory_space<hbm>>) target(%dma_start3A_450 : memref<128x128xf32, #tpu.memory_space<vmem>>) target_semaphore(%arg10 : memref<!tpu.dma_semaphore, #tpu.memory_space<semaphore_mem>>)
      } else {
      }
      %eq3A_261 = arith.constant 0 : i32
      %eq3A_262 = arith.cmpi eq, %add3A_255, %eq3A_261 : i32
      %convert_element_type3A_263 = arith.extui %eq3A_262 : i1 to i32
      %cond3A_264 = arith.constant 0 : i32
      %cond3A_265 = arith.cmpi ne, %convert_element_type3A_263, %cond3A_264 : i32
      scf.if %cond3A_265 {
        %dma_wait3A_439 = arith.constant 0 : i32
        %dma_wait3A_440 = arith.constant 384 : i32
        %dma_wait3A_441 = arith.constant 0 : i32
        %dma_wait3A_442 = tpu.memref_slice %arg6[%dma_wait3A_440, %dma_wait3A_441] : memref<512x128xf32, #tpu.memory_space<vmem>> -> memref<128x128xf32, #tpu.memory_space<vmem>>
        %dma_wait3A_443 = arith.constant 0 : i32
        %dma_wait3A_444 = tpu.memref_slice %arg2[%dma_wait3A_439, %dma_wait3A_443, %mul3A_32] : memref<4x4096x2048xf32, #tpu.memory_space<hbm>> -> memref<1x128x128xf32, #tpu.memory_space<hbm>>
        %dma_wait3A_445 = tpu.memref_squeeze %dma_wait3A_444 : memref<1x128x128xf32, #tpu.memory_space<hbm>> -> memref<128x128xf32, #tpu.memory_space<hbm>>
        %dma_wait3A_446 = arith.constant 384 : i32
        %dma_wait3A_447 = arith.constant 0 : i32
        %dma_wait3A_448 = tpu.memref_slice %arg6[%dma_wait3A_446, %dma_wait3A_447] : memref<512x128xf32, #tpu.memory_space<vmem>> -> memref<128x128xf32, #tpu.memory_space<vmem>>
        %dma_wait3A_449 = arith.constant 0 : i32
        %dma_wait3A_450 = tpu.memref_slice %arg2[%dma_wait3A_439, %dma_wait3A_449, %mul3A_32] : memref<4x4096x2048xf32, #tpu.memory_space<hbm>> -> memref<1x128x128xf32, #tpu.memory_space<hbm>>
        %dma_wait3A_451 = tpu.memref_squeeze %dma_wait3A_450 : memref<1x128x128xf32, #tpu.memory_space<hbm>> -> memref<128x128xf32, #tpu.memory_space<hbm>>
        tpu.wait_dma2 semaphore(%arg11 : memref<!tpu.dma_semaphore, #tpu.memory_space<semaphore_mem>>) src(%dma_wait3A_451 : memref<128x128xf32, #tpu.memory_space<hbm>>) dst(%dma_wait3A_448 : memref<128x128xf32, #tpu.memory_space<vmem>>)
      } else {
      }
      %dma_wait3A_266 = arith.constant 0 : i32
      %dma_wait3A_267 = arith.constant 0 : i32
      %dma_wait3A_268 = arith.constant 0 : i32
      %dma_wait3A_269 = tpu.memref_slice %arg6[%dma_wait3A_267, %dma_wait3A_268] : memref<512x128xf32, #tpu.memory_space<vmem>> -> memref<128x128xf32, #tpu.memory_space<vmem>>
      %dma_wait3A_270 = arith.constant 0 : i32
      %dma_wait3A_271 = tpu.memref_slice %arg2[%dma_wait3A_266, %dma_wait3A_270, %mul3A_32] : memref<4x4096x2048xf32, #tpu.memory_space<hbm>> -> memref<1x128x128xf32, #tpu.memory_space<hbm>>
      %dma_wait3A_272 = tpu.memref_squeeze %dma_wait3A_271 : memref<1x128x128xf32, #tpu.memory_space<hbm>> -> memref<128x128xf32, #tpu.memory_space<hbm>>
      %dma_wait3A_273 = arith.constant 0 : i32
      %dma_wait3A_274 = arith.constant 0 : i32
      %dma_wait3A_275 = tpu.memref_slice %arg6[%dma_wait3A_273, %dma_wait3A_274] : memref<512x128xf32, #tpu.memory_space<vmem>> -> memref<128x128xf32, #tpu.memory_space<vmem>>
      %dma_wait3A_276 = arith.constant 0 : i32
      %dma_wait3A_277 = tpu.memref_slice %arg2[%dma_wait3A_266, %dma_wait3A_276, %mul3A_32] : memref<4x4096x2048xf32, #tpu.memory_space<hbm>> -> memref<1x128x128xf32, #tpu.memory_space<hbm>>
      %dma_wait3A_278 = tpu.memref_squeeze %dma_wait3A_277 : memref<1x128x128xf32, #tpu.memory_space<hbm>> -> memref<128x128xf32, #tpu.memory_space<hbm>>
      tpu.wait_dma2 semaphore(%arg8 : memref<!tpu.dma_semaphore, #tpu.memory_space<semaphore_mem>>) src(%dma_wait3A_278 : memref<128x128xf32, #tpu.memory_space<hbm>>) dst(%dma_wait3A_275 : memref<128x128xf32, #tpu.memory_space<vmem>>)
      %ge3A = arith.constant 2 : i32
      %ge3A_279 = arith.cmpi sge, %add3A_255, %ge3A : i32
      %convert_element_type3A_280 = arith.extui %ge3A_279 : i1 to i32
      %cond3A_281 = arith.constant 0 : i32
      %cond3A_282 = arith.cmpi ne, %convert_element_type3A_280, %cond3A_281 : i32
      scf.if %cond3A_282 {
        %dma_wait3A_439 = arith.constant 0 : i32
        %dma_wait3A_440 = arith.constant 0 : i32
        %dma_wait3A_441 = arith.constant 0 : i32
        %dma_wait3A_442 = arith.constant 0 : i32
        %dma_wait3A_443 = tpu.memref_slice %arg7[%dma_wait3A_439, %dma_wait3A_441, %dma_wait3A_442] : memref<2x128x128xf32, #tpu.memory_space<vmem>> -> memref<1x128x128xf32, #tpu.memory_space<vmem>>
        %dma_wait3A_444 = tpu.memref_squeeze %dma_wait3A_443 : memref<1x128x128xf32, #tpu.memory_space<vmem>> -> memref<128x128xf32, #tpu.memory_space<vmem>>
        %dma_wait3A_445 = arith.constant 0 : i32
        %dma_wait3A_446 = tpu.memref_slice %arg4[%dma_wait3A_440, %dma_wait3A_445, %mul3A_32] : memref<4x4096x2048xf32, #tpu.memory_space<hbm>> -> memref<1x128x128xf32, #tpu.memory_space<hbm>>
        %dma_wait3A_447 = tpu.memref_squeeze %dma_wait3A_446 : memref<1x128x128xf32, #tpu.memory_space<hbm>> -> memref<128x128xf32, #tpu.memory_space<hbm>>
        %dma_wait3A_448 = arith.constant 0 : i32
        %dma_wait3A_449 = tpu.memref_slice %arg4[%dma_wait3A_440, %dma_wait3A_448, %mul3A_32] : memref<4x4096x2048xf32, #tpu.memory_space<hbm>> -> memref<1x128x128xf32, #tpu.memory_space<hbm>>
        %dma_wait3A_450 = tpu.memref_squeeze %dma_wait3A_449 : memref<1x128x128xf32, #tpu.memory_space<hbm>> -> memref<128x128xf32, #tpu.memory_space<hbm>>
        %dma_wait3A_451 = arith.constant 0 : i32
        %dma_wait3A_452 = arith.constant 0 : i32
        %dma_wait3A_453 = tpu.memref_slice %arg7[%dma_wait3A_439, %dma_wait3A_451, %dma_wait3A_452] : memref<2x128x128xf32, #tpu.memory_space<vmem>> -> memref<1x128x128xf32, #tpu.memory_space<vmem>>
        %dma_wait3A_454 = tpu.memref_squeeze %dma_wait3A_453 : memref<1x128x128xf32, #tpu.memory_space<vmem>> -> memref<128x128xf32, #tpu.memory_space<vmem>>
        tpu.wait_dma2 semaphore(%arg12 : memref<!tpu.dma_semaphore, #tpu.memory_space<semaphore_mem>>) src(%dma_wait3A_454 : memref<128x128xf32, #tpu.memory_space<vmem>>) dst(%dma_wait3A_450 : memref<128x128xf32, #tpu.memory_space<hbm>>)
      } else {
      }
      %parallel_loop3A = arith.constant 0 : i32
      %parallel_loop3A_283 = arith.constant 64 : i32
      %parallel_loop3A_284 = arith.constant 1 : i32
      %parallel_loop3A_285 = arith.constant 0 : i32
      scf.for %parallel_loop3A_439 = %parallel_loop3A to %parallel_loop3A_283 step %parallel_loop3A_284  : i32 {
        %parallel_loop3A_440 = arith.constant 2 : i32
        %parallel_loop3A_441 = arith.muli %parallel_loop3A_440, %parallel_loop3A_439 : i32
        %parallel_loop3A_442 = arith.constant 7 : i32
        %parallel_loop3A_443 = arith.shli %parallel_loop3A_441, %parallel_loop3A_442 : i32
        %parallel_loop3A_444 = arith.constant 0 : i32
        %parallel_loop3A_445 = arith.addi %parallel_loop3A_443, %parallel_loop3A_444 : i32
        %parallel_loop3A_446 = vector.broadcast %parallel_loop3A_445 : i32 to vector<16xi32>
        %parallel_loop3A_447 = arith.addi %add3A_45, %parallel_loop3A_446 : vector<16xi32>
        %parallel_loop3A_448 = vector.broadcast %parallel_loop3A_445 : i32 to vector<16xi32>
        %parallel_loop3A_449 = arith.addi %add3A_57, %parallel_loop3A_448 : vector<16xi32>
        %parallel_loop3A_450 = vector.broadcast %parallel_loop3A_445 : i32 to vector<16xi32>
        %parallel_loop3A_451 = arith.addi %add3A_69, %parallel_loop3A_450 : vector<16xi32>
        %parallel_loop3A_452 = vector.broadcast %parallel_loop3A_445 : i32 to vector<16xi32>
        %parallel_loop3A_453 = arith.addi %add3A_81, %parallel_loop3A_452 : vector<16xi32>
        %parallel_loop3A_454 = vector.broadcast %parallel_loop3A_445 : i32 to vector<16xi32>
        %parallel_loop3A_455 = arith.addi %add3A_93, %parallel_loop3A_454 : vector<16xi32>
        %parallel_loop3A_456 = vector.broadcast %parallel_loop3A_445 : i32 to vector<16xi32>
        %parallel_loop3A_457 = arith.addi %add3A_105, %parallel_loop3A_456 : vector<16xi32>
        %parallel_loop3A_458 = vector.broadcast %parallel_loop3A_445 : i32 to vector<16xi32>
        %parallel_loop3A_459 = arith.addi %add3A_117, %parallel_loop3A_458 : vector<16xi32>
        %parallel_loop3A_460 = vector.broadcast %parallel_loop3A_445 : i32 to vector<16xi32>
        %parallel_loop3A_461 = arith.addi %add3A_129, %parallel_loop3A_460 : vector<16xi32>
        %parallel_loop3A_462 = arith.constant 65535 : i32
        %parallel_loop3A_463 = vector.broadcast %parallel_loop3A_462 : i32 to vector<16xi32>
        %parallel_loop3A_464 = arith.andi %parallel_loop3A_447, %parallel_loop3A_463 : vector<16xi32>
        %parallel_loop3A_465 = arith.constant 65535 : i32
        %parallel_loop3A_466 = vector.broadcast %parallel_loop3A_465 : i32 to vector<16xi32>
        %parallel_loop3A_467 = arith.andi %parallel_loop3A_449, %parallel_loop3A_466 : vector<16xi32>
        %parallel_loop3A_468 = arith.constant 65535 : i32
        %parallel_loop3A_469 = vector.broadcast %parallel_loop3A_468 : i32 to vector<16xi32>
        %parallel_loop3A_470 = arith.andi %parallel_loop3A_451, %parallel_loop3A_469 : vector<16xi32>
        %parallel_loop3A_471 = arith.constant 65535 : i32
        %parallel_loop3A_472 = vector.broadcast %parallel_loop3A_471 : i32 to vector<16xi32>
        %parallel_loop3A_473 = arith.andi %parallel_loop3A_453, %parallel_loop3A_472 : vector<16xi32>
        %parallel_loop3A_474 = arith.constant 65535 : i32
        %parallel_loop3A_475 = vector.broadcast %parallel_loop3A_474 : i32 to vector<16xi32>
        %parallel_loop3A_476 = arith.andi %parallel_loop3A_455, %parallel_loop3A_475 : vector<16xi32>
        %parallel_loop3A_477 = arith.constant 65535 : i32
        %parallel_loop3A_478 = vector.broadcast %parallel_loop3A_477 : i32 to vector<16xi32>
        %parallel_loop3A_479 = arith.andi %parallel_loop3A_457, %parallel_loop3A_478 : vector<16xi32>
        %parallel_loop3A_480 = arith.constant 65535 : i32
        %parallel_loop3A_481 = vector.broadcast %parallel_loop3A_480 : i32 to vector<16xi32>
        %parallel_loop3A_482 = arith.andi %parallel_loop3A_459, %parallel_loop3A_481 : vector<16xi32>
        %parallel_loop3A_483 = arith.constant 65535 : i32
        %parallel_loop3A_484 = vector.broadcast %parallel_loop3A_483 : i32 to vector<16xi32>
        %parallel_loop3A_485 = arith.andi %parallel_loop3A_461, %parallel_loop3A_484 : vector<16xi32>
        %parallel_loop3A_486 = arith.constant 128 : i32
        %parallel_loop3A_487 = vector.broadcast %parallel_loop3A_486 : i32 to vector<16xi32>
        %parallel_loop3A_488 = arith.addi %parallel_loop3A_447, %parallel_loop3A_487 : vector<16xi32>
        %parallel_loop3A_489 = arith.constant 65535 : i32
        %parallel_loop3A_490 = vector.broadcast %parallel_loop3A_489 : i32 to vector<16xi32>
        %parallel_loop3A_491 = arith.andi %parallel_loop3A_488, %parallel_loop3A_490 : vector<16xi32>
        %parallel_loop3A_492 = arith.constant 128 : i32
        %parallel_loop3A_493 = vector.broadcast %parallel_loop3A_492 : i32 to vector<16xi32>
        %parallel_loop3A_494 = arith.addi %parallel_loop3A_449, %parallel_loop3A_493 : vector<16xi32>
        %parallel_loop3A_495 = arith.constant 65535 : i32
        %parallel_loop3A_496 = vector.broadcast %parallel_loop3A_495 : i32 to vector<16xi32>
        %parallel_loop3A_497 = arith.andi %parallel_loop3A_494, %parallel_loop3A_496 : vector<16xi32>
        %parallel_loop3A_498 = arith.constant 128 : i32
        %parallel_loop3A_499 = vector.broadcast %parallel_loop3A_498 : i32 to vector<16xi32>
        %parallel_loop3A_500 = arith.addi %parallel_loop3A_451, %parallel_loop3A_499 : vector<16xi32>
        %parallel_loop3A_501 = arith.constant 65535 : i32
        %parallel_loop3A_502 = vector.broadcast %parallel_loop3A_501 : i32 to vector<16xi32>
        %parallel_loop3A_503 = arith.andi %parallel_loop3A_500, %parallel_loop3A_502 : vector<16xi32>
        %parallel_loop3A_504 = arith.constant 128 : i32
        %parallel_loop3A_505 = vector.broadcast %parallel_loop3A_504 : i32 to vector<16xi32>
        %parallel_loop3A_506 = arith.addi %parallel_loop3A_453, %parallel_loop3A_505 : vector<16xi32>
        %parallel_loop3A_507 = arith.constant 65535 : i32
        %parallel_loop3A_508 = vector.broadcast %parallel_loop3A_507 : i32 to vector<16xi32>
        %parallel_loop3A_509 = arith.andi %parallel_loop3A_506, %parallel_loop3A_508 : vector<16xi32>
        %parallel_loop3A_510 = arith.constant 128 : i32
        %parallel_loop3A_511 = vector.broadcast %parallel_loop3A_510 : i32 to vector<16xi32>
        %parallel_loop3A_512 = arith.addi %parallel_loop3A_455, %parallel_loop3A_511 : vector<16xi32>
        %parallel_loop3A_513 = arith.constant 65535 : i32
        %parallel_loop3A_514 = vector.broadcast %parallel_loop3A_513 : i32 to vector<16xi32>
        %parallel_loop3A_515 = arith.andi %parallel_loop3A_512, %parallel_loop3A_514 : vector<16xi32>
        %parallel_loop3A_516 = arith.constant 128 : i32
        %parallel_loop3A_517 = vector.broadcast %parallel_loop3A_516 : i32 to vector<16xi32>
        %parallel_loop3A_518 = arith.addi %parallel_loop3A_457, %parallel_loop3A_517 : vector<16xi32>
        %parallel_loop3A_519 = arith.constant 65535 : i32
        %parallel_loop3A_520 = vector.broadcast %parallel_loop3A_519 : i32 to vector<16xi32>
        %parallel_loop3A_521 = arith.andi %parallel_loop3A_518, %parallel_loop3A_520 : vector<16xi32>
        %parallel_loop3A_522 = arith.constant 128 : i32
        %parallel_loop3A_523 = vector.broadcast %parallel_loop3A_522 : i32 to vector<16xi32>
        %parallel_loop3A_524 = arith.addi %parallel_loop3A_459, %parallel_loop3A_523 : vector<16xi32>
        %parallel_loop3A_525 = arith.constant 65535 : i32
        %parallel_loop3A_526 = vector.broadcast %parallel_loop3A_525 : i32 to vector<16xi32>
        %parallel_loop3A_527 = arith.andi %parallel_loop3A_524, %parallel_loop3A_526 : vector<16xi32>
        %parallel_loop3A_528 = arith.constant 128 : i32
        %parallel_loop3A_529 = vector.broadcast %parallel_loop3A_528 : i32 to vector<16xi32>
        %parallel_loop3A_530 = arith.addi %parallel_loop3A_461, %parallel_loop3A_529 : vector<16xi32>
        %parallel_loop3A_531 = arith.constant 65535 : i32
        %parallel_loop3A_532 = vector.broadcast %parallel_loop3A_531 : i32 to vector<16xi32>
        %parallel_loop3A_533 = arith.andi %parallel_loop3A_530, %parallel_loop3A_532 : vector<16xi32>
        %parallel_loop3A_534 = tpu.vector_load_idx %arg6[%mul3A_35, %parallel_loop3A_464] : memref<512x128xf32, #tpu.memory_space<vmem>>[vector<16xi32>, vector<16xi32>], vector<16xf32>,
        %parallel_loop3A_535 = tpu.vector_load_idx %arg6[%mul3A_35, %parallel_loop3A_467] : memref<512x128xf32, #tpu.memory_space<vmem>>[vector<16xi32>, vector<16xi32>], vector<16xf32>,
        %parallel_loop3A_536 = tpu.vector_load_idx %arg6[%mul3A_35, %parallel_loop3A_470] : memref<512x128xf32, #tpu.memory_space<vmem>>[vector<16xi32>, vector<16xi32>], vector<16xf32>,
        %parallel_loop3A_537 = tpu.vector_load_idx %arg6[%mul3A_35, %parallel_loop3A_473] : memref<512x128xf32, #tpu.memory_space<vmem>>[vector<16xi32>, vector<16xi32>], vector<16xf32>,
        %parallel_loop3A_538 = tpu.vector_load_idx %arg6[%mul3A_35, %parallel_loop3A_476] : memref<512x128xf32, #tpu.memory_space<vmem>>[vector<16xi32>, vector<16xi32>], vector<16xf32>,
        %parallel_loop3A_539 = tpu.vector_load_idx %arg6[%mul3A_35, %parallel_loop3A_479] : memref<512x128xf32, #tpu.memory_space<vmem>>[vector<16xi32>, vector<16xi32>], vector<16xf32>,
        %parallel_loop3A_540 = tpu.vector_load_idx %arg6[%mul3A_35, %parallel_loop3A_482] : memref<512x128xf32, #tpu.memory_space<vmem>>[vector<16xi32>, vector<16xi32>], vector<16xf32>,
        %parallel_loop3A_541 = tpu.vector_load_idx %arg6[%mul3A_35, %parallel_loop3A_485] : memref<512x128xf32, #tpu.memory_space<vmem>>[vector<16xi32>, vector<16xi32>], vector<16xf32>,
        %parallel_loop3A_542 = tpu.vector_load_idx %arg6[%mul3A_35, %parallel_loop3A_491] : memref<512x128xf32, #tpu.memory_space<vmem>>[vector<16xi32>, vector<16xi32>], vector<16xf32>,
        %parallel_loop3A_543 = tpu.vector_load_idx %arg6[%mul3A_35, %parallel_loop3A_497] : memref<512x128xf32, #tpu.memory_space<vmem>>[vector<16xi32>, vector<16xi32>], vector<16xf32>,
        %parallel_loop3A_544 = tpu.vector_load_idx %arg6[%mul3A_35, %parallel_loop3A_503] : memref<512x128xf32, #tpu.memory_space<vmem>>[vector<16xi32>, vector<16xi32>], vector<16xf32>,
        %parallel_loop3A_545 = tpu.vector_load_idx %arg6[%mul3A_35, %parallel_loop3A_509] : memref<512x128xf32, #tpu.memory_space<vmem>>[vector<16xi32>, vector<16xi32>], vector<16xf32>,
        %parallel_loop3A_546 = tpu.vector_load_idx %arg6[%mul3A_35, %parallel_loop3A_515] : memref<512x128xf32, #tpu.memory_space<vmem>>[vector<16xi32>, vector<16xi32>], vector<16xf32>,
        %parallel_loop3A_547 = tpu.vector_load_idx %arg6[%mul3A_35, %parallel_loop3A_521] : memref<512x128xf32, #tpu.memory_space<vmem>>[vector<16xi32>, vector<16xi32>], vector<16xf32>,
        %parallel_loop3A_548 = tpu.vector_load_idx %arg6[%mul3A_35, %parallel_loop3A_527] : memref<512x128xf32, #tpu.memory_space<vmem>>[vector<16xi32>, vector<16xi32>], vector<16xf32>,
        %parallel_loop3A_549 = tpu.vector_load_idx %arg6[%mul3A_35, %parallel_loop3A_533] : memref<512x128xf32, #tpu.memory_space<vmem>>[vector<16xi32>, vector<16xi32>], vector<16xf32>,
        %parallel_loop3A_550 = arith.constant 2 : i32
        %parallel_loop3A_551 = arith.muli %parallel_loop3A_550, %parallel_loop3A_439 : i32
        %parallel_loop3A_552 = arith.minimumf %parallel_loop3A_534, %parallel_loop3A_542 : vector<16xf32>
        %parallel_loop3A_553 = arith.constant 0 : i32
        %parallel_loop3A_554 = arith.constant 0 : i32
        %parallel_loop3A_555 = tpu.memref_slice %arg7[%parallel_loop3A_285, %parallel_loop3A_553, %parallel_loop3A_554] : memref<2x128x128xf32, #tpu.memory_space<vmem>> -> memref<1x128x128xf32, #tpu.memory_space<vmem>>
        %parallel_loop3A_556 = tpu.memref_squeeze %parallel_loop3A_555 : memref<1x128x128xf32, #tpu.memory_space<vmem>> -> memref<128x128xf32, #tpu.memory_space<vmem>>
        %parallel_loop3A_557 = arith.index_cast %parallel_loop3A_551 : i32 to index
        %parallel_loop3A_558 = arith.constant 0 : index
        %parallel_loop3A_559 = tpu.vector_load %parallel_loop3A_556[%parallel_loop3A_557, %parallel_loop3A_558] {strides = array<i32>} : memref<128x128xf32, #tpu.memory_space<vmem>>, vector<16xf32>,
        tpu.vector_store %parallel_loop3A_556[%parallel_loop3A_557, %parallel_loop3A_558], %parallel_loop3A_552 {strides = array<i32>} : memref<128x128xf32, #tpu.memory_space<vmem>>, vector<16xf32>,
        %parallel_loop3A_560 = arith.maximumf %parallel_loop3A_534, %parallel_loop3A_542 : vector<16xf32>
        %parallel_loop3A_561 = arith.constant 1 : i32
        %parallel_loop3A_562 = arith.addi %parallel_loop3A_551, %parallel_loop3A_561 : i32
        %parallel_loop3A_563 = arith.constant 0 : i32
        %parallel_loop3A_564 = arith.constant 0 : i32
        %parallel_loop3A_565 = tpu.memref_slice %arg7[%parallel_loop3A_285, %parallel_loop3A_563, %parallel_loop3A_564] : memref<2x128x128xf32, #tpu.memory_space<vmem>> -> memref<1x128x128xf32, #tpu.memory_space<vmem>>
        %parallel_loop3A_566 = tpu.memref_squeeze %parallel_loop3A_565 : memref<1x128x128xf32, #tpu.memory_space<vmem>> -> memref<128x128xf32, #tpu.memory_space<vmem>>
        %parallel_loop3A_567 = arith.index_cast %parallel_loop3A_562 : i32 to index
        %parallel_loop3A_568 = arith.constant 0 : index
        %parallel_loop3A_569 = tpu.vector_load %parallel_loop3A_566[%parallel_loop3A_567, %parallel_loop3A_568] {strides = array<i32>} : memref<128x128xf32, #tpu.memory_space<vmem>>, vector<16xf32>,
        tpu.vector_store %parallel_loop3A_566[%parallel_loop3A_567, %parallel_loop3A_568], %parallel_loop3A_560 {strides = array<i32>} : memref<128x128xf32, #tpu.memory_space<vmem>>, vector<16xf32>,
        %parallel_loop3A_570 = arith.minimumf %parallel_loop3A_535, %parallel_loop3A_543 : vector<16xf32>
        %parallel_loop3A_571 = arith.constant 0 : i32
        %parallel_loop3A_572 = arith.constant 0 : i32
        %parallel_loop3A_573 = tpu.memref_slice %arg7[%parallel_loop3A_285, %parallel_loop3A_571, %parallel_loop3A_572] : memref<2x128x128xf32, #tpu.memory_space<vmem>> -> memref<1x128x128xf32, #tpu.memory_space<vmem>>
        %parallel_loop3A_574 = tpu.memref_squeeze %parallel_loop3A_573 : memref<1x128x128xf32, #tpu.memory_space<vmem>> -> memref<128x128xf32, #tpu.memory_space<vmem>>
        %parallel_loop3A_575 = arith.index_cast %parallel_loop3A_551 : i32 to index
        %parallel_loop3A_576 = arith.constant 16 : index
        %parallel_loop3A_577 = tpu.vector_load %parallel_loop3A_574[%parallel_loop3A_575, %parallel_loop3A_576] {strides = array<i32>} : memref<128x128xf32, #tpu.memory_space<vmem>>, vector<16xf32>,
        tpu.vector_store %parallel_loop3A_574[%parallel_loop3A_575, %parallel_loop3A_576], %parallel_loop3A_570 {strides = array<i32>} : memref<128x128xf32, #tpu.memory_space<vmem>>, vector<16xf32>,
        %parallel_loop3A_578 = arith.maximumf %parallel_loop3A_535, %parallel_loop3A_543 : vector<16xf32>
        %parallel_loop3A_579 = arith.constant 1 : i32
        %parallel_loop3A_580 = arith.addi %parallel_loop3A_551, %parallel_loop3A_579 : i32
        %parallel_loop3A_581 = arith.constant 0 : i32
        %parallel_loop3A_582 = arith.constant 0 : i32
        %parallel_loop3A_583 = tpu.memref_slice %arg7[%parallel_loop3A_285, %parallel_loop3A_581, %parallel_loop3A_582] : memref<2x128x128xf32, #tpu.memory_space<vmem>> -> memref<1x128x128xf32, #tpu.memory_space<vmem>>
        %parallel_loop3A_584 = tpu.memref_squeeze %parallel_loop3A_583 : memref<1x128x128xf32, #tpu.memory_space<vmem>> -> memref<128x128xf32, #tpu.memory_space<vmem>>
        %parallel_loop3A_585 = arith.index_cast %parallel_loop3A_580 : i32 to index
        %parallel_loop3A_586 = arith.constant 16 : index
        %parallel_loop3A_587 = tpu.vector_load %parallel_loop3A_584[%parallel_loop3A_585, %parallel_loop3A_586] {strides = array<i32>} : memref<128x128xf32, #tpu.memory_space<vmem>>, vector<16xf32>,
        tpu.vector_store %parallel_loop3A_584[%parallel_loop3A_585, %parallel_loop3A_586], %parallel_loop3A_578 {strides = array<i32>} : memref<128x128xf32, #tpu.memory_space<vmem>>, vector<16xf32>,
        %parallel_loop3A_588 = arith.minimumf %parallel_loop3A_536, %parallel_loop3A_544 : vector<16xf32>
        %parallel_loop3A_589 = arith.constant 0 : i32
        %parallel_loop3A_590 = arith.constant 0 : i32
        %parallel_loop3A_591 = tpu.memref_slice %arg7[%parallel_loop3A_285, %parallel_loop3A_589, %parallel_loop3A_590] : memref<2x128x128xf32, #tpu.memory_space<vmem>> -> memref<1x128x128xf32, #tpu.memory_space<vmem>>
        %parallel_loop3A_592 = tpu.memref_squeeze %parallel_loop3A_591 : memref<1x128x128xf32, #tpu.memory_space<vmem>> -> memref<128x128xf32, #tpu.memory_space<vmem>>
        %parallel_loop3A_593 = arith.index_cast %parallel_loop3A_551 : i32 to index
        %parallel_loop3A_594 = arith.constant 32 : index
        %parallel_loop3A_595 = tpu.vector_load %parallel_loop3A_592[%parallel_loop3A_593, %parallel_loop3A_594] {strides = array<i32>} : memref<128x128xf32, #tpu.memory_space<vmem>>, vector<16xf32>,
        tpu.vector_store %parallel_loop3A_592[%parallel_loop3A_593, %parallel_loop3A_594], %parallel_loop3A_588 {strides = array<i32>} : memref<128x128xf32, #tpu.memory_space<vmem>>, vector<16xf32>,
        %parallel_loop3A_596 = arith.maximumf %parallel_loop3A_536, %parallel_loop3A_544 : vector<16xf32>
        %parallel_loop3A_597 = arith.constant 1 : i32
        %parallel_loop3A_598 = arith.addi %parallel_loop3A_551, %parallel_loop3A_597 : i32
        %parallel_loop3A_599 = arith.constant 0 : i32
        %parallel_loop3A_600 = arith.constant 0 : i32
        %parallel_loop3A_601 = tpu.memref_slice %arg7[%parallel_loop3A_285, %parallel_loop3A_599, %parallel_loop3A_600] : memref<2x128x128xf32, #tpu.memory_space<vmem>> -> memref<1x128x128xf32, #tpu.memory_space<vmem>>
        %parallel_loop3A_602 = tpu.memref_squeeze %parallel_loop3A_601 : memref<1x128x128xf32, #tpu.memory_space<vmem>> -> memref<128x128xf32, #tpu.memory_space<vmem>>
        %parallel_loop3A_603 = arith.index_cast %parallel_loop3A_598 : i32 to index
        %parallel_loop3A_604 = arith.constant 32 : index
        %parallel_loop3A_605 = tpu.vector_load %parallel_loop3A_602[%parallel_loop3A_603, %parallel_loop3A_604] {strides = array<i32>} : memref<128x128xf32, #tpu.memory_space<vmem>>, vector<16xf32>,
        tpu.vector_store %parallel_loop3A_602[%parallel_loop3A_603, %parallel_loop3A_604], %parallel_loop3A_596 {strides = array<i32>} : memref<128x128xf32, #tpu.memory_space<vmem>>, vector<16xf32>,
        %parallel_loop3A_606 = arith.minimumf %parallel_loop3A_537, %parallel_loop3A_545 : vector<16xf32>
        %parallel_loop3A_607 = arith.constant 0 : i32
        %parallel_loop3A_608 = arith.constant 0 : i32
        %parallel_loop3A_609 = tpu.memref_slice %arg7[%parallel_loop3A_285, %parallel_loop3A_607, %parallel_loop3A_608] : memref<2x128x128xf32, #tpu.memory_space<vmem>> -> memref<1x128x128xf32, #tpu.memory_space<vmem>>
        %parallel_loop3A_610 = tpu.memref_squeeze %parallel_loop3A_609 : memref<1x128x128xf32, #tpu.memory_space<vmem>> -> memref<128x128xf32, #tpu.memory_space<vmem>>
        %parallel_loop3A_611 = arith.index_cast %parallel_loop3A_551 : i32 to index
        %parallel_loop3A_612 = arith.constant 48 : index
        %parallel_loop3A_613 = tpu.vector_load %parallel_loop3A_610[%parallel_loop3A_611, %parallel_loop3A_612] {strides = array<i32>} : memref<128x128xf32, #tpu.memory_space<vmem>>, vector<16xf32>,
        tpu.vector_store %parallel_loop3A_610[%parallel_loop3A_611, %parallel_loop3A_612], %parallel_loop3A_606 {strides = array<i32>} : memref<128x128xf32, #tpu.memory_space<vmem>>, vector<16xf32>,
        %parallel_loop3A_614 = arith.maximumf %parallel_loop3A_537, %parallel_loop3A_545 : vector<16xf32>
        %parallel_loop3A_615 = arith.constant 1 : i32
        %parallel_loop3A_616 = arith.addi %parallel_loop3A_551, %parallel_loop3A_615 : i32
        %parallel_loop3A_617 = arith.constant 0 : i32
        %parallel_loop3A_618 = arith.constant 0 : i32
        %parallel_loop3A_619 = tpu.memref_slice %arg7[%parallel_loop3A_285, %parallel_loop3A_617, %parallel_loop3A_618] : memref<2x128x128xf32, #tpu.memory_space<vmem>> -> memref<1x128x128xf32, #tpu.memory_space<vmem>>
        %parallel_loop3A_620 = tpu.memref_squeeze %parallel_loop3A_619 : memref<1x128x128xf32, #tpu.memory_space<vmem>> -> memref<128x128xf32, #tpu.memory_space<vmem>>
        %parallel_loop3A_621 = arith.index_cast %parallel_loop3A_616 : i32 to index
        %parallel_loop3A_622 = arith.constant 48 : index
        %parallel_loop3A_623 = tpu.vector_load %parallel_loop3A_620[%parallel_loop3A_621, %parallel_loop3A_622] {strides = array<i32>} : memref<128x128xf32, #tpu.memory_space<vmem>>, vector<16xf32>,
        tpu.vector_store %parallel_loop3A_620[%parallel_loop3A_621, %parallel_loop3A_622], %parallel_loop3A_614 {strides = array<i32>} : memref<128x128xf32, #tpu.memory_space<vmem>>, vector<16xf32>,
        %parallel_loop3A_624 = arith.minimumf %parallel_loop3A_538, %parallel_loop3A_546 : vector<16xf32>
        %parallel_loop3A_625 = arith.constant 0 : i32
        %parallel_loop3A_626 = arith.constant 0 : i32
        %parallel_loop3A_627 = tpu.memref_slice %arg7[%parallel_loop3A_285, %parallel_loop3A_625, %parallel_loop3A_626] : memref<2x128x128xf32, #tpu.memory_space<vmem>> -> memref<1x128x128xf32, #tpu.memory_space<vmem>>
        %parallel_loop3A_628 = tpu.memref_squeeze %parallel_loop3A_627 : memref<1x128x128xf32, #tpu.memory_space<vmem>> -> memref<128x128xf32, #tpu.memory_space<vmem>>
        %parallel_loop3A_629 = arith.index_cast %parallel_loop3A_551 : i32 to index
        %parallel_loop3A_630 = arith.constant 64 : index
        %parallel_loop3A_631 = tpu.vector_load %parallel_loop3A_628[%parallel_loop3A_629, %parallel_loop3A_630] {strides = array<i32>} : memref<128x128xf32, #tpu.memory_space<vmem>>, vector<16xf32>,
        tpu.vector_store %parallel_loop3A_628[%parallel_loop3A_629, %parallel_loop3A_630], %parallel_loop3A_624 {strides = array<i32>} : memref<128x128xf32, #tpu.memory_space<vmem>>, vector<16xf32>,
        %parallel_loop3A_632 = arith.maximumf %parallel_loop3A_538, %parallel_loop3A_546 : vector<16xf32>
        %parallel_loop3A_633 = arith.constant 1 : i32
        %parallel_loop3A_634 = arith.addi %parallel_loop3A_551, %parallel_loop3A_633 : i32
        %parallel_loop3A_635 = arith.constant 0 : i32
        %parallel_loop3A_636 = arith.constant 0 : i32
        %parallel_loop3A_637 = tpu.memref_slice %arg7[%parallel_loop3A_285, %parallel_loop3A_635, %parallel_loop3A_636] : memref<2x128x128xf32, #tpu.memory_space<vmem>> -> memref<1x128x128xf32, #tpu.memory_space<vmem>>
        %parallel_loop3A_638 = tpu.memref_squeeze %parallel_loop3A_637 : memref<1x128x128xf32, #tpu.memory_space<vmem>> -> memref<128x128xf32, #tpu.memory_space<vmem>>
        %parallel_loop3A_639 = arith.index_cast %parallel_loop3A_634 : i32 to index
        %parallel_loop3A_640 = arith.constant 64 : index
        %parallel_loop3A_641 = tpu.vector_load %parallel_loop3A_638[%parallel_loop3A_639, %parallel_loop3A_640] {strides = array<i32>} : memref<128x128xf32, #tpu.memory_space<vmem>>, vector<16xf32>,
        tpu.vector_store %parallel_loop3A_638[%parallel_loop3A_639, %parallel_loop3A_640], %parallel_loop3A_632 {strides = array<i32>} : memref<128x128xf32, #tpu.memory_space<vmem>>, vector<16xf32>,
        %parallel_loop3A_642 = arith.minimumf %parallel_loop3A_539, %parallel_loop3A_547 : vector<16xf32>
        %parallel_loop3A_643 = arith.constant 0 : i32
        %parallel_loop3A_644 = arith.constant 0 : i32
        %parallel_loop3A_645 = tpu.memref_slice %arg7[%parallel_loop3A_285, %parallel_loop3A_643, %parallel_loop3A_644] : memref<2x128x128xf32, #tpu.memory_space<vmem>> -> memref<1x128x128xf32, #tpu.memory_space<vmem>>
        %parallel_loop3A_646 = tpu.memref_squeeze %parallel_loop3A_645 : memref<1x128x128xf32, #tpu.memory_space<vmem>> -> memref<128x128xf32, #tpu.memory_space<vmem>>
        %parallel_loop3A_647 = arith.index_cast %parallel_loop3A_551 : i32 to index
        %parallel_loop3A_648 = arith.constant 80 : index
        %parallel_loop3A_649 = tpu.vector_load %parallel_loop3A_646[%parallel_loop3A_647, %parallel_loop3A_648] {strides = array<i32>} : memref<128x128xf32, #tpu.memory_space<vmem>>, vector<16xf32>,
        tpu.vector_store %parallel_loop3A_646[%parallel_loop3A_647, %parallel_loop3A_648], %parallel_loop3A_642 {strides = array<i32>} : memref<128x128xf32, #tpu.memory_space<vmem>>, vector<16xf32>,
        %parallel_loop3A_650 = arith.maximumf %parallel_loop3A_539, %parallel_loop3A_547 : vector<16xf32>
        %parallel_loop3A_651 = arith.constant 1 : i32
        %parallel_loop3A_652 = arith.addi %parallel_loop3A_551, %parallel_loop3A_651 : i32
        %parallel_loop3A_653 = arith.constant 0 : i32
        %parallel_loop3A_654 = arith.constant 0 : i32
        %parallel_loop3A_655 = tpu.memref_slice %arg7[%parallel_loop3A_285, %parallel_loop3A_653, %parallel_loop3A_654] : memref<2x128x128xf32, #tpu.memory_space<vmem>> -> memref<1x128x128xf32, #tpu.memory_space<vmem>>
        %parallel_loop3A_656 = tpu.memref_squeeze %parallel_loop3A_655 : memref<1x128x128xf32, #tpu.memory_space<vmem>> -> memref<128x128xf32, #tpu.memory_space<vmem>>
        %parallel_loop3A_657 = arith.index_cast %parallel_loop3A_652 : i32 to index
        %parallel_loop3A_658 = arith.constant 80 : index
        %parallel_loop3A_659 = tpu.vector_load %parallel_loop3A_656[%parallel_loop3A_657, %parallel_loop3A_658] {strides = array<i32>} : memref<128x128xf32, #tpu.memory_space<vmem>>, vector<16xf32>,
        tpu.vector_store %parallel_loop3A_656[%parallel_loop3A_657, %parallel_loop3A_658], %parallel_loop3A_650 {strides = array<i32>} : memref<128x128xf32, #tpu.memory_space<vmem>>, vector<16xf32>,
        %parallel_loop3A_660 = arith.minimumf %parallel_loop3A_540, %parallel_loop3A_548 : vector<16xf32>
        %parallel_loop3A_661 = arith.constant 0 : i32
        %parallel_loop3A_662 = arith.constant 0 : i32
        %parallel_loop3A_663 = tpu.memref_slice %arg7[%parallel_loop3A_285, %parallel_loop3A_661, %parallel_loop3A_662] : memref<2x128x128xf32, #tpu.memory_space<vmem>> -> memref<1x128x128xf32, #tpu.memory_space<vmem>>
        %parallel_loop3A_664 = tpu.memref_squeeze %parallel_loop3A_663 : memref<1x128x128xf32, #tpu.memory_space<vmem>> -> memref<128x128xf32, #tpu.memory_space<vmem>>
        %parallel_loop3A_665 = arith.index_cast %parallel_loop3A_551 : i32 to index
        %parallel_loop3A_666 = arith.constant 96 : index
        %parallel_loop3A_667 = tpu.vector_load %parallel_loop3A_664[%parallel_loop3A_665, %parallel_loop3A_666] {strides = array<i32>} : memref<128x128xf32, #tpu.memory_space<vmem>>, vector<16xf32>,
        tpu.vector_store %parallel_loop3A_664[%parallel_loop3A_665, %parallel_loop3A_666], %parallel_loop3A_660 {strides = array<i32>} : memref<128x128xf32, #tpu.memory_space<vmem>>, vector<16xf32>,
        %parallel_loop3A_668 = arith.maximumf %parallel_loop3A_540, %parallel_loop3A_548 : vector<16xf32>
        %parallel_loop3A_669 = arith.constant 1 : i32
        %parallel_loop3A_670 = arith.addi %parallel_loop3A_551, %parallel_loop3A_669 : i32
        %parallel_loop3A_671 = arith.constant 0 : i32
        %parallel_loop3A_672 = arith.constant 0 : i32
        %parallel_loop3A_673 = tpu.memref_slice %arg7[%parallel_loop3A_285, %parallel_loop3A_671, %parallel_loop3A_672] : memref<2x128x128xf32, #tpu.memory_space<vmem>> -> memref<1x128x128xf32, #tpu.memory_space<vmem>>
        %parallel_loop3A_674 = tpu.memref_squeeze %parallel_loop3A_673 : memref<1x128x128xf32, #tpu.memory_space<vmem>> -> memref<128x128xf32, #tpu.memory_space<vmem>>
        %parallel_loop3A_675 = arith.index_cast %parallel_loop3A_670 : i32 to index
        %parallel_loop3A_676 = arith.constant 96 : index
        %parallel_loop3A_677 = tpu.vector_load %parallel_loop3A_674[%parallel_loop3A_675, %parallel_loop3A_676] {strides = array<i32>} : memref<128x128xf32, #tpu.memory_space<vmem>>, vector<16xf32>,
        tpu.vector_store %parallel_loop3A_674[%parallel_loop3A_675, %parallel_loop3A_676], %parallel_loop3A_668 {strides = array<i32>} : memref<128x128xf32, #tpu.memory_space<vmem>>, vector<16xf32>,
        %parallel_loop3A_678 = arith.minimumf %parallel_loop3A_541, %parallel_loop3A_549 : vector<16xf32>
        %parallel_loop3A_679 = arith.constant 0 : i32
        %parallel_loop3A_680 = arith.constant 0 : i32
        %parallel_loop3A_681 = tpu.memref_slice %arg7[%parallel_loop3A_285, %parallel_loop3A_679, %parallel_loop3A_680] : memref<2x128x128xf32, #tpu.memory_space<vmem>> -> memref<1x128x128xf32, #tpu.memory_space<vmem>>
        %parallel_loop3A_682 = tpu.memref_squeeze %parallel_loop3A_681 : memref<1x128x128xf32, #tpu.memory_space<vmem>> -> memref<128x128xf32, #tpu.memory_space<vmem>>
        %parallel_loop3A_683 = arith.index_cast %parallel_loop3A_551 : i32 to index
        %parallel_loop3A_684 = arith.constant 112 : index
        %parallel_loop3A_685 = tpu.vector_load %parallel_loop3A_682[%parallel_loop3A_683, %parallel_loop3A_684] {strides = array<i32>} : memref<128x128xf32, #tpu.memory_space<vmem>>, vector<16xf32>,
        tpu.vector_store %parallel_loop3A_682[%parallel_loop3A_683, %parallel_loop3A_684], %parallel_loop3A_678 {strides = array<i32>} : memref<128x128xf32, #tpu.memory_space<vmem>>, vector<16xf32>,
        %parallel_loop3A_686 = arith.maximumf %parallel_loop3A_541, %parallel_loop3A_549 : vector<16xf32>
        %parallel_loop3A_687 = arith.constant 1 : i32
        %parallel_loop3A_688 = arith.addi %parallel_loop3A_551, %parallel_loop3A_687 : i32
        %parallel_loop3A_689 = arith.constant 0 : i32
        %parallel_loop3A_690 = arith.constant 0 : i32
        %parallel_loop3A_691 = tpu.memref_slice %arg7[%parallel_loop3A_285, %parallel_loop3A_689, %parallel_loop3A_690] : memref<2x128x128xf32, #tpu.memory_space<vmem>> -> memref<1x128x128xf32, #tpu.memory_space<vmem>>
        %parallel_loop3A_692 = tpu.memref_squeeze %parallel_loop3A_691 : memref<1x128x128xf32, #tpu.memory_space<vmem>> -> memref<128x128xf32, #tpu.memory_space<vmem>>
        %parallel_loop3A_693 = arith.index_cast %parallel_loop3A_688 : i32 to index
        %parallel_loop3A_694 = arith.constant 112 : index
        %parallel_loop3A_695 = tpu.vector_load %parallel_loop3A_692[%parallel_loop3A_693, %parallel_loop3A_694] {strides = array<i32>} : memref<128x128xf32, #tpu.memory_space<vmem>>, vector<16xf32>,
        tpu.vector_store %parallel_loop3A_692[%parallel_loop3A_693, %parallel_loop3A_694], %parallel_loop3A_686 {strides = array<i32>} : memref<128x128xf32, #tpu.memory_space<vmem>>, vector<16xf32>,
      } {sc.loop_unroll_factor = 1 : i64, sc.parallel_access}
      %mul3A_286 = arith.constant 128 : i32
      %mul3A_287 = arith.muli %add3A_255, %mul3A_286 : i32
      %dma_start3A_288 = arith.constant 0 : i32
      %dma_start3A_289 = arith.constant 0 : i32
      %dma_start3A_290 = arith.constant 0 : i32
      %dma_start3A_291 = tpu.memref_slice %arg7[%dma_start3A_288, %dma_start3A_289, %dma_start3A_290] : memref<2x128x128xf32, #tpu.memory_space<vmem>> -> memref<1x128x128xf32, #tpu.memory_space<vmem>>
      %dma_start3A_292 = tpu.memref_squeeze %dma_start3A_291 : memref<1x128x128xf32, #tpu.memory_space<vmem>> -> memref<128x128xf32, #tpu.memory_space<vmem>>
      %dma_start3A_293 = tpu.memref_slice %arg4[%add3A_133, %mul3A_287, %mul3A_32] : memref<4x4096x2048xf32, #tpu.memory_space<hbm>> -> memref<1x128x128xf32, #tpu.memory_space<hbm>>
      %dma_start3A_294 = tpu.memref_squeeze %dma_start3A_293 : memref<1x128x128xf32, #tpu.memory_space<hbm>> -> memref<128x128xf32, #tpu.memory_space<hbm>>
      %dma_start3A_295 = tpu.memref_slice %arg4[%add3A_133, %mul3A_287, %mul3A_32] : memref<4x4096x2048xf32, #tpu.memory_space<hbm>> -> memref<1x128x128xf32, #tpu.memory_space<hbm>>
      %dma_start3A_296 = tpu.memref_squeeze %dma_start3A_295 : memref<1x128x128xf32, #tpu.memory_space<hbm>> -> memref<128x128xf32, #tpu.memory_space<hbm>>
      %dma_start3A_297 = arith.constant 0 : i32
      %dma_start3A_298 = arith.constant 0 : i32
      %dma_start3A_299 = tpu.memref_slice %arg7[%dma_start3A_288, %dma_start3A_297, %dma_start3A_298] : memref<2x128x128xf32, #tpu.memory_space<vmem>> -> memref<1x128x128xf32, #tpu.memory_space<vmem>>
      %dma_start3A_300 = tpu.memref_squeeze %dma_start3A_299 : memref<1x128x128xf32, #tpu.memory_space<vmem>> -> memref<128x128xf32, #tpu.memory_space<vmem>>
      tpu.enqueue_dma source(%dma_start3A_300 : memref<128x128xf32, #tpu.memory_space<vmem>>) target(%dma_start3A_296 : memref<128x128xf32, #tpu.memory_space<hbm>>) target_semaphore(%arg12 : memref<!tpu.dma_semaphore, #tpu.memory_space<semaphore_mem>>)
      %add3A_301 = arith.constant 1 : i32
      %add3A_302 = arith.addi %add3A_253, %add3A_301 : i32
      %add3A_303 = arith.constant 2 : i32
      %add3A_304 = arith.addi %add3A_302, %add3A_303 : i32
      %lt3A_305 = arith.constant 32 : i32
      %lt3A_306 = arith.cmpi slt, %add3A_304, %lt3A_305 : i32
      %convert_element_type3A_307 = arith.extui %lt3A_306 : i1 to i32
      %cond3A_308 = arith.constant 0 : i32
      %cond3A_309 = arith.cmpi ne, %convert_element_type3A_307, %cond3A_308 : i32
      scf.if %cond3A_309 {
        %add3A_439 = arith.constant 2 : i32
        %add3A_440 = arith.addi %add3A_302, %add3A_439 : i32
        %mul3A_441 = arith.constant 128 : i32
        %mul3A_442 = arith.muli %add3A_440, %mul3A_441 : i32
        %dma_start3A_443 = arith.constant 384 : i32
        %dma_start3A_444 = arith.constant 0 : i32
        %dma_start3A_445 = tpu.memref_slice %arg6[%dma_start3A_443, %dma_start3A_444] : memref<512x128xf32, #tpu.memory_space<vmem>> -> memref<128x128xf32, #tpu.memory_space<vmem>>
        %dma_start3A_446 = tpu.memref_slice %arg2[%add3A_133, %mul3A_442, %mul3A_32] : memref<4x4096x2048xf32, #tpu.memory_space<hbm>> -> memref<1x128x128xf32, #tpu.memory_space<hbm>>
        %dma_start3A_447 = tpu.memref_squeeze %dma_start3A_446 : memref<1x128x128xf32, #tpu.memory_space<hbm>> -> memref<128x128xf32, #tpu.memory_space<hbm>>
        %dma_start3A_448 = arith.constant 384 : i32
        %dma_start3A_449 = arith.constant 0 : i32
        %dma_start3A_450 = tpu.memref_slice %arg6[%dma_start3A_448, %dma_start3A_449] : memref<512x128xf32, #tpu.memory_space<vmem>> -> memref<128x128xf32, #tpu.memory_space<vmem>>
        %dma_start3A_451 = tpu.memref_slice %arg2[%add3A_133, %mul3A_442, %mul3A_32] : memref<4x4096x2048xf32, #tpu.memory_space<hbm>> -> memref<1x128x128xf32, #tpu.memory_space<hbm>>
        %dma_start3A_452 = tpu.memref_squeeze %dma_start3A_451 : memref<1x128x128xf32, #tpu.memory_space<hbm>> -> memref<128x128xf32, #tpu.memory_space<hbm>>
        tpu.enqueue_dma source(%dma_start3A_452 : memref<128x128xf32, #tpu.memory_space<hbm>>) target(%dma_start3A_450 : memref<128x128xf32, #tpu.memory_space<vmem>>) target_semaphore(%arg11 : memref<!tpu.dma_semaphore, #tpu.memory_space<semaphore_mem>>)
      } else {
      }
      %dma_wait3A_310 = arith.constant 0 : i32
      %dma_wait3A_311 = arith.constant 128 : i32
      %dma_wait3A_312 = arith.constant 0 : i32
      %dma_wait3A_313 = tpu.memref_slice %arg6[%dma_wait3A_311, %dma_wait3A_312] : memref<512x128xf32, #tpu.memory_space<vmem>> -> memref<128x128xf32, #tpu.memory_space<vmem>>
      %dma_wait3A_314 = arith.constant 0 : i32
      %dma_wait3A_315 = tpu.memref_slice %arg2[%dma_wait3A_310, %dma_wait3A_314, %mul3A_32] : memref<4x4096x2048xf32, #tpu.memory_space<hbm>> -> memref<1x128x128xf32, #tpu.memory_space<hbm>>
      %dma_wait3A_316 = tpu.memref_squeeze %dma_wait3A_315 : memref<1x128x128xf32, #tpu.memory_space<hbm>> -> memref<128x128xf32, #tpu.memory_space<hbm>>
      %dma_wait3A_317 = arith.constant 128 : i32
      %dma_wait3A_318 = arith.constant 0 : i32
      %dma_wait3A_319 = tpu.memref_slice %arg6[%dma_wait3A_317, %dma_wait3A_318] : memref<512x128xf32, #tpu.memory_space<vmem>> -> memref<128x128xf32, #tpu.memory_space<vmem>>
      %dma_wait3A_320 = arith.constant 0 : i32
      %dma_wait3A_321 = tpu.memref_slice %arg2[%dma_wait3A_310, %dma_wait3A_320, %mul3A_32] : memref<4x4096x2048xf32, #tpu.memory_space<hbm>> -> memref<1x128x128xf32, #tpu.memory_space<hbm>>
      %dma_wait3A_322 = tpu.memref_squeeze %dma_wait3A_321 : memref<1x128x128xf32, #tpu.memory_space<hbm>> -> memref<128x128xf32, #tpu.memory_space<hbm>>
      tpu.wait_dma2 semaphore(%arg9 : memref<!tpu.dma_semaphore, #tpu.memory_space<semaphore_mem>>) src(%dma_wait3A_322 : memref<128x128xf32, #tpu.memory_space<hbm>>) dst(%dma_wait3A_319 : memref<128x128xf32, #tpu.memory_space<vmem>>)
      %ge3A_323 = arith.constant 2 : i32
      %ge3A_324 = arith.cmpi sge, %add3A_302, %ge3A_323 : i32
      %convert_element_type3A_325 = arith.extui %ge3A_324 : i1 to i32
      %cond3A_326 = arith.constant 0 : i32
      %cond3A_327 = arith.cmpi ne, %convert_element_type3A_325, %cond3A_326 : i32
      scf.if %cond3A_327 {
        %dma_wait3A_439 = arith.constant 1 : i32
        %dma_wait3A_440 = arith.constant 0 : i32
        %dma_wait3A_441 = arith.constant 0 : i32
        %dma_wait3A_442 = arith.constant 0 : i32
        %dma_wait3A_443 = tpu.memref_slice %arg7[%dma_wait3A_439, %dma_wait3A_441, %dma_wait3A_442] : memref<2x128x128xf32, #tpu.memory_space<vmem>> -> memref<1x128x128xf32, #tpu.memory_space<vmem>>
        %dma_wait3A_444 = tpu.memref_squeeze %dma_wait3A_443 : memref<1x128x128xf32, #tpu.memory_space<vmem>> -> memref<128x128xf32, #tpu.memory_space<vmem>>
        %dma_wait3A_445 = arith.constant 0 : i32
        %dma_wait3A_446 = tpu.memref_slice %arg4[%dma_wait3A_440, %dma_wait3A_445, %mul3A_32] : memref<4x4096x2048xf32, #tpu.memory_space<hbm>> -> memref<1x128x128xf32, #tpu.memory_space<hbm>>
        %dma_wait3A_447 = tpu.memref_squeeze %dma_wait3A_446 : memref<1x128x128xf32, #tpu.memory_space<hbm>> -> memref<128x128xf32, #tpu.memory_space<hbm>>
        %dma_wait3A_448 = arith.constant 0 : i32
        %dma_wait3A_449 = tpu.memref_slice %arg4[%dma_wait3A_440, %dma_wait3A_448, %mul3A_32] : memref<4x4096x2048xf32, #tpu.memory_space<hbm>> -> memref<1x128x128xf32, #tpu.memory_space<hbm>>
        %dma_wait3A_450 = tpu.memref_squeeze %dma_wait3A_449 : memref<1x128x128xf32, #tpu.memory_space<hbm>> -> memref<128x128xf32, #tpu.memory_space<hbm>>
        %dma_wait3A_451 = arith.constant 0 : i32
        %dma_wait3A_452 = arith.constant 0 : i32
        %dma_wait3A_453 = tpu.memref_slice %arg7[%dma_wait3A_439, %dma_wait3A_451, %dma_wait3A_452] : memref<2x128x128xf32, #tpu.memory_space<vmem>> -> memref<1x128x128xf32, #tpu.memory_space<vmem>>
        %dma_wait3A_454 = tpu.memref_squeeze %dma_wait3A_453 : memref<1x128x128xf32, #tpu.memory_space<vmem>> -> memref<128x128xf32, #tpu.memory_space<vmem>>
        tpu.wait_dma2 semaphore(%arg13 : memref<!tpu.dma_semaphore, #tpu.memory_space<semaphore_mem>>) src(%dma_wait3A_454 : memref<128x128xf32, #tpu.memory_space<vmem>>) dst(%dma_wait3A_450 : memref<128x128xf32, #tpu.memory_space<hbm>>)
      } else {
      }
      %parallel_loop3A_328 = arith.constant 0 : i32
      %parallel_loop3A_329 = arith.constant 64 : i32
      %parallel_loop3A_330 = arith.constant 1 : i32
      %parallel_loop3A_331 = arith.constant 1 : i32
      scf.for %parallel_loop3A_439 = %parallel_loop3A_328 to %parallel_loop3A_329 step %parallel_loop3A_330  : i32 {
        %parallel_loop3A_440 = arith.constant 2 : i32
        %parallel_loop3A_441 = arith.muli %parallel_loop3A_440, %parallel_loop3A_439 : i32
        %parallel_loop3A_442 = arith.constant 7 : i32
        %parallel_loop3A_443 = arith.shli %parallel_loop3A_441, %parallel_loop3A_442 : i32
        %parallel_loop3A_444 = arith.constant 16384 : i32
        %parallel_loop3A_445 = arith.addi %parallel_loop3A_443, %parallel_loop3A_444 : i32
        %parallel_loop3A_446 = vector.broadcast %parallel_loop3A_445 : i32 to vector<16xi32>
        %parallel_loop3A_447 = arith.addi %add3A_45, %parallel_loop3A_446 : vector<16xi32>
        %parallel_loop3A_448 = vector.broadcast %parallel_loop3A_445 : i32 to vector<16xi32>
        %parallel_loop3A_449 = arith.addi %add3A_57, %parallel_loop3A_448 : vector<16xi32>
        %parallel_loop3A_450 = vector.broadcast %parallel_loop3A_445 : i32 to vector<16xi32>
        %parallel_loop3A_451 = arith.addi %add3A_69, %parallel_loop3A_450 : vector<16xi32>
        %parallel_loop3A_452 = vector.broadcast %parallel_loop3A_445 : i32 to vector<16xi32>
        %parallel_loop3A_453 = arith.addi %add3A_81, %parallel_loop3A_452 : vector<16xi32>
        %parallel_loop3A_454 = vector.broadcast %parallel_loop3A_445 : i32 to vector<16xi32>
        %parallel_loop3A_455 = arith.addi %add3A_93, %parallel_loop3A_454 : vector<16xi32>
        %parallel_loop3A_456 = vector.broadcast %parallel_loop3A_445 : i32 to vector<16xi32>
        %parallel_loop3A_457 = arith.addi %add3A_105, %parallel_loop3A_456 : vector<16xi32>
        %parallel_loop3A_458 = vector.broadcast %parallel_loop3A_445 : i32 to vector<16xi32>
        %parallel_loop3A_459 = arith.addi %add3A_117, %parallel_loop3A_458 : vector<16xi32>
        %parallel_loop3A_460 = vector.broadcast %parallel_loop3A_445 : i32 to vector<16xi32>
        %parallel_loop3A_461 = arith.addi %add3A_129, %parallel_loop3A_460 : vector<16xi32>
        %parallel_loop3A_462 = arith.constant 128 : i32
        %parallel_loop3A_463 = vector.broadcast %parallel_loop3A_462 : i32 to vector<16xi32>
        %parallel_loop3A_464 = arith.addi %parallel_loop3A_447, %parallel_loop3A_463 : vector<16xi32>
        %parallel_loop3A_465 = arith.constant 128 : i32
        %parallel_loop3A_466 = vector.broadcast %parallel_loop3A_465 : i32 to vector<16xi32>
        %parallel_loop3A_467 = arith.addi %parallel_loop3A_449, %parallel_loop3A_466 : vector<16xi32>
        %parallel_loop3A_468 = arith.constant 128 : i32
        %parallel_loop3A_469 = vector.broadcast %parallel_loop3A_468 : i32 to vector<16xi32>
        %parallel_loop3A_470 = arith.addi %parallel_loop3A_451, %parallel_loop3A_469 : vector<16xi32>
        %parallel_loop3A_471 = arith.constant 128 : i32
        %parallel_loop3A_472 = vector.broadcast %parallel_loop3A_471 : i32 to vector<16xi32>
        %parallel_loop3A_473 = arith.addi %parallel_loop3A_453, %parallel_loop3A_472 : vector<16xi32>
        %parallel_loop3A_474 = arith.constant 128 : i32
        %parallel_loop3A_475 = vector.broadcast %parallel_loop3A_474 : i32 to vector<16xi32>
        %parallel_loop3A_476 = arith.addi %parallel_loop3A_455, %parallel_loop3A_475 : vector<16xi32>
        %parallel_loop3A_477 = arith.constant 128 : i32
        %parallel_loop3A_478 = vector.broadcast %parallel_loop3A_477 : i32 to vector<16xi32>
        %parallel_loop3A_479 = arith.addi %parallel_loop3A_457, %parallel_loop3A_478 : vector<16xi32>
        %parallel_loop3A_480 = arith.constant 128 : i32
        %parallel_loop3A_481 = vector.broadcast %parallel_loop3A_480 : i32 to vector<16xi32>
        %parallel_loop3A_482 = arith.addi %parallel_loop3A_459, %parallel_loop3A_481 : vector<16xi32>
        %parallel_loop3A_483 = arith.constant 128 : i32
        %parallel_loop3A_484 = vector.broadcast %parallel_loop3A_483 : i32 to vector<16xi32>
        %parallel_loop3A_485 = arith.addi %parallel_loop3A_461, %parallel_loop3A_484 : vector<16xi32>
        %parallel_loop3A_486 = tpu.vector_load_idx %arg6[%mul3A_35, %parallel_loop3A_447] : memref<512x128xf32, #tpu.memory_space<vmem>>[vector<16xi32>, vector<16xi32>], vector<16xf32>,
        %parallel_loop3A_487 = tpu.vector_load_idx %arg6[%mul3A_35, %parallel_loop3A_449] : memref<512x128xf32, #tpu.memory_space<vmem>>[vector<16xi32>, vector<16xi32>], vector<16xf32>,
        %parallel_loop3A_488 = tpu.vector_load_idx %arg6[%mul3A_35, %parallel_loop3A_451] : memref<512x128xf32, #tpu.memory_space<vmem>>[vector<16xi32>, vector<16xi32>], vector<16xf32>,
        %parallel_loop3A_489 = tpu.vector_load_idx %arg6[%mul3A_35, %parallel_loop3A_453] : memref<512x128xf32, #tpu.memory_space<vmem>>[vector<16xi32>, vector<16xi32>], vector<16xf32>,
        %parallel_loop3A_490 = tpu.vector_load_idx %arg6[%mul3A_35, %parallel_loop3A_455] : memref<512x128xf32, #tpu.memory_space<vmem>>[vector<16xi32>, vector<16xi32>], vector<16xf32>,
        %parallel_loop3A_491 = tpu.vector_load_idx %arg6[%mul3A_35, %parallel_loop3A_457] : memref<512x128xf32, #tpu.memory_space<vmem>>[vector<16xi32>, vector<16xi32>], vector<16xf32>,
        %parallel_loop3A_492 = tpu.vector_load_idx %arg6[%mul3A_35, %parallel_loop3A_459] : memref<512x128xf32, #tpu.memory_space<vmem>>[vector<16xi32>, vector<16xi32>], vector<16xf32>,
        %parallel_loop3A_493 = tpu.vector_load_idx %arg6[%mul3A_35, %parallel_loop3A_461] : memref<512x128xf32, #tpu.memory_space<vmem>>[vector<16xi32>, vector<16xi32>], vector<16xf32>,
        %parallel_loop3A_494 = tpu.vector_load_idx %arg6[%mul3A_35, %parallel_loop3A_464] : memref<512x128xf32, #tpu.memory_space<vmem>>[vector<16xi32>, vector<16xi32>], vector<16xf32>,
        %parallel_loop3A_495 = tpu.vector_load_idx %arg6[%mul3A_35, %parallel_loop3A_467] : memref<512x128xf32, #tpu.memory_space<vmem>>[vector<16xi32>, vector<16xi32>], vector<16xf32>,
        %parallel_loop3A_496 = tpu.vector_load_idx %arg6[%mul3A_35, %parallel_loop3A_470] : memref<512x128xf32, #tpu.memory_space<vmem>>[vector<16xi32>, vector<16xi32>], vector<16xf32>,
        %parallel_loop3A_497 = tpu.vector_load_idx %arg6[%mul3A_35, %parallel_loop3A_473] : memref<512x128xf32, #tpu.memory_space<vmem>>[vector<16xi32>, vector<16xi32>], vector<16xf32>,
        %parallel_loop3A_498 = tpu.vector_load_idx %arg6[%mul3A_35, %parallel_loop3A_476] : memref<512x128xf32, #tpu.memory_space<vmem>>[vector<16xi32>, vector<16xi32>], vector<16xf32>,
        %parallel_loop3A_499 = tpu.vector_load_idx %arg6[%mul3A_35, %parallel_loop3A_479] : memref<512x128xf32, #tpu.memory_space<vmem>>[vector<16xi32>, vector<16xi32>], vector<16xf32>,
        %parallel_loop3A_500 = tpu.vector_load_idx %arg6[%mul3A_35, %parallel_loop3A_482] : memref<512x128xf32, #tpu.memory_space<vmem>>[vector<16xi32>, vector<16xi32>], vector<16xf32>,
        %parallel_loop3A_501 = tpu.vector_load_idx %arg6[%mul3A_35, %parallel_loop3A_485] : memref<512x128xf32, #tpu.memory_space<vmem>>[vector<16xi32>, vector<16xi32>], vector<16xf32>,
        %parallel_loop3A_502 = arith.constant 2 : i32
        %parallel_loop3A_503 = arith.muli %parallel_loop3A_502, %parallel_loop3A_439 : i32
        %parallel_loop3A_504 = arith.minimumf %parallel_loop3A_486, %parallel_loop3A_494 : vector<16xf32>
        %parallel_loop3A_505 = arith.constant 0 : i32
        %parallel_loop3A_506 = arith.constant 0 : i32
        %parallel_loop3A_507 = tpu.memref_slice %arg7[%parallel_loop3A_331, %parallel_loop3A_505, %parallel_loop3A_506] : memref<2x128x128xf32, #tpu.memory_space<vmem>> -> memref<1x128x128xf32, #tpu.memory_space<vmem>>
        %parallel_loop3A_508 = tpu.memref_squeeze %parallel_loop3A_507 : memref<1x128x128xf32, #tpu.memory_space<vmem>> -> memref<128x128xf32, #tpu.memory_space<vmem>>
        %parallel_loop3A_509 = arith.index_cast %parallel_loop3A_503 : i32 to index
        %parallel_loop3A_510 = arith.constant 0 : index
        %parallel_loop3A_511 = tpu.vector_load %parallel_loop3A_508[%parallel_loop3A_509, %parallel_loop3A_510] {strides = array<i32>} : memref<128x128xf32, #tpu.memory_space<vmem>>, vector<16xf32>,
        tpu.vector_store %parallel_loop3A_508[%parallel_loop3A_509, %parallel_loop3A_510], %parallel_loop3A_504 {strides = array<i32>} : memref<128x128xf32, #tpu.memory_space<vmem>>, vector<16xf32>,
        %parallel_loop3A_512 = arith.maximumf %parallel_loop3A_486, %parallel_loop3A_494 : vector<16xf32>
        %parallel_loop3A_513 = arith.constant 1 : i32
        %parallel_loop3A_514 = arith.addi %parallel_loop3A_503, %parallel_loop3A_513 : i32
        %parallel_loop3A_515 = arith.constant 0 : i32
        %parallel_loop3A_516 = arith.constant 0 : i32
        %parallel_loop3A_517 = tpu.memref_slice %arg7[%parallel_loop3A_331, %parallel_loop3A_515, %parallel_loop3A_516] : memref<2x128x128xf32, #tpu.memory_space<vmem>> -> memref<1x128x128xf32, #tpu.memory_space<vmem>>
        %parallel_loop3A_518 = tpu.memref_squeeze %parallel_loop3A_517 : memref<1x128x128xf32, #tpu.memory_space<vmem>> -> memref<128x128xf32, #tpu.memory_space<vmem>>
        %parallel_loop3A_519 = arith.index_cast %parallel_loop3A_514 : i32 to index
        %parallel_loop3A_520 = arith.constant 0 : index
        %parallel_loop3A_521 = tpu.vector_load %parallel_loop3A_518[%parallel_loop3A_519, %parallel_loop3A_520] {strides = array<i32>} : memref<128x128xf32, #tpu.memory_space<vmem>>, vector<16xf32>,
        tpu.vector_store %parallel_loop3A_518[%parallel_loop3A_519, %parallel_loop3A_520], %parallel_loop3A_512 {strides = array<i32>} : memref<128x128xf32, #tpu.memory_space<vmem>>, vector<16xf32>,
        %parallel_loop3A_522 = arith.minimumf %parallel_loop3A_487, %parallel_loop3A_495 : vector<16xf32>
        %parallel_loop3A_523 = arith.constant 0 : i32
        %parallel_loop3A_524 = arith.constant 0 : i32
        %parallel_loop3A_525 = tpu.memref_slice %arg7[%parallel_loop3A_331, %parallel_loop3A_523, %parallel_loop3A_524] : memref<2x128x128xf32, #tpu.memory_space<vmem>> -> memref<1x128x128xf32, #tpu.memory_space<vmem>>
        %parallel_loop3A_526 = tpu.memref_squeeze %parallel_loop3A_525 : memref<1x128x128xf32, #tpu.memory_space<vmem>> -> memref<128x128xf32, #tpu.memory_space<vmem>>
        %parallel_loop3A_527 = arith.index_cast %parallel_loop3A_503 : i32 to index
        %parallel_loop3A_528 = arith.constant 16 : index
        %parallel_loop3A_529 = tpu.vector_load %parallel_loop3A_526[%parallel_loop3A_527, %parallel_loop3A_528] {strides = array<i32>} : memref<128x128xf32, #tpu.memory_space<vmem>>, vector<16xf32>,
        tpu.vector_store %parallel_loop3A_526[%parallel_loop3A_527, %parallel_loop3A_528], %parallel_loop3A_522 {strides = array<i32>} : memref<128x128xf32, #tpu.memory_space<vmem>>, vector<16xf32>,
        %parallel_loop3A_530 = arith.maximumf %parallel_loop3A_487, %parallel_loop3A_495 : vector<16xf32>
        %parallel_loop3A_531 = arith.constant 1 : i32
        %parallel_loop3A_532 = arith.addi %parallel_loop3A_503, %parallel_loop3A_531 : i32
        %parallel_loop3A_533 = arith.constant 0 : i32
        %parallel_loop3A_534 = arith.constant 0 : i32
        %parallel_loop3A_535 = tpu.memref_slice %arg7[%parallel_loop3A_331, %parallel_loop3A_533, %parallel_loop3A_534] : memref<2x128x128xf32, #tpu.memory_space<vmem>> -> memref<1x128x128xf32, #tpu.memory_space<vmem>>
        %parallel_loop3A_536 = tpu.memref_squeeze %parallel_loop3A_535 : memref<1x128x128xf32, #tpu.memory_space<vmem>> -> memref<128x128xf32, #tpu.memory_space<vmem>>
        %parallel_loop3A_537 = arith.index_cast %parallel_loop3A_532 : i32 to index
        %parallel_loop3A_538 = arith.constant 16 : index
        %parallel_loop3A_539 = tpu.vector_load %parallel_loop3A_536[%parallel_loop3A_537, %parallel_loop3A_538] {strides = array<i32>} : memref<128x128xf32, #tpu.memory_space<vmem>>, vector<16xf32>,
        tpu.vector_store %parallel_loop3A_536[%parallel_loop3A_537, %parallel_loop3A_538], %parallel_loop3A_530 {strides = array<i32>} : memref<128x128xf32, #tpu.memory_space<vmem>>, vector<16xf32>,
        %parallel_loop3A_540 = arith.minimumf %parallel_loop3A_488, %parallel_loop3A_496 : vector<16xf32>
        %parallel_loop3A_541 = arith.constant 0 : i32
        %parallel_loop3A_542 = arith.constant 0 : i32
        %parallel_loop3A_543 = tpu.memref_slice %arg7[%parallel_loop3A_331, %parallel_loop3A_541, %parallel_loop3A_542] : memref<2x128x128xf32, #tpu.memory_space<vmem>> -> memref<1x128x128xf32, #tpu.memory_space<vmem>>
        %parallel_loop3A_544 = tpu.memref_squeeze %parallel_loop3A_543 : memref<1x128x128xf32, #tpu.memory_space<vmem>> -> memref<128x128xf32, #tpu.memory_space<vmem>>
        %parallel_loop3A_545 = arith.index_cast %parallel_loop3A_503 : i32 to index
        %parallel_loop3A_546 = arith.constant 32 : index
        %parallel_loop3A_547 = tpu.vector_load %parallel_loop3A_544[%parallel_loop3A_545, %parallel_loop3A_546] {strides = array<i32>} : memref<128x128xf32, #tpu.memory_space<vmem>>, vector<16xf32>,
        tpu.vector_store %parallel_loop3A_544[%parallel_loop3A_545, %parallel_loop3A_546], %parallel_loop3A_540 {strides = array<i32>} : memref<128x128xf32, #tpu.memory_space<vmem>>, vector<16xf32>,
        %parallel_loop3A_548 = arith.maximumf %parallel_loop3A_488, %parallel_loop3A_496 : vector<16xf32>
        %parallel_loop3A_549 = arith.constant 1 : i32
        %parallel_loop3A_550 = arith.addi %parallel_loop3A_503, %parallel_loop3A_549 : i32
        %parallel_loop3A_551 = arith.constant 0 : i32
        %parallel_loop3A_552 = arith.constant 0 : i32
        %parallel_loop3A_553 = tpu.memref_slice %arg7[%parallel_loop3A_331, %parallel_loop3A_551, %parallel_loop3A_552] : memref<2x128x128xf32, #tpu.memory_space<vmem>> -> memref<1x128x128xf32, #tpu.memory_space<vmem>>
        %parallel_loop3A_554 = tpu.memref_squeeze %parallel_loop3A_553 : memref<1x128x128xf32, #tpu.memory_space<vmem>> -> memref<128x128xf32, #tpu.memory_space<vmem>>
        %parallel_loop3A_555 = arith.index_cast %parallel_loop3A_550 : i32 to index
        %parallel_loop3A_556 = arith.constant 32 : index
        %parallel_loop3A_557 = tpu.vector_load %parallel_loop3A_554[%parallel_loop3A_555, %parallel_loop3A_556] {strides = array<i32>} : memref<128x128xf32, #tpu.memory_space<vmem>>, vector<16xf32>,
        tpu.vector_store %parallel_loop3A_554[%parallel_loop3A_555, %parallel_loop3A_556], %parallel_loop3A_548 {strides = array<i32>} : memref<128x128xf32, #tpu.memory_space<vmem>>, vector<16xf32>,
        %parallel_loop3A_558 = arith.minimumf %parallel_loop3A_489, %parallel_loop3A_497 : vector<16xf32>
        %parallel_loop3A_559 = arith.constant 0 : i32
        %parallel_loop3A_560 = arith.constant 0 : i32
        %parallel_loop3A_561 = tpu.memref_slice %arg7[%parallel_loop3A_331, %parallel_loop3A_559, %parallel_loop3A_560] : memref<2x128x128xf32, #tpu.memory_space<vmem>> -> memref<1x128x128xf32, #tpu.memory_space<vmem>>
        %parallel_loop3A_562 = tpu.memref_squeeze %parallel_loop3A_561 : memref<1x128x128xf32, #tpu.memory_space<vmem>> -> memref<128x128xf32, #tpu.memory_space<vmem>>
        %parallel_loop3A_563 = arith.index_cast %parallel_loop3A_503 : i32 to index
        %parallel_loop3A_564 = arith.constant 48 : index
        %parallel_loop3A_565 = tpu.vector_load %parallel_loop3A_562[%parallel_loop3A_563, %parallel_loop3A_564] {strides = array<i32>} : memref<128x128xf32, #tpu.memory_space<vmem>>, vector<16xf32>,
        tpu.vector_store %parallel_loop3A_562[%parallel_loop3A_563, %parallel_loop3A_564], %parallel_loop3A_558 {strides = array<i32>} : memref<128x128xf32, #tpu.memory_space<vmem>>, vector<16xf32>,
        %parallel_loop3A_566 = arith.maximumf %parallel_loop3A_489, %parallel_loop3A_497 : vector<16xf32>
        %parallel_loop3A_567 = arith.constant 1 : i32
        %parallel_loop3A_568 = arith.addi %parallel_loop3A_503, %parallel_loop3A_567 : i32
        %parallel_loop3A_569 = arith.constant 0 : i32
        %parallel_loop3A_570 = arith.constant 0 : i32
        %parallel_loop3A_571 = tpu.memref_slice %arg7[%parallel_loop3A_331, %parallel_loop3A_569, %parallel_loop3A_570] : memref<2x128x128xf32, #tpu.memory_space<vmem>> -> memref<1x128x128xf32, #tpu.memory_space<vmem>>
        %parallel_loop3A_572 = tpu.memref_squeeze %parallel_loop3A_571 : memref<1x128x128xf32, #tpu.memory_space<vmem>> -> memref<128x128xf32, #tpu.memory_space<vmem>>
        %parallel_loop3A_573 = arith.index_cast %parallel_loop3A_568 : i32 to index
        %parallel_loop3A_574 = arith.constant 48 : index
        %parallel_loop3A_575 = tpu.vector_load %parallel_loop3A_572[%parallel_loop3A_573, %parallel_loop3A_574] {strides = array<i32>} : memref<128x128xf32, #tpu.memory_space<vmem>>, vector<16xf32>,
        tpu.vector_store %parallel_loop3A_572[%parallel_loop3A_573, %parallel_loop3A_574], %parallel_loop3A_566 {strides = array<i32>} : memref<128x128xf32, #tpu.memory_space<vmem>>, vector<16xf32>,
        %parallel_loop3A_576 = arith.minimumf %parallel_loop3A_490, %parallel_loop3A_498 : vector<16xf32>
        %parallel_loop3A_577 = arith.constant 0 : i32
        %parallel_loop3A_578 = arith.constant 0 : i32
        %parallel_loop3A_579 = tpu.memref_slice %arg7[%parallel_loop3A_331, %parallel_loop3A_577, %parallel_loop3A_578] : memref<2x128x128xf32, #tpu.memory_space<vmem>> -> memref<1x128x128xf32, #tpu.memory_space<vmem>>
        %parallel_loop3A_580 = tpu.memref_squeeze %parallel_loop3A_579 : memref<1x128x128xf32, #tpu.memory_space<vmem>> -> memref<128x128xf32, #tpu.memory_space<vmem>>
        %parallel_loop3A_581 = arith.index_cast %parallel_loop3A_503 : i32 to index
        %parallel_loop3A_582 = arith.constant 64 : index
        %parallel_loop3A_583 = tpu.vector_load %parallel_loop3A_580[%parallel_loop3A_581, %parallel_loop3A_582] {strides = array<i32>} : memref<128x128xf32, #tpu.memory_space<vmem>>, vector<16xf32>,
        tpu.vector_store %parallel_loop3A_580[%parallel_loop3A_581, %parallel_loop3A_582], %parallel_loop3A_576 {strides = array<i32>} : memref<128x128xf32, #tpu.memory_space<vmem>>, vector<16xf32>,
        %parallel_loop3A_584 = arith.maximumf %parallel_loop3A_490, %parallel_loop3A_498 : vector<16xf32>
        %parallel_loop3A_585 = arith.constant 1 : i32
        %parallel_loop3A_586 = arith.addi %parallel_loop3A_503, %parallel_loop3A_585 : i32
        %parallel_loop3A_587 = arith.constant 0 : i32
        %parallel_loop3A_588 = arith.constant 0 : i32
        %parallel_loop3A_589 = tpu.memref_slice %arg7[%parallel_loop3A_331, %parallel_loop3A_587, %parallel_loop3A_588] : memref<2x128x128xf32, #tpu.memory_space<vmem>> -> memref<1x128x128xf32, #tpu.memory_space<vmem>>
        %parallel_loop3A_590 = tpu.memref_squeeze %parallel_loop3A_589 : memref<1x128x128xf32, #tpu.memory_space<vmem>> -> memref<128x128xf32, #tpu.memory_space<vmem>>
        %parallel_loop3A_591 = arith.index_cast %parallel_loop3A_586 : i32 to index
        %parallel_loop3A_592 = arith.constant 64 : index
        %parallel_loop3A_593 = tpu.vector_load %parallel_loop3A_590[%parallel_loop3A_591, %parallel_loop3A_592] {strides = array<i32>} : memref<128x128xf32, #tpu.memory_space<vmem>>, vector<16xf32>,
        tpu.vector_store %parallel_loop3A_590[%parallel_loop3A_591, %parallel_loop3A_592], %parallel_loop3A_584 {strides = array<i32>} : memref<128x128xf32, #tpu.memory_space<vmem>>, vector<16xf32>,
        %parallel_loop3A_594 = arith.minimumf %parallel_loop3A_491, %parallel_loop3A_499 : vector<16xf32>
        %parallel_loop3A_595 = arith.constant 0 : i32
        %parallel_loop3A_596 = arith.constant 0 : i32
        %parallel_loop3A_597 = tpu.memref_slice %arg7[%parallel_loop3A_331, %parallel_loop3A_595, %parallel_loop3A_596] : memref<2x128x128xf32, #tpu.memory_space<vmem>> -> memref<1x128x128xf32, #tpu.memory_space<vmem>>
        %parallel_loop3A_598 = tpu.memref_squeeze %parallel_loop3A_597 : memref<1x128x128xf32, #tpu.memory_space<vmem>> -> memref<128x128xf32, #tpu.memory_space<vmem>>
        %parallel_loop3A_599 = arith.index_cast %parallel_loop3A_503 : i32 to index
        %parallel_loop3A_600 = arith.constant 80 : index
        %parallel_loop3A_601 = tpu.vector_load %parallel_loop3A_598[%parallel_loop3A_599, %parallel_loop3A_600] {strides = array<i32>} : memref<128x128xf32, #tpu.memory_space<vmem>>, vector<16xf32>,
        tpu.vector_store %parallel_loop3A_598[%parallel_loop3A_599, %parallel_loop3A_600], %parallel_loop3A_594 {strides = array<i32>} : memref<128x128xf32, #tpu.memory_space<vmem>>, vector<16xf32>,
        %parallel_loop3A_602 = arith.maximumf %parallel_loop3A_491, %parallel_loop3A_499 : vector<16xf32>
        %parallel_loop3A_603 = arith.constant 1 : i32
        %parallel_loop3A_604 = arith.addi %parallel_loop3A_503, %parallel_loop3A_603 : i32
        %parallel_loop3A_605 = arith.constant 0 : i32
        %parallel_loop3A_606 = arith.constant 0 : i32
        %parallel_loop3A_607 = tpu.memref_slice %arg7[%parallel_loop3A_331, %parallel_loop3A_605, %parallel_loop3A_606] : memref<2x128x128xf32, #tpu.memory_space<vmem>> -> memref<1x128x128xf32, #tpu.memory_space<vmem>>
        %parallel_loop3A_608 = tpu.memref_squeeze %parallel_loop3A_607 : memref<1x128x128xf32, #tpu.memory_space<vmem>> -> memref<128x128xf32, #tpu.memory_space<vmem>>
        %parallel_loop3A_609 = arith.index_cast %parallel_loop3A_604 : i32 to index
        %parallel_loop3A_610 = arith.constant 80 : index
        %parallel_loop3A_611 = tpu.vector_load %parallel_loop3A_608[%parallel_loop3A_609, %parallel_loop3A_610] {strides = array<i32>} : memref<128x128xf32, #tpu.memory_space<vmem>>, vector<16xf32>,
        tpu.vector_store %parallel_loop3A_608[%parallel_loop3A_609, %parallel_loop3A_610], %parallel_loop3A_602 {strides = array<i32>} : memref<128x128xf32, #tpu.memory_space<vmem>>, vector<16xf32>,
        %parallel_loop3A_612 = arith.minimumf %parallel_loop3A_492, %parallel_loop3A_500 : vector<16xf32>
        %parallel_loop3A_613 = arith.constant 0 : i32
        %parallel_loop3A_614 = arith.constant 0 : i32
        %parallel_loop3A_615 = tpu.memref_slice %arg7[%parallel_loop3A_331, %parallel_loop3A_613, %parallel_loop3A_614] : memref<2x128x128xf32, #tpu.memory_space<vmem>> -> memref<1x128x128xf32, #tpu.memory_space<vmem>>
        %parallel_loop3A_616 = tpu.memref_squeeze %parallel_loop3A_615 : memref<1x128x128xf32, #tpu.memory_space<vmem>> -> memref<128x128xf32, #tpu.memory_space<vmem>>
        %parallel_loop3A_617 = arith.index_cast %parallel_loop3A_503 : i32 to index
        %parallel_loop3A_618 = arith.constant 96 : index
        %parallel_loop3A_619 = tpu.vector_load %parallel_loop3A_616[%parallel_loop3A_617, %parallel_loop3A_618] {strides = array<i32>} : memref<128x128xf32, #tpu.memory_space<vmem>>, vector<16xf32>,
        tpu.vector_store %parallel_loop3A_616[%parallel_loop3A_617, %parallel_loop3A_618], %parallel_loop3A_612 {strides = array<i32>} : memref<128x128xf32, #tpu.memory_space<vmem>>, vector<16xf32>,
        %parallel_loop3A_620 = arith.maximumf %parallel_loop3A_492, %parallel_loop3A_500 : vector<16xf32>
        %parallel_loop3A_621 = arith.constant 1 : i32
        %parallel_loop3A_622 = arith.addi %parallel_loop3A_503, %parallel_loop3A_621 : i32
        %parallel_loop3A_623 = arith.constant 0 : i32
        %parallel_loop3A_624 = arith.constant 0 : i32
        %parallel_loop3A_625 = tpu.memref_slice %arg7[%parallel_loop3A_331, %parallel_loop3A_623, %parallel_loop3A_624] : memref<2x128x128xf32, #tpu.memory_space<vmem>> -> memref<1x128x128xf32, #tpu.memory_space<vmem>>
        %parallel_loop3A_626 = tpu.memref_squeeze %parallel_loop3A_625 : memref<1x128x128xf32, #tpu.memory_space<vmem>> -> memref<128x128xf32, #tpu.memory_space<vmem>>
        %parallel_loop3A_627 = arith.index_cast %parallel_loop3A_622 : i32 to index
        %parallel_loop3A_628 = arith.constant 96 : index
        %parallel_loop3A_629 = tpu.vector_load %parallel_loop3A_626[%parallel_loop3A_627, %parallel_loop3A_628] {strides = array<i32>} : memref<128x128xf32, #tpu.memory_space<vmem>>, vector<16xf32>,
        tpu.vector_store %parallel_loop3A_626[%parallel_loop3A_627, %parallel_loop3A_628], %parallel_loop3A_620 {strides = array<i32>} : memref<128x128xf32, #tpu.memory_space<vmem>>, vector<16xf32>,
        %parallel_loop3A_630 = arith.minimumf %parallel_loop3A_493, %parallel_loop3A_501 : vector<16xf32>
        %parallel_loop3A_631 = arith.constant 0 : i32
        %parallel_loop3A_632 = arith.constant 0 : i32
        %parallel_loop3A_633 = tpu.memref_slice %arg7[%parallel_loop3A_331, %parallel_loop3A_631, %parallel_loop3A_632] : memref<2x128x128xf32, #tpu.memory_space<vmem>> -> memref<1x128x128xf32, #tpu.memory_space<vmem>>
        %parallel_loop3A_634 = tpu.memref_squeeze %parallel_loop3A_633 : memref<1x128x128xf32, #tpu.memory_space<vmem>> -> memref<128x128xf32, #tpu.memory_space<vmem>>
        %parallel_loop3A_635 = arith.index_cast %parallel_loop3A_503 : i32 to index
        %parallel_loop3A_636 = arith.constant 112 : index
        %parallel_loop3A_637 = tpu.vector_load %parallel_loop3A_634[%parallel_loop3A_635, %parallel_loop3A_636] {strides = array<i32>} : memref<128x128xf32, #tpu.memory_space<vmem>>, vector<16xf32>,
        tpu.vector_store %parallel_loop3A_634[%parallel_loop3A_635, %parallel_loop3A_636], %parallel_loop3A_630 {strides = array<i32>} : memref<128x128xf32, #tpu.memory_space<vmem>>, vector<16xf32>,
        %parallel_loop3A_638 = arith.maximumf %parallel_loop3A_493, %parallel_loop3A_501 : vector<16xf32>
        %parallel_loop3A_639 = arith.constant 1 : i32
        %parallel_loop3A_640 = arith.addi %parallel_loop3A_503, %parallel_loop3A_639 : i32
        %parallel_loop3A_641 = arith.constant 0 : i32
        %parallel_loop3A_642 = arith.constant 0 : i32
        %parallel_loop3A_643 = tpu.memref_slice %arg7[%parallel_loop3A_331, %parallel_loop3A_641, %parallel_loop3A_642] : memref<2x128x128xf32, #tpu.memory_space<vmem>> -> memref<1x128x128xf32, #tpu.memory_space<vmem>>
        %parallel_loop3A_644 = tpu.memref_squeeze %parallel_loop3A_643 : memref<1x128x128xf32, #tpu.memory_space<vmem>> -> memref<128x128xf32, #tpu.memory_space<vmem>>
        %parallel_loop3A_645 = arith.index_cast %parallel_loop3A_640 : i32 to index
        %parallel_loop3A_646 = arith.constant 112 : index
        %parallel_loop3A_647 = tpu.vector_load %parallel_loop3A_644[%parallel_loop3A_645, %parallel_loop3A_646] {strides = array<i32>} : memref<128x128xf32, #tpu.memory_space<vmem>>, vector<16xf32>,
        tpu.vector_store %parallel_loop3A_644[%parallel_loop3A_645, %parallel_loop3A_646], %parallel_loop3A_638 {strides = array<i32>} : memref<128x128xf32, #tpu.memory_space<vmem>>, vector<16xf32>,
      } {sc.loop_unroll_factor = 1 : i64, sc.parallel_access}
      %mul3A_332 = arith.constant 128 : i32
      %mul3A_333 = arith.muli %add3A_302, %mul3A_332 : i32
      %dma_start3A_334 = arith.constant 1 : i32
      %dma_start3A_335 = arith.constant 0 : i32
      %dma_start3A_336 = arith.constant 0 : i32
      %dma_start3A_337 = tpu.memref_slice %arg7[%dma_start3A_334, %dma_start3A_335, %dma_start3A_336] : memref<2x128x128xf32, #tpu.memory_space<vmem>> -> memref<1x128x128xf32, #tpu.memory_space<vmem>>
      %dma_start3A_338 = tpu.memref_squeeze %dma_start3A_337 : memref<1x128x128xf32, #tpu.memory_space<vmem>> -> memref<128x128xf32, #tpu.memory_space<vmem>>
      %dma_start3A_339 = tpu.memref_slice %arg4[%add3A_133, %mul3A_333, %mul3A_32] : memref<4x4096x2048xf32, #tpu.memory_space<hbm>> -> memref<1x128x128xf32, #tpu.memory_space<hbm>>
      %dma_start3A_340 = tpu.memref_squeeze %dma_start3A_339 : memref<1x128x128xf32, #tpu.memory_space<hbm>> -> memref<128x128xf32, #tpu.memory_space<hbm>>
      %dma_start3A_341 = tpu.memref_slice %arg4[%add3A_133, %mul3A_333, %mul3A_32] : memref<4x4096x2048xf32, #tpu.memory_space<hbm>> -> memref<1x128x128xf32, #tpu.memory_space<hbm>>
      %dma_start3A_342 = tpu.memref_squeeze %dma_start3A_341 : memref<1x128x128xf32, #tpu.memory_space<hbm>> -> memref<128x128xf32, #tpu.memory_space<hbm>>
      %dma_start3A_343 = arith.constant 0 : i32
      %dma_start3A_344 = arith.constant 0 : i32
      %dma_start3A_345 = tpu.memref_slice %arg7[%dma_start3A_334, %dma_start3A_343, %dma_start3A_344] : memref<2x128x128xf32, #tpu.memory_space<vmem>> -> memref<1x128x128xf32, #tpu.memory_space<vmem>>
      %dma_start3A_346 = tpu.memref_squeeze %dma_start3A_345 : memref<1x128x128xf32, #tpu.memory_space<vmem>> -> memref<128x128xf32, #tpu.memory_space<vmem>>
      tpu.enqueue_dma source(%dma_start3A_346 : memref<128x128xf32, #tpu.memory_space<vmem>>) target(%dma_start3A_342 : memref<128x128xf32, #tpu.memory_space<hbm>>) target_semaphore(%arg13 : memref<!tpu.dma_semaphore, #tpu.memory_space<semaphore_mem>>)
      %add3A_347 = arith.constant 2 : i32
      %add3A_348 = arith.addi %add3A_253, %add3A_347 : i32
      %add3A_349 = arith.constant 2 : i32
      %add3A_350 = arith.addi %add3A_348, %add3A_349 : i32
      %lt3A_351 = arith.constant 32 : i32
      %lt3A_352 = arith.cmpi slt, %add3A_350, %lt3A_351 : i32
      %convert_element_type3A_353 = arith.extui %lt3A_352 : i1 to i32
      %cond3A_354 = arith.constant 0 : i32
      %cond3A_355 = arith.cmpi ne, %convert_element_type3A_353, %cond3A_354 : i32
      scf.if %cond3A_355 {
        %add3A_439 = arith.constant 2 : i32
        %add3A_440 = arith.addi %add3A_348, %add3A_439 : i32
        %mul3A_441 = arith.constant 128 : i32
        %mul3A_442 = arith.muli %add3A_440, %mul3A_441 : i32
        %dma_start3A_443 = arith.constant 0 : i32
        %dma_start3A_444 = arith.constant 0 : i32
        %dma_start3A_445 = tpu.memref_slice %arg6[%dma_start3A_443, %dma_start3A_444] : memref<512x128xf32, #tpu.memory_space<vmem>> -> memref<128x128xf32, #tpu.memory_space<vmem>>
        %dma_start3A_446 = tpu.memref_slice %arg2[%add3A_133, %mul3A_442, %mul3A_32] : memref<4x4096x2048xf32, #tpu.memory_space<hbm>> -> memref<1x128x128xf32, #tpu.memory_space<hbm>>
        %dma_start3A_447 = tpu.memref_squeeze %dma_start3A_446 : memref<1x128x128xf32, #tpu.memory_space<hbm>> -> memref<128x128xf32, #tpu.memory_space<hbm>>
        %dma_start3A_448 = arith.constant 0 : i32
        %dma_start3A_449 = arith.constant 0 : i32
        %dma_start3A_450 = tpu.memref_slice %arg6[%dma_start3A_448, %dma_start3A_449] : memref<512x128xf32, #tpu.memory_space<vmem>> -> memref<128x128xf32, #tpu.memory_space<vmem>>
        %dma_start3A_451 = tpu.memref_slice %arg2[%add3A_133, %mul3A_442, %mul3A_32] : memref<4x4096x2048xf32, #tpu.memory_space<hbm>> -> memref<1x128x128xf32, #tpu.memory_space<hbm>>
        %dma_start3A_452 = tpu.memref_squeeze %dma_start3A_451 : memref<1x128x128xf32, #tpu.memory_space<hbm>> -> memref<128x128xf32, #tpu.memory_space<hbm>>
        tpu.enqueue_dma source(%dma_start3A_452 : memref<128x128xf32, #tpu.memory_space<hbm>>) target(%dma_start3A_450 : memref<128x128xf32, #tpu.memory_space<vmem>>) target_semaphore(%arg8 : memref<!tpu.dma_semaphore, #tpu.memory_space<semaphore_mem>>)
      } else {
      }
      %dma_wait3A_356 = arith.constant 0 : i32
      %dma_wait3A_357 = arith.constant 256 : i32
      %dma_wait3A_358 = arith.constant 0 : i32
      %dma_wait3A_359 = tpu.memref_slice %arg6[%dma_wait3A_357, %dma_wait3A_358] : memref<512x128xf32, #tpu.memory_space<vmem>> -> memref<128x128xf32, #tpu.memory_space<vmem>>
      %dma_wait3A_360 = arith.constant 0 : i32
      %dma_wait3A_361 = tpu.memref_slice %arg2[%dma_wait3A_356, %dma_wait3A_360, %mul3A_32] : memref<4x4096x2048xf32, #tpu.memory_space<hbm>> -> memref<1x128x128xf32, #tpu.memory_space<hbm>>
      %dma_wait3A_362 = tpu.memref_squeeze %dma_wait3A_361 : memref<1x128x128xf32, #tpu.memory_space<hbm>> -> memref<128x128xf32, #tpu.memory_space<hbm>>
      %dma_wait3A_363 = arith.constant 256 : i32
      %dma_wait3A_364 = arith.constant 0 : i32
      %dma_wait3A_365 = tpu.memref_slice %arg6[%dma_wait3A_363, %dma_wait3A_364] : memref<512x128xf32, #tpu.memory_space<vmem>> -> memref<128x128xf32, #tpu.memory_space<vmem>>
      %dma_wait3A_366 = arith.constant 0 : i32
      %dma_wait3A_367 = tpu.memref_slice %arg2[%dma_wait3A_356, %dma_wait3A_366, %mul3A_32] : memref<4x4096x2048xf32, #tpu.memory_space<hbm>> -> memref<1x128x128xf32, #tpu.memory_space<hbm>>
      %dma_wait3A_368 = tpu.memref_squeeze %dma_wait3A_367 : memref<1x128x128xf32, #tpu.memory_space<hbm>> -> memref<128x128xf32, #tpu.memory_space<hbm>>
      tpu.wait_dma2 semaphore(%arg10 : memref<!tpu.dma_semaphore, #tpu.memory_space<semaphore_mem>>) src(%dma_wait3A_368 : memref<128x128xf32, #tpu.memory_space<hbm>>) dst(%dma_wait3A_365 : memref<128x128xf32, #tpu.memory_space<vmem>>)
      %ge3A_369 = arith.constant 2 : i32
      %ge3A_370 = arith.cmpi sge, %add3A_348, %ge3A_369 : i32
      %convert_element_type3A_371 = arith.extui %ge3A_370 : i1 to i32
      %cond3A_372 = arith.constant 0 : i32
      %cond3A_373 = arith.cmpi ne, %convert_element_type3A_371, %cond3A_372 : i32
      scf.if %cond3A_373 {
        %dma_wait3A_439 = arith.constant 0 : i32
        %dma_wait3A_440 = arith.constant 0 : i32
        %dma_wait3A_441 = arith.constant 0 : i32
        %dma_wait3A_442 = arith.constant 0 : i32
        %dma_wait3A_443 = tpu.memref_slice %arg7[%dma_wait3A_439, %dma_wait3A_441, %dma_wait3A_442] : memref<2x128x128xf32, #tpu.memory_space<vmem>> -> memref<1x128x128xf32, #tpu.memory_space<vmem>>
        %dma_wait3A_444 = tpu.memref_squeeze %dma_wait3A_443 : memref<1x128x128xf32, #tpu.memory_space<vmem>> -> memref<128x128xf32, #tpu.memory_space<vmem>>
        %dma_wait3A_445 = arith.constant 0 : i32
        %dma_wait3A_446 = tpu.memref_slice %arg4[%dma_wait3A_440, %dma_wait3A_445, %mul3A_32] : memref<4x4096x2048xf32, #tpu.memory_space<hbm>> -> memref<1x128x128xf32, #tpu.memory_space<hbm>>
        %dma_wait3A_447 = tpu.memref_squeeze %dma_wait3A_446 : memref<1x128x128xf32, #tpu.memory_space<hbm>> -> memref<128x128xf32, #tpu.memory_space<hbm>>
        %dma_wait3A_448 = arith.constant 0 : i32
        %dma_wait3A_449 = tpu.memref_slice %arg4[%dma_wait3A_440, %dma_wait3A_448, %mul3A_32] : memref<4x4096x2048xf32, #tpu.memory_space<hbm>> -> memref<1x128x128xf32, #tpu.memory_space<hbm>>
        %dma_wait3A_450 = tpu.memref_squeeze %dma_wait3A_449 : memref<1x128x128xf32, #tpu.memory_space<hbm>> -> memref<128x128xf32, #tpu.memory_space<hbm>>
        %dma_wait3A_451 = arith.constant 0 : i32
        %dma_wait3A_452 = arith.constant 0 : i32
        %dma_wait3A_453 = tpu.memref_slice %arg7[%dma_wait3A_439, %dma_wait3A_451, %dma_wait3A_452] : memref<2x128x128xf32, #tpu.memory_space<vmem>> -> memref<1x128x128xf32, #tpu.memory_space<vmem>>
        %dma_wait3A_454 = tpu.memref_squeeze %dma_wait3A_453 : memref<1x128x128xf32, #tpu.memory_space<vmem>> -> memref<128x128xf32, #tpu.memory_space<vmem>>
        tpu.wait_dma2 semaphore(%arg12 : memref<!tpu.dma_semaphore, #tpu.memory_space<semaphore_mem>>) src(%dma_wait3A_454 : memref<128x128xf32, #tpu.memory_space<vmem>>) dst(%dma_wait3A_450 : memref<128x128xf32, #tpu.memory_space<hbm>>)
      } else {
      }
      %parallel_loop3A_374 = arith.constant 0 : i32
      %parallel_loop3A_375 = arith.constant 64 : i32
      %parallel_loop3A_376 = arith.constant 1 : i32
      %parallel_loop3A_377 = arith.constant 0 : i32
      scf.for %parallel_loop3A_439 = %parallel_loop3A_374 to %parallel_loop3A_375 step %parallel_loop3A_376  : i32 {
        %parallel_loop3A_440 = arith.constant 2 : i32
        %parallel_loop3A_441 = arith.muli %parallel_loop3A_440, %parallel_loop3A_439 : i32
        %parallel_loop3A_442 = arith.constant 7 : i32
        %parallel_loop3A_443 = arith.shli %parallel_loop3A_441, %parallel_loop3A_442 : i32
        %parallel_loop3A_444 = arith.constant 32768 : i32
        %parallel_loop3A_445 = arith.addi %parallel_loop3A_443, %parallel_loop3A_444 : i32
        %parallel_loop3A_446 = vector.broadcast %parallel_loop3A_445 : i32 to vector<16xi32>
        %parallel_loop3A_447 = arith.addi %add3A_45, %parallel_loop3A_446 : vector<16xi32>
        %parallel_loop3A_448 = vector.broadcast %parallel_loop3A_445 : i32 to vector<16xi32>
        %parallel_loop3A_449 = arith.addi %add3A_57, %parallel_loop3A_448 : vector<16xi32>
        %parallel_loop3A_450 = vector.broadcast %parallel_loop3A_445 : i32 to vector<16xi32>
        %parallel_loop3A_451 = arith.addi %add3A_69, %parallel_loop3A_450 : vector<16xi32>
        %parallel_loop3A_452 = vector.broadcast %parallel_loop3A_445 : i32 to vector<16xi32>
        %parallel_loop3A_453 = arith.addi %add3A_81, %parallel_loop3A_452 : vector<16xi32>
        %parallel_loop3A_454 = vector.broadcast %parallel_loop3A_445 : i32 to vector<16xi32>
        %parallel_loop3A_455 = arith.addi %add3A_93, %parallel_loop3A_454 : vector<16xi32>
        %parallel_loop3A_456 = vector.broadcast %parallel_loop3A_445 : i32 to vector<16xi32>
        %parallel_loop3A_457 = arith.addi %add3A_105, %parallel_loop3A_456 : vector<16xi32>
        %parallel_loop3A_458 = vector.broadcast %parallel_loop3A_445 : i32 to vector<16xi32>
        %parallel_loop3A_459 = arith.addi %add3A_117, %parallel_loop3A_458 : vector<16xi32>
        %parallel_loop3A_460 = vector.broadcast %parallel_loop3A_445 : i32 to vector<16xi32>
        %parallel_loop3A_461 = arith.addi %add3A_129, %parallel_loop3A_460 : vector<16xi32>
        %parallel_loop3A_462 = arith.constant 128 : i32
        %parallel_loop3A_463 = vector.broadcast %parallel_loop3A_462 : i32 to vector<16xi32>
        %parallel_loop3A_464 = arith.addi %parallel_loop3A_447, %parallel_loop3A_463 : vector<16xi32>
        %parallel_loop3A_465 = arith.constant 128 : i32
        %parallel_loop3A_466 = vector.broadcast %parallel_loop3A_465 : i32 to vector<16xi32>
        %parallel_loop3A_467 = arith.addi %parallel_loop3A_449, %parallel_loop3A_466 : vector<16xi32>
        %parallel_loop3A_468 = arith.constant 128 : i32
        %parallel_loop3A_469 = vector.broadcast %parallel_loop3A_468 : i32 to vector<16xi32>
        %parallel_loop3A_470 = arith.addi %parallel_loop3A_451, %parallel_loop3A_469 : vector<16xi32>
        %parallel_loop3A_471 = arith.constant 128 : i32
        %parallel_loop3A_472 = vector.broadcast %parallel_loop3A_471 : i32 to vector<16xi32>
        %parallel_loop3A_473 = arith.addi %parallel_loop3A_453, %parallel_loop3A_472 : vector<16xi32>
        %parallel_loop3A_474 = arith.constant 128 : i32
        %parallel_loop3A_475 = vector.broadcast %parallel_loop3A_474 : i32 to vector<16xi32>
        %parallel_loop3A_476 = arith.addi %parallel_loop3A_455, %parallel_loop3A_475 : vector<16xi32>
        %parallel_loop3A_477 = arith.constant 128 : i32
        %parallel_loop3A_478 = vector.broadcast %parallel_loop3A_477 : i32 to vector<16xi32>
        %parallel_loop3A_479 = arith.addi %parallel_loop3A_457, %parallel_loop3A_478 : vector<16xi32>
        %parallel_loop3A_480 = arith.constant 128 : i32
        %parallel_loop3A_481 = vector.broadcast %parallel_loop3A_480 : i32 to vector<16xi32>
        %parallel_loop3A_482 = arith.addi %parallel_loop3A_459, %parallel_loop3A_481 : vector<16xi32>
        %parallel_loop3A_483 = arith.constant 128 : i32
        %parallel_loop3A_484 = vector.broadcast %parallel_loop3A_483 : i32 to vector<16xi32>
        %parallel_loop3A_485 = arith.addi %parallel_loop3A_461, %parallel_loop3A_484 : vector<16xi32>
        %parallel_loop3A_486 = tpu.vector_load_idx %arg6[%mul3A_35, %parallel_loop3A_447] : memref<512x128xf32, #tpu.memory_space<vmem>>[vector<16xi32>, vector<16xi32>], vector<16xf32>,
        %parallel_loop3A_487 = tpu.vector_load_idx %arg6[%mul3A_35, %parallel_loop3A_449] : memref<512x128xf32, #tpu.memory_space<vmem>>[vector<16xi32>, vector<16xi32>], vector<16xf32>,
        %parallel_loop3A_488 = tpu.vector_load_idx %arg6[%mul3A_35, %parallel_loop3A_451] : memref<512x128xf32, #tpu.memory_space<vmem>>[vector<16xi32>, vector<16xi32>], vector<16xf32>,
        %parallel_loop3A_489 = tpu.vector_load_idx %arg6[%mul3A_35, %parallel_loop3A_453] : memref<512x128xf32, #tpu.memory_space<vmem>>[vector<16xi32>, vector<16xi32>], vector<16xf32>,
        %parallel_loop3A_490 = tpu.vector_load_idx %arg6[%mul3A_35, %parallel_loop3A_455] : memref<512x128xf32, #tpu.memory_space<vmem>>[vector<16xi32>, vector<16xi32>], vector<16xf32>,
        %parallel_loop3A_491 = tpu.vector_load_idx %arg6[%mul3A_35, %parallel_loop3A_457] : memref<512x128xf32, #tpu.memory_space<vmem>>[vector<16xi32>, vector<16xi32>], vector<16xf32>,
        %parallel_loop3A_492 = tpu.vector_load_idx %arg6[%mul3A_35, %parallel_loop3A_459] : memref<512x128xf32, #tpu.memory_space<vmem>>[vector<16xi32>, vector<16xi32>], vector<16xf32>,
        %parallel_loop3A_493 = tpu.vector_load_idx %arg6[%mul3A_35, %parallel_loop3A_461] : memref<512x128xf32, #tpu.memory_space<vmem>>[vector<16xi32>, vector<16xi32>], vector<16xf32>,
        %parallel_loop3A_494 = tpu.vector_load_idx %arg6[%mul3A_35, %parallel_loop3A_464] : memref<512x128xf32, #tpu.memory_space<vmem>>[vector<16xi32>, vector<16xi32>], vector<16xf32>,
        %parallel_loop3A_495 = tpu.vector_load_idx %arg6[%mul3A_35, %parallel_loop3A_467] : memref<512x128xf32, #tpu.memory_space<vmem>>[vector<16xi32>, vector<16xi32>], vector<16xf32>,
        %parallel_loop3A_496 = tpu.vector_load_idx %arg6[%mul3A_35, %parallel_loop3A_470] : memref<512x128xf32, #tpu.memory_space<vmem>>[vector<16xi32>, vector<16xi32>], vector<16xf32>,
        %parallel_loop3A_497 = tpu.vector_load_idx %arg6[%mul3A_35, %parallel_loop3A_473] : memref<512x128xf32, #tpu.memory_space<vmem>>[vector<16xi32>, vector<16xi32>], vector<16xf32>,
        %parallel_loop3A_498 = tpu.vector_load_idx %arg6[%mul3A_35, %parallel_loop3A_476] : memref<512x128xf32, #tpu.memory_space<vmem>>[vector<16xi32>, vector<16xi32>], vector<16xf32>,
        %parallel_loop3A_499 = tpu.vector_load_idx %arg6[%mul3A_35, %parallel_loop3A_479] : memref<512x128xf32, #tpu.memory_space<vmem>>[vector<16xi32>, vector<16xi32>], vector<16xf32>,
        %parallel_loop3A_500 = tpu.vector_load_idx %arg6[%mul3A_35, %parallel_loop3A_482] : memref<512x128xf32, #tpu.memory_space<vmem>>[vector<16xi32>, vector<16xi32>], vector<16xf32>,
        %parallel_loop3A_501 = tpu.vector_load_idx %arg6[%mul3A_35, %parallel_loop3A_485] : memref<512x128xf32, #tpu.memory_space<vmem>>[vector<16xi32>, vector<16xi32>], vector<16xf32>,
        %parallel_loop3A_502 = arith.constant 2 : i32
        %parallel_loop3A_503 = arith.muli %parallel_loop3A_502, %parallel_loop3A_439 : i32
        %parallel_loop3A_504 = arith.minimumf %parallel_loop3A_486, %parallel_loop3A_494 : vector<16xf32>
        %parallel_loop3A_505 = arith.constant 0 : i32
        %parallel_loop3A_506 = arith.constant 0 : i32
        %parallel_loop3A_507 = tpu.memref_slice %arg7[%parallel_loop3A_377, %parallel_loop3A_505, %parallel_loop3A_506] : memref<2x128x128xf32, #tpu.memory_space<vmem>> -> memref<1x128x128xf32, #tpu.memory_space<vmem>>
        %parallel_loop3A_508 = tpu.memref_squeeze %parallel_loop3A_507 : memref<1x128x128xf32, #tpu.memory_space<vmem>> -> memref<128x128xf32, #tpu.memory_space<vmem>>
        %parallel_loop3A_509 = arith.index_cast %parallel_loop3A_503 : i32 to index
        %parallel_loop3A_510 = arith.constant 0 : index
        %parallel_loop3A_511 = tpu.vector_load %parallel_loop3A_508[%parallel_loop3A_509, %parallel_loop3A_510] {strides = array<i32>} : memref<128x128xf32, #tpu.memory_space<vmem>>, vector<16xf32>,
        tpu.vector_store %parallel_loop3A_508[%parallel_loop3A_509, %parallel_loop3A_510], %parallel_loop3A_504 {strides = array<i32>} : memref<128x128xf32, #tpu.memory_space<vmem>>, vector<16xf32>,
        %parallel_loop3A_512 = arith.maximumf %parallel_loop3A_486, %parallel_loop3A_494 : vector<16xf32>
        %parallel_loop3A_513 = arith.constant 1 : i32
        %parallel_loop3A_514 = arith.addi %parallel_loop3A_503, %parallel_loop3A_513 : i32
        %parallel_loop3A_515 = arith.constant 0 : i32
        %parallel_loop3A_516 = arith.constant 0 : i32
        %parallel_loop3A_517 = tpu.memref_slice %arg7[%parallel_loop3A_377, %parallel_loop3A_515, %parallel_loop3A_516] : memref<2x128x128xf32, #tpu.memory_space<vmem>> -> memref<1x128x128xf32, #tpu.memory_space<vmem>>
        %parallel_loop3A_518 = tpu.memref_squeeze %parallel_loop3A_517 : memref<1x128x128xf32, #tpu.memory_space<vmem>> -> memref<128x128xf32, #tpu.memory_space<vmem>>
        %parallel_loop3A_519 = arith.index_cast %parallel_loop3A_514 : i32 to index
        %parallel_loop3A_520 = arith.constant 0 : index
        %parallel_loop3A_521 = tpu.vector_load %parallel_loop3A_518[%parallel_loop3A_519, %parallel_loop3A_520] {strides = array<i32>} : memref<128x128xf32, #tpu.memory_space<vmem>>, vector<16xf32>,
        tpu.vector_store %parallel_loop3A_518[%parallel_loop3A_519, %parallel_loop3A_520], %parallel_loop3A_512 {strides = array<i32>} : memref<128x128xf32, #tpu.memory_space<vmem>>, vector<16xf32>,
        %parallel_loop3A_522 = arith.minimumf %parallel_loop3A_487, %parallel_loop3A_495 : vector<16xf32>
        %parallel_loop3A_523 = arith.constant 0 : i32
        %parallel_loop3A_524 = arith.constant 0 : i32
        %parallel_loop3A_525 = tpu.memref_slice %arg7[%parallel_loop3A_377, %parallel_loop3A_523, %parallel_loop3A_524] : memref<2x128x128xf32, #tpu.memory_space<vmem>> -> memref<1x128x128xf32, #tpu.memory_space<vmem>>
        %parallel_loop3A_526 = tpu.memref_squeeze %parallel_loop3A_525 : memref<1x128x128xf32, #tpu.memory_space<vmem>> -> memref<128x128xf32, #tpu.memory_space<vmem>>
        %parallel_loop3A_527 = arith.index_cast %parallel_loop3A_503 : i32 to index
        %parallel_loop3A_528 = arith.constant 16 : index
        %parallel_loop3A_529 = tpu.vector_load %parallel_loop3A_526[%parallel_loop3A_527, %parallel_loop3A_528] {strides = array<i32>} : memref<128x128xf32, #tpu.memory_space<vmem>>, vector<16xf32>,
        tpu.vector_store %parallel_loop3A_526[%parallel_loop3A_527, %parallel_loop3A_528], %parallel_loop3A_522 {strides = array<i32>} : memref<128x128xf32, #tpu.memory_space<vmem>>, vector<16xf32>,
        %parallel_loop3A_530 = arith.maximumf %parallel_loop3A_487, %parallel_loop3A_495 : vector<16xf32>
        %parallel_loop3A_531 = arith.constant 1 : i32
        %parallel_loop3A_532 = arith.addi %parallel_loop3A_503, %parallel_loop3A_531 : i32
        %parallel_loop3A_533 = arith.constant 0 : i32
        %parallel_loop3A_534 = arith.constant 0 : i32
        %parallel_loop3A_535 = tpu.memref_slice %arg7[%parallel_loop3A_377, %parallel_loop3A_533, %parallel_loop3A_534] : memref<2x128x128xf32, #tpu.memory_space<vmem>> -> memref<1x128x128xf32, #tpu.memory_space<vmem>>
        %parallel_loop3A_536 = tpu.memref_squeeze %parallel_loop3A_535 : memref<1x128x128xf32, #tpu.memory_space<vmem>> -> memref<128x128xf32, #tpu.memory_space<vmem>>
        %parallel_loop3A_537 = arith.index_cast %parallel_loop3A_532 : i32 to index
        %parallel_loop3A_538 = arith.constant 16 : index
        %parallel_loop3A_539 = tpu.vector_load %parallel_loop3A_536[%parallel_loop3A_537, %parallel_loop3A_538] {strides = array<i32>} : memref<128x128xf32, #tpu.memory_space<vmem>>, vector<16xf32>,
        tpu.vector_store %parallel_loop3A_536[%parallel_loop3A_537, %parallel_loop3A_538], %parallel_loop3A_530 {strides = array<i32>} : memref<128x128xf32, #tpu.memory_space<vmem>>, vector<16xf32>,
        %parallel_loop3A_540 = arith.minimumf %parallel_loop3A_488, %parallel_loop3A_496 : vector<16xf32>
        %parallel_loop3A_541 = arith.constant 0 : i32
        %parallel_loop3A_542 = arith.constant 0 : i32
        %parallel_loop3A_543 = tpu.memref_slice %arg7[%parallel_loop3A_377, %parallel_loop3A_541, %parallel_loop3A_542] : memref<2x128x128xf32, #tpu.memory_space<vmem>> -> memref<1x128x128xf32, #tpu.memory_space<vmem>>
        %parallel_loop3A_544 = tpu.memref_squeeze %parallel_loop3A_543 : memref<1x128x128xf32, #tpu.memory_space<vmem>> -> memref<128x128xf32, #tpu.memory_space<vmem>>
        %parallel_loop3A_545 = arith.index_cast %parallel_loop3A_503 : i32 to index
        %parallel_loop3A_546 = arith.constant 32 : index
        %parallel_loop3A_547 = tpu.vector_load %parallel_loop3A_544[%parallel_loop3A_545, %parallel_loop3A_546] {strides = array<i32>} : memref<128x128xf32, #tpu.memory_space<vmem>>, vector<16xf32>,
        tpu.vector_store %parallel_loop3A_544[%parallel_loop3A_545, %parallel_loop3A_546], %parallel_loop3A_540 {strides = array<i32>} : memref<128x128xf32, #tpu.memory_space<vmem>>, vector<16xf32>,
        %parallel_loop3A_548 = arith.maximumf %parallel_loop3A_488, %parallel_loop3A_496 : vector<16xf32>
        %parallel_loop3A_549 = arith.constant 1 : i32
        %parallel_loop3A_550 = arith.addi %parallel_loop3A_503, %parallel_loop3A_549 : i32
        %parallel_loop3A_551 = arith.constant 0 : i32
        %parallel_loop3A_552 = arith.constant 0 : i32
        %parallel_loop3A_553 = tpu.memref_slice %arg7[%parallel_loop3A_377, %parallel_loop3A_551, %parallel_loop3A_552] : memref<2x128x128xf32, #tpu.memory_space<vmem>> -> memref<1x128x128xf32, #tpu.memory_space<vmem>>
        %parallel_loop3A_554 = tpu.memref_squeeze %parallel_loop3A_553 : memref<1x128x128xf32, #tpu.memory_space<vmem>> -> memref<128x128xf32, #tpu.memory_space<vmem>>
        %parallel_loop3A_555 = arith.index_cast %parallel_loop3A_550 : i32 to index
        %parallel_loop3A_556 = arith.constant 32 : index
        %parallel_loop3A_557 = tpu.vector_load %parallel_loop3A_554[%parallel_loop3A_555, %parallel_loop3A_556] {strides = array<i32>} : memref<128x128xf32, #tpu.memory_space<vmem>>, vector<16xf32>,
        tpu.vector_store %parallel_loop3A_554[%parallel_loop3A_555, %parallel_loop3A_556], %parallel_loop3A_548 {strides = array<i32>} : memref<128x128xf32, #tpu.memory_space<vmem>>, vector<16xf32>,
        %parallel_loop3A_558 = arith.minimumf %parallel_loop3A_489, %parallel_loop3A_497 : vector<16xf32>
        %parallel_loop3A_559 = arith.constant 0 : i32
        %parallel_loop3A_560 = arith.constant 0 : i32
        %parallel_loop3A_561 = tpu.memref_slice %arg7[%parallel_loop3A_377, %parallel_loop3A_559, %parallel_loop3A_560] : memref<2x128x128xf32, #tpu.memory_space<vmem>> -> memref<1x128x128xf32, #tpu.memory_space<vmem>>
        %parallel_loop3A_562 = tpu.memref_squeeze %parallel_loop3A_561 : memref<1x128x128xf32, #tpu.memory_space<vmem>> -> memref<128x128xf32, #tpu.memory_space<vmem>>
        %parallel_loop3A_563 = arith.index_cast %parallel_loop3A_503 : i32 to index
        %parallel_loop3A_564 = arith.constant 48 : index
        %parallel_loop3A_565 = tpu.vector_load %parallel_loop3A_562[%parallel_loop3A_563, %parallel_loop3A_564] {strides = array<i32>} : memref<128x128xf32, #tpu.memory_space<vmem>>, vector<16xf32>,
        tpu.vector_store %parallel_loop3A_562[%parallel_loop3A_563, %parallel_loop3A_564], %parallel_loop3A_558 {strides = array<i32>} : memref<128x128xf32, #tpu.memory_space<vmem>>, vector<16xf32>,
        %parallel_loop3A_566 = arith.maximumf %parallel_loop3A_489, %parallel_loop3A_497 : vector<16xf32>
        %parallel_loop3A_567 = arith.constant 1 : i32
        %parallel_loop3A_568 = arith.addi %parallel_loop3A_503, %parallel_loop3A_567 : i32
        %parallel_loop3A_569 = arith.constant 0 : i32
        %parallel_loop3A_570 = arith.constant 0 : i32
        %parallel_loop3A_571 = tpu.memref_slice %arg7[%parallel_loop3A_377, %parallel_loop3A_569, %parallel_loop3A_570] : memref<2x128x128xf32, #tpu.memory_space<vmem>> -> memref<1x128x128xf32, #tpu.memory_space<vmem>>
        %parallel_loop3A_572 = tpu.memref_squeeze %parallel_loop3A_571 : memref<1x128x128xf32, #tpu.memory_space<vmem>> -> memref<128x128xf32, #tpu.memory_space<vmem>>
        %parallel_loop3A_573 = arith.index_cast %parallel_loop3A_568 : i32 to index
        %parallel_loop3A_574 = arith.constant 48 : index
        %parallel_loop3A_575 = tpu.vector_load %parallel_loop3A_572[%parallel_loop3A_573, %parallel_loop3A_574] {strides = array<i32>} : memref<128x128xf32, #tpu.memory_space<vmem>>, vector<16xf32>,
        tpu.vector_store %parallel_loop3A_572[%parallel_loop3A_573, %parallel_loop3A_574], %parallel_loop3A_566 {strides = array<i32>} : memref<128x128xf32, #tpu.memory_space<vmem>>, vector<16xf32>,
        %parallel_loop3A_576 = arith.minimumf %parallel_loop3A_490, %parallel_loop3A_498 : vector<16xf32>
        %parallel_loop3A_577 = arith.constant 0 : i32
        %parallel_loop3A_578 = arith.constant 0 : i32
        %parallel_loop3A_579 = tpu.memref_slice %arg7[%parallel_loop3A_377, %parallel_loop3A_577, %parallel_loop3A_578] : memref<2x128x128xf32, #tpu.memory_space<vmem>> -> memref<1x128x128xf32, #tpu.memory_space<vmem>>
        %parallel_loop3A_580 = tpu.memref_squeeze %parallel_loop3A_579 : memref<1x128x128xf32, #tpu.memory_space<vmem>> -> memref<128x128xf32, #tpu.memory_space<vmem>>
        %parallel_loop3A_581 = arith.index_cast %parallel_loop3A_503 : i32 to index
        %parallel_loop3A_582 = arith.constant 64 : index
        %parallel_loop3A_583 = tpu.vector_load %parallel_loop3A_580[%parallel_loop3A_581, %parallel_loop3A_582] {strides = array<i32>} : memref<128x128xf32, #tpu.memory_space<vmem>>, vector<16xf32>,
        tpu.vector_store %parallel_loop3A_580[%parallel_loop3A_581, %parallel_loop3A_582], %parallel_loop3A_576 {strides = array<i32>} : memref<128x128xf32, #tpu.memory_space<vmem>>, vector<16xf32>,
        %parallel_loop3A_584 = arith.maximumf %parallel_loop3A_490, %parallel_loop3A_498 : vector<16xf32>
        %parallel_loop3A_585 = arith.constant 1 : i32
        %parallel_loop3A_586 = arith.addi %parallel_loop3A_503, %parallel_loop3A_585 : i32
        %parallel_loop3A_587 = arith.constant 0 : i32
        %parallel_loop3A_588 = arith.constant 0 : i32
        %parallel_loop3A_589 = tpu.memref_slice %arg7[%parallel_loop3A_377, %parallel_loop3A_587, %parallel_loop3A_588] : memref<2x128x128xf32, #tpu.memory_space<vmem>> -> memref<1x128x128xf32, #tpu.memory_space<vmem>>
        %parallel_loop3A_590 = tpu.memref_squeeze %parallel_loop3A_589 : memref<1x128x128xf32, #tpu.memory_space<vmem>> -> memref<128x128xf32, #tpu.memory_space<vmem>>
        %parallel_loop3A_591 = arith.index_cast %parallel_loop3A_586 : i32 to index
        %parallel_loop3A_592 = arith.constant 64 : index
        %parallel_loop3A_593 = tpu.vector_load %parallel_loop3A_590[%parallel_loop3A_591, %parallel_loop3A_592] {strides = array<i32>} : memref<128x128xf32, #tpu.memory_space<vmem>>, vector<16xf32>,
        tpu.vector_store %parallel_loop3A_590[%parallel_loop3A_591, %parallel_loop3A_592], %parallel_loop3A_584 {strides = array<i32>} : memref<128x128xf32, #tpu.memory_space<vmem>>, vector<16xf32>,
        %parallel_loop3A_594 = arith.minimumf %parallel_loop3A_491, %parallel_loop3A_499 : vector<16xf32>
        %parallel_loop3A_595 = arith.constant 0 : i32
        %parallel_loop3A_596 = arith.constant 0 : i32
        %parallel_loop3A_597 = tpu.memref_slice %arg7[%parallel_loop3A_377, %parallel_loop3A_595, %parallel_loop3A_596] : memref<2x128x128xf32, #tpu.memory_space<vmem>> -> memref<1x128x128xf32, #tpu.memory_space<vmem>>
        %parallel_loop3A_598 = tpu.memref_squeeze %parallel_loop3A_597 : memref<1x128x128xf32, #tpu.memory_space<vmem>> -> memref<128x128xf32, #tpu.memory_space<vmem>>
        %parallel_loop3A_599 = arith.index_cast %parallel_loop3A_503 : i32 to index
        %parallel_loop3A_600 = arith.constant 80 : index
        %parallel_loop3A_601 = tpu.vector_load %parallel_loop3A_598[%parallel_loop3A_599, %parallel_loop3A_600] {strides = array<i32>} : memref<128x128xf32, #tpu.memory_space<vmem>>, vector<16xf32>,
        tpu.vector_store %parallel_loop3A_598[%parallel_loop3A_599, %parallel_loop3A_600], %parallel_loop3A_594 {strides = array<i32>} : memref<128x128xf32, #tpu.memory_space<vmem>>, vector<16xf32>,
        %parallel_loop3A_602 = arith.maximumf %parallel_loop3A_491, %parallel_loop3A_499 : vector<16xf32>
        %parallel_loop3A_603 = arith.constant 1 : i32
        %parallel_loop3A_604 = arith.addi %parallel_loop3A_503, %parallel_loop3A_603 : i32
        %parallel_loop3A_605 = arith.constant 0 : i32
        %parallel_loop3A_606 = arith.constant 0 : i32
        %parallel_loop3A_607 = tpu.memref_slice %arg7[%parallel_loop3A_377, %parallel_loop3A_605, %parallel_loop3A_606] : memref<2x128x128xf32, #tpu.memory_space<vmem>> -> memref<1x128x128xf32, #tpu.memory_space<vmem>>
        %parallel_loop3A_608 = tpu.memref_squeeze %parallel_loop3A_607 : memref<1x128x128xf32, #tpu.memory_space<vmem>> -> memref<128x128xf32, #tpu.memory_space<vmem>>
        %parallel_loop3A_609 = arith.index_cast %parallel_loop3A_604 : i32 to index
        %parallel_loop3A_610 = arith.constant 80 : index
        %parallel_loop3A_611 = tpu.vector_load %parallel_loop3A_608[%parallel_loop3A_609, %parallel_loop3A_610] {strides = array<i32>} : memref<128x128xf32, #tpu.memory_space<vmem>>, vector<16xf32>,
        tpu.vector_store %parallel_loop3A_608[%parallel_loop3A_609, %parallel_loop3A_610], %parallel_loop3A_602 {strides = array<i32>} : memref<128x128xf32, #tpu.memory_space<vmem>>, vector<16xf32>,
        %parallel_loop3A_612 = arith.minimumf %parallel_loop3A_492, %parallel_loop3A_500 : vector<16xf32>
        %parallel_loop3A_613 = arith.constant 0 : i32
        %parallel_loop3A_614 = arith.constant 0 : i32
        %parallel_loop3A_615 = tpu.memref_slice %arg7[%parallel_loop3A_377, %parallel_loop3A_613, %parallel_loop3A_614] : memref<2x128x128xf32, #tpu.memory_space<vmem>> -> memref<1x128x128xf32, #tpu.memory_space<vmem>>
        %parallel_loop3A_616 = tpu.memref_squeeze %parallel_loop3A_615 : memref<1x128x128xf32, #tpu.memory_space<vmem>> -> memref<128x128xf32, #tpu.memory_space<vmem>>
        %parallel_loop3A_617 = arith.index_cast %parallel_loop3A_503 : i32 to index
        %parallel_loop3A_618 = arith.constant 96 : index
        %parallel_loop3A_619 = tpu.vector_load %parallel_loop3A_616[%parallel_loop3A_617, %parallel_loop3A_618] {strides = array<i32>} : memref<128x128xf32, #tpu.memory_space<vmem>>, vector<16xf32>,
        tpu.vector_store %parallel_loop3A_616[%parallel_loop3A_617, %parallel_loop3A_618], %parallel_loop3A_612 {strides = array<i32>} : memref<128x128xf32, #tpu.memory_space<vmem>>, vector<16xf32>,
        %parallel_loop3A_620 = arith.maximumf %parallel_loop3A_492, %parallel_loop3A_500 : vector<16xf32>
        %parallel_loop3A_621 = arith.constant 1 : i32
        %parallel_loop3A_622 = arith.addi %parallel_loop3A_503, %parallel_loop3A_621 : i32
        %parallel_loop3A_623 = arith.constant 0 : i32
        %parallel_loop3A_624 = arith.constant 0 : i32
        %parallel_loop3A_625 = tpu.memref_slice %arg7[%parallel_loop3A_377, %parallel_loop3A_623, %parallel_loop3A_624] : memref<2x128x128xf32, #tpu.memory_space<vmem>> -> memref<1x128x128xf32, #tpu.memory_space<vmem>>
        %parallel_loop3A_626 = tpu.memref_squeeze %parallel_loop3A_625 : memref<1x128x128xf32, #tpu.memory_space<vmem>> -> memref<128x128xf32, #tpu.memory_space<vmem>>
        %parallel_loop3A_627 = arith.index_cast %parallel_loop3A_622 : i32 to index
        %parallel_loop3A_628 = arith.constant 96 : index
        %parallel_loop3A_629 = tpu.vector_load %parallel_loop3A_626[%parallel_loop3A_627, %parallel_loop3A_628] {strides = array<i32>} : memref<128x128xf32, #tpu.memory_space<vmem>>, vector<16xf32>,
        tpu.vector_store %parallel_loop3A_626[%parallel_loop3A_627, %parallel_loop3A_628], %parallel_loop3A_620 {strides = array<i32>} : memref<128x128xf32, #tpu.memory_space<vmem>>, vector<16xf32>,
        %parallel_loop3A_630 = arith.minimumf %parallel_loop3A_493, %parallel_loop3A_501 : vector<16xf32>
        %parallel_loop3A_631 = arith.constant 0 : i32
        %parallel_loop3A_632 = arith.constant 0 : i32
        %parallel_loop3A_633 = tpu.memref_slice %arg7[%parallel_loop3A_377, %parallel_loop3A_631, %parallel_loop3A_632] : memref<2x128x128xf32, #tpu.memory_space<vmem>> -> memref<1x128x128xf32, #tpu.memory_space<vmem>>
        %parallel_loop3A_634 = tpu.memref_squeeze %parallel_loop3A_633 : memref<1x128x128xf32, #tpu.memory_space<vmem>> -> memref<128x128xf32, #tpu.memory_space<vmem>>
        %parallel_loop3A_635 = arith.index_cast %parallel_loop3A_503 : i32 to index
        %parallel_loop3A_636 = arith.constant 112 : index
        %parallel_loop3A_637 = tpu.vector_load %parallel_loop3A_634[%parallel_loop3A_635, %parallel_loop3A_636] {strides = array<i32>} : memref<128x128xf32, #tpu.memory_space<vmem>>, vector<16xf32>,
        tpu.vector_store %parallel_loop3A_634[%parallel_loop3A_635, %parallel_loop3A_636], %parallel_loop3A_630 {strides = array<i32>} : memref<128x128xf32, #tpu.memory_space<vmem>>, vector<16xf32>,
        %parallel_loop3A_638 = arith.maximumf %parallel_loop3A_493, %parallel_loop3A_501 : vector<16xf32>
        %parallel_loop3A_639 = arith.constant 1 : i32
        %parallel_loop3A_640 = arith.addi %parallel_loop3A_503, %parallel_loop3A_639 : i32
        %parallel_loop3A_641 = arith.constant 0 : i32
        %parallel_loop3A_642 = arith.constant 0 : i32
        %parallel_loop3A_643 = tpu.memref_slice %arg7[%parallel_loop3A_377, %parallel_loop3A_641, %parallel_loop3A_642] : memref<2x128x128xf32, #tpu.memory_space<vmem>> -> memref<1x128x128xf32, #tpu.memory_space<vmem>>
        %parallel_loop3A_644 = tpu.memref_squeeze %parallel_loop3A_643 : memref<1x128x128xf32, #tpu.memory_space<vmem>> -> memref<128x128xf32, #tpu.memory_space<vmem>>
        %parallel_loop3A_645 = arith.index_cast %parallel_loop3A_640 : i32 to index
        %parallel_loop3A_646 = arith.constant 112 : index
        %parallel_loop3A_647 = tpu.vector_load %parallel_loop3A_644[%parallel_loop3A_645, %parallel_loop3A_646] {strides = array<i32>} : memref<128x128xf32, #tpu.memory_space<vmem>>, vector<16xf32>,
        tpu.vector_store %parallel_loop3A_644[%parallel_loop3A_645, %parallel_loop3A_646], %parallel_loop3A_638 {strides = array<i32>} : memref<128x128xf32, #tpu.memory_space<vmem>>, vector<16xf32>,
      } {sc.loop_unroll_factor = 1 : i64, sc.parallel_access}
      %mul3A_378 = arith.constant 128 : i32
      %mul3A_379 = arith.muli %add3A_348, %mul3A_378 : i32
      %dma_start3A_380 = arith.constant 0 : i32
      %dma_start3A_381 = arith.constant 0 : i32
      %dma_start3A_382 = arith.constant 0 : i32
      %dma_start3A_383 = tpu.memref_slice %arg7[%dma_start3A_380, %dma_start3A_381, %dma_start3A_382] : memref<2x128x128xf32, #tpu.memory_space<vmem>> -> memref<1x128x128xf32, #tpu.memory_space<vmem>>
      %dma_start3A_384 = tpu.memref_squeeze %dma_start3A_383 : memref<1x128x128xf32, #tpu.memory_space<vmem>> -> memref<128x128xf32, #tpu.memory_space<vmem>>
      %dma_start3A_385 = tpu.memref_slice %arg4[%add3A_133, %mul3A_379, %mul3A_32] : memref<4x4096x2048xf32, #tpu.memory_space<hbm>> -> memref<1x128x128xf32, #tpu.memory_space<hbm>>
      %dma_start3A_386 = tpu.memref_squeeze %dma_start3A_385 : memref<1x128x128xf32, #tpu.memory_space<hbm>> -> memref<128x128xf32, #tpu.memory_space<hbm>>
      %dma_start3A_387 = tpu.memref_slice %arg4[%add3A_133, %mul3A_379, %mul3A_32] : memref<4x4096x2048xf32, #tpu.memory_space<hbm>> -> memref<1x128x128xf32, #tpu.memory_space<hbm>>
      %dma_start3A_388 = tpu.memref_squeeze %dma_start3A_387 : memref<1x128x128xf32, #tpu.memory_space<hbm>> -> memref<128x128xf32, #tpu.memory_space<hbm>>
      %dma_start3A_389 = arith.constant 0 : i32
      %dma_start3A_390 = arith.constant 0 : i32
      %dma_start3A_391 = tpu.memref_slice %arg7[%dma_start3A_380, %dma_start3A_389, %dma_start3A_390] : memref<2x128x128xf32, #tpu.memory_space<vmem>> -> memref<1x128x128xf32, #tpu.memory_space<vmem>>
      %dma_start3A_392 = tpu.memref_squeeze %dma_start3A_391 : memref<1x128x128xf32, #tpu.memory_space<vmem>> -> memref<128x128xf32, #tpu.memory_space<vmem>>
      tpu.enqueue_dma source(%dma_start3A_392 : memref<128x128xf32, #tpu.memory_space<vmem>>) target(%dma_start3A_388 : memref<128x128xf32, #tpu.memory_space<hbm>>) target_semaphore(%arg12 : memref<!tpu.dma_semaphore, #tpu.memory_space<semaphore_mem>>)
      %add3A_393 = arith.constant 3 : i32
      %add3A_394 = arith.addi %add3A_253, %add3A_393 : i32
      %add3A_395 = arith.constant 2 : i32
      %add3A_396 = arith.addi %add3A_394, %add3A_395 : i32
      %lt3A_397 = arith.constant 32 : i32
      %lt3A_398 = arith.cmpi slt, %add3A_396, %lt3A_397 : i32
      %convert_element_type3A_399 = arith.extui %lt3A_398 : i1 to i32
      %cond3A_400 = arith.constant 0 : i32
      %cond3A_401 = arith.cmpi ne, %convert_element_type3A_399, %cond3A_400 : i32
      scf.if %cond3A_401 {
        %add3A_439 = arith.constant 2 : i32
        %add3A_440 = arith.addi %add3A_394, %add3A_439 : i32
        %mul3A_441 = arith.constant 128 : i32
        %mul3A_442 = arith.muli %add3A_440, %mul3A_441 : i32
        %dma_start3A_443 = arith.constant 128 : i32
        %dma_start3A_444 = arith.constant 0 : i32
        %dma_start3A_445 = tpu.memref_slice %arg6[%dma_start3A_443, %dma_start3A_444] : memref<512x128xf32, #tpu.memory_space<vmem>> -> memref<128x128xf32, #tpu.memory_space<vmem>>
        %dma_start3A_446 = tpu.memref_slice %arg2[%add3A_133, %mul3A_442, %mul3A_32] : memref<4x4096x2048xf32, #tpu.memory_space<hbm>> -> memref<1x128x128xf32, #tpu.memory_space<hbm>>
        %dma_start3A_447 = tpu.memref_squeeze %dma_start3A_446 : memref<1x128x128xf32, #tpu.memory_space<hbm>> -> memref<128x128xf32, #tpu.memory_space<hbm>>
        %dma_start3A_448 = arith.constant 128 : i32
        %dma_start3A_449 = arith.constant 0 : i32
        %dma_start3A_450 = tpu.memref_slice %arg6[%dma_start3A_448, %dma_start3A_449] : memref<512x128xf32, #tpu.memory_space<vmem>> -> memref<128x128xf32, #tpu.memory_space<vmem>>
        %dma_start3A_451 = tpu.memref_slice %arg2[%add3A_133, %mul3A_442, %mul3A_32] : memref<4x4096x2048xf32, #tpu.memory_space<hbm>> -> memref<1x128x128xf32, #tpu.memory_space<hbm>>
        %dma_start3A_452 = tpu.memref_squeeze %dma_start3A_451 : memref<1x128x128xf32, #tpu.memory_space<hbm>> -> memref<128x128xf32, #tpu.memory_space<hbm>>
        tpu.enqueue_dma source(%dma_start3A_452 : memref<128x128xf32, #tpu.memory_space<hbm>>) target(%dma_start3A_450 : memref<128x128xf32, #tpu.memory_space<vmem>>) target_semaphore(%arg9 : memref<!tpu.dma_semaphore, #tpu.memory_space<semaphore_mem>>)
      } else {
      }
      %dma_wait3A_402 = arith.constant 0 : i32
      %dma_wait3A_403 = arith.constant 384 : i32
      %dma_wait3A_404 = arith.constant 0 : i32
      %dma_wait3A_405 = tpu.memref_slice %arg6[%dma_wait3A_403, %dma_wait3A_404] : memref<512x128xf32, #tpu.memory_space<vmem>> -> memref<128x128xf32, #tpu.memory_space<vmem>>
      %dma_wait3A_406 = arith.constant 0 : i32
      %dma_wait3A_407 = tpu.memref_slice %arg2[%dma_wait3A_402, %dma_wait3A_406, %mul3A_32] : memref<4x4096x2048xf32, #tpu.memory_space<hbm>> -> memref<1x128x128xf32, #tpu.memory_space<hbm>>
      %dma_wait3A_408 = tpu.memref_squeeze %dma_wait3A_407 : memref<1x128x128xf32, #tpu.memory_space<hbm>> -> memref<128x128xf32, #tpu.memory_space<hbm>>
      %dma_wait3A_409 = arith.constant 384 : i32
      %dma_wait3A_410 = arith.constant 0 : i32
      %dma_wait3A_411 = tpu.memref_slice %arg6[%dma_wait3A_409, %dma_wait3A_410] : memref<512x128xf32, #tpu.memory_space<vmem>> -> memref<128x128xf32, #tpu.memory_space<vmem>>
      %dma_wait3A_412 = arith.constant 0 : i32
      %dma_wait3A_413 = tpu.memref_slice %arg2[%dma_wait3A_402, %dma_wait3A_412, %mul3A_32] : memref<4x4096x2048xf32, #tpu.memory_space<hbm>> -> memref<1x128x128xf32, #tpu.memory_space<hbm>>
      %dma_wait3A_414 = tpu.memref_squeeze %dma_wait3A_413 : memref<1x128x128xf32, #tpu.memory_space<hbm>> -> memref<128x128xf32, #tpu.memory_space<hbm>>
      tpu.wait_dma2 semaphore(%arg11 : memref<!tpu.dma_semaphore, #tpu.memory_space<semaphore_mem>>) src(%dma_wait3A_414 : memref<128x128xf32, #tpu.memory_space<hbm>>) dst(%dma_wait3A_411 : memref<128x128xf32, #tpu.memory_space<vmem>>)
      %ge3A_415 = arith.constant 2 : i32
      %ge3A_416 = arith.cmpi sge, %add3A_394, %ge3A_415 : i32
      %convert_element_type3A_417 = arith.extui %ge3A_416 : i1 to i32
      %cond3A_418 = arith.constant 0 : i32
      %cond3A_419 = arith.cmpi ne, %convert_element_type3A_417, %cond3A_418 : i32
      scf.if %cond3A_419 {
        %dma_wait3A_439 = arith.constant 1 : i32
        %dma_wait3A_440 = arith.constant 0 : i32
        %dma_wait3A_441 = arith.constant 0 : i32
        %dma_wait3A_442 = arith.constant 0 : i32
        %dma_wait3A_443 = tpu.memref_slice %arg7[%dma_wait3A_439, %dma_wait3A_441, %dma_wait3A_442] : memref<2x128x128xf32, #tpu.memory_space<vmem>> -> memref<1x128x128xf32, #tpu.memory_space<vmem>>
        %dma_wait3A_444 = tpu.memref_squeeze %dma_wait3A_443 : memref<1x128x128xf32, #tpu.memory_space<vmem>> -> memref<128x128xf32, #tpu.memory_space<vmem>>
        %dma_wait3A_445 = arith.constant 0 : i32
        %dma_wait3A_446 = tpu.memref_slice %arg4[%dma_wait3A_440, %dma_wait3A_445, %mul3A_32] : memref<4x4096x2048xf32, #tpu.memory_space<hbm>> -> memref<1x128x128xf32, #tpu.memory_space<hbm>>
        %dma_wait3A_447 = tpu.memref_squeeze %dma_wait3A_446 : memref<1x128x128xf32, #tpu.memory_space<hbm>> -> memref<128x128xf32, #tpu.memory_space<hbm>>
        %dma_wait3A_448 = arith.constant 0 : i32
        %dma_wait3A_449 = tpu.memref_slice %arg4[%dma_wait3A_440, %dma_wait3A_448, %mul3A_32] : memref<4x4096x2048xf32, #tpu.memory_space<hbm>> -> memref<1x128x128xf32, #tpu.memory_space<hbm>>
        %dma_wait3A_450 = tpu.memref_squeeze %dma_wait3A_449 : memref<1x128x128xf32, #tpu.memory_space<hbm>> -> memref<128x128xf32, #tpu.memory_space<hbm>>
        %dma_wait3A_451 = arith.constant 0 : i32
        %dma_wait3A_452 = arith.constant 0 : i32
        %dma_wait3A_453 = tpu.memref_slice %arg7[%dma_wait3A_439, %dma_wait3A_451, %dma_wait3A_452] : memref<2x128x128xf32, #tpu.memory_space<vmem>> -> memref<1x128x128xf32, #tpu.memory_space<vmem>>
        %dma_wait3A_454 = tpu.memref_squeeze %dma_wait3A_453 : memref<1x128x128xf32, #tpu.memory_space<vmem>> -> memref<128x128xf32, #tpu.memory_space<vmem>>
        tpu.wait_dma2 semaphore(%arg13 : memref<!tpu.dma_semaphore, #tpu.memory_space<semaphore_mem>>) src(%dma_wait3A_454 : memref<128x128xf32, #tpu.memory_space<vmem>>) dst(%dma_wait3A_450 : memref<128x128xf32, #tpu.memory_space<hbm>>)
      } else {
      }
      %parallel_loop3A_420 = arith.constant 0 : i32
      %parallel_loop3A_421 = arith.constant 64 : i32
      %parallel_loop3A_422 = arith.constant 1 : i32
      %parallel_loop3A_423 = arith.constant 1 : i32
      scf.for %parallel_loop3A_439 = %parallel_loop3A_420 to %parallel_loop3A_421 step %parallel_loop3A_422  : i32 {
        %parallel_loop3A_440 = arith.constant 2 : i32
        %parallel_loop3A_441 = arith.muli %parallel_loop3A_440, %parallel_loop3A_439 : i32
        %parallel_loop3A_442 = arith.constant 7 : i32
        %parallel_loop3A_443 = arith.shli %parallel_loop3A_441, %parallel_loop3A_442 : i32
        %parallel_loop3A_444 = arith.constant 49152 : i32
        %parallel_loop3A_445 = arith.addi %parallel_loop3A_443, %parallel_loop3A_444 : i32
        %parallel_loop3A_446 = vector.broadcast %parallel_loop3A_445 : i32 to vector<16xi32>
        %parallel_loop3A_447 = arith.addi %add3A_45, %parallel_loop3A_446 : vector<16xi32>
        %parallel_loop3A_448 = vector.broadcast %parallel_loop3A_445 : i32 to vector<16xi32>
        %parallel_loop3A_449 = arith.addi %add3A_57, %parallel_loop3A_448 : vector<16xi32>
        %parallel_loop3A_450 = vector.broadcast %parallel_loop3A_445 : i32 to vector<16xi32>
        %parallel_loop3A_451 = arith.addi %add3A_69, %parallel_loop3A_450 : vector<16xi32>
        %parallel_loop3A_452 = vector.broadcast %parallel_loop3A_445 : i32 to vector<16xi32>
        %parallel_loop3A_453 = arith.addi %add3A_81, %parallel_loop3A_452 : vector<16xi32>
        %parallel_loop3A_454 = vector.broadcast %parallel_loop3A_445 : i32 to vector<16xi32>
        %parallel_loop3A_455 = arith.addi %add3A_93, %parallel_loop3A_454 : vector<16xi32>
        %parallel_loop3A_456 = vector.broadcast %parallel_loop3A_445 : i32 to vector<16xi32>
        %parallel_loop3A_457 = arith.addi %add3A_105, %parallel_loop3A_456 : vector<16xi32>
        %parallel_loop3A_458 = vector.broadcast %parallel_loop3A_445 : i32 to vector<16xi32>
        %parallel_loop3A_459 = arith.addi %add3A_117, %parallel_loop3A_458 : vector<16xi32>
        %parallel_loop3A_460 = vector.broadcast %parallel_loop3A_445 : i32 to vector<16xi32>
        %parallel_loop3A_461 = arith.addi %add3A_129, %parallel_loop3A_460 : vector<16xi32>
        %parallel_loop3A_462 = arith.constant 128 : i32
        %parallel_loop3A_463 = vector.broadcast %parallel_loop3A_462 : i32 to vector<16xi32>
        %parallel_loop3A_464 = arith.addi %parallel_loop3A_447, %parallel_loop3A_463 : vector<16xi32>
        %parallel_loop3A_465 = arith.constant 128 : i32
        %parallel_loop3A_466 = vector.broadcast %parallel_loop3A_465 : i32 to vector<16xi32>
        %parallel_loop3A_467 = arith.addi %parallel_loop3A_449, %parallel_loop3A_466 : vector<16xi32>
        %parallel_loop3A_468 = arith.constant 128 : i32
        %parallel_loop3A_469 = vector.broadcast %parallel_loop3A_468 : i32 to vector<16xi32>
        %parallel_loop3A_470 = arith.addi %parallel_loop3A_451, %parallel_loop3A_469 : vector<16xi32>
        %parallel_loop3A_471 = arith.constant 128 : i32
        %parallel_loop3A_472 = vector.broadcast %parallel_loop3A_471 : i32 to vector<16xi32>
        %parallel_loop3A_473 = arith.addi %parallel_loop3A_453, %parallel_loop3A_472 : vector<16xi32>
        %parallel_loop3A_474 = arith.constant 128 : i32
        %parallel_loop3A_475 = vector.broadcast %parallel_loop3A_474 : i32 to vector<16xi32>
        %parallel_loop3A_476 = arith.addi %parallel_loop3A_455, %parallel_loop3A_475 : vector<16xi32>
        %parallel_loop3A_477 = arith.constant 128 : i32
        %parallel_loop3A_478 = vector.broadcast %parallel_loop3A_477 : i32 to vector<16xi32>
        %parallel_loop3A_479 = arith.addi %parallel_loop3A_457, %parallel_loop3A_478 : vector<16xi32>
        %parallel_loop3A_480 = arith.constant 128 : i32
        %parallel_loop3A_481 = vector.broadcast %parallel_loop3A_480 : i32 to vector<16xi32>
        %parallel_loop3A_482 = arith.addi %parallel_loop3A_459, %parallel_loop3A_481 : vector<16xi32>
        %parallel_loop3A_483 = arith.constant 128 : i32
        %parallel_loop3A_484 = vector.broadcast %parallel_loop3A_483 : i32 to vector<16xi32>
        %parallel_loop3A_485 = arith.addi %parallel_loop3A_461, %parallel_loop3A_484 : vector<16xi32>
        %parallel_loop3A_486 = tpu.vector_load_idx %arg6[%mul3A_35, %parallel_loop3A_447] : memref<512x128xf32, #tpu.memory_space<vmem>>[vector<16xi32>, vector<16xi32>], vector<16xf32>,
        %parallel_loop3A_487 = tpu.vector_load_idx %arg6[%mul3A_35, %parallel_loop3A_449] : memref<512x128xf32, #tpu.memory_space<vmem>>[vector<16xi32>, vector<16xi32>], vector<16xf32>,
        %parallel_loop3A_488 = tpu.vector_load_idx %arg6[%mul3A_35, %parallel_loop3A_451] : memref<512x128xf32, #tpu.memory_space<vmem>>[vector<16xi32>, vector<16xi32>], vector<16xf32>,
        %parallel_loop3A_489 = tpu.vector_load_idx %arg6[%mul3A_35, %parallel_loop3A_453] : memref<512x128xf32, #tpu.memory_space<vmem>>[vector<16xi32>, vector<16xi32>], vector<16xf32>,
        %parallel_loop3A_490 = tpu.vector_load_idx %arg6[%mul3A_35, %parallel_loop3A_455] : memref<512x128xf32, #tpu.memory_space<vmem>>[vector<16xi32>, vector<16xi32>], vector<16xf32>,
        %parallel_loop3A_491 = tpu.vector_load_idx %arg6[%mul3A_35, %parallel_loop3A_457] : memref<512x128xf32, #tpu.memory_space<vmem>>[vector<16xi32>, vector<16xi32>], vector<16xf32>,
        %parallel_loop3A_492 = tpu.vector_load_idx %arg6[%mul3A_35, %parallel_loop3A_459] : memref<512x128xf32, #tpu.memory_space<vmem>>[vector<16xi32>, vector<16xi32>], vector<16xf32>,
        %parallel_loop3A_493 = tpu.vector_load_idx %arg6[%mul3A_35, %parallel_loop3A_461] : memref<512x128xf32, #tpu.memory_space<vmem>>[vector<16xi32>, vector<16xi32>], vector<16xf32>,
        %parallel_loop3A_494 = tpu.vector_load_idx %arg6[%mul3A_35, %parallel_loop3A_464] : memref<512x128xf32, #tpu.memory_space<vmem>>[vector<16xi32>, vector<16xi32>], vector<16xf32>,
        %parallel_loop3A_495 = tpu.vector_load_idx %arg6[%mul3A_35, %parallel_loop3A_467] : memref<512x128xf32, #tpu.memory_space<vmem>>[vector<16xi32>, vector<16xi32>], vector<16xf32>,
        %parallel_loop3A_496 = tpu.vector_load_idx %arg6[%mul3A_35, %parallel_loop3A_470] : memref<512x128xf32, #tpu.memory_space<vmem>>[vector<16xi32>, vector<16xi32>], vector<16xf32>,
        %parallel_loop3A_497 = tpu.vector_load_idx %arg6[%mul3A_35, %parallel_loop3A_473] : memref<512x128xf32, #tpu.memory_space<vmem>>[vector<16xi32>, vector<16xi32>], vector<16xf32>,
        %parallel_loop3A_498 = tpu.vector_load_idx %arg6[%mul3A_35, %parallel_loop3A_476] : memref<512x128xf32, #tpu.memory_space<vmem>>[vector<16xi32>, vector<16xi32>], vector<16xf32>,
        %parallel_loop3A_499 = tpu.vector_load_idx %arg6[%mul3A_35, %parallel_loop3A_479] : memref<512x128xf32, #tpu.memory_space<vmem>>[vector<16xi32>, vector<16xi32>], vector<16xf32>,
        %parallel_loop3A_500 = tpu.vector_load_idx %arg6[%mul3A_35, %parallel_loop3A_482] : memref<512x128xf32, #tpu.memory_space<vmem>>[vector<16xi32>, vector<16xi32>], vector<16xf32>,
        %parallel_loop3A_501 = tpu.vector_load_idx %arg6[%mul3A_35, %parallel_loop3A_485] : memref<512x128xf32, #tpu.memory_space<vmem>>[vector<16xi32>, vector<16xi32>], vector<16xf32>,
        %parallel_loop3A_502 = arith.constant 2 : i32
        %parallel_loop3A_503 = arith.muli %parallel_loop3A_502, %parallel_loop3A_439 : i32
        %parallel_loop3A_504 = arith.minimumf %parallel_loop3A_486, %parallel_loop3A_494 : vector<16xf32>
        %parallel_loop3A_505 = arith.constant 0 : i32
        %parallel_loop3A_506 = arith.constant 0 : i32
        %parallel_loop3A_507 = tpu.memref_slice %arg7[%parallel_loop3A_423, %parallel_loop3A_505, %parallel_loop3A_506] : memref<2x128x128xf32, #tpu.memory_space<vmem>> -> memref<1x128x128xf32, #tpu.memory_space<vmem>>
        %parallel_loop3A_508 = tpu.memref_squeeze %parallel_loop3A_507 : memref<1x128x128xf32, #tpu.memory_space<vmem>> -> memref<128x128xf32, #tpu.memory_space<vmem>>
        %parallel_loop3A_509 = arith.index_cast %parallel_loop3A_503 : i32 to index
        %parallel_loop3A_510 = arith.constant 0 : index
        %parallel_loop3A_511 = tpu.vector_load %parallel_loop3A_508[%parallel_loop3A_509, %parallel_loop3A_510] {strides = array<i32>} : memref<128x128xf32, #tpu.memory_space<vmem>>, vector<16xf32>,
        tpu.vector_store %parallel_loop3A_508[%parallel_loop3A_509, %parallel_loop3A_510], %parallel_loop3A_504 {strides = array<i32>} : memref<128x128xf32, #tpu.memory_space<vmem>>, vector<16xf32>,
        %parallel_loop3A_512 = arith.maximumf %parallel_loop3A_486, %parallel_loop3A_494 : vector<16xf32>
        %parallel_loop3A_513 = arith.constant 1 : i32
        %parallel_loop3A_514 = arith.addi %parallel_loop3A_503, %parallel_loop3A_513 : i32
        %parallel_loop3A_515 = arith.constant 0 : i32
        %parallel_loop3A_516 = arith.constant 0 : i32
        %parallel_loop3A_517 = tpu.memref_slice %arg7[%parallel_loop3A_423, %parallel_loop3A_515, %parallel_loop3A_516] : memref<2x128x128xf32, #tpu.memory_space<vmem>> -> memref<1x128x128xf32, #tpu.memory_space<vmem>>
        %parallel_loop3A_518 = tpu.memref_squeeze %parallel_loop3A_517 : memref<1x128x128xf32, #tpu.memory_space<vmem>> -> memref<128x128xf32, #tpu.memory_space<vmem>>
        %parallel_loop3A_519 = arith.index_cast %parallel_loop3A_514 : i32 to index
        %parallel_loop3A_520 = arith.constant 0 : index
        %parallel_loop3A_521 = tpu.vector_load %parallel_loop3A_518[%parallel_loop3A_519, %parallel_loop3A_520] {strides = array<i32>} : memref<128x128xf32, #tpu.memory_space<vmem>>, vector<16xf32>,
        tpu.vector_store %parallel_loop3A_518[%parallel_loop3A_519, %parallel_loop3A_520], %parallel_loop3A_512 {strides = array<i32>} : memref<128x128xf32, #tpu.memory_space<vmem>>, vector<16xf32>,
        %parallel_loop3A_522 = arith.minimumf %parallel_loop3A_487, %parallel_loop3A_495 : vector<16xf32>
        %parallel_loop3A_523 = arith.constant 0 : i32
        %parallel_loop3A_524 = arith.constant 0 : i32
        %parallel_loop3A_525 = tpu.memref_slice %arg7[%parallel_loop3A_423, %parallel_loop3A_523, %parallel_loop3A_524] : memref<2x128x128xf32, #tpu.memory_space<vmem>> -> memref<1x128x128xf32, #tpu.memory_space<vmem>>
        %parallel_loop3A_526 = tpu.memref_squeeze %parallel_loop3A_525 : memref<1x128x128xf32, #tpu.memory_space<vmem>> -> memref<128x128xf32, #tpu.memory_space<vmem>>
        %parallel_loop3A_527 = arith.index_cast %parallel_loop3A_503 : i32 to index
        %parallel_loop3A_528 = arith.constant 16 : index
        %parallel_loop3A_529 = tpu.vector_load %parallel_loop3A_526[%parallel_loop3A_527, %parallel_loop3A_528] {strides = array<i32>} : memref<128x128xf32, #tpu.memory_space<vmem>>, vector<16xf32>,
        tpu.vector_store %parallel_loop3A_526[%parallel_loop3A_527, %parallel_loop3A_528], %parallel_loop3A_522 {strides = array<i32>} : memref<128x128xf32, #tpu.memory_space<vmem>>, vector<16xf32>,
        %parallel_loop3A_530 = arith.maximumf %parallel_loop3A_487, %parallel_loop3A_495 : vector<16xf32>
        %parallel_loop3A_531 = arith.constant 1 : i32
        %parallel_loop3A_532 = arith.addi %parallel_loop3A_503, %parallel_loop3A_531 : i32
        %parallel_loop3A_533 = arith.constant 0 : i32
        %parallel_loop3A_534 = arith.constant 0 : i32
        %parallel_loop3A_535 = tpu.memref_slice %arg7[%parallel_loop3A_423, %parallel_loop3A_533, %parallel_loop3A_534] : memref<2x128x128xf32, #tpu.memory_space<vmem>> -> memref<1x128x128xf32, #tpu.memory_space<vmem>>
        %parallel_loop3A_536 = tpu.memref_squeeze %parallel_loop3A_535 : memref<1x128x128xf32, #tpu.memory_space<vmem>> -> memref<128x128xf32, #tpu.memory_space<vmem>>
        %parallel_loop3A_537 = arith.index_cast %parallel_loop3A_532 : i32 to index
        %parallel_loop3A_538 = arith.constant 16 : index
        %parallel_loop3A_539 = tpu.vector_load %parallel_loop3A_536[%parallel_loop3A_537, %parallel_loop3A_538] {strides = array<i32>} : memref<128x128xf32, #tpu.memory_space<vmem>>, vector<16xf32>,
        tpu.vector_store %parallel_loop3A_536[%parallel_loop3A_537, %parallel_loop3A_538], %parallel_loop3A_530 {strides = array<i32>} : memref<128x128xf32, #tpu.memory_space<vmem>>, vector<16xf32>,
        %parallel_loop3A_540 = arith.minimumf %parallel_loop3A_488, %parallel_loop3A_496 : vector<16xf32>
        %parallel_loop3A_541 = arith.constant 0 : i32
        %parallel_loop3A_542 = arith.constant 0 : i32
        %parallel_loop3A_543 = tpu.memref_slice %arg7[%parallel_loop3A_423, %parallel_loop3A_541, %parallel_loop3A_542] : memref<2x128x128xf32, #tpu.memory_space<vmem>> -> memref<1x128x128xf32, #tpu.memory_space<vmem>>
        %parallel_loop3A_544 = tpu.memref_squeeze %parallel_loop3A_543 : memref<1x128x128xf32, #tpu.memory_space<vmem>> -> memref<128x128xf32, #tpu.memory_space<vmem>>
        %parallel_loop3A_545 = arith.index_cast %parallel_loop3A_503 : i32 to index
        %parallel_loop3A_546 = arith.constant 32 : index
        %parallel_loop3A_547 = tpu.vector_load %parallel_loop3A_544[%parallel_loop3A_545, %parallel_loop3A_546] {strides = array<i32>} : memref<128x128xf32, #tpu.memory_space<vmem>>, vector<16xf32>,
        tpu.vector_store %parallel_loop3A_544[%parallel_loop3A_545, %parallel_loop3A_546], %parallel_loop3A_540 {strides = array<i32>} : memref<128x128xf32, #tpu.memory_space<vmem>>, vector<16xf32>,
        %parallel_loop3A_548 = arith.maximumf %parallel_loop3A_488, %parallel_loop3A_496 : vector<16xf32>
        %parallel_loop3A_549 = arith.constant 1 : i32
        %parallel_loop3A_550 = arith.addi %parallel_loop3A_503, %parallel_loop3A_549 : i32
        %parallel_loop3A_551 = arith.constant 0 : i32
        %parallel_loop3A_552 = arith.constant 0 : i32
        %parallel_loop3A_553 = tpu.memref_slice %arg7[%parallel_loop3A_423, %parallel_loop3A_551, %parallel_loop3A_552] : memref<2x128x128xf32, #tpu.memory_space<vmem>> -> memref<1x128x128xf32, #tpu.memory_space<vmem>>
        %parallel_loop3A_554 = tpu.memref_squeeze %parallel_loop3A_553 : memref<1x128x128xf32, #tpu.memory_space<vmem>> -> memref<128x128xf32, #tpu.memory_space<vmem>>
        %parallel_loop3A_555 = arith.index_cast %parallel_loop3A_550 : i32 to index
        %parallel_loop3A_556 = arith.constant 32 : index
        %parallel_loop3A_557 = tpu.vector_load %parallel_loop3A_554[%parallel_loop3A_555, %parallel_loop3A_556] {strides = array<i32>} : memref<128x128xf32, #tpu.memory_space<vmem>>, vector<16xf32>,
        tpu.vector_store %parallel_loop3A_554[%parallel_loop3A_555, %parallel_loop3A_556], %parallel_loop3A_548 {strides = array<i32>} : memref<128x128xf32, #tpu.memory_space<vmem>>, vector<16xf32>,
        %parallel_loop3A_558 = arith.minimumf %parallel_loop3A_489, %parallel_loop3A_497 : vector<16xf32>
        %parallel_loop3A_559 = arith.constant 0 : i32
        %parallel_loop3A_560 = arith.constant 0 : i32
        %parallel_loop3A_561 = tpu.memref_slice %arg7[%parallel_loop3A_423, %parallel_loop3A_559, %parallel_loop3A_560] : memref<2x128x128xf32, #tpu.memory_space<vmem>> -> memref<1x128x128xf32, #tpu.memory_space<vmem>>
        %parallel_loop3A_562 = tpu.memref_squeeze %parallel_loop3A_561 : memref<1x128x128xf32, #tpu.memory_space<vmem>> -> memref<128x128xf32, #tpu.memory_space<vmem>>
        %parallel_loop3A_563 = arith.index_cast %parallel_loop3A_503 : i32 to index
        %parallel_loop3A_564 = arith.constant 48 : index
        %parallel_loop3A_565 = tpu.vector_load %parallel_loop3A_562[%parallel_loop3A_563, %parallel_loop3A_564] {strides = array<i32>} : memref<128x128xf32, #tpu.memory_space<vmem>>, vector<16xf32>,
        tpu.vector_store %parallel_loop3A_562[%parallel_loop3A_563, %parallel_loop3A_564], %parallel_loop3A_558 {strides = array<i32>} : memref<128x128xf32, #tpu.memory_space<vmem>>, vector<16xf32>,
        %parallel_loop3A_566 = arith.maximumf %parallel_loop3A_489, %parallel_loop3A_497 : vector<16xf32>
        %parallel_loop3A_567 = arith.constant 1 : i32
        %parallel_loop3A_568 = arith.addi %parallel_loop3A_503, %parallel_loop3A_567 : i32
        %parallel_loop3A_569 = arith.constant 0 : i32
        %parallel_loop3A_570 = arith.constant 0 : i32
        %parallel_loop3A_571 = tpu.memref_slice %arg7[%parallel_loop3A_423, %parallel_loop3A_569, %parallel_loop3A_570] : memref<2x128x128xf32, #tpu.memory_space<vmem>> -> memref<1x128x128xf32, #tpu.memory_space<vmem>>
        %parallel_loop3A_572 = tpu.memref_squeeze %parallel_loop3A_571 : memref<1x128x128xf32, #tpu.memory_space<vmem>> -> memref<128x128xf32, #tpu.memory_space<vmem>>
        %parallel_loop3A_573 = arith.index_cast %parallel_loop3A_568 : i32 to index
        %parallel_loop3A_574 = arith.constant 48 : index
        %parallel_loop3A_575 = tpu.vector_load %parallel_loop3A_572[%parallel_loop3A_573, %parallel_loop3A_574] {strides = array<i32>} : memref<128x128xf32, #tpu.memory_space<vmem>>, vector<16xf32>,
        tpu.vector_store %parallel_loop3A_572[%parallel_loop3A_573, %parallel_loop3A_574], %parallel_loop3A_566 {strides = array<i32>} : memref<128x128xf32, #tpu.memory_space<vmem>>, vector<16xf32>,
        %parallel_loop3A_576 = arith.minimumf %parallel_loop3A_490, %parallel_loop3A_498 : vector<16xf32>
        %parallel_loop3A_577 = arith.constant 0 : i32
        %parallel_loop3A_578 = arith.constant 0 : i32
        %parallel_loop3A_579 = tpu.memref_slice %arg7[%parallel_loop3A_423, %parallel_loop3A_577, %parallel_loop3A_578] : memref<2x128x128xf32, #tpu.memory_space<vmem>> -> memref<1x128x128xf32, #tpu.memory_space<vmem>>
        %parallel_loop3A_580 = tpu.memref_squeeze %parallel_loop3A_579 : memref<1x128x128xf32, #tpu.memory_space<vmem>> -> memref<128x128xf32, #tpu.memory_space<vmem>>
        %parallel_loop3A_581 = arith.index_cast %parallel_loop3A_503 : i32 to index
        %parallel_loop3A_582 = arith.constant 64 : index
        %parallel_loop3A_583 = tpu.vector_load %parallel_loop3A_580[%parallel_loop3A_581, %parallel_loop3A_582] {strides = array<i32>} : memref<128x128xf32, #tpu.memory_space<vmem>>, vector<16xf32>,
        tpu.vector_store %parallel_loop3A_580[%parallel_loop3A_581, %parallel_loop3A_582], %parallel_loop3A_576 {strides = array<i32>} : memref<128x128xf32, #tpu.memory_space<vmem>>, vector<16xf32>,
        %parallel_loop3A_584 = arith.maximumf %parallel_loop3A_490, %parallel_loop3A_498 : vector<16xf32>
        %parallel_loop3A_585 = arith.constant 1 : i32
        %parallel_loop3A_586 = arith.addi %parallel_loop3A_503, %parallel_loop3A_585 : i32
        %parallel_loop3A_587 = arith.constant 0 : i32
        %parallel_loop3A_588 = arith.constant 0 : i32
        %parallel_loop3A_589 = tpu.memref_slice %arg7[%parallel_loop3A_423, %parallel_loop3A_587, %parallel_loop3A_588] : memref<2x128x128xf32, #tpu.memory_space<vmem>> -> memref<1x128x128xf32, #tpu.memory_space<vmem>>
        %parallel_loop3A_590 = tpu.memref_squeeze %parallel_loop3A_589 : memref<1x128x128xf32, #tpu.memory_space<vmem>> -> memref<128x128xf32, #tpu.memory_space<vmem>>
        %parallel_loop3A_591 = arith.index_cast %parallel_loop3A_586 : i32 to index
        %parallel_loop3A_592 = arith.constant 64 : index
        %parallel_loop3A_593 = tpu.vector_load %parallel_loop3A_590[%parallel_loop3A_591, %parallel_loop3A_592] {strides = array<i32>} : memref<128x128xf32, #tpu.memory_space<vmem>>, vector<16xf32>,
        tpu.vector_store %parallel_loop3A_590[%parallel_loop3A_591, %parallel_loop3A_592], %parallel_loop3A_584 {strides = array<i32>} : memref<128x128xf32, #tpu.memory_space<vmem>>, vector<16xf32>,
        %parallel_loop3A_594 = arith.minimumf %parallel_loop3A_491, %parallel_loop3A_499 : vector<16xf32>
        %parallel_loop3A_595 = arith.constant 0 : i32
        %parallel_loop3A_596 = arith.constant 0 : i32
        %parallel_loop3A_597 = tpu.memref_slice %arg7[%parallel_loop3A_423, %parallel_loop3A_595, %parallel_loop3A_596] : memref<2x128x128xf32, #tpu.memory_space<vmem>> -> memref<1x128x128xf32, #tpu.memory_space<vmem>>
        %parallel_loop3A_598 = tpu.memref_squeeze %parallel_loop3A_597 : memref<1x128x128xf32, #tpu.memory_space<vmem>> -> memref<128x128xf32, #tpu.memory_space<vmem>>
        %parallel_loop3A_599 = arith.index_cast %parallel_loop3A_503 : i32 to index
        %parallel_loop3A_600 = arith.constant 80 : index
        %parallel_loop3A_601 = tpu.vector_load %parallel_loop3A_598[%parallel_loop3A_599, %parallel_loop3A_600] {strides = array<i32>} : memref<128x128xf32, #tpu.memory_space<vmem>>, vector<16xf32>,
        tpu.vector_store %parallel_loop3A_598[%parallel_loop3A_599, %parallel_loop3A_600], %parallel_loop3A_594 {strides = array<i32>} : memref<128x128xf32, #tpu.memory_space<vmem>>, vector<16xf32>,
        %parallel_loop3A_602 = arith.maximumf %parallel_loop3A_491, %parallel_loop3A_499 : vector<16xf32>
        %parallel_loop3A_603 = arith.constant 1 : i32
        %parallel_loop3A_604 = arith.addi %parallel_loop3A_503, %parallel_loop3A_603 : i32
        %parallel_loop3A_605 = arith.constant 0 : i32
        %parallel_loop3A_606 = arith.constant 0 : i32
        %parallel_loop3A_607 = tpu.memref_slice %arg7[%parallel_loop3A_423, %parallel_loop3A_605, %parallel_loop3A_606] : memref<2x128x128xf32, #tpu.memory_space<vmem>> -> memref<1x128x128xf32, #tpu.memory_space<vmem>>
        %parallel_loop3A_608 = tpu.memref_squeeze %parallel_loop3A_607 : memref<1x128x128xf32, #tpu.memory_space<vmem>> -> memref<128x128xf32, #tpu.memory_space<vmem>>
        %parallel_loop3A_609 = arith.index_cast %parallel_loop3A_604 : i32 to index
        %parallel_loop3A_610 = arith.constant 80 : index
        %parallel_loop3A_611 = tpu.vector_load %parallel_loop3A_608[%parallel_loop3A_609, %parallel_loop3A_610] {strides = array<i32>} : memref<128x128xf32, #tpu.memory_space<vmem>>, vector<16xf32>,
        tpu.vector_store %parallel_loop3A_608[%parallel_loop3A_609, %parallel_loop3A_610], %parallel_loop3A_602 {strides = array<i32>} : memref<128x128xf32, #tpu.memory_space<vmem>>, vector<16xf32>,
        %parallel_loop3A_612 = arith.minimumf %parallel_loop3A_492, %parallel_loop3A_500 : vector<16xf32>
        %parallel_loop3A_613 = arith.constant 0 : i32
        %parallel_loop3A_614 = arith.constant 0 : i32
        %parallel_loop3A_615 = tpu.memref_slice %arg7[%parallel_loop3A_423, %parallel_loop3A_613, %parallel_loop3A_614] : memref<2x128x128xf32, #tpu.memory_space<vmem>> -> memref<1x128x128xf32, #tpu.memory_space<vmem>>
        %parallel_loop3A_616 = tpu.memref_squeeze %parallel_loop3A_615 : memref<1x128x128xf32, #tpu.memory_space<vmem>> -> memref<128x128xf32, #tpu.memory_space<vmem>>
        %parallel_loop3A_617 = arith.index_cast %parallel_loop3A_503 : i32 to index
        %parallel_loop3A_618 = arith.constant 96 : index
        %parallel_loop3A_619 = tpu.vector_load %parallel_loop3A_616[%parallel_loop3A_617, %parallel_loop3A_618] {strides = array<i32>} : memref<128x128xf32, #tpu.memory_space<vmem>>, vector<16xf32>,
        tpu.vector_store %parallel_loop3A_616[%parallel_loop3A_617, %parallel_loop3A_618], %parallel_loop3A_612 {strides = array<i32>} : memref<128x128xf32, #tpu.memory_space<vmem>>, vector<16xf32>,
        %parallel_loop3A_620 = arith.maximumf %parallel_loop3A_492, %parallel_loop3A_500 : vector<16xf32>
        %parallel_loop3A_621 = arith.constant 1 : i32
        %parallel_loop3A_622 = arith.addi %parallel_loop3A_503, %parallel_loop3A_621 : i32
        %parallel_loop3A_623 = arith.constant 0 : i32
        %parallel_loop3A_624 = arith.constant 0 : i32
        %parallel_loop3A_625 = tpu.memref_slice %arg7[%parallel_loop3A_423, %parallel_loop3A_623, %parallel_loop3A_624] : memref<2x128x128xf32, #tpu.memory_space<vmem>> -> memref<1x128x128xf32, #tpu.memory_space<vmem>>
        %parallel_loop3A_626 = tpu.memref_squeeze %parallel_loop3A_625 : memref<1x128x128xf32, #tpu.memory_space<vmem>> -> memref<128x128xf32, #tpu.memory_space<vmem>>
        %parallel_loop3A_627 = arith.index_cast %parallel_loop3A_622 : i32 to index
        %parallel_loop3A_628 = arith.constant 96 : index
        %parallel_loop3A_629 = tpu.vector_load %parallel_loop3A_626[%parallel_loop3A_627, %parallel_loop3A_628] {strides = array<i32>} : memref<128x128xf32, #tpu.memory_space<vmem>>, vector<16xf32>,
        tpu.vector_store %parallel_loop3A_626[%parallel_loop3A_627, %parallel_loop3A_628], %parallel_loop3A_620 {strides = array<i32>} : memref<128x128xf32, #tpu.memory_space<vmem>>, vector<16xf32>,
        %parallel_loop3A_630 = arith.minimumf %parallel_loop3A_493, %parallel_loop3A_501 : vector<16xf32>
        %parallel_loop3A_631 = arith.constant 0 : i32
        %parallel_loop3A_632 = arith.constant 0 : i32
        %parallel_loop3A_633 = tpu.memref_slice %arg7[%parallel_loop3A_423, %parallel_loop3A_631, %parallel_loop3A_632] : memref<2x128x128xf32, #tpu.memory_space<vmem>> -> memref<1x128x128xf32, #tpu.memory_space<vmem>>
        %parallel_loop3A_634 = tpu.memref_squeeze %parallel_loop3A_633 : memref<1x128x128xf32, #tpu.memory_space<vmem>> -> memref<128x128xf32, #tpu.memory_space<vmem>>
        %parallel_loop3A_635 = arith.index_cast %parallel_loop3A_503 : i32 to index
        %parallel_loop3A_636 = arith.constant 112 : index
        %parallel_loop3A_637 = tpu.vector_load %parallel_loop3A_634[%parallel_loop3A_635, %parallel_loop3A_636] {strides = array<i32>} : memref<128x128xf32, #tpu.memory_space<vmem>>, vector<16xf32>,
        tpu.vector_store %parallel_loop3A_634[%parallel_loop3A_635, %parallel_loop3A_636], %parallel_loop3A_630 {strides = array<i32>} : memref<128x128xf32, #tpu.memory_space<vmem>>, vector<16xf32>,
        %parallel_loop3A_638 = arith.maximumf %parallel_loop3A_493, %parallel_loop3A_501 : vector<16xf32>
        %parallel_loop3A_639 = arith.constant 1 : i32
        %parallel_loop3A_640 = arith.addi %parallel_loop3A_503, %parallel_loop3A_639 : i32
        %parallel_loop3A_641 = arith.constant 0 : i32
        %parallel_loop3A_642 = arith.constant 0 : i32
        %parallel_loop3A_643 = tpu.memref_slice %arg7[%parallel_loop3A_423, %parallel_loop3A_641, %parallel_loop3A_642] : memref<2x128x128xf32, #tpu.memory_space<vmem>> -> memref<1x128x128xf32, #tpu.memory_space<vmem>>
        %parallel_loop3A_644 = tpu.memref_squeeze %parallel_loop3A_643 : memref<1x128x128xf32, #tpu.memory_space<vmem>> -> memref<128x128xf32, #tpu.memory_space<vmem>>
        %parallel_loop3A_645 = arith.index_cast %parallel_loop3A_640 : i32 to index
        %parallel_loop3A_646 = arith.constant 112 : index
        %parallel_loop3A_647 = tpu.vector_load %parallel_loop3A_644[%parallel_loop3A_645, %parallel_loop3A_646] {strides = array<i32>} : memref<128x128xf32, #tpu.memory_space<vmem>>, vector<16xf32>,
        tpu.vector_store %parallel_loop3A_644[%parallel_loop3A_645, %parallel_loop3A_646], %parallel_loop3A_638 {strides = array<i32>} : memref<128x128xf32, #tpu.memory_space<vmem>>, vector<16xf32>,
      } {sc.loop_unroll_factor = 1 : i64, sc.parallel_access}
      %mul3A_424 = arith.constant 128 : i32
      %mul3A_425 = arith.muli %add3A_394, %mul3A_424 : i32
      %dma_start3A_426 = arith.constant 1 : i32
      %dma_start3A_427 = arith.constant 0 : i32
      %dma_start3A_428 = arith.constant 0 : i32
      %dma_start3A_429 = tpu.memref_slice %arg7[%dma_start3A_426, %dma_start3A_427, %dma_start3A_428] : memref<2x128x128xf32, #tpu.memory_space<vmem>> -> memref<1x128x128xf32, #tpu.memory_space<vmem>>
      %dma_start3A_430 = tpu.memref_squeeze %dma_start3A_429 : memref<1x128x128xf32, #tpu.memory_space<vmem>> -> memref<128x128xf32, #tpu.memory_space<vmem>>
      %dma_start3A_431 = tpu.memref_slice %arg4[%add3A_133, %mul3A_425, %mul3A_32] : memref<4x4096x2048xf32, #tpu.memory_space<hbm>> -> memref<1x128x128xf32, #tpu.memory_space<hbm>>
      %dma_start3A_432 = tpu.memref_squeeze %dma_start3A_431 : memref<1x128x128xf32, #tpu.memory_space<hbm>> -> memref<128x128xf32, #tpu.memory_space<hbm>>
      %dma_start3A_433 = tpu.memref_slice %arg4[%add3A_133, %mul3A_425, %mul3A_32] : memref<4x4096x2048xf32, #tpu.memory_space<hbm>> -> memref<1x128x128xf32, #tpu.memory_space<hbm>>
      %dma_start3A_434 = tpu.memref_squeeze %dma_start3A_433 : memref<1x128x128xf32, #tpu.memory_space<hbm>> -> memref<128x128xf32, #tpu.memory_space<hbm>>
      %dma_start3A_435 = arith.constant 0 : i32
      %dma_start3A_436 = arith.constant 0 : i32
      %dma_start3A_437 = tpu.memref_slice %arg7[%dma_start3A_426, %dma_start3A_435, %dma_start3A_436] : memref<2x128x128xf32, #tpu.memory_space<vmem>> -> memref<1x128x128xf32, #tpu.memory_space<vmem>>
      %dma_start3A_438 = tpu.memref_squeeze %dma_start3A_437 : memref<1x128x128xf32, #tpu.memory_space<vmem>> -> memref<128x128xf32, #tpu.memory_space<vmem>>
      tpu.enqueue_dma source(%dma_start3A_438 : memref<128x128xf32, #tpu.memory_space<vmem>>) target(%dma_start3A_434 : memref<128x128xf32, #tpu.memory_space<hbm>>) target_semaphore(%arg13 : memref<!tpu.dma_semaphore, #tpu.memory_space<semaphore_mem>>)
    }
    %scan3A_172 = arith.constant 8 : i32
    %mul3A_173 = arith.constant 2 : i32
    %mul3A_174 = arith.muli %select_n3A_30, %mul3A_173 : i32
    %add3A_175 = arith.constant 1 : i32
    %add3A_176 = arith.addi %mul3A_174, %add3A_175 : i32
    %dma_start3A_177 = arith.constant 384 : i32
    %dma_start3A_178 = arith.constant 0 : i32
    %dma_start3A_179 = tpu.memref_slice %arg6[%dma_start3A_177, %dma_start3A_178] : memref<512x128xf32, #tpu.memory_space<vmem>> -> memref<128x128xf32, #tpu.memory_space<vmem>>
    %dma_start3A_180 = arith.constant 3968 : i32
    %dma_start3A_181 = tpu.memref_slice %arg2[%add3A_176, %dma_start3A_180, %mul3A_32] : memref<4x4096x2048xf32, #tpu.memory_space<hbm>> -> memref<1x128x128xf32, #tpu.memory_space<hbm>>
    %dma_start3A_182 = tpu.memref_squeeze %dma_start3A_181 : memref<1x128x128xf32, #tpu.memory_space<hbm>> -> memref<128x128xf32, #tpu.memory_space<hbm>>
    %dma_start3A_183 = arith.constant 384 : i32
    %dma_start3A_184 = arith.constant 0 : i32
    %dma_start3A_185 = tpu.memref_slice %arg6[%dma_start3A_183, %dma_start3A_184] : memref<512x128xf32, #tpu.memory_space<vmem>> -> memref<128x128xf32, #tpu.memory_space<vmem>>
    %dma_start3A_186 = arith.constant 3968 : i32
    %dma_start3A_187 = tpu.memref_slice %arg2[%add3A_176, %dma_start3A_186, %mul3A_32] : memref<4x4096x2048xf32, #tpu.memory_space<hbm>> -> memref<1x128x128xf32, #tpu.memory_space<hbm>>
    %dma_start3A_188 = tpu.memref_squeeze %dma_start3A_187 : memref<1x128x128xf32, #tpu.memory_space<hbm>> -> memref<128x128xf32, #tpu.memory_space<hbm>>
    tpu.enqueue_dma source(%dma_start3A_188 : memref<128x128xf32, #tpu.memory_space<hbm>>) target(%dma_start3A_185 : memref<128x128xf32, #tpu.memory_space<vmem>>) target_semaphore(%arg11 : memref<!tpu.dma_semaphore, #tpu.memory_space<semaphore_mem>>)
    %dma_start3A_189 = arith.constant 0 : i32
    %dma_start3A_190 = arith.constant 0 : i32
    %dma_start3A_191 = tpu.memref_slice %arg6[%dma_start3A_189, %dma_start3A_190] : memref<512x128xf32, #tpu.memory_space<vmem>> -> memref<128x128xf32, #tpu.memory_space<vmem>>
    %dma_start3A_192 = arith.constant 0 : i32
    %dma_start3A_193 = tpu.memref_slice %arg2[%add3A_176, %dma_start3A_192, %mul3A_32] : memref<4x4096x2048xf32, #tpu.memory_space<hbm>> -> memref<1x128x128xf32, #tpu.memory_space<hbm>>
    %dma_start3A_194 = tpu.memref_squeeze %dma_start3A_193 : memref<1x128x128xf32, #tpu.memory_space<hbm>> -> memref<128x128xf32, #tpu.memory_space<hbm>>
    %dma_start3A_195 = arith.constant 0 : i32
    %dma_start3A_196 = arith.constant 0 : i32
    %dma_start3A_197 = tpu.memref_slice %arg6[%dma_start3A_195, %dma_start3A_196] : memref<512x128xf32, #tpu.memory_space<vmem>> -> memref<128x128xf32, #tpu.memory_space<vmem>>
    %dma_start3A_198 = arith.constant 0 : i32
    %dma_start3A_199 = tpu.memref_slice %arg2[%add3A_176, %dma_start3A_198, %mul3A_32] : memref<4x4096x2048xf32, #tpu.memory_space<hbm>> -> memref<1x128x128xf32, #tpu.memory_space<hbm>>
    %dma_start3A_200 = tpu.memref_squeeze %dma_start3A_199 : memref<1x128x128xf32, #tpu.memory_space<hbm>> -> memref<128x128xf32, #tpu.memory_space<hbm>>
    tpu.enqueue_dma source(%dma_start3A_200 : memref<128x128xf32, #tpu.memory_space<hbm>>) target(%dma_start3A_197 : memref<128x128xf32, #tpu.memory_space<vmem>>) target_semaphore(%arg8 : memref<!tpu.dma_semaphore, #tpu.memory_space<semaphore_mem>>)
    %dma_start3A_201 = arith.constant 128 : i32
    %dma_start3A_202 = arith.constant 0 : i32
    %dma_start3A_203 = tpu.memref_slice %arg6[%dma_start3A_201, %dma_start3A_202] : memref<512x128xf32, #tpu.memory_space<vmem>> -> memref<128x128xf32, #tpu.memory_space<vmem>>
    %dma_start3A_204 = arith.constant 128 : i32
    %dma_start3A_205 = tpu.memref_slice %arg2[%add3A_176, %dma_start3A_204, %mul3A_32] : memref<4x4096x2048xf32, #tpu.memory_space<hbm>> -> memref<1x128x128xf32, #tpu.memory_space<hbm>>
    %dma_start3A_206 = tpu.memref_squeeze %dma_start3A_205 : memref<1x128x128xf32, #tpu.memory_space<hbm>> -> memref<128x128xf32, #tpu.memory_space<hbm>>
    %dma_start3A_207 = arith.constant 128 : i32
    %dma_start3A_208 = arith.constant 0 : i32
    %dma_start3A_209 = tpu.memref_slice %arg6[%dma_start3A_207, %dma_start3A_208] : memref<512x128xf32, #tpu.memory_space<vmem>> -> memref<128x128xf32, #tpu.memory_space<vmem>>
    %dma_start3A_210 = arith.constant 128 : i32
    %dma_start3A_211 = tpu.memref_slice %arg2[%add3A_176, %dma_start3A_210, %mul3A_32] : memref<4x4096x2048xf32, #tpu.memory_space<hbm>> -> memref<1x128x128xf32, #tpu.memory_space<hbm>>
    %dma_start3A_212 = tpu.memref_squeeze %dma_start3A_211 : memref<1x128x128xf32, #tpu.memory_space<hbm>> -> memref<128x128xf32, #tpu.memory_space<hbm>>
    tpu.enqueue_dma source(%dma_start3A_212 : memref<128x128xf32, #tpu.memory_space<hbm>>) target(%dma_start3A_209 : memref<128x128xf32, #tpu.memory_space<vmem>>) target_semaphore(%arg9 : memref<!tpu.dma_semaphore, #tpu.memory_space<semaphore_mem>>)
    %scan3A_213 = arith.constant 0 : i32
    %scan3A_214 = arith.constant 8 : i32
    %scan3A_215 = arith.addi %scan3A_213, %scan3A_214 : i32
    %scan3A_216 = arith.constant 1 : i32
    scf.for %scan3A_249 = %scan3A_213 to %scan3A_215 step %scan3A_216  : i32 {
      %mul3A_250 = arith.constant 4 : i32
      %mul3A_251 = arith.muli %scan3A_249, %mul3A_250 : i32
      %add3A_252 = arith.constant 0 : i32
      %add3A_253 = arith.addi %add3A_252, %mul3A_251 : i32
      %add3A_254 = arith.constant 0 : i32
      %add3A_255 = arith.addi %add3A_253, %add3A_254 : i32
      %add3A_256 = arith.constant 2 : i32
      %add3A_257 = arith.addi %add3A_255, %add3A_256 : i32
      %lt3A_258 = arith.constant 32 : i32
      %lt3A_259 = arith.cmpi slt, %add3A_257, %lt3A_258 : i32
      %convert_element_type3A = arith.extui %lt3A_259 : i1 to i32
      %cond3A = arith.constant 0 : i32
      %cond3A_260 = arith.cmpi ne, %convert_element_type3A, %cond3A : i32
      scf.if %cond3A_260 {
        %add3A_484 = arith.constant 2 : i32
        %add3A_485 = arith.addi %add3A_255, %add3A_484 : i32
        %mul3A_486 = arith.constant 128 : i32
        %mul3A_487 = arith.muli %add3A_485, %mul3A_486 : i32
        %dma_start3A_488 = arith.constant 256 : i32
        %dma_start3A_489 = arith.constant 0 : i32
        %dma_start3A_490 = tpu.memref_slice %arg6[%dma_start3A_488, %dma_start3A_489] : memref<512x128xf32, #tpu.memory_space<vmem>> -> memref<128x128xf32, #tpu.memory_space<vmem>>
        %dma_start3A_491 = tpu.memref_slice %arg2[%add3A_176, %mul3A_487, %mul3A_32] : memref<4x4096x2048xf32, #tpu.memory_space<hbm>> -> memref<1x128x128xf32, #tpu.memory_space<hbm>>
        %dma_start3A_492 = tpu.memref_squeeze %dma_start3A_491 : memref<1x128x128xf32, #tpu.memory_space<hbm>> -> memref<128x128xf32, #tpu.memory_space<hbm>>
        %dma_start3A_493 = arith.constant 256 : i32
        %dma_start3A_494 = arith.constant 0 : i32
        %dma_start3A_495 = tpu.memref_slice %arg6[%dma_start3A_493, %dma_start3A_494] : memref<512x128xf32, #tpu.memory_space<vmem>> -> memref<128x128xf32, #tpu.memory_space<vmem>>
        %dma_start3A_496 = tpu.memref_slice %arg2[%add3A_176, %mul3A_487, %mul3A_32] : memref<4x4096x2048xf32, #tpu.memory_space<hbm>> -> memref<1x128x128xf32, #tpu.memory_space<hbm>>
        %dma_start3A_497 = tpu.memref_squeeze %dma_start3A_496 : memref<1x128x128xf32, #tpu.memory_space<hbm>> -> memref<128x128xf32, #tpu.memory_space<hbm>>
        tpu.enqueue_dma source(%dma_start3A_497 : memref<128x128xf32, #tpu.memory_space<hbm>>) target(%dma_start3A_495 : memref<128x128xf32, #tpu.memory_space<vmem>>) target_semaphore(%arg10 : memref<!tpu.dma_semaphore, #tpu.memory_space<semaphore_mem>>)
      } else {
      }
      %eq3A_261 = arith.constant 0 : i32
      %eq3A_262 = arith.cmpi eq, %add3A_255, %eq3A_261 : i32
      %convert_element_type3A_263 = arith.extui %eq3A_262 : i1 to i32
      %cond3A_264 = arith.constant 0 : i32
      %cond3A_265 = arith.cmpi ne, %convert_element_type3A_263, %cond3A_264 : i32
      scf.if %cond3A_265 {
        %dma_wait3A_484 = arith.constant 0 : i32
        %dma_wait3A_485 = arith.constant 384 : i32
        %dma_wait3A_486 = arith.constant 0 : i32
        %dma_wait3A_487 = tpu.memref_slice %arg6[%dma_wait3A_485, %dma_wait3A_486] : memref<512x128xf32, #tpu.memory_space<vmem>> -> memref<128x128xf32, #tpu.memory_space<vmem>>
        %dma_wait3A_488 = arith.constant 0 : i32
        %dma_wait3A_489 = tpu.memref_slice %arg2[%dma_wait3A_484, %dma_wait3A_488, %mul3A_32] : memref<4x4096x2048xf32, #tpu.memory_space<hbm>> -> memref<1x128x128xf32, #tpu.memory_space<hbm>>
        %dma_wait3A_490 = tpu.memref_squeeze %dma_wait3A_489 : memref<1x128x128xf32, #tpu.memory_space<hbm>> -> memref<128x128xf32, #tpu.memory_space<hbm>>
        %dma_wait3A_491 = arith.constant 384 : i32
        %dma_wait3A_492 = arith.constant 0 : i32
        %dma_wait3A_493 = tpu.memref_slice %arg6[%dma_wait3A_491, %dma_wait3A_492] : memref<512x128xf32, #tpu.memory_space<vmem>> -> memref<128x128xf32, #tpu.memory_space<vmem>>
        %dma_wait3A_494 = arith.constant 0 : i32
        %dma_wait3A_495 = tpu.memref_slice %arg2[%dma_wait3A_484, %dma_wait3A_494, %mul3A_32] : memref<4x4096x2048xf32, #tpu.memory_space<hbm>> -> memref<1x128x128xf32, #tpu.memory_space<hbm>>
        %dma_wait3A_496 = tpu.memref_squeeze %dma_wait3A_495 : memref<1x128x128xf32, #tpu.memory_space<hbm>> -> memref<128x128xf32, #tpu.memory_space<hbm>>
        tpu.wait_dma2 semaphore(%arg11 : memref<!tpu.dma_semaphore, #tpu.memory_space<semaphore_mem>>) src(%dma_wait3A_496 : memref<128x128xf32, #tpu.memory_space<hbm>>) dst(%dma_wait3A_493 : memref<128x128xf32, #tpu.memory_space<vmem>>)
      } else {
      }
      %dma_wait3A_266 = arith.constant 0 : i32
      %dma_wait3A_267 = arith.constant 0 : i32
      %dma_wait3A_268 = arith.constant 0 : i32
      %dma_wait3A_269 = tpu.memref_slice %arg6[%dma_wait3A_267, %dma_wait3A_268] : memref<512x128xf32, #tpu.memory_space<vmem>> -> memref<128x128xf32, #tpu.memory_space<vmem>>
      %dma_wait3A_270 = arith.constant 0 : i32
      %dma_wait3A_271 = tpu.memref_slice %arg2[%dma_wait3A_266, %dma_wait3A_270, %mul3A_32] : memref<4x4096x2048xf32, #tpu.memory_space<hbm>> -> memref<1x128x128xf32, #tpu.memory_space<hbm>>
      %dma_wait3A_272 = tpu.memref_squeeze %dma_wait3A_271 : memref<1x128x128xf32, #tpu.memory_space<hbm>> -> memref<128x128xf32, #tpu.memory_space<hbm>>
      %dma_wait3A_273 = arith.constant 0 : i32
      %dma_wait3A_274 = arith.constant 0 : i32
      %dma_wait3A_275 = tpu.memref_slice %arg6[%dma_wait3A_273, %dma_wait3A_274] : memref<512x128xf32, #tpu.memory_space<vmem>> -> memref<128x128xf32, #tpu.memory_space<vmem>>
      %dma_wait3A_276 = arith.constant 0 : i32
      %dma_wait3A_277 = tpu.memref_slice %arg2[%dma_wait3A_266, %dma_wait3A_276, %mul3A_32] : memref<4x4096x2048xf32, #tpu.memory_space<hbm>> -> memref<1x128x128xf32, #tpu.memory_space<hbm>>
      %dma_wait3A_278 = tpu.memref_squeeze %dma_wait3A_277 : memref<1x128x128xf32, #tpu.memory_space<hbm>> -> memref<128x128xf32, #tpu.memory_space<hbm>>
      tpu.wait_dma2 semaphore(%arg8 : memref<!tpu.dma_semaphore, #tpu.memory_space<semaphore_mem>>) src(%dma_wait3A_278 : memref<128x128xf32, #tpu.memory_space<hbm>>) dst(%dma_wait3A_275 : memref<128x128xf32, #tpu.memory_space<vmem>>)
      %dma_wait3A_279 = arith.constant 0 : i32
      %dma_wait3A_280 = arith.constant 0 : i32
      %dma_wait3A_281 = arith.constant 0 : i32
      %dma_wait3A_282 = arith.constant 0 : i32
      %dma_wait3A_283 = tpu.memref_slice %arg7[%dma_wait3A_279, %dma_wait3A_281, %dma_wait3A_282] : memref<2x128x128xf32, #tpu.memory_space<vmem>> -> memref<1x128x128xf32, #tpu.memory_space<vmem>>
      %dma_wait3A_284 = tpu.memref_squeeze %dma_wait3A_283 : memref<1x128x128xf32, #tpu.memory_space<vmem>> -> memref<128x128xf32, #tpu.memory_space<vmem>>
      %dma_wait3A_285 = arith.constant 0 : i32
      %dma_wait3A_286 = tpu.memref_slice %arg4[%dma_wait3A_280, %dma_wait3A_285, %mul3A_32] : memref<4x4096x2048xf32, #tpu.memory_space<hbm>> -> memref<1x128x128xf32, #tpu.memory_space<hbm>>
      %dma_wait3A_287 = tpu.memref_squeeze %dma_wait3A_286 : memref<1x128x128xf32, #tpu.memory_space<hbm>> -> memref<128x128xf32, #tpu.memory_space<hbm>>
      %dma_wait3A_288 = arith.constant 0 : i32
      %dma_wait3A_289 = tpu.memref_slice %arg4[%dma_wait3A_280, %dma_wait3A_288, %mul3A_32] : memref<4x4096x2048xf32, #tpu.memory_space<hbm>> -> memref<1x128x128xf32, #tpu.memory_space<hbm>>
      %dma_wait3A_290 = tpu.memref_squeeze %dma_wait3A_289 : memref<1x128x128xf32, #tpu.memory_space<hbm>> -> memref<128x128xf32, #tpu.memory_space<hbm>>
      %dma_wait3A_291 = arith.constant 0 : i32
      %dma_wait3A_292 = arith.constant 0 : i32
      %dma_wait3A_293 = tpu.memref_slice %arg7[%dma_wait3A_279, %dma_wait3A_291, %dma_wait3A_292] : memref<2x128x128xf32, #tpu.memory_space<vmem>> -> memref<1x128x128xf32, #tpu.memory_space<vmem>>
      %dma_wait3A_294 = tpu.memref_squeeze %dma_wait3A_293 : memref<1x128x128xf32, #tpu.memory_space<vmem>> -> memref<128x128xf32, #tpu.memory_space<vmem>>
      tpu.wait_dma2 semaphore(%arg12 : memref<!tpu.dma_semaphore, #tpu.memory_space<semaphore_mem>>) src(%dma_wait3A_294 : memref<128x128xf32, #tpu.memory_space<vmem>>) dst(%dma_wait3A_290 : memref<128x128xf32, #tpu.memory_space<hbm>>)
      %parallel_loop3A = arith.constant 0 : i32
      %parallel_loop3A_295 = arith.constant 64 : i32
      %parallel_loop3A_296 = arith.constant 1 : i32
      %parallel_loop3A_297 = arith.constant 0 : i32
      scf.for %parallel_loop3A_484 = %parallel_loop3A to %parallel_loop3A_295 step %parallel_loop3A_296  : i32 {
        %parallel_loop3A_485 = arith.constant 2 : i32
        %parallel_loop3A_486 = arith.muli %parallel_loop3A_485, %parallel_loop3A_484 : i32
        %parallel_loop3A_487 = arith.constant 7 : i32
        %parallel_loop3A_488 = arith.shli %parallel_loop3A_486, %parallel_loop3A_487 : i32
        %parallel_loop3A_489 = arith.constant 0 : i32
        %parallel_loop3A_490 = arith.addi %parallel_loop3A_488, %parallel_loop3A_489 : i32
        %parallel_loop3A_491 = vector.broadcast %parallel_loop3A_490 : i32 to vector<16xi32>
        %parallel_loop3A_492 = arith.addi %add3A_45, %parallel_loop3A_491 : vector<16xi32>
        %parallel_loop3A_493 = vector.broadcast %parallel_loop3A_490 : i32 to vector<16xi32>
        %parallel_loop3A_494 = arith.addi %add3A_57, %parallel_loop3A_493 : vector<16xi32>
        %parallel_loop3A_495 = vector.broadcast %parallel_loop3A_490 : i32 to vector<16xi32>
        %parallel_loop3A_496 = arith.addi %add3A_69, %parallel_loop3A_495 : vector<16xi32>
        %parallel_loop3A_497 = vector.broadcast %parallel_loop3A_490 : i32 to vector<16xi32>
        %parallel_loop3A_498 = arith.addi %add3A_81, %parallel_loop3A_497 : vector<16xi32>
        %parallel_loop3A_499 = vector.broadcast %parallel_loop3A_490 : i32 to vector<16xi32>
        %parallel_loop3A_500 = arith.addi %add3A_93, %parallel_loop3A_499 : vector<16xi32>
        %parallel_loop3A_501 = vector.broadcast %parallel_loop3A_490 : i32 to vector<16xi32>
        %parallel_loop3A_502 = arith.addi %add3A_105, %parallel_loop3A_501 : vector<16xi32>
        %parallel_loop3A_503 = vector.broadcast %parallel_loop3A_490 : i32 to vector<16xi32>
        %parallel_loop3A_504 = arith.addi %add3A_117, %parallel_loop3A_503 : vector<16xi32>
        %parallel_loop3A_505 = vector.broadcast %parallel_loop3A_490 : i32 to vector<16xi32>
        %parallel_loop3A_506 = arith.addi %add3A_129, %parallel_loop3A_505 : vector<16xi32>
        %parallel_loop3A_507 = arith.constant 65535 : i32
        %parallel_loop3A_508 = vector.broadcast %parallel_loop3A_507 : i32 to vector<16xi32>
        %parallel_loop3A_509 = arith.andi %parallel_loop3A_492, %parallel_loop3A_508 : vector<16xi32>
        %parallel_loop3A_510 = arith.constant 65535 : i32
        %parallel_loop3A_511 = vector.broadcast %parallel_loop3A_510 : i32 to vector<16xi32>
        %parallel_loop3A_512 = arith.andi %parallel_loop3A_494, %parallel_loop3A_511 : vector<16xi32>
        %parallel_loop3A_513 = arith.constant 65535 : i32
        %parallel_loop3A_514 = vector.broadcast %parallel_loop3A_513 : i32 to vector<16xi32>
        %parallel_loop3A_515 = arith.andi %parallel_loop3A_496, %parallel_loop3A_514 : vector<16xi32>
        %parallel_loop3A_516 = arith.constant 65535 : i32
        %parallel_loop3A_517 = vector.broadcast %parallel_loop3A_516 : i32 to vector<16xi32>
        %parallel_loop3A_518 = arith.andi %parallel_loop3A_498, %parallel_loop3A_517 : vector<16xi32>
        %parallel_loop3A_519 = arith.constant 65535 : i32
        %parallel_loop3A_520 = vector.broadcast %parallel_loop3A_519 : i32 to vector<16xi32>
        %parallel_loop3A_521 = arith.andi %parallel_loop3A_500, %parallel_loop3A_520 : vector<16xi32>
        %parallel_loop3A_522 = arith.constant 65535 : i32
        %parallel_loop3A_523 = vector.broadcast %parallel_loop3A_522 : i32 to vector<16xi32>
        %parallel_loop3A_524 = arith.andi %parallel_loop3A_502, %parallel_loop3A_523 : vector<16xi32>
        %parallel_loop3A_525 = arith.constant 65535 : i32
        %parallel_loop3A_526 = vector.broadcast %parallel_loop3A_525 : i32 to vector<16xi32>
        %parallel_loop3A_527 = arith.andi %parallel_loop3A_504, %parallel_loop3A_526 : vector<16xi32>
        %parallel_loop3A_528 = arith.constant 65535 : i32
        %parallel_loop3A_529 = vector.broadcast %parallel_loop3A_528 : i32 to vector<16xi32>
        %parallel_loop3A_530 = arith.andi %parallel_loop3A_506, %parallel_loop3A_529 : vector<16xi32>
        %parallel_loop3A_531 = arith.constant 128 : i32
        %parallel_loop3A_532 = vector.broadcast %parallel_loop3A_531 : i32 to vector<16xi32>
        %parallel_loop3A_533 = arith.addi %parallel_loop3A_492, %parallel_loop3A_532 : vector<16xi32>
        %parallel_loop3A_534 = arith.constant 65535 : i32
        %parallel_loop3A_535 = vector.broadcast %parallel_loop3A_534 : i32 to vector<16xi32>
        %parallel_loop3A_536 = arith.andi %parallel_loop3A_533, %parallel_loop3A_535 : vector<16xi32>
        %parallel_loop3A_537 = arith.constant 128 : i32
        %parallel_loop3A_538 = vector.broadcast %parallel_loop3A_537 : i32 to vector<16xi32>
        %parallel_loop3A_539 = arith.addi %parallel_loop3A_494, %parallel_loop3A_538 : vector<16xi32>
        %parallel_loop3A_540 = arith.constant 65535 : i32
        %parallel_loop3A_541 = vector.broadcast %parallel_loop3A_540 : i32 to vector<16xi32>
        %parallel_loop3A_542 = arith.andi %parallel_loop3A_539, %parallel_loop3A_541 : vector<16xi32>
        %parallel_loop3A_543 = arith.constant 128 : i32
        %parallel_loop3A_544 = vector.broadcast %parallel_loop3A_543 : i32 to vector<16xi32>
        %parallel_loop3A_545 = arith.addi %parallel_loop3A_496, %parallel_loop3A_544 : vector<16xi32>
        %parallel_loop3A_546 = arith.constant 65535 : i32
        %parallel_loop3A_547 = vector.broadcast %parallel_loop3A_546 : i32 to vector<16xi32>
        %parallel_loop3A_548 = arith.andi %parallel_loop3A_545, %parallel_loop3A_547 : vector<16xi32>
        %parallel_loop3A_549 = arith.constant 128 : i32
        %parallel_loop3A_550 = vector.broadcast %parallel_loop3A_549 : i32 to vector<16xi32>
        %parallel_loop3A_551 = arith.addi %parallel_loop3A_498, %parallel_loop3A_550 : vector<16xi32>
        %parallel_loop3A_552 = arith.constant 65535 : i32
        %parallel_loop3A_553 = vector.broadcast %parallel_loop3A_552 : i32 to vector<16xi32>
        %parallel_loop3A_554 = arith.andi %parallel_loop3A_551, %parallel_loop3A_553 : vector<16xi32>
        %parallel_loop3A_555 = arith.constant 128 : i32
        %parallel_loop3A_556 = vector.broadcast %parallel_loop3A_555 : i32 to vector<16xi32>
        %parallel_loop3A_557 = arith.addi %parallel_loop3A_500, %parallel_loop3A_556 : vector<16xi32>
        %parallel_loop3A_558 = arith.constant 65535 : i32
        %parallel_loop3A_559 = vector.broadcast %parallel_loop3A_558 : i32 to vector<16xi32>
        %parallel_loop3A_560 = arith.andi %parallel_loop3A_557, %parallel_loop3A_559 : vector<16xi32>
        %parallel_loop3A_561 = arith.constant 128 : i32
        %parallel_loop3A_562 = vector.broadcast %parallel_loop3A_561 : i32 to vector<16xi32>
        %parallel_loop3A_563 = arith.addi %parallel_loop3A_502, %parallel_loop3A_562 : vector<16xi32>
        %parallel_loop3A_564 = arith.constant 65535 : i32
        %parallel_loop3A_565 = vector.broadcast %parallel_loop3A_564 : i32 to vector<16xi32>
        %parallel_loop3A_566 = arith.andi %parallel_loop3A_563, %parallel_loop3A_565 : vector<16xi32>
        %parallel_loop3A_567 = arith.constant 128 : i32
        %parallel_loop3A_568 = vector.broadcast %parallel_loop3A_567 : i32 to vector<16xi32>
        %parallel_loop3A_569 = arith.addi %parallel_loop3A_504, %parallel_loop3A_568 : vector<16xi32>
        %parallel_loop3A_570 = arith.constant 65535 : i32
        %parallel_loop3A_571 = vector.broadcast %parallel_loop3A_570 : i32 to vector<16xi32>
        %parallel_loop3A_572 = arith.andi %parallel_loop3A_569, %parallel_loop3A_571 : vector<16xi32>
        %parallel_loop3A_573 = arith.constant 128 : i32
        %parallel_loop3A_574 = vector.broadcast %parallel_loop3A_573 : i32 to vector<16xi32>
        %parallel_loop3A_575 = arith.addi %parallel_loop3A_506, %parallel_loop3A_574 : vector<16xi32>
        %parallel_loop3A_576 = arith.constant 65535 : i32
        %parallel_loop3A_577 = vector.broadcast %parallel_loop3A_576 : i32 to vector<16xi32>
        %parallel_loop3A_578 = arith.andi %parallel_loop3A_575, %parallel_loop3A_577 : vector<16xi32>
        %parallel_loop3A_579 = tpu.vector_load_idx %arg6[%mul3A_35, %parallel_loop3A_509] : memref<512x128xf32, #tpu.memory_space<vmem>>[vector<16xi32>, vector<16xi32>], vector<16xf32>,
        %parallel_loop3A_580 = tpu.vector_load_idx %arg6[%mul3A_35, %parallel_loop3A_512] : memref<512x128xf32, #tpu.memory_space<vmem>>[vector<16xi32>, vector<16xi32>], vector<16xf32>,
        %parallel_loop3A_581 = tpu.vector_load_idx %arg6[%mul3A_35, %parallel_loop3A_515] : memref<512x128xf32, #tpu.memory_space<vmem>>[vector<16xi32>, vector<16xi32>], vector<16xf32>,
        %parallel_loop3A_582 = tpu.vector_load_idx %arg6[%mul3A_35, %parallel_loop3A_518] : memref<512x128xf32, #tpu.memory_space<vmem>>[vector<16xi32>, vector<16xi32>], vector<16xf32>,
        %parallel_loop3A_583 = tpu.vector_load_idx %arg6[%mul3A_35, %parallel_loop3A_521] : memref<512x128xf32, #tpu.memory_space<vmem>>[vector<16xi32>, vector<16xi32>], vector<16xf32>,
        %parallel_loop3A_584 = tpu.vector_load_idx %arg6[%mul3A_35, %parallel_loop3A_524] : memref<512x128xf32, #tpu.memory_space<vmem>>[vector<16xi32>, vector<16xi32>], vector<16xf32>,
        %parallel_loop3A_585 = tpu.vector_load_idx %arg6[%mul3A_35, %parallel_loop3A_527] : memref<512x128xf32, #tpu.memory_space<vmem>>[vector<16xi32>, vector<16xi32>], vector<16xf32>,
        %parallel_loop3A_586 = tpu.vector_load_idx %arg6[%mul3A_35, %parallel_loop3A_530] : memref<512x128xf32, #tpu.memory_space<vmem>>[vector<16xi32>, vector<16xi32>], vector<16xf32>,
        %parallel_loop3A_587 = tpu.vector_load_idx %arg6[%mul3A_35, %parallel_loop3A_536] : memref<512x128xf32, #tpu.memory_space<vmem>>[vector<16xi32>, vector<16xi32>], vector<16xf32>,
        %parallel_loop3A_588 = tpu.vector_load_idx %arg6[%mul3A_35, %parallel_loop3A_542] : memref<512x128xf32, #tpu.memory_space<vmem>>[vector<16xi32>, vector<16xi32>], vector<16xf32>,
        %parallel_loop3A_589 = tpu.vector_load_idx %arg6[%mul3A_35, %parallel_loop3A_548] : memref<512x128xf32, #tpu.memory_space<vmem>>[vector<16xi32>, vector<16xi32>], vector<16xf32>,
        %parallel_loop3A_590 = tpu.vector_load_idx %arg6[%mul3A_35, %parallel_loop3A_554] : memref<512x128xf32, #tpu.memory_space<vmem>>[vector<16xi32>, vector<16xi32>], vector<16xf32>,
        %parallel_loop3A_591 = tpu.vector_load_idx %arg6[%mul3A_35, %parallel_loop3A_560] : memref<512x128xf32, #tpu.memory_space<vmem>>[vector<16xi32>, vector<16xi32>], vector<16xf32>,
        %parallel_loop3A_592 = tpu.vector_load_idx %arg6[%mul3A_35, %parallel_loop3A_566] : memref<512x128xf32, #tpu.memory_space<vmem>>[vector<16xi32>, vector<16xi32>], vector<16xf32>,
        %parallel_loop3A_593 = tpu.vector_load_idx %arg6[%mul3A_35, %parallel_loop3A_572] : memref<512x128xf32, #tpu.memory_space<vmem>>[vector<16xi32>, vector<16xi32>], vector<16xf32>,
        %parallel_loop3A_594 = tpu.vector_load_idx %arg6[%mul3A_35, %parallel_loop3A_578] : memref<512x128xf32, #tpu.memory_space<vmem>>[vector<16xi32>, vector<16xi32>], vector<16xf32>,
        %parallel_loop3A_595 = arith.constant 2 : i32
        %parallel_loop3A_596 = arith.muli %parallel_loop3A_595, %parallel_loop3A_484 : i32
        %parallel_loop3A_597 = arith.minimumf %parallel_loop3A_579, %parallel_loop3A_587 : vector<16xf32>
        %parallel_loop3A_598 = arith.constant 0 : i32
        %parallel_loop3A_599 = arith.constant 0 : i32
        %parallel_loop3A_600 = tpu.memref_slice %arg7[%parallel_loop3A_297, %parallel_loop3A_598, %parallel_loop3A_599] : memref<2x128x128xf32, #tpu.memory_space<vmem>> -> memref<1x128x128xf32, #tpu.memory_space<vmem>>
        %parallel_loop3A_601 = tpu.memref_squeeze %parallel_loop3A_600 : memref<1x128x128xf32, #tpu.memory_space<vmem>> -> memref<128x128xf32, #tpu.memory_space<vmem>>
        %parallel_loop3A_602 = arith.index_cast %parallel_loop3A_596 : i32 to index
        %parallel_loop3A_603 = arith.constant 0 : index
        %parallel_loop3A_604 = tpu.vector_load %parallel_loop3A_601[%parallel_loop3A_602, %parallel_loop3A_603] {strides = array<i32>} : memref<128x128xf32, #tpu.memory_space<vmem>>, vector<16xf32>,
        tpu.vector_store %parallel_loop3A_601[%parallel_loop3A_602, %parallel_loop3A_603], %parallel_loop3A_597 {strides = array<i32>} : memref<128x128xf32, #tpu.memory_space<vmem>>, vector<16xf32>,
        %parallel_loop3A_605 = arith.maximumf %parallel_loop3A_579, %parallel_loop3A_587 : vector<16xf32>
        %parallel_loop3A_606 = arith.constant 1 : i32
        %parallel_loop3A_607 = arith.addi %parallel_loop3A_596, %parallel_loop3A_606 : i32
        %parallel_loop3A_608 = arith.constant 0 : i32
        %parallel_loop3A_609 = arith.constant 0 : i32
        %parallel_loop3A_610 = tpu.memref_slice %arg7[%parallel_loop3A_297, %parallel_loop3A_608, %parallel_loop3A_609] : memref<2x128x128xf32, #tpu.memory_space<vmem>> -> memref<1x128x128xf32, #tpu.memory_space<vmem>>
        %parallel_loop3A_611 = tpu.memref_squeeze %parallel_loop3A_610 : memref<1x128x128xf32, #tpu.memory_space<vmem>> -> memref<128x128xf32, #tpu.memory_space<vmem>>
        %parallel_loop3A_612 = arith.index_cast %parallel_loop3A_607 : i32 to index
        %parallel_loop3A_613 = arith.constant 0 : index
        %parallel_loop3A_614 = tpu.vector_load %parallel_loop3A_611[%parallel_loop3A_612, %parallel_loop3A_613] {strides = array<i32>} : memref<128x128xf32, #tpu.memory_space<vmem>>, vector<16xf32>,
        tpu.vector_store %parallel_loop3A_611[%parallel_loop3A_612, %parallel_loop3A_613], %parallel_loop3A_605 {strides = array<i32>} : memref<128x128xf32, #tpu.memory_space<vmem>>, vector<16xf32>,
        %parallel_loop3A_615 = arith.minimumf %parallel_loop3A_580, %parallel_loop3A_588 : vector<16xf32>
        %parallel_loop3A_616 = arith.constant 0 : i32
        %parallel_loop3A_617 = arith.constant 0 : i32
        %parallel_loop3A_618 = tpu.memref_slice %arg7[%parallel_loop3A_297, %parallel_loop3A_616, %parallel_loop3A_617] : memref<2x128x128xf32, #tpu.memory_space<vmem>> -> memref<1x128x128xf32, #tpu.memory_space<vmem>>
        %parallel_loop3A_619 = tpu.memref_squeeze %parallel_loop3A_618 : memref<1x128x128xf32, #tpu.memory_space<vmem>> -> memref<128x128xf32, #tpu.memory_space<vmem>>
        %parallel_loop3A_620 = arith.index_cast %parallel_loop3A_596 : i32 to index
        %parallel_loop3A_621 = arith.constant 16 : index
        %parallel_loop3A_622 = tpu.vector_load %parallel_loop3A_619[%parallel_loop3A_620, %parallel_loop3A_621] {strides = array<i32>} : memref<128x128xf32, #tpu.memory_space<vmem>>, vector<16xf32>,
        tpu.vector_store %parallel_loop3A_619[%parallel_loop3A_620, %parallel_loop3A_621], %parallel_loop3A_615 {strides = array<i32>} : memref<128x128xf32, #tpu.memory_space<vmem>>, vector<16xf32>,
        %parallel_loop3A_623 = arith.maximumf %parallel_loop3A_580, %parallel_loop3A_588 : vector<16xf32>
        %parallel_loop3A_624 = arith.constant 1 : i32
        %parallel_loop3A_625 = arith.addi %parallel_loop3A_596, %parallel_loop3A_624 : i32
        %parallel_loop3A_626 = arith.constant 0 : i32
        %parallel_loop3A_627 = arith.constant 0 : i32
        %parallel_loop3A_628 = tpu.memref_slice %arg7[%parallel_loop3A_297, %parallel_loop3A_626, %parallel_loop3A_627] : memref<2x128x128xf32, #tpu.memory_space<vmem>> -> memref<1x128x128xf32, #tpu.memory_space<vmem>>
        %parallel_loop3A_629 = tpu.memref_squeeze %parallel_loop3A_628 : memref<1x128x128xf32, #tpu.memory_space<vmem>> -> memref<128x128xf32, #tpu.memory_space<vmem>>
        %parallel_loop3A_630 = arith.index_cast %parallel_loop3A_625 : i32 to index
        %parallel_loop3A_631 = arith.constant 16 : index
        %parallel_loop3A_632 = tpu.vector_load %parallel_loop3A_629[%parallel_loop3A_630, %parallel_loop3A_631] {strides = array<i32>} : memref<128x128xf32, #tpu.memory_space<vmem>>, vector<16xf32>,
        tpu.vector_store %parallel_loop3A_629[%parallel_loop3A_630, %parallel_loop3A_631], %parallel_loop3A_623 {strides = array<i32>} : memref<128x128xf32, #tpu.memory_space<vmem>>, vector<16xf32>,
        %parallel_loop3A_633 = arith.minimumf %parallel_loop3A_581, %parallel_loop3A_589 : vector<16xf32>
        %parallel_loop3A_634 = arith.constant 0 : i32
        %parallel_loop3A_635 = arith.constant 0 : i32
        %parallel_loop3A_636 = tpu.memref_slice %arg7[%parallel_loop3A_297, %parallel_loop3A_634, %parallel_loop3A_635] : memref<2x128x128xf32, #tpu.memory_space<vmem>> -> memref<1x128x128xf32, #tpu.memory_space<vmem>>
        %parallel_loop3A_637 = tpu.memref_squeeze %parallel_loop3A_636 : memref<1x128x128xf32, #tpu.memory_space<vmem>> -> memref<128x128xf32, #tpu.memory_space<vmem>>
        %parallel_loop3A_638 = arith.index_cast %parallel_loop3A_596 : i32 to index
        %parallel_loop3A_639 = arith.constant 32 : index
        %parallel_loop3A_640 = tpu.vector_load %parallel_loop3A_637[%parallel_loop3A_638, %parallel_loop3A_639] {strides = array<i32>} : memref<128x128xf32, #tpu.memory_space<vmem>>, vector<16xf32>,
        tpu.vector_store %parallel_loop3A_637[%parallel_loop3A_638, %parallel_loop3A_639], %parallel_loop3A_633 {strides = array<i32>} : memref<128x128xf32, #tpu.memory_space<vmem>>, vector<16xf32>,
        %parallel_loop3A_641 = arith.maximumf %parallel_loop3A_581, %parallel_loop3A_589 : vector<16xf32>
        %parallel_loop3A_642 = arith.constant 1 : i32
        %parallel_loop3A_643 = arith.addi %parallel_loop3A_596, %parallel_loop3A_642 : i32
        %parallel_loop3A_644 = arith.constant 0 : i32
        %parallel_loop3A_645 = arith.constant 0 : i32
        %parallel_loop3A_646 = tpu.memref_slice %arg7[%parallel_loop3A_297, %parallel_loop3A_644, %parallel_loop3A_645] : memref<2x128x128xf32, #tpu.memory_space<vmem>> -> memref<1x128x128xf32, #tpu.memory_space<vmem>>
        %parallel_loop3A_647 = tpu.memref_squeeze %parallel_loop3A_646 : memref<1x128x128xf32, #tpu.memory_space<vmem>> -> memref<128x128xf32, #tpu.memory_space<vmem>>
        %parallel_loop3A_648 = arith.index_cast %parallel_loop3A_643 : i32 to index
        %parallel_loop3A_649 = arith.constant 32 : index
        %parallel_loop3A_650 = tpu.vector_load %parallel_loop3A_647[%parallel_loop3A_648, %parallel_loop3A_649] {strides = array<i32>} : memref<128x128xf32, #tpu.memory_space<vmem>>, vector<16xf32>,
        tpu.vector_store %parallel_loop3A_647[%parallel_loop3A_648, %parallel_loop3A_649], %parallel_loop3A_641 {strides = array<i32>} : memref<128x128xf32, #tpu.memory_space<vmem>>, vector<16xf32>,
        %parallel_loop3A_651 = arith.minimumf %parallel_loop3A_582, %parallel_loop3A_590 : vector<16xf32>
        %parallel_loop3A_652 = arith.constant 0 : i32
        %parallel_loop3A_653 = arith.constant 0 : i32
        %parallel_loop3A_654 = tpu.memref_slice %arg7[%parallel_loop3A_297, %parallel_loop3A_652, %parallel_loop3A_653] : memref<2x128x128xf32, #tpu.memory_space<vmem>> -> memref<1x128x128xf32, #tpu.memory_space<vmem>>
        %parallel_loop3A_655 = tpu.memref_squeeze %parallel_loop3A_654 : memref<1x128x128xf32, #tpu.memory_space<vmem>> -> memref<128x128xf32, #tpu.memory_space<vmem>>
        %parallel_loop3A_656 = arith.index_cast %parallel_loop3A_596 : i32 to index
        %parallel_loop3A_657 = arith.constant 48 : index
        %parallel_loop3A_658 = tpu.vector_load %parallel_loop3A_655[%parallel_loop3A_656, %parallel_loop3A_657] {strides = array<i32>} : memref<128x128xf32, #tpu.memory_space<vmem>>, vector<16xf32>,
        tpu.vector_store %parallel_loop3A_655[%parallel_loop3A_656, %parallel_loop3A_657], %parallel_loop3A_651 {strides = array<i32>} : memref<128x128xf32, #tpu.memory_space<vmem>>, vector<16xf32>,
        %parallel_loop3A_659 = arith.maximumf %parallel_loop3A_582, %parallel_loop3A_590 : vector<16xf32>
        %parallel_loop3A_660 = arith.constant 1 : i32
        %parallel_loop3A_661 = arith.addi %parallel_loop3A_596, %parallel_loop3A_660 : i32
        %parallel_loop3A_662 = arith.constant 0 : i32
        %parallel_loop3A_663 = arith.constant 0 : i32
        %parallel_loop3A_664 = tpu.memref_slice %arg7[%parallel_loop3A_297, %parallel_loop3A_662, %parallel_loop3A_663] : memref<2x128x128xf32, #tpu.memory_space<vmem>> -> memref<1x128x128xf32, #tpu.memory_space<vmem>>
        %parallel_loop3A_665 = tpu.memref_squeeze %parallel_loop3A_664 : memref<1x128x128xf32, #tpu.memory_space<vmem>> -> memref<128x128xf32, #tpu.memory_space<vmem>>
        %parallel_loop3A_666 = arith.index_cast %parallel_loop3A_661 : i32 to index
        %parallel_loop3A_667 = arith.constant 48 : index
        %parallel_loop3A_668 = tpu.vector_load %parallel_loop3A_665[%parallel_loop3A_666, %parallel_loop3A_667] {strides = array<i32>} : memref<128x128xf32, #tpu.memory_space<vmem>>, vector<16xf32>,
        tpu.vector_store %parallel_loop3A_665[%parallel_loop3A_666, %parallel_loop3A_667], %parallel_loop3A_659 {strides = array<i32>} : memref<128x128xf32, #tpu.memory_space<vmem>>, vector<16xf32>,
        %parallel_loop3A_669 = arith.minimumf %parallel_loop3A_583, %parallel_loop3A_591 : vector<16xf32>
        %parallel_loop3A_670 = arith.constant 0 : i32
        %parallel_loop3A_671 = arith.constant 0 : i32
        %parallel_loop3A_672 = tpu.memref_slice %arg7[%parallel_loop3A_297, %parallel_loop3A_670, %parallel_loop3A_671] : memref<2x128x128xf32, #tpu.memory_space<vmem>> -> memref<1x128x128xf32, #tpu.memory_space<vmem>>
        %parallel_loop3A_673 = tpu.memref_squeeze %parallel_loop3A_672 : memref<1x128x128xf32, #tpu.memory_space<vmem>> -> memref<128x128xf32, #tpu.memory_space<vmem>>
        %parallel_loop3A_674 = arith.index_cast %parallel_loop3A_596 : i32 to index
        %parallel_loop3A_675 = arith.constant 64 : index
        %parallel_loop3A_676 = tpu.vector_load %parallel_loop3A_673[%parallel_loop3A_674, %parallel_loop3A_675] {strides = array<i32>} : memref<128x128xf32, #tpu.memory_space<vmem>>, vector<16xf32>,
        tpu.vector_store %parallel_loop3A_673[%parallel_loop3A_674, %parallel_loop3A_675], %parallel_loop3A_669 {strides = array<i32>} : memref<128x128xf32, #tpu.memory_space<vmem>>, vector<16xf32>,
        %parallel_loop3A_677 = arith.maximumf %parallel_loop3A_583, %parallel_loop3A_591 : vector<16xf32>
        %parallel_loop3A_678 = arith.constant 1 : i32
        %parallel_loop3A_679 = arith.addi %parallel_loop3A_596, %parallel_loop3A_678 : i32
        %parallel_loop3A_680 = arith.constant 0 : i32
        %parallel_loop3A_681 = arith.constant 0 : i32
        %parallel_loop3A_682 = tpu.memref_slice %arg7[%parallel_loop3A_297, %parallel_loop3A_680, %parallel_loop3A_681] : memref<2x128x128xf32, #tpu.memory_space<vmem>> -> memref<1x128x128xf32, #tpu.memory_space<vmem>>
        %parallel_loop3A_683 = tpu.memref_squeeze %parallel_loop3A_682 : memref<1x128x128xf32, #tpu.memory_space<vmem>> -> memref<128x128xf32, #tpu.memory_space<vmem>>
        %parallel_loop3A_684 = arith.index_cast %parallel_loop3A_679 : i32 to index
        %parallel_loop3A_685 = arith.constant 64 : index
        %parallel_loop3A_686 = tpu.vector_load %parallel_loop3A_683[%parallel_loop3A_684, %parallel_loop3A_685] {strides = array<i32>} : memref<128x128xf32, #tpu.memory_space<vmem>>, vector<16xf32>,
        tpu.vector_store %parallel_loop3A_683[%parallel_loop3A_684, %parallel_loop3A_685], %parallel_loop3A_677 {strides = array<i32>} : memref<128x128xf32, #tpu.memory_space<vmem>>, vector<16xf32>,
        %parallel_loop3A_687 = arith.minimumf %parallel_loop3A_584, %parallel_loop3A_592 : vector<16xf32>
        %parallel_loop3A_688 = arith.constant 0 : i32
        %parallel_loop3A_689 = arith.constant 0 : i32
        %parallel_loop3A_690 = tpu.memref_slice %arg7[%parallel_loop3A_297, %parallel_loop3A_688, %parallel_loop3A_689] : memref<2x128x128xf32, #tpu.memory_space<vmem>> -> memref<1x128x128xf32, #tpu.memory_space<vmem>>
        %parallel_loop3A_691 = tpu.memref_squeeze %parallel_loop3A_690 : memref<1x128x128xf32, #tpu.memory_space<vmem>> -> memref<128x128xf32, #tpu.memory_space<vmem>>
        %parallel_loop3A_692 = arith.index_cast %parallel_loop3A_596 : i32 to index
        %parallel_loop3A_693 = arith.constant 80 : index
        %parallel_loop3A_694 = tpu.vector_load %parallel_loop3A_691[%parallel_loop3A_692, %parallel_loop3A_693] {strides = array<i32>} : memref<128x128xf32, #tpu.memory_space<vmem>>, vector<16xf32>,
        tpu.vector_store %parallel_loop3A_691[%parallel_loop3A_692, %parallel_loop3A_693], %parallel_loop3A_687 {strides = array<i32>} : memref<128x128xf32, #tpu.memory_space<vmem>>, vector<16xf32>,
        %parallel_loop3A_695 = arith.maximumf %parallel_loop3A_584, %parallel_loop3A_592 : vector<16xf32>
        %parallel_loop3A_696 = arith.constant 1 : i32
        %parallel_loop3A_697 = arith.addi %parallel_loop3A_596, %parallel_loop3A_696 : i32
        %parallel_loop3A_698 = arith.constant 0 : i32
        %parallel_loop3A_699 = arith.constant 0 : i32
        %parallel_loop3A_700 = tpu.memref_slice %arg7[%parallel_loop3A_297, %parallel_loop3A_698, %parallel_loop3A_699] : memref<2x128x128xf32, #tpu.memory_space<vmem>> -> memref<1x128x128xf32, #tpu.memory_space<vmem>>
        %parallel_loop3A_701 = tpu.memref_squeeze %parallel_loop3A_700 : memref<1x128x128xf32, #tpu.memory_space<vmem>> -> memref<128x128xf32, #tpu.memory_space<vmem>>
        %parallel_loop3A_702 = arith.index_cast %parallel_loop3A_697 : i32 to index
        %parallel_loop3A_703 = arith.constant 80 : index
        %parallel_loop3A_704 = tpu.vector_load %parallel_loop3A_701[%parallel_loop3A_702, %parallel_loop3A_703] {strides = array<i32>} : memref<128x128xf32, #tpu.memory_space<vmem>>, vector<16xf32>,
        tpu.vector_store %parallel_loop3A_701[%parallel_loop3A_702, %parallel_loop3A_703], %parallel_loop3A_695 {strides = array<i32>} : memref<128x128xf32, #tpu.memory_space<vmem>>, vector<16xf32>,
        %parallel_loop3A_705 = arith.minimumf %parallel_loop3A_585, %parallel_loop3A_593 : vector<16xf32>
        %parallel_loop3A_706 = arith.constant 0 : i32
        %parallel_loop3A_707 = arith.constant 0 : i32
        %parallel_loop3A_708 = tpu.memref_slice %arg7[%parallel_loop3A_297, %parallel_loop3A_706, %parallel_loop3A_707] : memref<2x128x128xf32, #tpu.memory_space<vmem>> -> memref<1x128x128xf32, #tpu.memory_space<vmem>>
        %parallel_loop3A_709 = tpu.memref_squeeze %parallel_loop3A_708 : memref<1x128x128xf32, #tpu.memory_space<vmem>> -> memref<128x128xf32, #tpu.memory_space<vmem>>
        %parallel_loop3A_710 = arith.index_cast %parallel_loop3A_596 : i32 to index
        %parallel_loop3A_711 = arith.constant 96 : index
        %parallel_loop3A_712 = tpu.vector_load %parallel_loop3A_709[%parallel_loop3A_710, %parallel_loop3A_711] {strides = array<i32>} : memref<128x128xf32, #tpu.memory_space<vmem>>, vector<16xf32>,
        tpu.vector_store %parallel_loop3A_709[%parallel_loop3A_710, %parallel_loop3A_711], %parallel_loop3A_705 {strides = array<i32>} : memref<128x128xf32, #tpu.memory_space<vmem>>, vector<16xf32>,
        %parallel_loop3A_713 = arith.maximumf %parallel_loop3A_585, %parallel_loop3A_593 : vector<16xf32>
        %parallel_loop3A_714 = arith.constant 1 : i32
        %parallel_loop3A_715 = arith.addi %parallel_loop3A_596, %parallel_loop3A_714 : i32
        %parallel_loop3A_716 = arith.constant 0 : i32
        %parallel_loop3A_717 = arith.constant 0 : i32
        %parallel_loop3A_718 = tpu.memref_slice %arg7[%parallel_loop3A_297, %parallel_loop3A_716, %parallel_loop3A_717] : memref<2x128x128xf32, #tpu.memory_space<vmem>> -> memref<1x128x128xf32, #tpu.memory_space<vmem>>
        %parallel_loop3A_719 = tpu.memref_squeeze %parallel_loop3A_718 : memref<1x128x128xf32, #tpu.memory_space<vmem>> -> memref<128x128xf32, #tpu.memory_space<vmem>>
        %parallel_loop3A_720 = arith.index_cast %parallel_loop3A_715 : i32 to index
        %parallel_loop3A_721 = arith.constant 96 : index
        %parallel_loop3A_722 = tpu.vector_load %parallel_loop3A_719[%parallel_loop3A_720, %parallel_loop3A_721] {strides = array<i32>} : memref<128x128xf32, #tpu.memory_space<vmem>>, vector<16xf32>,
        tpu.vector_store %parallel_loop3A_719[%parallel_loop3A_720, %parallel_loop3A_721], %parallel_loop3A_713 {strides = array<i32>} : memref<128x128xf32, #tpu.memory_space<vmem>>, vector<16xf32>,
        %parallel_loop3A_723 = arith.minimumf %parallel_loop3A_586, %parallel_loop3A_594 : vector<16xf32>
        %parallel_loop3A_724 = arith.constant 0 : i32
        %parallel_loop3A_725 = arith.constant 0 : i32
        %parallel_loop3A_726 = tpu.memref_slice %arg7[%parallel_loop3A_297, %parallel_loop3A_724, %parallel_loop3A_725] : memref<2x128x128xf32, #tpu.memory_space<vmem>> -> memref<1x128x128xf32, #tpu.memory_space<vmem>>
        %parallel_loop3A_727 = tpu.memref_squeeze %parallel_loop3A_726 : memref<1x128x128xf32, #tpu.memory_space<vmem>> -> memref<128x128xf32, #tpu.memory_space<vmem>>
        %parallel_loop3A_728 = arith.index_cast %parallel_loop3A_596 : i32 to index
        %parallel_loop3A_729 = arith.constant 112 : index
        %parallel_loop3A_730 = tpu.vector_load %parallel_loop3A_727[%parallel_loop3A_728, %parallel_loop3A_729] {strides = array<i32>} : memref<128x128xf32, #tpu.memory_space<vmem>>, vector<16xf32>,
        tpu.vector_store %parallel_loop3A_727[%parallel_loop3A_728, %parallel_loop3A_729], %parallel_loop3A_723 {strides = array<i32>} : memref<128x128xf32, #tpu.memory_space<vmem>>, vector<16xf32>,
        %parallel_loop3A_731 = arith.maximumf %parallel_loop3A_586, %parallel_loop3A_594 : vector<16xf32>
        %parallel_loop3A_732 = arith.constant 1 : i32
        %parallel_loop3A_733 = arith.addi %parallel_loop3A_596, %parallel_loop3A_732 : i32
        %parallel_loop3A_734 = arith.constant 0 : i32
        %parallel_loop3A_735 = arith.constant 0 : i32
        %parallel_loop3A_736 = tpu.memref_slice %arg7[%parallel_loop3A_297, %parallel_loop3A_734, %parallel_loop3A_735] : memref<2x128x128xf32, #tpu.memory_space<vmem>> -> memref<1x128x128xf32, #tpu.memory_space<vmem>>
        %parallel_loop3A_737 = tpu.memref_squeeze %parallel_loop3A_736 : memref<1x128x128xf32, #tpu.memory_space<vmem>> -> memref<128x128xf32, #tpu.memory_space<vmem>>
        %parallel_loop3A_738 = arith.index_cast %parallel_loop3A_733 : i32 to index
        %parallel_loop3A_739 = arith.constant 112 : index
        %parallel_loop3A_740 = tpu.vector_load %parallel_loop3A_737[%parallel_loop3A_738, %parallel_loop3A_739] {strides = array<i32>} : memref<128x128xf32, #tpu.memory_space<vmem>>, vector<16xf32>,
        tpu.vector_store %parallel_loop3A_737[%parallel_loop3A_738, %parallel_loop3A_739], %parallel_loop3A_731 {strides = array<i32>} : memref<128x128xf32, #tpu.memory_space<vmem>>, vector<16xf32>,
      } {sc.loop_unroll_factor = 1 : i64, sc.parallel_access}
      %mul3A_298 = arith.constant 128 : i32
      %mul3A_299 = arith.muli %add3A_255, %mul3A_298 : i32
      %dma_start3A_300 = arith.constant 0 : i32
      %dma_start3A_301 = arith.constant 0 : i32
      %dma_start3A_302 = arith.constant 0 : i32
      %dma_start3A_303 = tpu.memref_slice %arg7[%dma_start3A_300, %dma_start3A_301, %dma_start3A_302] : memref<2x128x128xf32, #tpu.memory_space<vmem>> -> memref<1x128x128xf32, #tpu.memory_space<vmem>>
      %dma_start3A_304 = tpu.memref_squeeze %dma_start3A_303 : memref<1x128x128xf32, #tpu.memory_space<vmem>> -> memref<128x128xf32, #tpu.memory_space<vmem>>
      %dma_start3A_305 = tpu.memref_slice %arg4[%add3A_176, %mul3A_299, %mul3A_32] : memref<4x4096x2048xf32, #tpu.memory_space<hbm>> -> memref<1x128x128xf32, #tpu.memory_space<hbm>>
      %dma_start3A_306 = tpu.memref_squeeze %dma_start3A_305 : memref<1x128x128xf32, #tpu.memory_space<hbm>> -> memref<128x128xf32, #tpu.memory_space<hbm>>
      %dma_start3A_307 = tpu.memref_slice %arg4[%add3A_176, %mul3A_299, %mul3A_32] : memref<4x4096x2048xf32, #tpu.memory_space<hbm>> -> memref<1x128x128xf32, #tpu.memory_space<hbm>>
      %dma_start3A_308 = tpu.memref_squeeze %dma_start3A_307 : memref<1x128x128xf32, #tpu.memory_space<hbm>> -> memref<128x128xf32, #tpu.memory_space<hbm>>
      %dma_start3A_309 = arith.constant 0 : i32
      %dma_start3A_310 = arith.constant 0 : i32
      %dma_start3A_311 = tpu.memref_slice %arg7[%dma_start3A_300, %dma_start3A_309, %dma_start3A_310] : memref<2x128x128xf32, #tpu.memory_space<vmem>> -> memref<1x128x128xf32, #tpu.memory_space<vmem>>
      %dma_start3A_312 = tpu.memref_squeeze %dma_start3A_311 : memref<1x128x128xf32, #tpu.memory_space<vmem>> -> memref<128x128xf32, #tpu.memory_space<vmem>>
      tpu.enqueue_dma source(%dma_start3A_312 : memref<128x128xf32, #tpu.memory_space<vmem>>) target(%dma_start3A_308 : memref<128x128xf32, #tpu.memory_space<hbm>>) target_semaphore(%arg12 : memref<!tpu.dma_semaphore, #tpu.memory_space<semaphore_mem>>)
      %add3A_313 = arith.constant 1 : i32
      %add3A_314 = arith.addi %add3A_253, %add3A_313 : i32
      %add3A_315 = arith.constant 2 : i32
      %add3A_316 = arith.addi %add3A_314, %add3A_315 : i32
      %lt3A_317 = arith.constant 32 : i32
      %lt3A_318 = arith.cmpi slt, %add3A_316, %lt3A_317 : i32
      %convert_element_type3A_319 = arith.extui %lt3A_318 : i1 to i32
      %cond3A_320 = arith.constant 0 : i32
      %cond3A_321 = arith.cmpi ne, %convert_element_type3A_319, %cond3A_320 : i32
      scf.if %cond3A_321 {
        %add3A_484 = arith.constant 2 : i32
        %add3A_485 = arith.addi %add3A_314, %add3A_484 : i32
        %mul3A_486 = arith.constant 128 : i32
        %mul3A_487 = arith.muli %add3A_485, %mul3A_486 : i32
        %dma_start3A_488 = arith.constant 384 : i32
        %dma_start3A_489 = arith.constant 0 : i32
        %dma_start3A_490 = tpu.memref_slice %arg6[%dma_start3A_488, %dma_start3A_489] : memref<512x128xf32, #tpu.memory_space<vmem>> -> memref<128x128xf32, #tpu.memory_space<vmem>>
        %dma_start3A_491 = tpu.memref_slice %arg2[%add3A_176, %mul3A_487, %mul3A_32] : memref<4x4096x2048xf32, #tpu.memory_space<hbm>> -> memref<1x128x128xf32, #tpu.memory_space<hbm>>
        %dma_start3A_492 = tpu.memref_squeeze %dma_start3A_491 : memref<1x128x128xf32, #tpu.memory_space<hbm>> -> memref<128x128xf32, #tpu.memory_space<hbm>>
        %dma_start3A_493 = arith.constant 384 : i32
        %dma_start3A_494 = arith.constant 0 : i32
        %dma_start3A_495 = tpu.memref_slice %arg6[%dma_start3A_493, %dma_start3A_494] : memref<512x128xf32, #tpu.memory_space<vmem>> -> memref<128x128xf32, #tpu.memory_space<vmem>>
        %dma_start3A_496 = tpu.memref_slice %arg2[%add3A_176, %mul3A_487, %mul3A_32] : memref<4x4096x2048xf32, #tpu.memory_space<hbm>> -> memref<1x128x128xf32, #tpu.memory_space<hbm>>
        %dma_start3A_497 = tpu.memref_squeeze %dma_start3A_496 : memref<1x128x128xf32, #tpu.memory_space<hbm>> -> memref<128x128xf32, #tpu.memory_space<hbm>>
        tpu.enqueue_dma source(%dma_start3A_497 : memref<128x128xf32, #tpu.memory_space<hbm>>) target(%dma_start3A_495 : memref<128x128xf32, #tpu.memory_space<vmem>>) target_semaphore(%arg11 : memref<!tpu.dma_semaphore, #tpu.memory_space<semaphore_mem>>)
      } else {
      }
      %dma_wait3A_322 = arith.constant 0 : i32
      %dma_wait3A_323 = arith.constant 128 : i32
      %dma_wait3A_324 = arith.constant 0 : i32
      %dma_wait3A_325 = tpu.memref_slice %arg6[%dma_wait3A_323, %dma_wait3A_324] : memref<512x128xf32, #tpu.memory_space<vmem>> -> memref<128x128xf32, #tpu.memory_space<vmem>>
      %dma_wait3A_326 = arith.constant 0 : i32
      %dma_wait3A_327 = tpu.memref_slice %arg2[%dma_wait3A_322, %dma_wait3A_326, %mul3A_32] : memref<4x4096x2048xf32, #tpu.memory_space<hbm>> -> memref<1x128x128xf32, #tpu.memory_space<hbm>>
      %dma_wait3A_328 = tpu.memref_squeeze %dma_wait3A_327 : memref<1x128x128xf32, #tpu.memory_space<hbm>> -> memref<128x128xf32, #tpu.memory_space<hbm>>
      %dma_wait3A_329 = arith.constant 128 : i32
      %dma_wait3A_330 = arith.constant 0 : i32
      %dma_wait3A_331 = tpu.memref_slice %arg6[%dma_wait3A_329, %dma_wait3A_330] : memref<512x128xf32, #tpu.memory_space<vmem>> -> memref<128x128xf32, #tpu.memory_space<vmem>>
      %dma_wait3A_332 = arith.constant 0 : i32
      %dma_wait3A_333 = tpu.memref_slice %arg2[%dma_wait3A_322, %dma_wait3A_332, %mul3A_32] : memref<4x4096x2048xf32, #tpu.memory_space<hbm>> -> memref<1x128x128xf32, #tpu.memory_space<hbm>>
      %dma_wait3A_334 = tpu.memref_squeeze %dma_wait3A_333 : memref<1x128x128xf32, #tpu.memory_space<hbm>> -> memref<128x128xf32, #tpu.memory_space<hbm>>
      tpu.wait_dma2 semaphore(%arg9 : memref<!tpu.dma_semaphore, #tpu.memory_space<semaphore_mem>>) src(%dma_wait3A_334 : memref<128x128xf32, #tpu.memory_space<hbm>>) dst(%dma_wait3A_331 : memref<128x128xf32, #tpu.memory_space<vmem>>)
      %dma_wait3A_335 = arith.constant 1 : i32
      %dma_wait3A_336 = arith.constant 0 : i32
      %dma_wait3A_337 = arith.constant 0 : i32
      %dma_wait3A_338 = arith.constant 0 : i32
      %dma_wait3A_339 = tpu.memref_slice %arg7[%dma_wait3A_335, %dma_wait3A_337, %dma_wait3A_338] : memref<2x128x128xf32, #tpu.memory_space<vmem>> -> memref<1x128x128xf32, #tpu.memory_space<vmem>>
      %dma_wait3A_340 = tpu.memref_squeeze %dma_wait3A_339 : memref<1x128x128xf32, #tpu.memory_space<vmem>> -> memref<128x128xf32, #tpu.memory_space<vmem>>
      %dma_wait3A_341 = arith.constant 0 : i32
      %dma_wait3A_342 = tpu.memref_slice %arg4[%dma_wait3A_336, %dma_wait3A_341, %mul3A_32] : memref<4x4096x2048xf32, #tpu.memory_space<hbm>> -> memref<1x128x128xf32, #tpu.memory_space<hbm>>
      %dma_wait3A_343 = tpu.memref_squeeze %dma_wait3A_342 : memref<1x128x128xf32, #tpu.memory_space<hbm>> -> memref<128x128xf32, #tpu.memory_space<hbm>>
      %dma_wait3A_344 = arith.constant 0 : i32
      %dma_wait3A_345 = tpu.memref_slice %arg4[%dma_wait3A_336, %dma_wait3A_344, %mul3A_32] : memref<4x4096x2048xf32, #tpu.memory_space<hbm>> -> memref<1x128x128xf32, #tpu.memory_space<hbm>>
      %dma_wait3A_346 = tpu.memref_squeeze %dma_wait3A_345 : memref<1x128x128xf32, #tpu.memory_space<hbm>> -> memref<128x128xf32, #tpu.memory_space<hbm>>
      %dma_wait3A_347 = arith.constant 0 : i32
      %dma_wait3A_348 = arith.constant 0 : i32
      %dma_wait3A_349 = tpu.memref_slice %arg7[%dma_wait3A_335, %dma_wait3A_347, %dma_wait3A_348] : memref<2x128x128xf32, #tpu.memory_space<vmem>> -> memref<1x128x128xf32, #tpu.memory_space<vmem>>
      %dma_wait3A_350 = tpu.memref_squeeze %dma_wait3A_349 : memref<1x128x128xf32, #tpu.memory_space<vmem>> -> memref<128x128xf32, #tpu.memory_space<vmem>>
      tpu.wait_dma2 semaphore(%arg13 : memref<!tpu.dma_semaphore, #tpu.memory_space<semaphore_mem>>) src(%dma_wait3A_350 : memref<128x128xf32, #tpu.memory_space<vmem>>) dst(%dma_wait3A_346 : memref<128x128xf32, #tpu.memory_space<hbm>>)
      %parallel_loop3A_351 = arith.constant 0 : i32
      %parallel_loop3A_352 = arith.constant 64 : i32
      %parallel_loop3A_353 = arith.constant 1 : i32
      %parallel_loop3A_354 = arith.constant 1 : i32
      scf.for %parallel_loop3A_484 = %parallel_loop3A_351 to %parallel_loop3A_352 step %parallel_loop3A_353  : i32 {
        %parallel_loop3A_485 = arith.constant 2 : i32
        %parallel_loop3A_486 = arith.muli %parallel_loop3A_485, %parallel_loop3A_484 : i32
        %parallel_loop3A_487 = arith.constant 7 : i32
        %parallel_loop3A_488 = arith.shli %parallel_loop3A_486, %parallel_loop3A_487 : i32
        %parallel_loop3A_489 = arith.constant 16384 : i32
        %parallel_loop3A_490 = arith.addi %parallel_loop3A_488, %parallel_loop3A_489 : i32
        %parallel_loop3A_491 = vector.broadcast %parallel_loop3A_490 : i32 to vector<16xi32>
        %parallel_loop3A_492 = arith.addi %add3A_45, %parallel_loop3A_491 : vector<16xi32>
        %parallel_loop3A_493 = vector.broadcast %parallel_loop3A_490 : i32 to vector<16xi32>
        %parallel_loop3A_494 = arith.addi %add3A_57, %parallel_loop3A_493 : vector<16xi32>
        %parallel_loop3A_495 = vector.broadcast %parallel_loop3A_490 : i32 to vector<16xi32>
        %parallel_loop3A_496 = arith.addi %add3A_69, %parallel_loop3A_495 : vector<16xi32>
        %parallel_loop3A_497 = vector.broadcast %parallel_loop3A_490 : i32 to vector<16xi32>
        %parallel_loop3A_498 = arith.addi %add3A_81, %parallel_loop3A_497 : vector<16xi32>
        %parallel_loop3A_499 = vector.broadcast %parallel_loop3A_490 : i32 to vector<16xi32>
        %parallel_loop3A_500 = arith.addi %add3A_93, %parallel_loop3A_499 : vector<16xi32>
        %parallel_loop3A_501 = vector.broadcast %parallel_loop3A_490 : i32 to vector<16xi32>
        %parallel_loop3A_502 = arith.addi %add3A_105, %parallel_loop3A_501 : vector<16xi32>
        %parallel_loop3A_503 = vector.broadcast %parallel_loop3A_490 : i32 to vector<16xi32>
        %parallel_loop3A_504 = arith.addi %add3A_117, %parallel_loop3A_503 : vector<16xi32>
        %parallel_loop3A_505 = vector.broadcast %parallel_loop3A_490 : i32 to vector<16xi32>
        %parallel_loop3A_506 = arith.addi %add3A_129, %parallel_loop3A_505 : vector<16xi32>
        %parallel_loop3A_507 = arith.constant 128 : i32
        %parallel_loop3A_508 = vector.broadcast %parallel_loop3A_507 : i32 to vector<16xi32>
        %parallel_loop3A_509 = arith.addi %parallel_loop3A_492, %parallel_loop3A_508 : vector<16xi32>
        %parallel_loop3A_510 = arith.constant 128 : i32
        %parallel_loop3A_511 = vector.broadcast %parallel_loop3A_510 : i32 to vector<16xi32>
        %parallel_loop3A_512 = arith.addi %parallel_loop3A_494, %parallel_loop3A_511 : vector<16xi32>
        %parallel_loop3A_513 = arith.constant 128 : i32
        %parallel_loop3A_514 = vector.broadcast %parallel_loop3A_513 : i32 to vector<16xi32>
        %parallel_loop3A_515 = arith.addi %parallel_loop3A_496, %parallel_loop3A_514 : vector<16xi32>
        %parallel_loop3A_516 = arith.constant 128 : i32
        %parallel_loop3A_517 = vector.broadcast %parallel_loop3A_516 : i32 to vector<16xi32>
        %parallel_loop3A_518 = arith.addi %parallel_loop3A_498, %parallel_loop3A_517 : vector<16xi32>
        %parallel_loop3A_519 = arith.constant 128 : i32
        %parallel_loop3A_520 = vector.broadcast %parallel_loop3A_519 : i32 to vector<16xi32>
        %parallel_loop3A_521 = arith.addi %parallel_loop3A_500, %parallel_loop3A_520 : vector<16xi32>
        %parallel_loop3A_522 = arith.constant 128 : i32
        %parallel_loop3A_523 = vector.broadcast %parallel_loop3A_522 : i32 to vector<16xi32>
        %parallel_loop3A_524 = arith.addi %parallel_loop3A_502, %parallel_loop3A_523 : vector<16xi32>
        %parallel_loop3A_525 = arith.constant 128 : i32
        %parallel_loop3A_526 = vector.broadcast %parallel_loop3A_525 : i32 to vector<16xi32>
        %parallel_loop3A_527 = arith.addi %parallel_loop3A_504, %parallel_loop3A_526 : vector<16xi32>
        %parallel_loop3A_528 = arith.constant 128 : i32
        %parallel_loop3A_529 = vector.broadcast %parallel_loop3A_528 : i32 to vector<16xi32>
        %parallel_loop3A_530 = arith.addi %parallel_loop3A_506, %parallel_loop3A_529 : vector<16xi32>
        %parallel_loop3A_531 = tpu.vector_load_idx %arg6[%mul3A_35, %parallel_loop3A_492] : memref<512x128xf32, #tpu.memory_space<vmem>>[vector<16xi32>, vector<16xi32>], vector<16xf32>,
        %parallel_loop3A_532 = tpu.vector_load_idx %arg6[%mul3A_35, %parallel_loop3A_494] : memref<512x128xf32, #tpu.memory_space<vmem>>[vector<16xi32>, vector<16xi32>], vector<16xf32>,
        %parallel_loop3A_533 = tpu.vector_load_idx %arg6[%mul3A_35, %parallel_loop3A_496] : memref<512x128xf32, #tpu.memory_space<vmem>>[vector<16xi32>, vector<16xi32>], vector<16xf32>,
        %parallel_loop3A_534 = tpu.vector_load_idx %arg6[%mul3A_35, %parallel_loop3A_498] : memref<512x128xf32, #tpu.memory_space<vmem>>[vector<16xi32>, vector<16xi32>], vector<16xf32>,
        %parallel_loop3A_535 = tpu.vector_load_idx %arg6[%mul3A_35, %parallel_loop3A_500] : memref<512x128xf32, #tpu.memory_space<vmem>>[vector<16xi32>, vector<16xi32>], vector<16xf32>,
        %parallel_loop3A_536 = tpu.vector_load_idx %arg6[%mul3A_35, %parallel_loop3A_502] : memref<512x128xf32, #tpu.memory_space<vmem>>[vector<16xi32>, vector<16xi32>], vector<16xf32>,
        %parallel_loop3A_537 = tpu.vector_load_idx %arg6[%mul3A_35, %parallel_loop3A_504] : memref<512x128xf32, #tpu.memory_space<vmem>>[vector<16xi32>, vector<16xi32>], vector<16xf32>,
        %parallel_loop3A_538 = tpu.vector_load_idx %arg6[%mul3A_35, %parallel_loop3A_506] : memref<512x128xf32, #tpu.memory_space<vmem>>[vector<16xi32>, vector<16xi32>], vector<16xf32>,
        %parallel_loop3A_539 = tpu.vector_load_idx %arg6[%mul3A_35, %parallel_loop3A_509] : memref<512x128xf32, #tpu.memory_space<vmem>>[vector<16xi32>, vector<16xi32>], vector<16xf32>,
        %parallel_loop3A_540 = tpu.vector_load_idx %arg6[%mul3A_35, %parallel_loop3A_512] : memref<512x128xf32, #tpu.memory_space<vmem>>[vector<16xi32>, vector<16xi32>], vector<16xf32>,
        %parallel_loop3A_541 = tpu.vector_load_idx %arg6[%mul3A_35, %parallel_loop3A_515] : memref<512x128xf32, #tpu.memory_space<vmem>>[vector<16xi32>, vector<16xi32>], vector<16xf32>,
        %parallel_loop3A_542 = tpu.vector_load_idx %arg6[%mul3A_35, %parallel_loop3A_518] : memref<512x128xf32, #tpu.memory_space<vmem>>[vector<16xi32>, vector<16xi32>], vector<16xf32>,
        %parallel_loop3A_543 = tpu.vector_load_idx %arg6[%mul3A_35, %parallel_loop3A_521] : memref<512x128xf32, #tpu.memory_space<vmem>>[vector<16xi32>, vector<16xi32>], vector<16xf32>,
        %parallel_loop3A_544 = tpu.vector_load_idx %arg6[%mul3A_35, %parallel_loop3A_524] : memref<512x128xf32, #tpu.memory_space<vmem>>[vector<16xi32>, vector<16xi32>], vector<16xf32>,
        %parallel_loop3A_545 = tpu.vector_load_idx %arg6[%mul3A_35, %parallel_loop3A_527] : memref<512x128xf32, #tpu.memory_space<vmem>>[vector<16xi32>, vector<16xi32>], vector<16xf32>,
        %parallel_loop3A_546 = tpu.vector_load_idx %arg6[%mul3A_35, %parallel_loop3A_530] : memref<512x128xf32, #tpu.memory_space<vmem>>[vector<16xi32>, vector<16xi32>], vector<16xf32>,
        %parallel_loop3A_547 = arith.constant 2 : i32
        %parallel_loop3A_548 = arith.muli %parallel_loop3A_547, %parallel_loop3A_484 : i32
        %parallel_loop3A_549 = arith.minimumf %parallel_loop3A_531, %parallel_loop3A_539 : vector<16xf32>
        %parallel_loop3A_550 = arith.constant 0 : i32
        %parallel_loop3A_551 = arith.constant 0 : i32
        %parallel_loop3A_552 = tpu.memref_slice %arg7[%parallel_loop3A_354, %parallel_loop3A_550, %parallel_loop3A_551] : memref<2x128x128xf32, #tpu.memory_space<vmem>> -> memref<1x128x128xf32, #tpu.memory_space<vmem>>
        %parallel_loop3A_553 = tpu.memref_squeeze %parallel_loop3A_552 : memref<1x128x128xf32, #tpu.memory_space<vmem>> -> memref<128x128xf32, #tpu.memory_space<vmem>>
        %parallel_loop3A_554 = arith.index_cast %parallel_loop3A_548 : i32 to index
        %parallel_loop3A_555 = arith.constant 0 : index
        %parallel_loop3A_556 = tpu.vector_load %parallel_loop3A_553[%parallel_loop3A_554, %parallel_loop3A_555] {strides = array<i32>} : memref<128x128xf32, #tpu.memory_space<vmem>>, vector<16xf32>,
        tpu.vector_store %parallel_loop3A_553[%parallel_loop3A_554, %parallel_loop3A_555], %parallel_loop3A_549 {strides = array<i32>} : memref<128x128xf32, #tpu.memory_space<vmem>>, vector<16xf32>,
        %parallel_loop3A_557 = arith.maximumf %parallel_loop3A_531, %parallel_loop3A_539 : vector<16xf32>
        %parallel_loop3A_558 = arith.constant 1 : i32
        %parallel_loop3A_559 = arith.addi %parallel_loop3A_548, %parallel_loop3A_558 : i32
        %parallel_loop3A_560 = arith.constant 0 : i32
        %parallel_loop3A_561 = arith.constant 0 : i32
        %parallel_loop3A_562 = tpu.memref_slice %arg7[%parallel_loop3A_354, %parallel_loop3A_560, %parallel_loop3A_561] : memref<2x128x128xf32, #tpu.memory_space<vmem>> -> memref<1x128x128xf32, #tpu.memory_space<vmem>>
        %parallel_loop3A_563 = tpu.memref_squeeze %parallel_loop3A_562 : memref<1x128x128xf32, #tpu.memory_space<vmem>> -> memref<128x128xf32, #tpu.memory_space<vmem>>
        %parallel_loop3A_564 = arith.index_cast %parallel_loop3A_559 : i32 to index
        %parallel_loop3A_565 = arith.constant 0 : index
        %parallel_loop3A_566 = tpu.vector_load %parallel_loop3A_563[%parallel_loop3A_564, %parallel_loop3A_565] {strides = array<i32>} : memref<128x128xf32, #tpu.memory_space<vmem>>, vector<16xf32>,
        tpu.vector_store %parallel_loop3A_563[%parallel_loop3A_564, %parallel_loop3A_565], %parallel_loop3A_557 {strides = array<i32>} : memref<128x128xf32, #tpu.memory_space<vmem>>, vector<16xf32>,
        %parallel_loop3A_567 = arith.minimumf %parallel_loop3A_532, %parallel_loop3A_540 : vector<16xf32>
        %parallel_loop3A_568 = arith.constant 0 : i32
        %parallel_loop3A_569 = arith.constant 0 : i32
        %parallel_loop3A_570 = tpu.memref_slice %arg7[%parallel_loop3A_354, %parallel_loop3A_568, %parallel_loop3A_569] : memref<2x128x128xf32, #tpu.memory_space<vmem>> -> memref<1x128x128xf32, #tpu.memory_space<vmem>>
        %parallel_loop3A_571 = tpu.memref_squeeze %parallel_loop3A_570 : memref<1x128x128xf32, #tpu.memory_space<vmem>> -> memref<128x128xf32, #tpu.memory_space<vmem>>
        %parallel_loop3A_572 = arith.index_cast %parallel_loop3A_548 : i32 to index
        %parallel_loop3A_573 = arith.constant 16 : index
        %parallel_loop3A_574 = tpu.vector_load %parallel_loop3A_571[%parallel_loop3A_572, %parallel_loop3A_573] {strides = array<i32>} : memref<128x128xf32, #tpu.memory_space<vmem>>, vector<16xf32>,
        tpu.vector_store %parallel_loop3A_571[%parallel_loop3A_572, %parallel_loop3A_573], %parallel_loop3A_567 {strides = array<i32>} : memref<128x128xf32, #tpu.memory_space<vmem>>, vector<16xf32>,
        %parallel_loop3A_575 = arith.maximumf %parallel_loop3A_532, %parallel_loop3A_540 : vector<16xf32>
        %parallel_loop3A_576 = arith.constant 1 : i32
        %parallel_loop3A_577 = arith.addi %parallel_loop3A_548, %parallel_loop3A_576 : i32
        %parallel_loop3A_578 = arith.constant 0 : i32
        %parallel_loop3A_579 = arith.constant 0 : i32
        %parallel_loop3A_580 = tpu.memref_slice %arg7[%parallel_loop3A_354, %parallel_loop3A_578, %parallel_loop3A_579] : memref<2x128x128xf32, #tpu.memory_space<vmem>> -> memref<1x128x128xf32, #tpu.memory_space<vmem>>
        %parallel_loop3A_581 = tpu.memref_squeeze %parallel_loop3A_580 : memref<1x128x128xf32, #tpu.memory_space<vmem>> -> memref<128x128xf32, #tpu.memory_space<vmem>>
        %parallel_loop3A_582 = arith.index_cast %parallel_loop3A_577 : i32 to index
        %parallel_loop3A_583 = arith.constant 16 : index
        %parallel_loop3A_584 = tpu.vector_load %parallel_loop3A_581[%parallel_loop3A_582, %parallel_loop3A_583] {strides = array<i32>} : memref<128x128xf32, #tpu.memory_space<vmem>>, vector<16xf32>,
        tpu.vector_store %parallel_loop3A_581[%parallel_loop3A_582, %parallel_loop3A_583], %parallel_loop3A_575 {strides = array<i32>} : memref<128x128xf32, #tpu.memory_space<vmem>>, vector<16xf32>,
        %parallel_loop3A_585 = arith.minimumf %parallel_loop3A_533, %parallel_loop3A_541 : vector<16xf32>
        %parallel_loop3A_586 = arith.constant 0 : i32
        %parallel_loop3A_587 = arith.constant 0 : i32
        %parallel_loop3A_588 = tpu.memref_slice %arg7[%parallel_loop3A_354, %parallel_loop3A_586, %parallel_loop3A_587] : memref<2x128x128xf32, #tpu.memory_space<vmem>> -> memref<1x128x128xf32, #tpu.memory_space<vmem>>
        %parallel_loop3A_589 = tpu.memref_squeeze %parallel_loop3A_588 : memref<1x128x128xf32, #tpu.memory_space<vmem>> -> memref<128x128xf32, #tpu.memory_space<vmem>>
        %parallel_loop3A_590 = arith.index_cast %parallel_loop3A_548 : i32 to index
        %parallel_loop3A_591 = arith.constant 32 : index
        %parallel_loop3A_592 = tpu.vector_load %parallel_loop3A_589[%parallel_loop3A_590, %parallel_loop3A_591] {strides = array<i32>} : memref<128x128xf32, #tpu.memory_space<vmem>>, vector<16xf32>,
        tpu.vector_store %parallel_loop3A_589[%parallel_loop3A_590, %parallel_loop3A_591], %parallel_loop3A_585 {strides = array<i32>} : memref<128x128xf32, #tpu.memory_space<vmem>>, vector<16xf32>,
        %parallel_loop3A_593 = arith.maximumf %parallel_loop3A_533, %parallel_loop3A_541 : vector<16xf32>
        %parallel_loop3A_594 = arith.constant 1 : i32
        %parallel_loop3A_595 = arith.addi %parallel_loop3A_548, %parallel_loop3A_594 : i32
        %parallel_loop3A_596 = arith.constant 0 : i32
        %parallel_loop3A_597 = arith.constant 0 : i32
        %parallel_loop3A_598 = tpu.memref_slice %arg7[%parallel_loop3A_354, %parallel_loop3A_596, %parallel_loop3A_597] : memref<2x128x128xf32, #tpu.memory_space<vmem>> -> memref<1x128x128xf32, #tpu.memory_space<vmem>>
        %parallel_loop3A_599 = tpu.memref_squeeze %parallel_loop3A_598 : memref<1x128x128xf32, #tpu.memory_space<vmem>> -> memref<128x128xf32, #tpu.memory_space<vmem>>
        %parallel_loop3A_600 = arith.index_cast %parallel_loop3A_595 : i32 to index
        %parallel_loop3A_601 = arith.constant 32 : index
        %parallel_loop3A_602 = tpu.vector_load %parallel_loop3A_599[%parallel_loop3A_600, %parallel_loop3A_601] {strides = array<i32>} : memref<128x128xf32, #tpu.memory_space<vmem>>, vector<16xf32>,
        tpu.vector_store %parallel_loop3A_599[%parallel_loop3A_600, %parallel_loop3A_601], %parallel_loop3A_593 {strides = array<i32>} : memref<128x128xf32, #tpu.memory_space<vmem>>, vector<16xf32>,
        %parallel_loop3A_603 = arith.minimumf %parallel_loop3A_534, %parallel_loop3A_542 : vector<16xf32>
        %parallel_loop3A_604 = arith.constant 0 : i32
        %parallel_loop3A_605 = arith.constant 0 : i32
        %parallel_loop3A_606 = tpu.memref_slice %arg7[%parallel_loop3A_354, %parallel_loop3A_604, %parallel_loop3A_605] : memref<2x128x128xf32, #tpu.memory_space<vmem>> -> memref<1x128x128xf32, #tpu.memory_space<vmem>>
        %parallel_loop3A_607 = tpu.memref_squeeze %parallel_loop3A_606 : memref<1x128x128xf32, #tpu.memory_space<vmem>> -> memref<128x128xf32, #tpu.memory_space<vmem>>
        %parallel_loop3A_608 = arith.index_cast %parallel_loop3A_548 : i32 to index
        %parallel_loop3A_609 = arith.constant 48 : index
        %parallel_loop3A_610 = tpu.vector_load %parallel_loop3A_607[%parallel_loop3A_608, %parallel_loop3A_609] {strides = array<i32>} : memref<128x128xf32, #tpu.memory_space<vmem>>, vector<16xf32>,
        tpu.vector_store %parallel_loop3A_607[%parallel_loop3A_608, %parallel_loop3A_609], %parallel_loop3A_603 {strides = array<i32>} : memref<128x128xf32, #tpu.memory_space<vmem>>, vector<16xf32>,
        %parallel_loop3A_611 = arith.maximumf %parallel_loop3A_534, %parallel_loop3A_542 : vector<16xf32>
        %parallel_loop3A_612 = arith.constant 1 : i32
        %parallel_loop3A_613 = arith.addi %parallel_loop3A_548, %parallel_loop3A_612 : i32
        %parallel_loop3A_614 = arith.constant 0 : i32
        %parallel_loop3A_615 = arith.constant 0 : i32
        %parallel_loop3A_616 = tpu.memref_slice %arg7[%parallel_loop3A_354, %parallel_loop3A_614, %parallel_loop3A_615] : memref<2x128x128xf32, #tpu.memory_space<vmem>> -> memref<1x128x128xf32, #tpu.memory_space<vmem>>
        %parallel_loop3A_617 = tpu.memref_squeeze %parallel_loop3A_616 : memref<1x128x128xf32, #tpu.memory_space<vmem>> -> memref<128x128xf32, #tpu.memory_space<vmem>>
        %parallel_loop3A_618 = arith.index_cast %parallel_loop3A_613 : i32 to index
        %parallel_loop3A_619 = arith.constant 48 : index
        %parallel_loop3A_620 = tpu.vector_load %parallel_loop3A_617[%parallel_loop3A_618, %parallel_loop3A_619] {strides = array<i32>} : memref<128x128xf32, #tpu.memory_space<vmem>>, vector<16xf32>,
        tpu.vector_store %parallel_loop3A_617[%parallel_loop3A_618, %parallel_loop3A_619], %parallel_loop3A_611 {strides = array<i32>} : memref<128x128xf32, #tpu.memory_space<vmem>>, vector<16xf32>,
        %parallel_loop3A_621 = arith.minimumf %parallel_loop3A_535, %parallel_loop3A_543 : vector<16xf32>
        %parallel_loop3A_622 = arith.constant 0 : i32
        %parallel_loop3A_623 = arith.constant 0 : i32
        %parallel_loop3A_624 = tpu.memref_slice %arg7[%parallel_loop3A_354, %parallel_loop3A_622, %parallel_loop3A_623] : memref<2x128x128xf32, #tpu.memory_space<vmem>> -> memref<1x128x128xf32, #tpu.memory_space<vmem>>
        %parallel_loop3A_625 = tpu.memref_squeeze %parallel_loop3A_624 : memref<1x128x128xf32, #tpu.memory_space<vmem>> -> memref<128x128xf32, #tpu.memory_space<vmem>>
        %parallel_loop3A_626 = arith.index_cast %parallel_loop3A_548 : i32 to index
        %parallel_loop3A_627 = arith.constant 64 : index
        %parallel_loop3A_628 = tpu.vector_load %parallel_loop3A_625[%parallel_loop3A_626, %parallel_loop3A_627] {strides = array<i32>} : memref<128x128xf32, #tpu.memory_space<vmem>>, vector<16xf32>,
        tpu.vector_store %parallel_loop3A_625[%parallel_loop3A_626, %parallel_loop3A_627], %parallel_loop3A_621 {strides = array<i32>} : memref<128x128xf32, #tpu.memory_space<vmem>>, vector<16xf32>,
        %parallel_loop3A_629 = arith.maximumf %parallel_loop3A_535, %parallel_loop3A_543 : vector<16xf32>
        %parallel_loop3A_630 = arith.constant 1 : i32
        %parallel_loop3A_631 = arith.addi %parallel_loop3A_548, %parallel_loop3A_630 : i32
        %parallel_loop3A_632 = arith.constant 0 : i32
        %parallel_loop3A_633 = arith.constant 0 : i32
        %parallel_loop3A_634 = tpu.memref_slice %arg7[%parallel_loop3A_354, %parallel_loop3A_632, %parallel_loop3A_633] : memref<2x128x128xf32, #tpu.memory_space<vmem>> -> memref<1x128x128xf32, #tpu.memory_space<vmem>>
        %parallel_loop3A_635 = tpu.memref_squeeze %parallel_loop3A_634 : memref<1x128x128xf32, #tpu.memory_space<vmem>> -> memref<128x128xf32, #tpu.memory_space<vmem>>
        %parallel_loop3A_636 = arith.index_cast %parallel_loop3A_631 : i32 to index
        %parallel_loop3A_637 = arith.constant 64 : index
        %parallel_loop3A_638 = tpu.vector_load %parallel_loop3A_635[%parallel_loop3A_636, %parallel_loop3A_637] {strides = array<i32>} : memref<128x128xf32, #tpu.memory_space<vmem>>, vector<16xf32>,
        tpu.vector_store %parallel_loop3A_635[%parallel_loop3A_636, %parallel_loop3A_637], %parallel_loop3A_629 {strides = array<i32>} : memref<128x128xf32, #tpu.memory_space<vmem>>, vector<16xf32>,
        %parallel_loop3A_639 = arith.minimumf %parallel_loop3A_536, %parallel_loop3A_544 : vector<16xf32>
        %parallel_loop3A_640 = arith.constant 0 : i32
        %parallel_loop3A_641 = arith.constant 0 : i32
        %parallel_loop3A_642 = tpu.memref_slice %arg7[%parallel_loop3A_354, %parallel_loop3A_640, %parallel_loop3A_641] : memref<2x128x128xf32, #tpu.memory_space<vmem>> -> memref<1x128x128xf32, #tpu.memory_space<vmem>>
        %parallel_loop3A_643 = tpu.memref_squeeze %parallel_loop3A_642 : memref<1x128x128xf32, #tpu.memory_space<vmem>> -> memref<128x128xf32, #tpu.memory_space<vmem>>
        %parallel_loop3A_644 = arith.index_cast %parallel_loop3A_548 : i32 to index
        %parallel_loop3A_645 = arith.constant 80 : index
        %parallel_loop3A_646 = tpu.vector_load %parallel_loop3A_643[%parallel_loop3A_644, %parallel_loop3A_645] {strides = array<i32>} : memref<128x128xf32, #tpu.memory_space<vmem>>, vector<16xf32>,
        tpu.vector_store %parallel_loop3A_643[%parallel_loop3A_644, %parallel_loop3A_645], %parallel_loop3A_639 {strides = array<i32>} : memref<128x128xf32, #tpu.memory_space<vmem>>, vector<16xf32>,
        %parallel_loop3A_647 = arith.maximumf %parallel_loop3A_536, %parallel_loop3A_544 : vector<16xf32>
        %parallel_loop3A_648 = arith.constant 1 : i32
        %parallel_loop3A_649 = arith.addi %parallel_loop3A_548, %parallel_loop3A_648 : i32
        %parallel_loop3A_650 = arith.constant 0 : i32
        %parallel_loop3A_651 = arith.constant 0 : i32
        %parallel_loop3A_652 = tpu.memref_slice %arg7[%parallel_loop3A_354, %parallel_loop3A_650, %parallel_loop3A_651] : memref<2x128x128xf32, #tpu.memory_space<vmem>> -> memref<1x128x128xf32, #tpu.memory_space<vmem>>
        %parallel_loop3A_653 = tpu.memref_squeeze %parallel_loop3A_652 : memref<1x128x128xf32, #tpu.memory_space<vmem>> -> memref<128x128xf32, #tpu.memory_space<vmem>>
        %parallel_loop3A_654 = arith.index_cast %parallel_loop3A_649 : i32 to index
        %parallel_loop3A_655 = arith.constant 80 : index
        %parallel_loop3A_656 = tpu.vector_load %parallel_loop3A_653[%parallel_loop3A_654, %parallel_loop3A_655] {strides = array<i32>} : memref<128x128xf32, #tpu.memory_space<vmem>>, vector<16xf32>,
        tpu.vector_store %parallel_loop3A_653[%parallel_loop3A_654, %parallel_loop3A_655], %parallel_loop3A_647 {strides = array<i32>} : memref<128x128xf32, #tpu.memory_space<vmem>>, vector<16xf32>,
        %parallel_loop3A_657 = arith.minimumf %parallel_loop3A_537, %parallel_loop3A_545 : vector<16xf32>
        %parallel_loop3A_658 = arith.constant 0 : i32
        %parallel_loop3A_659 = arith.constant 0 : i32
        %parallel_loop3A_660 = tpu.memref_slice %arg7[%parallel_loop3A_354, %parallel_loop3A_658, %parallel_loop3A_659] : memref<2x128x128xf32, #tpu.memory_space<vmem>> -> memref<1x128x128xf32, #tpu.memory_space<vmem>>
        %parallel_loop3A_661 = tpu.memref_squeeze %parallel_loop3A_660 : memref<1x128x128xf32, #tpu.memory_space<vmem>> -> memref<128x128xf32, #tpu.memory_space<vmem>>
        %parallel_loop3A_662 = arith.index_cast %parallel_loop3A_548 : i32 to index
        %parallel_loop3A_663 = arith.constant 96 : index
        %parallel_loop3A_664 = tpu.vector_load %parallel_loop3A_661[%parallel_loop3A_662, %parallel_loop3A_663] {strides = array<i32>} : memref<128x128xf32, #tpu.memory_space<vmem>>, vector<16xf32>,
        tpu.vector_store %parallel_loop3A_661[%parallel_loop3A_662, %parallel_loop3A_663], %parallel_loop3A_657 {strides = array<i32>} : memref<128x128xf32, #tpu.memory_space<vmem>>, vector<16xf32>,
        %parallel_loop3A_665 = arith.maximumf %parallel_loop3A_537, %parallel_loop3A_545 : vector<16xf32>
        %parallel_loop3A_666 = arith.constant 1 : i32
        %parallel_loop3A_667 = arith.addi %parallel_loop3A_548, %parallel_loop3A_666 : i32
        %parallel_loop3A_668 = arith.constant 0 : i32
        %parallel_loop3A_669 = arith.constant 0 : i32
        %parallel_loop3A_670 = tpu.memref_slice %arg7[%parallel_loop3A_354, %parallel_loop3A_668, %parallel_loop3A_669] : memref<2x128x128xf32, #tpu.memory_space<vmem>> -> memref<1x128x128xf32, #tpu.memory_space<vmem>>
        %parallel_loop3A_671 = tpu.memref_squeeze %parallel_loop3A_670 : memref<1x128x128xf32, #tpu.memory_space<vmem>> -> memref<128x128xf32, #tpu.memory_space<vmem>>
        %parallel_loop3A_672 = arith.index_cast %parallel_loop3A_667 : i32 to index
        %parallel_loop3A_673 = arith.constant 96 : index
        %parallel_loop3A_674 = tpu.vector_load %parallel_loop3A_671[%parallel_loop3A_672, %parallel_loop3A_673] {strides = array<i32>} : memref<128x128xf32, #tpu.memory_space<vmem>>, vector<16xf32>,
        tpu.vector_store %parallel_loop3A_671[%parallel_loop3A_672, %parallel_loop3A_673], %parallel_loop3A_665 {strides = array<i32>} : memref<128x128xf32, #tpu.memory_space<vmem>>, vector<16xf32>,
        %parallel_loop3A_675 = arith.minimumf %parallel_loop3A_538, %parallel_loop3A_546 : vector<16xf32>
        %parallel_loop3A_676 = arith.constant 0 : i32
        %parallel_loop3A_677 = arith.constant 0 : i32
        %parallel_loop3A_678 = tpu.memref_slice %arg7[%parallel_loop3A_354, %parallel_loop3A_676, %parallel_loop3A_677] : memref<2x128x128xf32, #tpu.memory_space<vmem>> -> memref<1x128x128xf32, #tpu.memory_space<vmem>>
        %parallel_loop3A_679 = tpu.memref_squeeze %parallel_loop3A_678 : memref<1x128x128xf32, #tpu.memory_space<vmem>> -> memref<128x128xf32, #tpu.memory_space<vmem>>
        %parallel_loop3A_680 = arith.index_cast %parallel_loop3A_548 : i32 to index
        %parallel_loop3A_681 = arith.constant 112 : index
        %parallel_loop3A_682 = tpu.vector_load %parallel_loop3A_679[%parallel_loop3A_680, %parallel_loop3A_681] {strides = array<i32>} : memref<128x128xf32, #tpu.memory_space<vmem>>, vector<16xf32>,
        tpu.vector_store %parallel_loop3A_679[%parallel_loop3A_680, %parallel_loop3A_681], %parallel_loop3A_675 {strides = array<i32>} : memref<128x128xf32, #tpu.memory_space<vmem>>, vector<16xf32>,
        %parallel_loop3A_683 = arith.maximumf %parallel_loop3A_538, %parallel_loop3A_546 : vector<16xf32>
        %parallel_loop3A_684 = arith.constant 1 : i32
        %parallel_loop3A_685 = arith.addi %parallel_loop3A_548, %parallel_loop3A_684 : i32
        %parallel_loop3A_686 = arith.constant 0 : i32
        %parallel_loop3A_687 = arith.constant 0 : i32
        %parallel_loop3A_688 = tpu.memref_slice %arg7[%parallel_loop3A_354, %parallel_loop3A_686, %parallel_loop3A_687] : memref<2x128x128xf32, #tpu.memory_space<vmem>> -> memref<1x128x128xf32, #tpu.memory_space<vmem>>
        %parallel_loop3A_689 = tpu.memref_squeeze %parallel_loop3A_688 : memref<1x128x128xf32, #tpu.memory_space<vmem>> -> memref<128x128xf32, #tpu.memory_space<vmem>>
        %parallel_loop3A_690 = arith.index_cast %parallel_loop3A_685 : i32 to index
        %parallel_loop3A_691 = arith.constant 112 : index
        %parallel_loop3A_692 = tpu.vector_load %parallel_loop3A_689[%parallel_loop3A_690, %parallel_loop3A_691] {strides = array<i32>} : memref<128x128xf32, #tpu.memory_space<vmem>>, vector<16xf32>,
        tpu.vector_store %parallel_loop3A_689[%parallel_loop3A_690, %parallel_loop3A_691], %parallel_loop3A_683 {strides = array<i32>} : memref<128x128xf32, #tpu.memory_space<vmem>>, vector<16xf32>,
      } {sc.loop_unroll_factor = 1 : i64, sc.parallel_access}
      %mul3A_355 = arith.constant 128 : i32
      %mul3A_356 = arith.muli %add3A_314, %mul3A_355 : i32
      %dma_start3A_357 = arith.constant 1 : i32
      %dma_start3A_358 = arith.constant 0 : i32
      %dma_start3A_359 = arith.constant 0 : i32
      %dma_start3A_360 = tpu.memref_slice %arg7[%dma_start3A_357, %dma_start3A_358, %dma_start3A_359] : memref<2x128x128xf32, #tpu.memory_space<vmem>> -> memref<1x128x128xf32, #tpu.memory_space<vmem>>
      %dma_start3A_361 = tpu.memref_squeeze %dma_start3A_360 : memref<1x128x128xf32, #tpu.memory_space<vmem>> -> memref<128x128xf32, #tpu.memory_space<vmem>>
      %dma_start3A_362 = tpu.memref_slice %arg4[%add3A_176, %mul3A_356, %mul3A_32] : memref<4x4096x2048xf32, #tpu.memory_space<hbm>> -> memref<1x128x128xf32, #tpu.memory_space<hbm>>
      %dma_start3A_363 = tpu.memref_squeeze %dma_start3A_362 : memref<1x128x128xf32, #tpu.memory_space<hbm>> -> memref<128x128xf32, #tpu.memory_space<hbm>>
      %dma_start3A_364 = tpu.memref_slice %arg4[%add3A_176, %mul3A_356, %mul3A_32] : memref<4x4096x2048xf32, #tpu.memory_space<hbm>> -> memref<1x128x128xf32, #tpu.memory_space<hbm>>
      %dma_start3A_365 = tpu.memref_squeeze %dma_start3A_364 : memref<1x128x128xf32, #tpu.memory_space<hbm>> -> memref<128x128xf32, #tpu.memory_space<hbm>>
      %dma_start3A_366 = arith.constant 0 : i32
      %dma_start3A_367 = arith.constant 0 : i32
      %dma_start3A_368 = tpu.memref_slice %arg7[%dma_start3A_357, %dma_start3A_366, %dma_start3A_367] : memref<2x128x128xf32, #tpu.memory_space<vmem>> -> memref<1x128x128xf32, #tpu.memory_space<vmem>>
      %dma_start3A_369 = tpu.memref_squeeze %dma_start3A_368 : memref<1x128x128xf32, #tpu.memory_space<vmem>> -> memref<128x128xf32, #tpu.memory_space<vmem>>
      tpu.enqueue_dma source(%dma_start3A_369 : memref<128x128xf32, #tpu.memory_space<vmem>>) target(%dma_start3A_365 : memref<128x128xf32, #tpu.memory_space<hbm>>) target_semaphore(%arg13 : memref<!tpu.dma_semaphore, #tpu.memory_space<semaphore_mem>>)
      %add3A_370 = arith.constant 2 : i32
      %add3A_371 = arith.addi %add3A_253, %add3A_370 : i32
      %add3A_372 = arith.constant 2 : i32
      %add3A_373 = arith.addi %add3A_371, %add3A_372 : i32
      %lt3A_374 = arith.constant 32 : i32
      %lt3A_375 = arith.cmpi slt, %add3A_373, %lt3A_374 : i32
      %convert_element_type3A_376 = arith.extui %lt3A_375 : i1 to i32
      %cond3A_377 = arith.constant 0 : i32
      %cond3A_378 = arith.cmpi ne, %convert_element_type3A_376, %cond3A_377 : i32
      scf.if %cond3A_378 {
        %add3A_484 = arith.constant 2 : i32
        %add3A_485 = arith.addi %add3A_371, %add3A_484 : i32
        %mul3A_486 = arith.constant 128 : i32
        %mul3A_487 = arith.muli %add3A_485, %mul3A_486 : i32
        %dma_start3A_488 = arith.constant 0 : i32
        %dma_start3A_489 = arith.constant 0 : i32
        %dma_start3A_490 = tpu.memref_slice %arg6[%dma_start3A_488, %dma_start3A_489] : memref<512x128xf32, #tpu.memory_space<vmem>> -> memref<128x128xf32, #tpu.memory_space<vmem>>
        %dma_start3A_491 = tpu.memref_slice %arg2[%add3A_176, %mul3A_487, %mul3A_32] : memref<4x4096x2048xf32, #tpu.memory_space<hbm>> -> memref<1x128x128xf32, #tpu.memory_space<hbm>>
        %dma_start3A_492 = tpu.memref_squeeze %dma_start3A_491 : memref<1x128x128xf32, #tpu.memory_space<hbm>> -> memref<128x128xf32, #tpu.memory_space<hbm>>
        %dma_start3A_493 = arith.constant 0 : i32
        %dma_start3A_494 = arith.constant 0 : i32
        %dma_start3A_495 = tpu.memref_slice %arg6[%dma_start3A_493, %dma_start3A_494] : memref<512x128xf32, #tpu.memory_space<vmem>> -> memref<128x128xf32, #tpu.memory_space<vmem>>
        %dma_start3A_496 = tpu.memref_slice %arg2[%add3A_176, %mul3A_487, %mul3A_32] : memref<4x4096x2048xf32, #tpu.memory_space<hbm>> -> memref<1x128x128xf32, #tpu.memory_space<hbm>>
        %dma_start3A_497 = tpu.memref_squeeze %dma_start3A_496 : memref<1x128x128xf32, #tpu.memory_space<hbm>> -> memref<128x128xf32, #tpu.memory_space<hbm>>
        tpu.enqueue_dma source(%dma_start3A_497 : memref<128x128xf32, #tpu.memory_space<hbm>>) target(%dma_start3A_495 : memref<128x128xf32, #tpu.memory_space<vmem>>) target_semaphore(%arg8 : memref<!tpu.dma_semaphore, #tpu.memory_space<semaphore_mem>>)
      } else {
      }
      %dma_wait3A_379 = arith.constant 0 : i32
      %dma_wait3A_380 = arith.constant 256 : i32
      %dma_wait3A_381 = arith.constant 0 : i32
      %dma_wait3A_382 = tpu.memref_slice %arg6[%dma_wait3A_380, %dma_wait3A_381] : memref<512x128xf32, #tpu.memory_space<vmem>> -> memref<128x128xf32, #tpu.memory_space<vmem>>
      %dma_wait3A_383 = arith.constant 0 : i32
      %dma_wait3A_384 = tpu.memref_slice %arg2[%dma_wait3A_379, %dma_wait3A_383, %mul3A_32] : memref<4x4096x2048xf32, #tpu.memory_space<hbm>> -> memref<1x128x128xf32, #tpu.memory_space<hbm>>
      %dma_wait3A_385 = tpu.memref_squeeze %dma_wait3A_384 : memref<1x128x128xf32, #tpu.memory_space<hbm>> -> memref<128x128xf32, #tpu.memory_space<hbm>>
      %dma_wait3A_386 = arith.constant 256 : i32
      %dma_wait3A_387 = arith.constant 0 : i32
      %dma_wait3A_388 = tpu.memref_slice %arg6[%dma_wait3A_386, %dma_wait3A_387] : memref<512x128xf32, #tpu.memory_space<vmem>> -> memref<128x128xf32, #tpu.memory_space<vmem>>
      %dma_wait3A_389 = arith.constant 0 : i32
      %dma_wait3A_390 = tpu.memref_slice %arg2[%dma_wait3A_379, %dma_wait3A_389, %mul3A_32] : memref<4x4096x2048xf32, #tpu.memory_space<hbm>> -> memref<1x128x128xf32, #tpu.memory_space<hbm>>
      %dma_wait3A_391 = tpu.memref_squeeze %dma_wait3A_390 : memref<1x128x128xf32, #tpu.memory_space<hbm>> -> memref<128x128xf32, #tpu.memory_space<hbm>>
      tpu.wait_dma2 semaphore(%arg10 : memref<!tpu.dma_semaphore, #tpu.memory_space<semaphore_mem>>) src(%dma_wait3A_391 : memref<128x128xf32, #tpu.memory_space<hbm>>) dst(%dma_wait3A_388 : memref<128x128xf32, #tpu.memory_space<vmem>>)
      %dma_wait3A_392 = arith.constant 0 : i32
      %dma_wait3A_393 = arith.constant 0 : i32
      %dma_wait3A_394 = arith.constant 0 : i32
      %dma_wait3A_395 = arith.constant 0 : i32
      %dma_wait3A_396 = tpu.memref_slice %arg7[%dma_wait3A_392, %dma_wait3A_394, %dma_wait3A_395] : memref<2x128x128xf32, #tpu.memory_space<vmem>> -> memref<1x128x128xf32, #tpu.memory_space<vmem>>
      %dma_wait3A_397 = tpu.memref_squeeze %dma_wait3A_396 : memref<1x128x128xf32, #tpu.memory_space<vmem>> -> memref<128x128xf32, #tpu.memory_space<vmem>>
      %dma_wait3A_398 = arith.constant 0 : i32
      %dma_wait3A_399 = tpu.memref_slice %arg4[%dma_wait3A_393, %dma_wait3A_398, %mul3A_32] : memref<4x4096x2048xf32, #tpu.memory_space<hbm>> -> memref<1x128x128xf32, #tpu.memory_space<hbm>>
      %dma_wait3A_400 = tpu.memref_squeeze %dma_wait3A_399 : memref<1x128x128xf32, #tpu.memory_space<hbm>> -> memref<128x128xf32, #tpu.memory_space<hbm>>
      %dma_wait3A_401 = arith.constant 0 : i32
      %dma_wait3A_402 = tpu.memref_slice %arg4[%dma_wait3A_393, %dma_wait3A_401, %mul3A_32] : memref<4x4096x2048xf32, #tpu.memory_space<hbm>> -> memref<1x128x128xf32, #tpu.memory_space<hbm>>
      %dma_wait3A_403 = tpu.memref_squeeze %dma_wait3A_402 : memref<1x128x128xf32, #tpu.memory_space<hbm>> -> memref<128x128xf32, #tpu.memory_space<hbm>>
      %dma_wait3A_404 = arith.constant 0 : i32
      %dma_wait3A_405 = arith.constant 0 : i32
      %dma_wait3A_406 = tpu.memref_slice %arg7[%dma_wait3A_392, %dma_wait3A_404, %dma_wait3A_405] : memref<2x128x128xf32, #tpu.memory_space<vmem>> -> memref<1x128x128xf32, #tpu.memory_space<vmem>>
      %dma_wait3A_407 = tpu.memref_squeeze %dma_wait3A_406 : memref<1x128x128xf32, #tpu.memory_space<vmem>> -> memref<128x128xf32, #tpu.memory_space<vmem>>
      tpu.wait_dma2 semaphore(%arg12 : memref<!tpu.dma_semaphore, #tpu.memory_space<semaphore_mem>>) src(%dma_wait3A_407 : memref<128x128xf32, #tpu.memory_space<vmem>>) dst(%dma_wait3A_403 : memref<128x128xf32, #tpu.memory_space<hbm>>)
      %parallel_loop3A_408 = arith.constant 0 : i32
      %parallel_loop3A_409 = arith.constant 64 : i32
      %parallel_loop3A_410 = arith.constant 1 : i32
      %parallel_loop3A_411 = arith.constant 0 : i32
      scf.for %parallel_loop3A_484 = %parallel_loop3A_408 to %parallel_loop3A_409 step %parallel_loop3A_410  : i32 {
        %parallel_loop3A_485 = arith.constant 2 : i32
        %parallel_loop3A_486 = arith.muli %parallel_loop3A_485, %parallel_loop3A_484 : i32
        %parallel_loop3A_487 = arith.constant 7 : i32
        %parallel_loop3A_488 = arith.shli %parallel_loop3A_486, %parallel_loop3A_487 : i32
        %parallel_loop3A_489 = arith.constant 32768 : i32
        %parallel_loop3A_490 = arith.addi %parallel_loop3A_488, %parallel_loop3A_489 : i32
        %parallel_loop3A_491 = vector.broadcast %parallel_loop3A_490 : i32 to vector<16xi32>
        %parallel_loop3A_492 = arith.addi %add3A_45, %parallel_loop3A_491 : vector<16xi32>
        %parallel_loop3A_493 = vector.broadcast %parallel_loop3A_490 : i32 to vector<16xi32>
        %parallel_loop3A_494 = arith.addi %add3A_57, %parallel_loop3A_493 : vector<16xi32>
        %parallel_loop3A_495 = vector.broadcast %parallel_loop3A_490 : i32 to vector<16xi32>
        %parallel_loop3A_496 = arith.addi %add3A_69, %parallel_loop3A_495 : vector<16xi32>
        %parallel_loop3A_497 = vector.broadcast %parallel_loop3A_490 : i32 to vector<16xi32>
        %parallel_loop3A_498 = arith.addi %add3A_81, %parallel_loop3A_497 : vector<16xi32>
        %parallel_loop3A_499 = vector.broadcast %parallel_loop3A_490 : i32 to vector<16xi32>
        %parallel_loop3A_500 = arith.addi %add3A_93, %parallel_loop3A_499 : vector<16xi32>
        %parallel_loop3A_501 = vector.broadcast %parallel_loop3A_490 : i32 to vector<16xi32>
        %parallel_loop3A_502 = arith.addi %add3A_105, %parallel_loop3A_501 : vector<16xi32>
        %parallel_loop3A_503 = vector.broadcast %parallel_loop3A_490 : i32 to vector<16xi32>
        %parallel_loop3A_504 = arith.addi %add3A_117, %parallel_loop3A_503 : vector<16xi32>
        %parallel_loop3A_505 = vector.broadcast %parallel_loop3A_490 : i32 to vector<16xi32>
        %parallel_loop3A_506 = arith.addi %add3A_129, %parallel_loop3A_505 : vector<16xi32>
        %parallel_loop3A_507 = arith.constant 128 : i32
        %parallel_loop3A_508 = vector.broadcast %parallel_loop3A_507 : i32 to vector<16xi32>
        %parallel_loop3A_509 = arith.addi %parallel_loop3A_492, %parallel_loop3A_508 : vector<16xi32>
        %parallel_loop3A_510 = arith.constant 128 : i32
        %parallel_loop3A_511 = vector.broadcast %parallel_loop3A_510 : i32 to vector<16xi32>
        %parallel_loop3A_512 = arith.addi %parallel_loop3A_494, %parallel_loop3A_511 : vector<16xi32>
        %parallel_loop3A_513 = arith.constant 128 : i32
        %parallel_loop3A_514 = vector.broadcast %parallel_loop3A_513 : i32 to vector<16xi32>
        %parallel_loop3A_515 = arith.addi %parallel_loop3A_496, %parallel_loop3A_514 : vector<16xi32>
        %parallel_loop3A_516 = arith.constant 128 : i32
        %parallel_loop3A_517 = vector.broadcast %parallel_loop3A_516 : i32 to vector<16xi32>
        %parallel_loop3A_518 = arith.addi %parallel_loop3A_498, %parallel_loop3A_517 : vector<16xi32>
        %parallel_loop3A_519 = arith.constant 128 : i32
        %parallel_loop3A_520 = vector.broadcast %parallel_loop3A_519 : i32 to vector<16xi32>
        %parallel_loop3A_521 = arith.addi %parallel_loop3A_500, %parallel_loop3A_520 : vector<16xi32>
        %parallel_loop3A_522 = arith.constant 128 : i32
        %parallel_loop3A_523 = vector.broadcast %parallel_loop3A_522 : i32 to vector<16xi32>
        %parallel_loop3A_524 = arith.addi %parallel_loop3A_502, %parallel_loop3A_523 : vector<16xi32>
        %parallel_loop3A_525 = arith.constant 128 : i32
        %parallel_loop3A_526 = vector.broadcast %parallel_loop3A_525 : i32 to vector<16xi32>
        %parallel_loop3A_527 = arith.addi %parallel_loop3A_504, %parallel_loop3A_526 : vector<16xi32>
        %parallel_loop3A_528 = arith.constant 128 : i32
        %parallel_loop3A_529 = vector.broadcast %parallel_loop3A_528 : i32 to vector<16xi32>
        %parallel_loop3A_530 = arith.addi %parallel_loop3A_506, %parallel_loop3A_529 : vector<16xi32>
        %parallel_loop3A_531 = tpu.vector_load_idx %arg6[%mul3A_35, %parallel_loop3A_492] : memref<512x128xf32, #tpu.memory_space<vmem>>[vector<16xi32>, vector<16xi32>], vector<16xf32>,
        %parallel_loop3A_532 = tpu.vector_load_idx %arg6[%mul3A_35, %parallel_loop3A_494] : memref<512x128xf32, #tpu.memory_space<vmem>>[vector<16xi32>, vector<16xi32>], vector<16xf32>,
        %parallel_loop3A_533 = tpu.vector_load_idx %arg6[%mul3A_35, %parallel_loop3A_496] : memref<512x128xf32, #tpu.memory_space<vmem>>[vector<16xi32>, vector<16xi32>], vector<16xf32>,
        %parallel_loop3A_534 = tpu.vector_load_idx %arg6[%mul3A_35, %parallel_loop3A_498] : memref<512x128xf32, #tpu.memory_space<vmem>>[vector<16xi32>, vector<16xi32>], vector<16xf32>,
        %parallel_loop3A_535 = tpu.vector_load_idx %arg6[%mul3A_35, %parallel_loop3A_500] : memref<512x128xf32, #tpu.memory_space<vmem>>[vector<16xi32>, vector<16xi32>], vector<16xf32>,
        %parallel_loop3A_536 = tpu.vector_load_idx %arg6[%mul3A_35, %parallel_loop3A_502] : memref<512x128xf32, #tpu.memory_space<vmem>>[vector<16xi32>, vector<16xi32>], vector<16xf32>,
        %parallel_loop3A_537 = tpu.vector_load_idx %arg6[%mul3A_35, %parallel_loop3A_504] : memref<512x128xf32, #tpu.memory_space<vmem>>[vector<16xi32>, vector<16xi32>], vector<16xf32>,
        %parallel_loop3A_538 = tpu.vector_load_idx %arg6[%mul3A_35, %parallel_loop3A_506] : memref<512x128xf32, #tpu.memory_space<vmem>>[vector<16xi32>, vector<16xi32>], vector<16xf32>,
        %parallel_loop3A_539 = tpu.vector_load_idx %arg6[%mul3A_35, %parallel_loop3A_509] : memref<512x128xf32, #tpu.memory_space<vmem>>[vector<16xi32>, vector<16xi32>], vector<16xf32>,
        %parallel_loop3A_540 = tpu.vector_load_idx %arg6[%mul3A_35, %parallel_loop3A_512] : memref<512x128xf32, #tpu.memory_space<vmem>>[vector<16xi32>, vector<16xi32>], vector<16xf32>,
        %parallel_loop3A_541 = tpu.vector_load_idx %arg6[%mul3A_35, %parallel_loop3A_515] : memref<512x128xf32, #tpu.memory_space<vmem>>[vector<16xi32>, vector<16xi32>], vector<16xf32>,
        %parallel_loop3A_542 = tpu.vector_load_idx %arg6[%mul3A_35, %parallel_loop3A_518] : memref<512x128xf32, #tpu.memory_space<vmem>>[vector<16xi32>, vector<16xi32>], vector<16xf32>,
        %parallel_loop3A_543 = tpu.vector_load_idx %arg6[%mul3A_35, %parallel_loop3A_521] : memref<512x128xf32, #tpu.memory_space<vmem>>[vector<16xi32>, vector<16xi32>], vector<16xf32>,
        %parallel_loop3A_544 = tpu.vector_load_idx %arg6[%mul3A_35, %parallel_loop3A_524] : memref<512x128xf32, #tpu.memory_space<vmem>>[vector<16xi32>, vector<16xi32>], vector<16xf32>,
        %parallel_loop3A_545 = tpu.vector_load_idx %arg6[%mul3A_35, %parallel_loop3A_527] : memref<512x128xf32, #tpu.memory_space<vmem>>[vector<16xi32>, vector<16xi32>], vector<16xf32>,
        %parallel_loop3A_546 = tpu.vector_load_idx %arg6[%mul3A_35, %parallel_loop3A_530] : memref<512x128xf32, #tpu.memory_space<vmem>>[vector<16xi32>, vector<16xi32>], vector<16xf32>,
        %parallel_loop3A_547 = arith.constant 2 : i32
        %parallel_loop3A_548 = arith.muli %parallel_loop3A_547, %parallel_loop3A_484 : i32
        %parallel_loop3A_549 = arith.minimumf %parallel_loop3A_531, %parallel_loop3A_539 : vector<16xf32>
        %parallel_loop3A_550 = arith.constant 0 : i32
        %parallel_loop3A_551 = arith.constant 0 : i32
        %parallel_loop3A_552 = tpu.memref_slice %arg7[%parallel_loop3A_411, %parallel_loop3A_550, %parallel_loop3A_551] : memref<2x128x128xf32, #tpu.memory_space<vmem>> -> memref<1x128x128xf32, #tpu.memory_space<vmem>>
        %parallel_loop3A_553 = tpu.memref_squeeze %parallel_loop3A_552 : memref<1x128x128xf32, #tpu.memory_space<vmem>> -> memref<128x128xf32, #tpu.memory_space<vmem>>
        %parallel_loop3A_554 = arith.index_cast %parallel_loop3A_548 : i32 to index
        %parallel_loop3A_555 = arith.constant 0 : index
        %parallel_loop3A_556 = tpu.vector_load %parallel_loop3A_553[%parallel_loop3A_554, %parallel_loop3A_555] {strides = array<i32>} : memref<128x128xf32, #tpu.memory_space<vmem>>, vector<16xf32>,
        tpu.vector_store %parallel_loop3A_553[%parallel_loop3A_554, %parallel_loop3A_555], %parallel_loop3A_549 {strides = array<i32>} : memref<128x128xf32, #tpu.memory_space<vmem>>, vector<16xf32>,
        %parallel_loop3A_557 = arith.maximumf %parallel_loop3A_531, %parallel_loop3A_539 : vector<16xf32>
        %parallel_loop3A_558 = arith.constant 1 : i32
        %parallel_loop3A_559 = arith.addi %parallel_loop3A_548, %parallel_loop3A_558 : i32
        %parallel_loop3A_560 = arith.constant 0 : i32
        %parallel_loop3A_561 = arith.constant 0 : i32
        %parallel_loop3A_562 = tpu.memref_slice %arg7[%parallel_loop3A_411, %parallel_loop3A_560, %parallel_loop3A_561] : memref<2x128x128xf32, #tpu.memory_space<vmem>> -> memref<1x128x128xf32, #tpu.memory_space<vmem>>
        %parallel_loop3A_563 = tpu.memref_squeeze %parallel_loop3A_562 : memref<1x128x128xf32, #tpu.memory_space<vmem>> -> memref<128x128xf32, #tpu.memory_space<vmem>>
        %parallel_loop3A_564 = arith.index_cast %parallel_loop3A_559 : i32 to index
        %parallel_loop3A_565 = arith.constant 0 : index
        %parallel_loop3A_566 = tpu.vector_load %parallel_loop3A_563[%parallel_loop3A_564, %parallel_loop3A_565] {strides = array<i32>} : memref<128x128xf32, #tpu.memory_space<vmem>>, vector<16xf32>,
        tpu.vector_store %parallel_loop3A_563[%parallel_loop3A_564, %parallel_loop3A_565], %parallel_loop3A_557 {strides = array<i32>} : memref<128x128xf32, #tpu.memory_space<vmem>>, vector<16xf32>,
        %parallel_loop3A_567 = arith.minimumf %parallel_loop3A_532, %parallel_loop3A_540 : vector<16xf32>
        %parallel_loop3A_568 = arith.constant 0 : i32
        %parallel_loop3A_569 = arith.constant 0 : i32
        %parallel_loop3A_570 = tpu.memref_slice %arg7[%parallel_loop3A_411, %parallel_loop3A_568, %parallel_loop3A_569] : memref<2x128x128xf32, #tpu.memory_space<vmem>> -> memref<1x128x128xf32, #tpu.memory_space<vmem>>
        %parallel_loop3A_571 = tpu.memref_squeeze %parallel_loop3A_570 : memref<1x128x128xf32, #tpu.memory_space<vmem>> -> memref<128x128xf32, #tpu.memory_space<vmem>>
        %parallel_loop3A_572 = arith.index_cast %parallel_loop3A_548 : i32 to index
        %parallel_loop3A_573 = arith.constant 16 : index
        %parallel_loop3A_574 = tpu.vector_load %parallel_loop3A_571[%parallel_loop3A_572, %parallel_loop3A_573] {strides = array<i32>} : memref<128x128xf32, #tpu.memory_space<vmem>>, vector<16xf32>,
        tpu.vector_store %parallel_loop3A_571[%parallel_loop3A_572, %parallel_loop3A_573], %parallel_loop3A_567 {strides = array<i32>} : memref<128x128xf32, #tpu.memory_space<vmem>>, vector<16xf32>,
        %parallel_loop3A_575 = arith.maximumf %parallel_loop3A_532, %parallel_loop3A_540 : vector<16xf32>
        %parallel_loop3A_576 = arith.constant 1 : i32
        %parallel_loop3A_577 = arith.addi %parallel_loop3A_548, %parallel_loop3A_576 : i32
        %parallel_loop3A_578 = arith.constant 0 : i32
        %parallel_loop3A_579 = arith.constant 0 : i32
        %parallel_loop3A_580 = tpu.memref_slice %arg7[%parallel_loop3A_411, %parallel_loop3A_578, %parallel_loop3A_579] : memref<2x128x128xf32, #tpu.memory_space<vmem>> -> memref<1x128x128xf32, #tpu.memory_space<vmem>>
        %parallel_loop3A_581 = tpu.memref_squeeze %parallel_loop3A_580 : memref<1x128x128xf32, #tpu.memory_space<vmem>> -> memref<128x128xf32, #tpu.memory_space<vmem>>
        %parallel_loop3A_582 = arith.index_cast %parallel_loop3A_577 : i32 to index
        %parallel_loop3A_583 = arith.constant 16 : index
        %parallel_loop3A_584 = tpu.vector_load %parallel_loop3A_581[%parallel_loop3A_582, %parallel_loop3A_583] {strides = array<i32>} : memref<128x128xf32, #tpu.memory_space<vmem>>, vector<16xf32>,
        tpu.vector_store %parallel_loop3A_581[%parallel_loop3A_582, %parallel_loop3A_583], %parallel_loop3A_575 {strides = array<i32>} : memref<128x128xf32, #tpu.memory_space<vmem>>, vector<16xf32>,
        %parallel_loop3A_585 = arith.minimumf %parallel_loop3A_533, %parallel_loop3A_541 : vector<16xf32>
        %parallel_loop3A_586 = arith.constant 0 : i32
        %parallel_loop3A_587 = arith.constant 0 : i32
        %parallel_loop3A_588 = tpu.memref_slice %arg7[%parallel_loop3A_411, %parallel_loop3A_586, %parallel_loop3A_587] : memref<2x128x128xf32, #tpu.memory_space<vmem>> -> memref<1x128x128xf32, #tpu.memory_space<vmem>>
        %parallel_loop3A_589 = tpu.memref_squeeze %parallel_loop3A_588 : memref<1x128x128xf32, #tpu.memory_space<vmem>> -> memref<128x128xf32, #tpu.memory_space<vmem>>
        %parallel_loop3A_590 = arith.index_cast %parallel_loop3A_548 : i32 to index
        %parallel_loop3A_591 = arith.constant 32 : index
        %parallel_loop3A_592 = tpu.vector_load %parallel_loop3A_589[%parallel_loop3A_590, %parallel_loop3A_591] {strides = array<i32>} : memref<128x128xf32, #tpu.memory_space<vmem>>, vector<16xf32>,
        tpu.vector_store %parallel_loop3A_589[%parallel_loop3A_590, %parallel_loop3A_591], %parallel_loop3A_585 {strides = array<i32>} : memref<128x128xf32, #tpu.memory_space<vmem>>, vector<16xf32>,
        %parallel_loop3A_593 = arith.maximumf %parallel_loop3A_533, %parallel_loop3A_541 : vector<16xf32>
        %parallel_loop3A_594 = arith.constant 1 : i32
        %parallel_loop3A_595 = arith.addi %parallel_loop3A_548, %parallel_loop3A_594 : i32
        %parallel_loop3A_596 = arith.constant 0 : i32
        %parallel_loop3A_597 = arith.constant 0 : i32
        %parallel_loop3A_598 = tpu.memref_slice %arg7[%parallel_loop3A_411, %parallel_loop3A_596, %parallel_loop3A_597] : memref<2x128x128xf32, #tpu.memory_space<vmem>> -> memref<1x128x128xf32, #tpu.memory_space<vmem>>
        %parallel_loop3A_599 = tpu.memref_squeeze %parallel_loop3A_598 : memref<1x128x128xf32, #tpu.memory_space<vmem>> -> memref<128x128xf32, #tpu.memory_space<vmem>>
        %parallel_loop3A_600 = arith.index_cast %parallel_loop3A_595 : i32 to index
        %parallel_loop3A_601 = arith.constant 32 : index
        %parallel_loop3A_602 = tpu.vector_load %parallel_loop3A_599[%parallel_loop3A_600, %parallel_loop3A_601] {strides = array<i32>} : memref<128x128xf32, #tpu.memory_space<vmem>>, vector<16xf32>,
        tpu.vector_store %parallel_loop3A_599[%parallel_loop3A_600, %parallel_loop3A_601], %parallel_loop3A_593 {strides = array<i32>} : memref<128x128xf32, #tpu.memory_space<vmem>>, vector<16xf32>,
        %parallel_loop3A_603 = arith.minimumf %parallel_loop3A_534, %parallel_loop3A_542 : vector<16xf32>
        %parallel_loop3A_604 = arith.constant 0 : i32
        %parallel_loop3A_605 = arith.constant 0 : i32
        %parallel_loop3A_606 = tpu.memref_slice %arg7[%parallel_loop3A_411, %parallel_loop3A_604, %parallel_loop3A_605] : memref<2x128x128xf32, #tpu.memory_space<vmem>> -> memref<1x128x128xf32, #tpu.memory_space<vmem>>
        %parallel_loop3A_607 = tpu.memref_squeeze %parallel_loop3A_606 : memref<1x128x128xf32, #tpu.memory_space<vmem>> -> memref<128x128xf32, #tpu.memory_space<vmem>>
        %parallel_loop3A_608 = arith.index_cast %parallel_loop3A_548 : i32 to index
        %parallel_loop3A_609 = arith.constant 48 : index
        %parallel_loop3A_610 = tpu.vector_load %parallel_loop3A_607[%parallel_loop3A_608, %parallel_loop3A_609] {strides = array<i32>} : memref<128x128xf32, #tpu.memory_space<vmem>>, vector<16xf32>,
        tpu.vector_store %parallel_loop3A_607[%parallel_loop3A_608, %parallel_loop3A_609], %parallel_loop3A_603 {strides = array<i32>} : memref<128x128xf32, #tpu.memory_space<vmem>>, vector<16xf32>,
        %parallel_loop3A_611 = arith.maximumf %parallel_loop3A_534, %parallel_loop3A_542 : vector<16xf32>
        %parallel_loop3A_612 = arith.constant 1 : i32
        %parallel_loop3A_613 = arith.addi %parallel_loop3A_548, %parallel_loop3A_612 : i32
        %parallel_loop3A_614 = arith.constant 0 : i32
        %parallel_loop3A_615 = arith.constant 0 : i32
        %parallel_loop3A_616 = tpu.memref_slice %arg7[%parallel_loop3A_411, %parallel_loop3A_614, %parallel_loop3A_615] : memref<2x128x128xf32, #tpu.memory_space<vmem>> -> memref<1x128x128xf32, #tpu.memory_space<vmem>>
        %parallel_loop3A_617 = tpu.memref_squeeze %parallel_loop3A_616 : memref<1x128x128xf32, #tpu.memory_space<vmem>> -> memref<128x128xf32, #tpu.memory_space<vmem>>
        %parallel_loop3A_618 = arith.index_cast %parallel_loop3A_613 : i32 to index
        %parallel_loop3A_619 = arith.constant 48 : index
        %parallel_loop3A_620 = tpu.vector_load %parallel_loop3A_617[%parallel_loop3A_618, %parallel_loop3A_619] {strides = array<i32>} : memref<128x128xf32, #tpu.memory_space<vmem>>, vector<16xf32>,
        tpu.vector_store %parallel_loop3A_617[%parallel_loop3A_618, %parallel_loop3A_619], %parallel_loop3A_611 {strides = array<i32>} : memref<128x128xf32, #tpu.memory_space<vmem>>, vector<16xf32>,
        %parallel_loop3A_621 = arith.minimumf %parallel_loop3A_535, %parallel_loop3A_543 : vector<16xf32>
        %parallel_loop3A_622 = arith.constant 0 : i32
        %parallel_loop3A_623 = arith.constant 0 : i32
        %parallel_loop3A_624 = tpu.memref_slice %arg7[%parallel_loop3A_411, %parallel_loop3A_622, %parallel_loop3A_623] : memref<2x128x128xf32, #tpu.memory_space<vmem>> -> memref<1x128x128xf32, #tpu.memory_space<vmem>>
        %parallel_loop3A_625 = tpu.memref_squeeze %parallel_loop3A_624 : memref<1x128x128xf32, #tpu.memory_space<vmem>> -> memref<128x128xf32, #tpu.memory_space<vmem>>
        %parallel_loop3A_626 = arith.index_cast %parallel_loop3A_548 : i32 to index
        %parallel_loop3A_627 = arith.constant 64 : index
        %parallel_loop3A_628 = tpu.vector_load %parallel_loop3A_625[%parallel_loop3A_626, %parallel_loop3A_627] {strides = array<i32>} : memref<128x128xf32, #tpu.memory_space<vmem>>, vector<16xf32>,
        tpu.vector_store %parallel_loop3A_625[%parallel_loop3A_626, %parallel_loop3A_627], %parallel_loop3A_621 {strides = array<i32>} : memref<128x128xf32, #tpu.memory_space<vmem>>, vector<16xf32>,
        %parallel_loop3A_629 = arith.maximumf %parallel_loop3A_535, %parallel_loop3A_543 : vector<16xf32>
        %parallel_loop3A_630 = arith.constant 1 : i32
        %parallel_loop3A_631 = arith.addi %parallel_loop3A_548, %parallel_loop3A_630 : i32
        %parallel_loop3A_632 = arith.constant 0 : i32
        %parallel_loop3A_633 = arith.constant 0 : i32
        %parallel_loop3A_634 = tpu.memref_slice %arg7[%parallel_loop3A_411, %parallel_loop3A_632, %parallel_loop3A_633] : memref<2x128x128xf32, #tpu.memory_space<vmem>> -> memref<1x128x128xf32, #tpu.memory_space<vmem>>
        %parallel_loop3A_635 = tpu.memref_squeeze %parallel_loop3A_634 : memref<1x128x128xf32, #tpu.memory_space<vmem>> -> memref<128x128xf32, #tpu.memory_space<vmem>>
        %parallel_loop3A_636 = arith.index_cast %parallel_loop3A_631 : i32 to index
        %parallel_loop3A_637 = arith.constant 64 : index
        %parallel_loop3A_638 = tpu.vector_load %parallel_loop3A_635[%parallel_loop3A_636, %parallel_loop3A_637] {strides = array<i32>} : memref<128x128xf32, #tpu.memory_space<vmem>>, vector<16xf32>,
        tpu.vector_store %parallel_loop3A_635[%parallel_loop3A_636, %parallel_loop3A_637], %parallel_loop3A_629 {strides = array<i32>} : memref<128x128xf32, #tpu.memory_space<vmem>>, vector<16xf32>,
        %parallel_loop3A_639 = arith.minimumf %parallel_loop3A_536, %parallel_loop3A_544 : vector<16xf32>
        %parallel_loop3A_640 = arith.constant 0 : i32
        %parallel_loop3A_641 = arith.constant 0 : i32
        %parallel_loop3A_642 = tpu.memref_slice %arg7[%parallel_loop3A_411, %parallel_loop3A_640, %parallel_loop3A_641] : memref<2x128x128xf32, #tpu.memory_space<vmem>> -> memref<1x128x128xf32, #tpu.memory_space<vmem>>
        %parallel_loop3A_643 = tpu.memref_squeeze %parallel_loop3A_642 : memref<1x128x128xf32, #tpu.memory_space<vmem>> -> memref<128x128xf32, #tpu.memory_space<vmem>>
        %parallel_loop3A_644 = arith.index_cast %parallel_loop3A_548 : i32 to index
        %parallel_loop3A_645 = arith.constant 80 : index
        %parallel_loop3A_646 = tpu.vector_load %parallel_loop3A_643[%parallel_loop3A_644, %parallel_loop3A_645] {strides = array<i32>} : memref<128x128xf32, #tpu.memory_space<vmem>>, vector<16xf32>,
        tpu.vector_store %parallel_loop3A_643[%parallel_loop3A_644, %parallel_loop3A_645], %parallel_loop3A_639 {strides = array<i32>} : memref<128x128xf32, #tpu.memory_space<vmem>>, vector<16xf32>,
        %parallel_loop3A_647 = arith.maximumf %parallel_loop3A_536, %parallel_loop3A_544 : vector<16xf32>
        %parallel_loop3A_648 = arith.constant 1 : i32
        %parallel_loop3A_649 = arith.addi %parallel_loop3A_548, %parallel_loop3A_648 : i32
        %parallel_loop3A_650 = arith.constant 0 : i32
        %parallel_loop3A_651 = arith.constant 0 : i32
        %parallel_loop3A_652 = tpu.memref_slice %arg7[%parallel_loop3A_411, %parallel_loop3A_650, %parallel_loop3A_651] : memref<2x128x128xf32, #tpu.memory_space<vmem>> -> memref<1x128x128xf32, #tpu.memory_space<vmem>>
        %parallel_loop3A_653 = tpu.memref_squeeze %parallel_loop3A_652 : memref<1x128x128xf32, #tpu.memory_space<vmem>> -> memref<128x128xf32, #tpu.memory_space<vmem>>
        %parallel_loop3A_654 = arith.index_cast %parallel_loop3A_649 : i32 to index
        %parallel_loop3A_655 = arith.constant 80 : index
        %parallel_loop3A_656 = tpu.vector_load %parallel_loop3A_653[%parallel_loop3A_654, %parallel_loop3A_655] {strides = array<i32>} : memref<128x128xf32, #tpu.memory_space<vmem>>, vector<16xf32>,
        tpu.vector_store %parallel_loop3A_653[%parallel_loop3A_654, %parallel_loop3A_655], %parallel_loop3A_647 {strides = array<i32>} : memref<128x128xf32, #tpu.memory_space<vmem>>, vector<16xf32>,
        %parallel_loop3A_657 = arith.minimumf %parallel_loop3A_537, %parallel_loop3A_545 : vector<16xf32>
        %parallel_loop3A_658 = arith.constant 0 : i32
        %parallel_loop3A_659 = arith.constant 0 : i32
        %parallel_loop3A_660 = tpu.memref_slice %arg7[%parallel_loop3A_411, %parallel_loop3A_658, %parallel_loop3A_659] : memref<2x128x128xf32, #tpu.memory_space<vmem>> -> memref<1x128x128xf32, #tpu.memory_space<vmem>>
        %parallel_loop3A_661 = tpu.memref_squeeze %parallel_loop3A_660 : memref<1x128x128xf32, #tpu.memory_space<vmem>> -> memref<128x128xf32, #tpu.memory_space<vmem>>
        %parallel_loop3A_662 = arith.index_cast %parallel_loop3A_548 : i32 to index
        %parallel_loop3A_663 = arith.constant 96 : index
        %parallel_loop3A_664 = tpu.vector_load %parallel_loop3A_661[%parallel_loop3A_662, %parallel_loop3A_663] {strides = array<i32>} : memref<128x128xf32, #tpu.memory_space<vmem>>, vector<16xf32>,
        tpu.vector_store %parallel_loop3A_661[%parallel_loop3A_662, %parallel_loop3A_663], %parallel_loop3A_657 {strides = array<i32>} : memref<128x128xf32, #tpu.memory_space<vmem>>, vector<16xf32>,
        %parallel_loop3A_665 = arith.maximumf %parallel_loop3A_537, %parallel_loop3A_545 : vector<16xf32>
        %parallel_loop3A_666 = arith.constant 1 : i32
        %parallel_loop3A_667 = arith.addi %parallel_loop3A_548, %parallel_loop3A_666 : i32
        %parallel_loop3A_668 = arith.constant 0 : i32
        %parallel_loop3A_669 = arith.constant 0 : i32
        %parallel_loop3A_670 = tpu.memref_slice %arg7[%parallel_loop3A_411, %parallel_loop3A_668, %parallel_loop3A_669] : memref<2x128x128xf32, #tpu.memory_space<vmem>> -> memref<1x128x128xf32, #tpu.memory_space<vmem>>
        %parallel_loop3A_671 = tpu.memref_squeeze %parallel_loop3A_670 : memref<1x128x128xf32, #tpu.memory_space<vmem>> -> memref<128x128xf32, #tpu.memory_space<vmem>>
        %parallel_loop3A_672 = arith.index_cast %parallel_loop3A_667 : i32 to index
        %parallel_loop3A_673 = arith.constant 96 : index
        %parallel_loop3A_674 = tpu.vector_load %parallel_loop3A_671[%parallel_loop3A_672, %parallel_loop3A_673] {strides = array<i32>} : memref<128x128xf32, #tpu.memory_space<vmem>>, vector<16xf32>,
        tpu.vector_store %parallel_loop3A_671[%parallel_loop3A_672, %parallel_loop3A_673], %parallel_loop3A_665 {strides = array<i32>} : memref<128x128xf32, #tpu.memory_space<vmem>>, vector<16xf32>,
        %parallel_loop3A_675 = arith.minimumf %parallel_loop3A_538, %parallel_loop3A_546 : vector<16xf32>
        %parallel_loop3A_676 = arith.constant 0 : i32
        %parallel_loop3A_677 = arith.constant 0 : i32
        %parallel_loop3A_678 = tpu.memref_slice %arg7[%parallel_loop3A_411, %parallel_loop3A_676, %parallel_loop3A_677] : memref<2x128x128xf32, #tpu.memory_space<vmem>> -> memref<1x128x128xf32, #tpu.memory_space<vmem>>
        %parallel_loop3A_679 = tpu.memref_squeeze %parallel_loop3A_678 : memref<1x128x128xf32, #tpu.memory_space<vmem>> -> memref<128x128xf32, #tpu.memory_space<vmem>>
        %parallel_loop3A_680 = arith.index_cast %parallel_loop3A_548 : i32 to index
        %parallel_loop3A_681 = arith.constant 112 : index
        %parallel_loop3A_682 = tpu.vector_load %parallel_loop3A_679[%parallel_loop3A_680, %parallel_loop3A_681] {strides = array<i32>} : memref<128x128xf32, #tpu.memory_space<vmem>>, vector<16xf32>,
        tpu.vector_store %parallel_loop3A_679[%parallel_loop3A_680, %parallel_loop3A_681], %parallel_loop3A_675 {strides = array<i32>} : memref<128x128xf32, #tpu.memory_space<vmem>>, vector<16xf32>,
        %parallel_loop3A_683 = arith.maximumf %parallel_loop3A_538, %parallel_loop3A_546 : vector<16xf32>
        %parallel_loop3A_684 = arith.constant 1 : i32
        %parallel_loop3A_685 = arith.addi %parallel_loop3A_548, %parallel_loop3A_684 : i32
        %parallel_loop3A_686 = arith.constant 0 : i32
        %parallel_loop3A_687 = arith.constant 0 : i32
        %parallel_loop3A_688 = tpu.memref_slice %arg7[%parallel_loop3A_411, %parallel_loop3A_686, %parallel_loop3A_687] : memref<2x128x128xf32, #tpu.memory_space<vmem>> -> memref<1x128x128xf32, #tpu.memory_space<vmem>>
        %parallel_loop3A_689 = tpu.memref_squeeze %parallel_loop3A_688 : memref<1x128x128xf32, #tpu.memory_space<vmem>> -> memref<128x128xf32, #tpu.memory_space<vmem>>
        %parallel_loop3A_690 = arith.index_cast %parallel_loop3A_685 : i32 to index
        %parallel_loop3A_691 = arith.constant 112 : index
        %parallel_loop3A_692 = tpu.vector_load %parallel_loop3A_689[%parallel_loop3A_690, %parallel_loop3A_691] {strides = array<i32>} : memref<128x128xf32, #tpu.memory_space<vmem>>, vector<16xf32>,
        tpu.vector_store %parallel_loop3A_689[%parallel_loop3A_690, %parallel_loop3A_691], %parallel_loop3A_683 {strides = array<i32>} : memref<128x128xf32, #tpu.memory_space<vmem>>, vector<16xf32>,
      } {sc.loop_unroll_factor = 1 : i64, sc.parallel_access}
      %mul3A_412 = arith.constant 128 : i32
      %mul3A_413 = arith.muli %add3A_371, %mul3A_412 : i32
      %dma_start3A_414 = arith.constant 0 : i32
      %dma_start3A_415 = arith.constant 0 : i32
      %dma_start3A_416 = arith.constant 0 : i32
      %dma_start3A_417 = tpu.memref_slice %arg7[%dma_start3A_414, %dma_start3A_415, %dma_start3A_416] : memref<2x128x128xf32, #tpu.memory_space<vmem>> -> memref<1x128x128xf32, #tpu.memory_space<vmem>>
      %dma_start3A_418 = tpu.memref_squeeze %dma_start3A_417 : memref<1x128x128xf32, #tpu.memory_space<vmem>> -> memref<128x128xf32, #tpu.memory_space<vmem>>
      %dma_start3A_419 = tpu.memref_slice %arg4[%add3A_176, %mul3A_413, %mul3A_32] : memref<4x4096x2048xf32, #tpu.memory_space<hbm>> -> memref<1x128x128xf32, #tpu.memory_space<hbm>>
      %dma_start3A_420 = tpu.memref_squeeze %dma_start3A_419 : memref<1x128x128xf32, #tpu.memory_space<hbm>> -> memref<128x128xf32, #tpu.memory_space<hbm>>
      %dma_start3A_421 = tpu.memref_slice %arg4[%add3A_176, %mul3A_413, %mul3A_32] : memref<4x4096x2048xf32, #tpu.memory_space<hbm>> -> memref<1x128x128xf32, #tpu.memory_space<hbm>>
      %dma_start3A_422 = tpu.memref_squeeze %dma_start3A_421 : memref<1x128x128xf32, #tpu.memory_space<hbm>> -> memref<128x128xf32, #tpu.memory_space<hbm>>
      %dma_start3A_423 = arith.constant 0 : i32
      %dma_start3A_424 = arith.constant 0 : i32
      %dma_start3A_425 = tpu.memref_slice %arg7[%dma_start3A_414, %dma_start3A_423, %dma_start3A_424] : memref<2x128x128xf32, #tpu.memory_space<vmem>> -> memref<1x128x128xf32, #tpu.memory_space<vmem>>
      %dma_start3A_426 = tpu.memref_squeeze %dma_start3A_425 : memref<1x128x128xf32, #tpu.memory_space<vmem>> -> memref<128x128xf32, #tpu.memory_space<vmem>>
      tpu.enqueue_dma source(%dma_start3A_426 : memref<128x128xf32, #tpu.memory_space<vmem>>) target(%dma_start3A_422 : memref<128x128xf32, #tpu.memory_space<hbm>>) target_semaphore(%arg12 : memref<!tpu.dma_semaphore, #tpu.memory_space<semaphore_mem>>)
      %add3A_427 = arith.constant 3 : i32
      %add3A_428 = arith.addi %add3A_253, %add3A_427 : i32
      %add3A_429 = arith.constant 2 : i32
      %add3A_430 = arith.addi %add3A_428, %add3A_429 : i32
      %lt3A_431 = arith.constant 32 : i32
      %lt3A_432 = arith.cmpi slt, %add3A_430, %lt3A_431 : i32
      %convert_element_type3A_433 = arith.extui %lt3A_432 : i1 to i32
      %cond3A_434 = arith.constant 0 : i32
      %cond3A_435 = arith.cmpi ne, %convert_element_type3A_433, %cond3A_434 : i32
      scf.if %cond3A_435 {
        %add3A_484 = arith.constant 2 : i32
        %add3A_485 = arith.addi %add3A_428, %add3A_484 : i32
        %mul3A_486 = arith.constant 128 : i32
        %mul3A_487 = arith.muli %add3A_485, %mul3A_486 : i32
        %dma_start3A_488 = arith.constant 128 : i32
        %dma_start3A_489 = arith.constant 0 : i32
        %dma_start3A_490 = tpu.memref_slice %arg6[%dma_start3A_488, %dma_start3A_489] : memref<512x128xf32, #tpu.memory_space<vmem>> -> memref<128x128xf32, #tpu.memory_space<vmem>>
        %dma_start3A_491 = tpu.memref_slice %arg2[%add3A_176, %mul3A_487, %mul3A_32] : memref<4x4096x2048xf32, #tpu.memory_space<hbm>> -> memref<1x128x128xf32, #tpu.memory_space<hbm>>
        %dma_start3A_492 = tpu.memref_squeeze %dma_start3A_491 : memref<1x128x128xf32, #tpu.memory_space<hbm>> -> memref<128x128xf32, #tpu.memory_space<hbm>>
        %dma_start3A_493 = arith.constant 128 : i32
        %dma_start3A_494 = arith.constant 0 : i32
        %dma_start3A_495 = tpu.memref_slice %arg6[%dma_start3A_493, %dma_start3A_494] : memref<512x128xf32, #tpu.memory_space<vmem>> -> memref<128x128xf32, #tpu.memory_space<vmem>>
        %dma_start3A_496 = tpu.memref_slice %arg2[%add3A_176, %mul3A_487, %mul3A_32] : memref<4x4096x2048xf32, #tpu.memory_space<hbm>> -> memref<1x128x128xf32, #tpu.memory_space<hbm>>
        %dma_start3A_497 = tpu.memref_squeeze %dma_start3A_496 : memref<1x128x128xf32, #tpu.memory_space<hbm>> -> memref<128x128xf32, #tpu.memory_space<hbm>>
        tpu.enqueue_dma source(%dma_start3A_497 : memref<128x128xf32, #tpu.memory_space<hbm>>) target(%dma_start3A_495 : memref<128x128xf32, #tpu.memory_space<vmem>>) target_semaphore(%arg9 : memref<!tpu.dma_semaphore, #tpu.memory_space<semaphore_mem>>)
      } else {
      }
      %dma_wait3A_436 = arith.constant 0 : i32
      %dma_wait3A_437 = arith.constant 384 : i32
      %dma_wait3A_438 = arith.constant 0 : i32
      %dma_wait3A_439 = tpu.memref_slice %arg6[%dma_wait3A_437, %dma_wait3A_438] : memref<512x128xf32, #tpu.memory_space<vmem>> -> memref<128x128xf32, #tpu.memory_space<vmem>>
      %dma_wait3A_440 = arith.constant 0 : i32
      %dma_wait3A_441 = tpu.memref_slice %arg2[%dma_wait3A_436, %dma_wait3A_440, %mul3A_32] : memref<4x4096x2048xf32, #tpu.memory_space<hbm>> -> memref<1x128x128xf32, #tpu.memory_space<hbm>>
      %dma_wait3A_442 = tpu.memref_squeeze %dma_wait3A_441 : memref<1x128x128xf32, #tpu.memory_space<hbm>> -> memref<128x128xf32, #tpu.memory_space<hbm>>
      %dma_wait3A_443 = arith.constant 384 : i32
      %dma_wait3A_444 = arith.constant 0 : i32
      %dma_wait3A_445 = tpu.memref_slice %arg6[%dma_wait3A_443, %dma_wait3A_444] : memref<512x128xf32, #tpu.memory_space<vmem>> -> memref<128x128xf32, #tpu.memory_space<vmem>>
      %dma_wait3A_446 = arith.constant 0 : i32
      %dma_wait3A_447 = tpu.memref_slice %arg2[%dma_wait3A_436, %dma_wait3A_446, %mul3A_32] : memref<4x4096x2048xf32, #tpu.memory_space<hbm>> -> memref<1x128x128xf32, #tpu.memory_space<hbm>>
      %dma_wait3A_448 = tpu.memref_squeeze %dma_wait3A_447 : memref<1x128x128xf32, #tpu.memory_space<hbm>> -> memref<128x128xf32, #tpu.memory_space<hbm>>
      tpu.wait_dma2 semaphore(%arg11 : memref<!tpu.dma_semaphore, #tpu.memory_space<semaphore_mem>>) src(%dma_wait3A_448 : memref<128x128xf32, #tpu.memory_space<hbm>>) dst(%dma_wait3A_445 : memref<128x128xf32, #tpu.memory_space<vmem>>)
      %dma_wait3A_449 = arith.constant 1 : i32
      %dma_wait3A_450 = arith.constant 0 : i32
      %dma_wait3A_451 = arith.constant 0 : i32
      %dma_wait3A_452 = arith.constant 0 : i32
      %dma_wait3A_453 = tpu.memref_slice %arg7[%dma_wait3A_449, %dma_wait3A_451, %dma_wait3A_452] : memref<2x128x128xf32, #tpu.memory_space<vmem>> -> memref<1x128x128xf32, #tpu.memory_space<vmem>>
      %dma_wait3A_454 = tpu.memref_squeeze %dma_wait3A_453 : memref<1x128x128xf32, #tpu.memory_space<vmem>> -> memref<128x128xf32, #tpu.memory_space<vmem>>
      %dma_wait3A_455 = arith.constant 0 : i32
      %dma_wait3A_456 = tpu.memref_slice %arg4[%dma_wait3A_450, %dma_wait3A_455, %mul3A_32] : memref<4x4096x2048xf32, #tpu.memory_space<hbm>> -> memref<1x128x128xf32, #tpu.memory_space<hbm>>
      %dma_wait3A_457 = tpu.memref_squeeze %dma_wait3A_456 : memref<1x128x128xf32, #tpu.memory_space<hbm>> -> memref<128x128xf32, #tpu.memory_space<hbm>>
      %dma_wait3A_458 = arith.constant 0 : i32
      %dma_wait3A_459 = tpu.memref_slice %arg4[%dma_wait3A_450, %dma_wait3A_458, %mul3A_32] : memref<4x4096x2048xf32, #tpu.memory_space<hbm>> -> memref<1x128x128xf32, #tpu.memory_space<hbm>>
      %dma_wait3A_460 = tpu.memref_squeeze %dma_wait3A_459 : memref<1x128x128xf32, #tpu.memory_space<hbm>> -> memref<128x128xf32, #tpu.memory_space<hbm>>
      %dma_wait3A_461 = arith.constant 0 : i32
      %dma_wait3A_462 = arith.constant 0 : i32
      %dma_wait3A_463 = tpu.memref_slice %arg7[%dma_wait3A_449, %dma_wait3A_461, %dma_wait3A_462] : memref<2x128x128xf32, #tpu.memory_space<vmem>> -> memref<1x128x128xf32, #tpu.memory_space<vmem>>
      %dma_wait3A_464 = tpu.memref_squeeze %dma_wait3A_463 : memref<1x128x128xf32, #tpu.memory_space<vmem>> -> memref<128x128xf32, #tpu.memory_space<vmem>>
      tpu.wait_dma2 semaphore(%arg13 : memref<!tpu.dma_semaphore, #tpu.memory_space<semaphore_mem>>) src(%dma_wait3A_464 : memref<128x128xf32, #tpu.memory_space<vmem>>) dst(%dma_wait3A_460 : memref<128x128xf32, #tpu.memory_space<hbm>>)
      %parallel_loop3A_465 = arith.constant 0 : i32
      %parallel_loop3A_466 = arith.constant 64 : i32
      %parallel_loop3A_467 = arith.constant 1 : i32
      %parallel_loop3A_468 = arith.constant 1 : i32
      scf.for %parallel_loop3A_484 = %parallel_loop3A_465 to %parallel_loop3A_466 step %parallel_loop3A_467  : i32 {
        %parallel_loop3A_485 = arith.constant 2 : i32
        %parallel_loop3A_486 = arith.muli %parallel_loop3A_485, %parallel_loop3A_484 : i32
        %parallel_loop3A_487 = arith.constant 7 : i32
        %parallel_loop3A_488 = arith.shli %parallel_loop3A_486, %parallel_loop3A_487 : i32
        %parallel_loop3A_489 = arith.constant 49152 : i32
        %parallel_loop3A_490 = arith.addi %parallel_loop3A_488, %parallel_loop3A_489 : i32
        %parallel_loop3A_491 = vector.broadcast %parallel_loop3A_490 : i32 to vector<16xi32>
        %parallel_loop3A_492 = arith.addi %add3A_45, %parallel_loop3A_491 : vector<16xi32>
        %parallel_loop3A_493 = vector.broadcast %parallel_loop3A_490 : i32 to vector<16xi32>
        %parallel_loop3A_494 = arith.addi %add3A_57, %parallel_loop3A_493 : vector<16xi32>
        %parallel_loop3A_495 = vector.broadcast %parallel_loop3A_490 : i32 to vector<16xi32>
        %parallel_loop3A_496 = arith.addi %add3A_69, %parallel_loop3A_495 : vector<16xi32>
        %parallel_loop3A_497 = vector.broadcast %parallel_loop3A_490 : i32 to vector<16xi32>
        %parallel_loop3A_498 = arith.addi %add3A_81, %parallel_loop3A_497 : vector<16xi32>
        %parallel_loop3A_499 = vector.broadcast %parallel_loop3A_490 : i32 to vector<16xi32>
        %parallel_loop3A_500 = arith.addi %add3A_93, %parallel_loop3A_499 : vector<16xi32>
        %parallel_loop3A_501 = vector.broadcast %parallel_loop3A_490 : i32 to vector<16xi32>
        %parallel_loop3A_502 = arith.addi %add3A_105, %parallel_loop3A_501 : vector<16xi32>
        %parallel_loop3A_503 = vector.broadcast %parallel_loop3A_490 : i32 to vector<16xi32>
        %parallel_loop3A_504 = arith.addi %add3A_117, %parallel_loop3A_503 : vector<16xi32>
        %parallel_loop3A_505 = vector.broadcast %parallel_loop3A_490 : i32 to vector<16xi32>
        %parallel_loop3A_506 = arith.addi %add3A_129, %parallel_loop3A_505 : vector<16xi32>
        %parallel_loop3A_507 = arith.constant 128 : i32
        %parallel_loop3A_508 = vector.broadcast %parallel_loop3A_507 : i32 to vector<16xi32>
        %parallel_loop3A_509 = arith.addi %parallel_loop3A_492, %parallel_loop3A_508 : vector<16xi32>
        %parallel_loop3A_510 = arith.constant 128 : i32
        %parallel_loop3A_511 = vector.broadcast %parallel_loop3A_510 : i32 to vector<16xi32>
        %parallel_loop3A_512 = arith.addi %parallel_loop3A_494, %parallel_loop3A_511 : vector<16xi32>
        %parallel_loop3A_513 = arith.constant 128 : i32
        %parallel_loop3A_514 = vector.broadcast %parallel_loop3A_513 : i32 to vector<16xi32>
        %parallel_loop3A_515 = arith.addi %parallel_loop3A_496, %parallel_loop3A_514 : vector<16xi32>
        %parallel_loop3A_516 = arith.constant 128 : i32
        %parallel_loop3A_517 = vector.broadcast %parallel_loop3A_516 : i32 to vector<16xi32>
        %parallel_loop3A_518 = arith.addi %parallel_loop3A_498, %parallel_loop3A_517 : vector<16xi32>
        %parallel_loop3A_519 = arith.constant 128 : i32
        %parallel_loop3A_520 = vector.broadcast %parallel_loop3A_519 : i32 to vector<16xi32>
        %parallel_loop3A_521 = arith.addi %parallel_loop3A_500, %parallel_loop3A_520 : vector<16xi32>
        %parallel_loop3A_522 = arith.constant 128 : i32
        %parallel_loop3A_523 = vector.broadcast %parallel_loop3A_522 : i32 to vector<16xi32>
        %parallel_loop3A_524 = arith.addi %parallel_loop3A_502, %parallel_loop3A_523 : vector<16xi32>
        %parallel_loop3A_525 = arith.constant 128 : i32
        %parallel_loop3A_526 = vector.broadcast %parallel_loop3A_525 : i32 to vector<16xi32>
        %parallel_loop3A_527 = arith.addi %parallel_loop3A_504, %parallel_loop3A_526 : vector<16xi32>
        %parallel_loop3A_528 = arith.constant 128 : i32
        %parallel_loop3A_529 = vector.broadcast %parallel_loop3A_528 : i32 to vector<16xi32>
        %parallel_loop3A_530 = arith.addi %parallel_loop3A_506, %parallel_loop3A_529 : vector<16xi32>
        %parallel_loop3A_531 = tpu.vector_load_idx %arg6[%mul3A_35, %parallel_loop3A_492] : memref<512x128xf32, #tpu.memory_space<vmem>>[vector<16xi32>, vector<16xi32>], vector<16xf32>,
        %parallel_loop3A_532 = tpu.vector_load_idx %arg6[%mul3A_35, %parallel_loop3A_494] : memref<512x128xf32, #tpu.memory_space<vmem>>[vector<16xi32>, vector<16xi32>], vector<16xf32>,
        %parallel_loop3A_533 = tpu.vector_load_idx %arg6[%mul3A_35, %parallel_loop3A_496] : memref<512x128xf32, #tpu.memory_space<vmem>>[vector<16xi32>, vector<16xi32>], vector<16xf32>,
        %parallel_loop3A_534 = tpu.vector_load_idx %arg6[%mul3A_35, %parallel_loop3A_498] : memref<512x128xf32, #tpu.memory_space<vmem>>[vector<16xi32>, vector<16xi32>], vector<16xf32>,
        %parallel_loop3A_535 = tpu.vector_load_idx %arg6[%mul3A_35, %parallel_loop3A_500] : memref<512x128xf32, #tpu.memory_space<vmem>>[vector<16xi32>, vector<16xi32>], vector<16xf32>,
        %parallel_loop3A_536 = tpu.vector_load_idx %arg6[%mul3A_35, %parallel_loop3A_502] : memref<512x128xf32, #tpu.memory_space<vmem>>[vector<16xi32>, vector<16xi32>], vector<16xf32>,
        %parallel_loop3A_537 = tpu.vector_load_idx %arg6[%mul3A_35, %parallel_loop3A_504] : memref<512x128xf32, #tpu.memory_space<vmem>>[vector<16xi32>, vector<16xi32>], vector<16xf32>,
        %parallel_loop3A_538 = tpu.vector_load_idx %arg6[%mul3A_35, %parallel_loop3A_506] : memref<512x128xf32, #tpu.memory_space<vmem>>[vector<16xi32>, vector<16xi32>], vector<16xf32>,
        %parallel_loop3A_539 = tpu.vector_load_idx %arg6[%mul3A_35, %parallel_loop3A_509] : memref<512x128xf32, #tpu.memory_space<vmem>>[vector<16xi32>, vector<16xi32>], vector<16xf32>,
        %parallel_loop3A_540 = tpu.vector_load_idx %arg6[%mul3A_35, %parallel_loop3A_512] : memref<512x128xf32, #tpu.memory_space<vmem>>[vector<16xi32>, vector<16xi32>], vector<16xf32>,
        %parallel_loop3A_541 = tpu.vector_load_idx %arg6[%mul3A_35, %parallel_loop3A_515] : memref<512x128xf32, #tpu.memory_space<vmem>>[vector<16xi32>, vector<16xi32>], vector<16xf32>,
        %parallel_loop3A_542 = tpu.vector_load_idx %arg6[%mul3A_35, %parallel_loop3A_518] : memref<512x128xf32, #tpu.memory_space<vmem>>[vector<16xi32>, vector<16xi32>], vector<16xf32>,
        %parallel_loop3A_543 = tpu.vector_load_idx %arg6[%mul3A_35, %parallel_loop3A_521] : memref<512x128xf32, #tpu.memory_space<vmem>>[vector<16xi32>, vector<16xi32>], vector<16xf32>,
        %parallel_loop3A_544 = tpu.vector_load_idx %arg6[%mul3A_35, %parallel_loop3A_524] : memref<512x128xf32, #tpu.memory_space<vmem>>[vector<16xi32>, vector<16xi32>], vector<16xf32>,
        %parallel_loop3A_545 = tpu.vector_load_idx %arg6[%mul3A_35, %parallel_loop3A_527] : memref<512x128xf32, #tpu.memory_space<vmem>>[vector<16xi32>, vector<16xi32>], vector<16xf32>,
        %parallel_loop3A_546 = tpu.vector_load_idx %arg6[%mul3A_35, %parallel_loop3A_530] : memref<512x128xf32, #tpu.memory_space<vmem>>[vector<16xi32>, vector<16xi32>], vector<16xf32>,
        %parallel_loop3A_547 = arith.constant 2 : i32
        %parallel_loop3A_548 = arith.muli %parallel_loop3A_547, %parallel_loop3A_484 : i32
        %parallel_loop3A_549 = arith.minimumf %parallel_loop3A_531, %parallel_loop3A_539 : vector<16xf32>
        %parallel_loop3A_550 = arith.constant 0 : i32
        %parallel_loop3A_551 = arith.constant 0 : i32
        %parallel_loop3A_552 = tpu.memref_slice %arg7[%parallel_loop3A_468, %parallel_loop3A_550, %parallel_loop3A_551] : memref<2x128x128xf32, #tpu.memory_space<vmem>> -> memref<1x128x128xf32, #tpu.memory_space<vmem>>
        %parallel_loop3A_553 = tpu.memref_squeeze %parallel_loop3A_552 : memref<1x128x128xf32, #tpu.memory_space<vmem>> -> memref<128x128xf32, #tpu.memory_space<vmem>>
        %parallel_loop3A_554 = arith.index_cast %parallel_loop3A_548 : i32 to index
        %parallel_loop3A_555 = arith.constant 0 : index
        %parallel_loop3A_556 = tpu.vector_load %parallel_loop3A_553[%parallel_loop3A_554, %parallel_loop3A_555] {strides = array<i32>} : memref<128x128xf32, #tpu.memory_space<vmem>>, vector<16xf32>,
        tpu.vector_store %parallel_loop3A_553[%parallel_loop3A_554, %parallel_loop3A_555], %parallel_loop3A_549 {strides = array<i32>} : memref<128x128xf32, #tpu.memory_space<vmem>>, vector<16xf32>,
        %parallel_loop3A_557 = arith.maximumf %parallel_loop3A_531, %parallel_loop3A_539 : vector<16xf32>
        %parallel_loop3A_558 = arith.constant 1 : i32
        %parallel_loop3A_559 = arith.addi %parallel_loop3A_548, %parallel_loop3A_558 : i32
        %parallel_loop3A_560 = arith.constant 0 : i32
        %parallel_loop3A_561 = arith.constant 0 : i32
        %parallel_loop3A_562 = tpu.memref_slice %arg7[%parallel_loop3A_468, %parallel_loop3A_560, %parallel_loop3A_561] : memref<2x128x128xf32, #tpu.memory_space<vmem>> -> memref<1x128x128xf32, #tpu.memory_space<vmem>>
        %parallel_loop3A_563 = tpu.memref_squeeze %parallel_loop3A_562 : memref<1x128x128xf32, #tpu.memory_space<vmem>> -> memref<128x128xf32, #tpu.memory_space<vmem>>
        %parallel_loop3A_564 = arith.index_cast %parallel_loop3A_559 : i32 to index
        %parallel_loop3A_565 = arith.constant 0 : index
        %parallel_loop3A_566 = tpu.vector_load %parallel_loop3A_563[%parallel_loop3A_564, %parallel_loop3A_565] {strides = array<i32>} : memref<128x128xf32, #tpu.memory_space<vmem>>, vector<16xf32>,
        tpu.vector_store %parallel_loop3A_563[%parallel_loop3A_564, %parallel_loop3A_565], %parallel_loop3A_557 {strides = array<i32>} : memref<128x128xf32, #tpu.memory_space<vmem>>, vector<16xf32>,
        %parallel_loop3A_567 = arith.minimumf %parallel_loop3A_532, %parallel_loop3A_540 : vector<16xf32>
        %parallel_loop3A_568 = arith.constant 0 : i32
        %parallel_loop3A_569 = arith.constant 0 : i32
        %parallel_loop3A_570 = tpu.memref_slice %arg7[%parallel_loop3A_468, %parallel_loop3A_568, %parallel_loop3A_569] : memref<2x128x128xf32, #tpu.memory_space<vmem>> -> memref<1x128x128xf32, #tpu.memory_space<vmem>>
        %parallel_loop3A_571 = tpu.memref_squeeze %parallel_loop3A_570 : memref<1x128x128xf32, #tpu.memory_space<vmem>> -> memref<128x128xf32, #tpu.memory_space<vmem>>
        %parallel_loop3A_572 = arith.index_cast %parallel_loop3A_548 : i32 to index
        %parallel_loop3A_573 = arith.constant 16 : index
        %parallel_loop3A_574 = tpu.vector_load %parallel_loop3A_571[%parallel_loop3A_572, %parallel_loop3A_573] {strides = array<i32>} : memref<128x128xf32, #tpu.memory_space<vmem>>, vector<16xf32>,
        tpu.vector_store %parallel_loop3A_571[%parallel_loop3A_572, %parallel_loop3A_573], %parallel_loop3A_567 {strides = array<i32>} : memref<128x128xf32, #tpu.memory_space<vmem>>, vector<16xf32>,
        %parallel_loop3A_575 = arith.maximumf %parallel_loop3A_532, %parallel_loop3A_540 : vector<16xf32>
        %parallel_loop3A_576 = arith.constant 1 : i32
        %parallel_loop3A_577 = arith.addi %parallel_loop3A_548, %parallel_loop3A_576 : i32
        %parallel_loop3A_578 = arith.constant 0 : i32
        %parallel_loop3A_579 = arith.constant 0 : i32
        %parallel_loop3A_580 = tpu.memref_slice %arg7[%parallel_loop3A_468, %parallel_loop3A_578, %parallel_loop3A_579] : memref<2x128x128xf32, #tpu.memory_space<vmem>> -> memref<1x128x128xf32, #tpu.memory_space<vmem>>
        %parallel_loop3A_581 = tpu.memref_squeeze %parallel_loop3A_580 : memref<1x128x128xf32, #tpu.memory_space<vmem>> -> memref<128x128xf32, #tpu.memory_space<vmem>>
        %parallel_loop3A_582 = arith.index_cast %parallel_loop3A_577 : i32 to index
        %parallel_loop3A_583 = arith.constant 16 : index
        %parallel_loop3A_584 = tpu.vector_load %parallel_loop3A_581[%parallel_loop3A_582, %parallel_loop3A_583] {strides = array<i32>} : memref<128x128xf32, #tpu.memory_space<vmem>>, vector<16xf32>,
        tpu.vector_store %parallel_loop3A_581[%parallel_loop3A_582, %parallel_loop3A_583], %parallel_loop3A_575 {strides = array<i32>} : memref<128x128xf32, #tpu.memory_space<vmem>>, vector<16xf32>,
        %parallel_loop3A_585 = arith.minimumf %parallel_loop3A_533, %parallel_loop3A_541 : vector<16xf32>
        %parallel_loop3A_586 = arith.constant 0 : i32
        %parallel_loop3A_587 = arith.constant 0 : i32
        %parallel_loop3A_588 = tpu.memref_slice %arg7[%parallel_loop3A_468, %parallel_loop3A_586, %parallel_loop3A_587] : memref<2x128x128xf32, #tpu.memory_space<vmem>> -> memref<1x128x128xf32, #tpu.memory_space<vmem>>
        %parallel_loop3A_589 = tpu.memref_squeeze %parallel_loop3A_588 : memref<1x128x128xf32, #tpu.memory_space<vmem>> -> memref<128x128xf32, #tpu.memory_space<vmem>>
        %parallel_loop3A_590 = arith.index_cast %parallel_loop3A_548 : i32 to index
        %parallel_loop3A_591 = arith.constant 32 : index
        %parallel_loop3A_592 = tpu.vector_load %parallel_loop3A_589[%parallel_loop3A_590, %parallel_loop3A_591] {strides = array<i32>} : memref<128x128xf32, #tpu.memory_space<vmem>>, vector<16xf32>,
        tpu.vector_store %parallel_loop3A_589[%parallel_loop3A_590, %parallel_loop3A_591], %parallel_loop3A_585 {strides = array<i32>} : memref<128x128xf32, #tpu.memory_space<vmem>>, vector<16xf32>,
        %parallel_loop3A_593 = arith.maximumf %parallel_loop3A_533, %parallel_loop3A_541 : vector<16xf32>
        %parallel_loop3A_594 = arith.constant 1 : i32
        %parallel_loop3A_595 = arith.addi %parallel_loop3A_548, %parallel_loop3A_594 : i32
        %parallel_loop3A_596 = arith.constant 0 : i32
        %parallel_loop3A_597 = arith.constant 0 : i32
        %parallel_loop3A_598 = tpu.memref_slice %arg7[%parallel_loop3A_468, %parallel_loop3A_596, %parallel_loop3A_597] : memref<2x128x128xf32, #tpu.memory_space<vmem>> -> memref<1x128x128xf32, #tpu.memory_space<vmem>>
        %parallel_loop3A_599 = tpu.memref_squeeze %parallel_loop3A_598 : memref<1x128x128xf32, #tpu.memory_space<vmem>> -> memref<128x128xf32, #tpu.memory_space<vmem>>
        %parallel_loop3A_600 = arith.index_cast %parallel_loop3A_595 : i32 to index
        %parallel_loop3A_601 = arith.constant 32 : index
        %parallel_loop3A_602 = tpu.vector_load %parallel_loop3A_599[%parallel_loop3A_600, %parallel_loop3A_601] {strides = array<i32>} : memref<128x128xf32, #tpu.memory_space<vmem>>, vector<16xf32>,
        tpu.vector_store %parallel_loop3A_599[%parallel_loop3A_600, %parallel_loop3A_601], %parallel_loop3A_593 {strides = array<i32>} : memref<128x128xf32, #tpu.memory_space<vmem>>, vector<16xf32>,
        %parallel_loop3A_603 = arith.minimumf %parallel_loop3A_534, %parallel_loop3A_542 : vector<16xf32>
        %parallel_loop3A_604 = arith.constant 0 : i32
        %parallel_loop3A_605 = arith.constant 0 : i32
        %parallel_loop3A_606 = tpu.memref_slice %arg7[%parallel_loop3A_468, %parallel_loop3A_604, %parallel_loop3A_605] : memref<2x128x128xf32, #tpu.memory_space<vmem>> -> memref<1x128x128xf32, #tpu.memory_space<vmem>>
        %parallel_loop3A_607 = tpu.memref_squeeze %parallel_loop3A_606 : memref<1x128x128xf32, #tpu.memory_space<vmem>> -> memref<128x128xf32, #tpu.memory_space<vmem>>
        %parallel_loop3A_608 = arith.index_cast %parallel_loop3A_548 : i32 to index
        %parallel_loop3A_609 = arith.constant 48 : index
        %parallel_loop3A_610 = tpu.vector_load %parallel_loop3A_607[%parallel_loop3A_608, %parallel_loop3A_609] {strides = array<i32>} : memref<128x128xf32, #tpu.memory_space<vmem>>, vector<16xf32>,
        tpu.vector_store %parallel_loop3A_607[%parallel_loop3A_608, %parallel_loop3A_609], %parallel_loop3A_603 {strides = array<i32>} : memref<128x128xf32, #tpu.memory_space<vmem>>, vector<16xf32>,
        %parallel_loop3A_611 = arith.maximumf %parallel_loop3A_534, %parallel_loop3A_542 : vector<16xf32>
        %parallel_loop3A_612 = arith.constant 1 : i32
        %parallel_loop3A_613 = arith.addi %parallel_loop3A_548, %parallel_loop3A_612 : i32
        %parallel_loop3A_614 = arith.constant 0 : i32
        %parallel_loop3A_615 = arith.constant 0 : i32
        %parallel_loop3A_616 = tpu.memref_slice %arg7[%parallel_loop3A_468, %parallel_loop3A_614, %parallel_loop3A_615] : memref<2x128x128xf32, #tpu.memory_space<vmem>> -> memref<1x128x128xf32, #tpu.memory_space<vmem>>
        %parallel_loop3A_617 = tpu.memref_squeeze %parallel_loop3A_616 : memref<1x128x128xf32, #tpu.memory_space<vmem>> -> memref<128x128xf32, #tpu.memory_space<vmem>>
        %parallel_loop3A_618 = arith.index_cast %parallel_loop3A_613 : i32 to index
        %parallel_loop3A_619 = arith.constant 48 : index
        %parallel_loop3A_620 = tpu.vector_load %parallel_loop3A_617[%parallel_loop3A_618, %parallel_loop3A_619] {strides = array<i32>} : memref<128x128xf32, #tpu.memory_space<vmem>>, vector<16xf32>,
        tpu.vector_store %parallel_loop3A_617[%parallel_loop3A_618, %parallel_loop3A_619], %parallel_loop3A_611 {strides = array<i32>} : memref<128x128xf32, #tpu.memory_space<vmem>>, vector<16xf32>,
        %parallel_loop3A_621 = arith.minimumf %parallel_loop3A_535, %parallel_loop3A_543 : vector<16xf32>
        %parallel_loop3A_622 = arith.constant 0 : i32
        %parallel_loop3A_623 = arith.constant 0 : i32
        %parallel_loop3A_624 = tpu.memref_slice %arg7[%parallel_loop3A_468, %parallel_loop3A_622, %parallel_loop3A_623] : memref<2x128x128xf32, #tpu.memory_space<vmem>> -> memref<1x128x128xf32, #tpu.memory_space<vmem>>
        %parallel_loop3A_625 = tpu.memref_squeeze %parallel_loop3A_624 : memref<1x128x128xf32, #tpu.memory_space<vmem>> -> memref<128x128xf32, #tpu.memory_space<vmem>>
        %parallel_loop3A_626 = arith.index_cast %parallel_loop3A_548 : i32 to index
        %parallel_loop3A_627 = arith.constant 64 : index
        %parallel_loop3A_628 = tpu.vector_load %parallel_loop3A_625[%parallel_loop3A_626, %parallel_loop3A_627] {strides = array<i32>} : memref<128x128xf32, #tpu.memory_space<vmem>>, vector<16xf32>,
        tpu.vector_store %parallel_loop3A_625[%parallel_loop3A_626, %parallel_loop3A_627], %parallel_loop3A_621 {strides = array<i32>} : memref<128x128xf32, #tpu.memory_space<vmem>>, vector<16xf32>,
        %parallel_loop3A_629 = arith.maximumf %parallel_loop3A_535, %parallel_loop3A_543 : vector<16xf32>
        %parallel_loop3A_630 = arith.constant 1 : i32
        %parallel_loop3A_631 = arith.addi %parallel_loop3A_548, %parallel_loop3A_630 : i32
        %parallel_loop3A_632 = arith.constant 0 : i32
        %parallel_loop3A_633 = arith.constant 0 : i32
        %parallel_loop3A_634 = tpu.memref_slice %arg7[%parallel_loop3A_468, %parallel_loop3A_632, %parallel_loop3A_633] : memref<2x128x128xf32, #tpu.memory_space<vmem>> -> memref<1x128x128xf32, #tpu.memory_space<vmem>>
        %parallel_loop3A_635 = tpu.memref_squeeze %parallel_loop3A_634 : memref<1x128x128xf32, #tpu.memory_space<vmem>> -> memref<128x128xf32, #tpu.memory_space<vmem>>
        %parallel_loop3A_636 = arith.index_cast %parallel_loop3A_631 : i32 to index
        %parallel_loop3A_637 = arith.constant 64 : index
        %parallel_loop3A_638 = tpu.vector_load %parallel_loop3A_635[%parallel_loop3A_636, %parallel_loop3A_637] {strides = array<i32>} : memref<128x128xf32, #tpu.memory_space<vmem>>, vector<16xf32>,
        tpu.vector_store %parallel_loop3A_635[%parallel_loop3A_636, %parallel_loop3A_637], %parallel_loop3A_629 {strides = array<i32>} : memref<128x128xf32, #tpu.memory_space<vmem>>, vector<16xf32>,
        %parallel_loop3A_639 = arith.minimumf %parallel_loop3A_536, %parallel_loop3A_544 : vector<16xf32>
        %parallel_loop3A_640 = arith.constant 0 : i32
        %parallel_loop3A_641 = arith.constant 0 : i32
        %parallel_loop3A_642 = tpu.memref_slice %arg7[%parallel_loop3A_468, %parallel_loop3A_640, %parallel_loop3A_641] : memref<2x128x128xf32, #tpu.memory_space<vmem>> -> memref<1x128x128xf32, #tpu.memory_space<vmem>>
        %parallel_loop3A_643 = tpu.memref_squeeze %parallel_loop3A_642 : memref<1x128x128xf32, #tpu.memory_space<vmem>> -> memref<128x128xf32, #tpu.memory_space<vmem>>
        %parallel_loop3A_644 = arith.index_cast %parallel_loop3A_548 : i32 to index
        %parallel_loop3A_645 = arith.constant 80 : index
        %parallel_loop3A_646 = tpu.vector_load %parallel_loop3A_643[%parallel_loop3A_644, %parallel_loop3A_645] {strides = array<i32>} : memref<128x128xf32, #tpu.memory_space<vmem>>, vector<16xf32>,
        tpu.vector_store %parallel_loop3A_643[%parallel_loop3A_644, %parallel_loop3A_645], %parallel_loop3A_639 {strides = array<i32>} : memref<128x128xf32, #tpu.memory_space<vmem>>, vector<16xf32>,
        %parallel_loop3A_647 = arith.maximumf %parallel_loop3A_536, %parallel_loop3A_544 : vector<16xf32>
        %parallel_loop3A_648 = arith.constant 1 : i32
        %parallel_loop3A_649 = arith.addi %parallel_loop3A_548, %parallel_loop3A_648 : i32
        %parallel_loop3A_650 = arith.constant 0 : i32
        %parallel_loop3A_651 = arith.constant 0 : i32
        %parallel_loop3A_652 = tpu.memref_slice %arg7[%parallel_loop3A_468, %parallel_loop3A_650, %parallel_loop3A_651] : memref<2x128x128xf32, #tpu.memory_space<vmem>> -> memref<1x128x128xf32, #tpu.memory_space<vmem>>
        %parallel_loop3A_653 = tpu.memref_squeeze %parallel_loop3A_652 : memref<1x128x128xf32, #tpu.memory_space<vmem>> -> memref<128x128xf32, #tpu.memory_space<vmem>>
        %parallel_loop3A_654 = arith.index_cast %parallel_loop3A_649 : i32 to index
        %parallel_loop3A_655 = arith.constant 80 : index
        %parallel_loop3A_656 = tpu.vector_load %parallel_loop3A_653[%parallel_loop3A_654, %parallel_loop3A_655] {strides = array<i32>} : memref<128x128xf32, #tpu.memory_space<vmem>>, vector<16xf32>,
        tpu.vector_store %parallel_loop3A_653[%parallel_loop3A_654, %parallel_loop3A_655], %parallel_loop3A_647 {strides = array<i32>} : memref<128x128xf32, #tpu.memory_space<vmem>>, vector<16xf32>,
        %parallel_loop3A_657 = arith.minimumf %parallel_loop3A_537, %parallel_loop3A_545 : vector<16xf32>
        %parallel_loop3A_658 = arith.constant 0 : i32
        %parallel_loop3A_659 = arith.constant 0 : i32
        %parallel_loop3A_660 = tpu.memref_slice %arg7[%parallel_loop3A_468, %parallel_loop3A_658, %parallel_loop3A_659] : memref<2x128x128xf32, #tpu.memory_space<vmem>> -> memref<1x128x128xf32, #tpu.memory_space<vmem>>
        %parallel_loop3A_661 = tpu.memref_squeeze %parallel_loop3A_660 : memref<1x128x128xf32, #tpu.memory_space<vmem>> -> memref<128x128xf32, #tpu.memory_space<vmem>>
        %parallel_loop3A_662 = arith.index_cast %parallel_loop3A_548 : i32 to index
        %parallel_loop3A_663 = arith.constant 96 : index
        %parallel_loop3A_664 = tpu.vector_load %parallel_loop3A_661[%parallel_loop3A_662, %parallel_loop3A_663] {strides = array<i32>} : memref<128x128xf32, #tpu.memory_space<vmem>>, vector<16xf32>,
        tpu.vector_store %parallel_loop3A_661[%parallel_loop3A_662, %parallel_loop3A_663], %parallel_loop3A_657 {strides = array<i32>} : memref<128x128xf32, #tpu.memory_space<vmem>>, vector<16xf32>,
        %parallel_loop3A_665 = arith.maximumf %parallel_loop3A_537, %parallel_loop3A_545 : vector<16xf32>
        %parallel_loop3A_666 = arith.constant 1 : i32
        %parallel_loop3A_667 = arith.addi %parallel_loop3A_548, %parallel_loop3A_666 : i32
        %parallel_loop3A_668 = arith.constant 0 : i32
        %parallel_loop3A_669 = arith.constant 0 : i32
        %parallel_loop3A_670 = tpu.memref_slice %arg7[%parallel_loop3A_468, %parallel_loop3A_668, %parallel_loop3A_669] : memref<2x128x128xf32, #tpu.memory_space<vmem>> -> memref<1x128x128xf32, #tpu.memory_space<vmem>>
        %parallel_loop3A_671 = tpu.memref_squeeze %parallel_loop3A_670 : memref<1x128x128xf32, #tpu.memory_space<vmem>> -> memref<128x128xf32, #tpu.memory_space<vmem>>
        %parallel_loop3A_672 = arith.index_cast %parallel_loop3A_667 : i32 to index
        %parallel_loop3A_673 = arith.constant 96 : index
        %parallel_loop3A_674 = tpu.vector_load %parallel_loop3A_671[%parallel_loop3A_672, %parallel_loop3A_673] {strides = array<i32>} : memref<128x128xf32, #tpu.memory_space<vmem>>, vector<16xf32>,
        tpu.vector_store %parallel_loop3A_671[%parallel_loop3A_672, %parallel_loop3A_673], %parallel_loop3A_665 {strides = array<i32>} : memref<128x128xf32, #tpu.memory_space<vmem>>, vector<16xf32>,
        %parallel_loop3A_675 = arith.minimumf %parallel_loop3A_538, %parallel_loop3A_546 : vector<16xf32>
        %parallel_loop3A_676 = arith.constant 0 : i32
        %parallel_loop3A_677 = arith.constant 0 : i32
        %parallel_loop3A_678 = tpu.memref_slice %arg7[%parallel_loop3A_468, %parallel_loop3A_676, %parallel_loop3A_677] : memref<2x128x128xf32, #tpu.memory_space<vmem>> -> memref<1x128x128xf32, #tpu.memory_space<vmem>>
        %parallel_loop3A_679 = tpu.memref_squeeze %parallel_loop3A_678 : memref<1x128x128xf32, #tpu.memory_space<vmem>> -> memref<128x128xf32, #tpu.memory_space<vmem>>
        %parallel_loop3A_680 = arith.index_cast %parallel_loop3A_548 : i32 to index
        %parallel_loop3A_681 = arith.constant 112 : index
        %parallel_loop3A_682 = tpu.vector_load %parallel_loop3A_679[%parallel_loop3A_680, %parallel_loop3A_681] {strides = array<i32>} : memref<128x128xf32, #tpu.memory_space<vmem>>, vector<16xf32>,
        tpu.vector_store %parallel_loop3A_679[%parallel_loop3A_680, %parallel_loop3A_681], %parallel_loop3A_675 {strides = array<i32>} : memref<128x128xf32, #tpu.memory_space<vmem>>, vector<16xf32>,
        %parallel_loop3A_683 = arith.maximumf %parallel_loop3A_538, %parallel_loop3A_546 : vector<16xf32>
        %parallel_loop3A_684 = arith.constant 1 : i32
        %parallel_loop3A_685 = arith.addi %parallel_loop3A_548, %parallel_loop3A_684 : i32
        %parallel_loop3A_686 = arith.constant 0 : i32
        %parallel_loop3A_687 = arith.constant 0 : i32
        %parallel_loop3A_688 = tpu.memref_slice %arg7[%parallel_loop3A_468, %parallel_loop3A_686, %parallel_loop3A_687] : memref<2x128x128xf32, #tpu.memory_space<vmem>> -> memref<1x128x128xf32, #tpu.memory_space<vmem>>
        %parallel_loop3A_689 = tpu.memref_squeeze %parallel_loop3A_688 : memref<1x128x128xf32, #tpu.memory_space<vmem>> -> memref<128x128xf32, #tpu.memory_space<vmem>>
        %parallel_loop3A_690 = arith.index_cast %parallel_loop3A_685 : i32 to index
        %parallel_loop3A_691 = arith.constant 112 : index
        %parallel_loop3A_692 = tpu.vector_load %parallel_loop3A_689[%parallel_loop3A_690, %parallel_loop3A_691] {strides = array<i32>} : memref<128x128xf32, #tpu.memory_space<vmem>>, vector<16xf32>,
        tpu.vector_store %parallel_loop3A_689[%parallel_loop3A_690, %parallel_loop3A_691], %parallel_loop3A_683 {strides = array<i32>} : memref<128x128xf32, #tpu.memory_space<vmem>>, vector<16xf32>,
      } {sc.loop_unroll_factor = 1 : i64, sc.parallel_access}
      %mul3A_469 = arith.constant 128 : i32
      %mul3A_470 = arith.muli %add3A_428, %mul3A_469 : i32
      %dma_start3A_471 = arith.constant 1 : i32
      %dma_start3A_472 = arith.constant 0 : i32
      %dma_start3A_473 = arith.constant 0 : i32
      %dma_start3A_474 = tpu.memref_slice %arg7[%dma_start3A_471, %dma_start3A_472, %dma_start3A_473] : memref<2x128x128xf32, #tpu.memory_space<vmem>> -> memref<1x128x128xf32, #tpu.memory_space<vmem>>
      %dma_start3A_475 = tpu.memref_squeeze %dma_start3A_474 : memref<1x128x128xf32, #tpu.memory_space<vmem>> -> memref<128x128xf32, #tpu.memory_space<vmem>>
      %dma_start3A_476 = tpu.memref_slice %arg4[%add3A_176, %mul3A_470, %mul3A_32] : memref<4x4096x2048xf32, #tpu.memory_space<hbm>> -> memref<1x128x128xf32, #tpu.memory_space<hbm>>
      %dma_start3A_477 = tpu.memref_squeeze %dma_start3A_476 : memref<1x128x128xf32, #tpu.memory_space<hbm>> -> memref<128x128xf32, #tpu.memory_space<hbm>>
      %dma_start3A_478 = tpu.memref_slice %arg4[%add3A_176, %mul3A_470, %mul3A_32] : memref<4x4096x2048xf32, #tpu.memory_space<hbm>> -> memref<1x128x128xf32, #tpu.memory_space<hbm>>
      %dma_start3A_479 = tpu.memref_squeeze %dma_start3A_478 : memref<1x128x128xf32, #tpu.memory_space<hbm>> -> memref<128x128xf32, #tpu.memory_space<hbm>>
      %dma_start3A_480 = arith.constant 0 : i32
      %dma_start3A_481 = arith.constant 0 : i32
      %dma_start3A_482 = tpu.memref_slice %arg7[%dma_start3A_471, %dma_start3A_480, %dma_start3A_481] : memref<2x128x128xf32, #tpu.memory_space<vmem>> -> memref<1x128x128xf32, #tpu.memory_space<vmem>>
      %dma_start3A_483 = tpu.memref_squeeze %dma_start3A_482 : memref<1x128x128xf32, #tpu.memory_space<vmem>> -> memref<128x128xf32, #tpu.memory_space<vmem>>
      tpu.enqueue_dma source(%dma_start3A_483 : memref<128x128xf32, #tpu.memory_space<vmem>>) target(%dma_start3A_479 : memref<128x128xf32, #tpu.memory_space<hbm>>) target_semaphore(%arg13 : memref<!tpu.dma_semaphore, #tpu.memory_space<semaphore_mem>>)
    }
    %scan3A_217 = arith.constant 8 : i32
    %dma_wait3A = arith.constant 0 : i32
    %dma_wait3A_218 = arith.constant 0 : i32
    %dma_wait3A_219 = arith.constant 0 : i32
    %dma_wait3A_220 = arith.constant 0 : i32
    %dma_wait3A_221 = tpu.memref_slice %arg7[%dma_wait3A, %dma_wait3A_219, %dma_wait3A_220] : memref<2x128x128xf32, #tpu.memory_space<vmem>> -> memref<1x128x128xf32, #tpu.memory_space<vmem>>
    %dma_wait3A_222 = tpu.memref_squeeze %dma_wait3A_221 : memref<1x128x128xf32, #tpu.memory_space<vmem>> -> memref<128x128xf32, #tpu.memory_space<vmem>>
    %dma_wait3A_223 = arith.constant 0 : i32
    %dma_wait3A_224 = tpu.memref_slice %arg4[%dma_wait3A_218, %dma_wait3A_223, %mul3A_32] : memref<4x4096x2048xf32, #tpu.memory_space<hbm>> -> memref<1x128x128xf32, #tpu.memory_space<hbm>>
    %dma_wait3A_225 = tpu.memref_squeeze %dma_wait3A_224 : memref<1x128x128xf32, #tpu.memory_space<hbm>> -> memref<128x128xf32, #tpu.memory_space<hbm>>
    %dma_wait3A_226 = arith.constant 0 : i32
    %dma_wait3A_227 = tpu.memref_slice %arg4[%dma_wait3A_218, %dma_wait3A_226, %mul3A_32] : memref<4x4096x2048xf32, #tpu.memory_space<hbm>> -> memref<1x128x128xf32, #tpu.memory_space<hbm>>
    %dma_wait3A_228 = tpu.memref_squeeze %dma_wait3A_227 : memref<1x128x128xf32, #tpu.memory_space<hbm>> -> memref<128x128xf32, #tpu.memory_space<hbm>>
    %dma_wait3A_229 = arith.constant 0 : i32
    %dma_wait3A_230 = arith.constant 0 : i32
    %dma_wait3A_231 = tpu.memref_slice %arg7[%dma_wait3A, %dma_wait3A_229, %dma_wait3A_230] : memref<2x128x128xf32, #tpu.memory_space<vmem>> -> memref<1x128x128xf32, #tpu.memory_space<vmem>>
    %dma_wait3A_232 = tpu.memref_squeeze %dma_wait3A_231 : memref<1x128x128xf32, #tpu.memory_space<vmem>> -> memref<128x128xf32, #tpu.memory_space<vmem>>
    tpu.wait_dma2 semaphore(%arg12 : memref<!tpu.dma_semaphore, #tpu.memory_space<semaphore_mem>>) src(%dma_wait3A_232 : memref<128x128xf32, #tpu.memory_space<vmem>>) dst(%dma_wait3A_228 : memref<128x128xf32, #tpu.memory_space<hbm>>)
    %dma_wait3A_233 = arith.constant 1 : i32
    %dma_wait3A_234 = arith.constant 0 : i32
    %dma_wait3A_235 = arith.constant 0 : i32
    %dma_wait3A_236 = arith.constant 0 : i32
    %dma_wait3A_237 = tpu.memref_slice %arg7[%dma_wait3A_233, %dma_wait3A_235, %dma_wait3A_236] : memref<2x128x128xf32, #tpu.memory_space<vmem>> -> memref<1x128x128xf32, #tpu.memory_space<vmem>>
    %dma_wait3A_238 = tpu.memref_squeeze %dma_wait3A_237 : memref<1x128x128xf32, #tpu.memory_space<vmem>> -> memref<128x128xf32, #tpu.memory_space<vmem>>
    %dma_wait3A_239 = arith.constant 0 : i32
    %dma_wait3A_240 = tpu.memref_slice %arg4[%dma_wait3A_234, %dma_wait3A_239, %mul3A_32] : memref<4x4096x2048xf32, #tpu.memory_space<hbm>> -> memref<1x128x128xf32, #tpu.memory_space<hbm>>
    %dma_wait3A_241 = tpu.memref_squeeze %dma_wait3A_240 : memref<1x128x128xf32, #tpu.memory_space<hbm>> -> memref<128x128xf32, #tpu.memory_space<hbm>>
    %dma_wait3A_242 = arith.constant 0 : i32
    %dma_wait3A_243 = tpu.memref_slice %arg4[%dma_wait3A_234, %dma_wait3A_242, %mul3A_32] : memref<4x4096x2048xf32, #tpu.memory_space<hbm>> -> memref<1x128x128xf32, #tpu.memory_space<hbm>>
    %dma_wait3A_244 = tpu.memref_squeeze %dma_wait3A_243 : memref<1x128x128xf32, #tpu.memory_space<hbm>> -> memref<128x128xf32, #tpu.memory_space<hbm>>
    %dma_wait3A_245 = arith.constant 0 : i32
    %dma_wait3A_246 = arith.constant 0 : i32
    %dma_wait3A_247 = tpu.memref_slice %arg7[%dma_wait3A_233, %dma_wait3A_245, %dma_wait3A_246] : memref<2x128x128xf32, #tpu.memory_space<vmem>> -> memref<1x128x128xf32, #tpu.memory_space<vmem>>
    %dma_wait3A_248 = tpu.memref_squeeze %dma_wait3A_247 : memref<1x128x128xf32, #tpu.memory_space<vmem>> -> memref<128x128xf32, #tpu.memory_space<vmem>>
    tpu.wait_dma2 semaphore(%arg13 : memref<!tpu.dma_semaphore, #tpu.memory_space<semaphore_mem>>) src(%dma_wait3A_248 : memref<128x128xf32, #tpu.memory_space<vmem>>) dst(%dma_wait3A_244 : memref<128x128xf32, #tpu.memory_space<hbm>>)
    return
  }
}

</mosaic_0001>

<sc_bundles>
// kernel: kernel.3.cloned.1.call-start
scs
__scs_entry_jumppad:
0x0: {  	(pc) =	sbr.rel $0x88, $3  }
0x1: {  	(tag) =	ssettag $0x0;
	lr =	simm.s32 $0x1  }
0x2: {  	[smem:$0x3FA0] =	sst lr;
	_ =	strace $0xD0000000  }
0x3: {  	_ = 	snop  }
0x4: {  	_ = 	snop  }
0x5: {  	_ = 	snop  }
0x6: {  	_ = 	snop  }
0x7: {  	_ = 	snop  }
__scs_overlays_trampoline_lowered:
0x8: {  	[smem:$0x3FAF] =	sst s0  }
0x9: {  	[smem:$0x3FB0] =	sst s1  }
0xa: {  	[smem:$0x3FB1] =	sst s2  }
0xb: {  	[smem:$0x3FB2] =	sst s3  }
0xc: {  	[smem:$0x3FB3] =	sst s4  }
0xd: {  	[smem:$0x3FB4] =	sst s5  }
0xe: {  	[smem:$0x3FB5] =	sst s6  }
0xf: {  	[smem:$0x3FB6] =	sst s7  }
0x10: {  	[smem:$0x3FB7] =	sst s8  }
0x11: {  	[smem:$0x3FB8] =	sst s9;
	s0 =	simm.s32 @!p0 $0x0  }
0x12: {  	s1 =	sld [smem:$0x3F9E];
	s0 =	simm.s32 @p0 $0x1  }
0x13: {  	[smem:$0x3FB9] =	sst s0;
	s0 =	simm.s32 @!p1 $0x0  }
0x14: {  	s2 =	sld [smem:$0x3F9D];
	s0 =	simm.s32 @p1 $0x1  }
0x15: {  	[smem:$0x3FBA] =	sst s0;
	s0 =	simm.s32 @!p2 $0x0  }
0x16: {  	s3 =	sld [smem:$0x3FDB];
	s0 =	simm.s32 @p2 $0x1  }
0x17: {  	s4 =	simm.s32 $0x1BF5;
	[smem:$0x3FBC] =	sst s0  }
0x18: {  	s0 =	sld [smem:$0x3F9F];
	_ =	swait.ge [sflag:s4], $0x0  }
0x19: {  	s7 =	sld [smem:$0x3FA0]  }
0x1a: {  	s8 =	sadd.s32 $0xFFFFE003, lr  }
0x1b: {  	s9 =	sadd.s32 $0xFFFFFEF7, lr;
	s5 =	simm.s32 $0xFFFFFFFF;
	p2 =	slt.u32 s8, $0xFFFFF086  }
0x1c: {  	p1 =	slt.u32 s9, $0xF7A;
	s5 =	simm.s32 @!p2 $0x0  }
0x1d: {  	s5 =	simm.s32 @p1 $0x1;
	p0 =	seq.s32 s7, s2  }
0x1e: {  	s7 =	smul.u32 @!p0 $0xF7A, s2;
	p2 =	seq.s32 @!p0 s5, $0x0  }
0x1f: {  	s9 =	smul.u32 $0xF7A, s1;
	s8 =	simm.s32 @!p0 $0x1BF5;
	p2 =	por !p2, p0  }
0x20: {  	[sflag:s8] =	ssyncset.s32 @!p0 $0xFFFFF086;
	s6 =	sadd.s32 @!p0 s3, s7;
	s7 =	simm.s32 @!p0 $0x108  }
0x21: {  	s3 =	sadd.s32 s3, s9;
	s6 =	sadd.s32 @!p0 $0x88, s6;
	s7 =	simm.s32 @p2 $0x1082  }
0x22: {  	[simem:s7], [sflag:s8] =	dma.local @!p0 [hbm:s6], $0xF7A  }
0x23: {  	s9 =	sor.u32 $0xD0000000, s2;
	s6 =	simm.s32 $0x108;
	_ =	swait.ge @!p0 [sflag:s8], $0x0  }
0x24: {  	s3 =	sadd.s32 $0x88, s3;
	s6 =	simm.s32 @!p1 $0x1082;
	[sflag:s4] =	ssyncset.s32 $0xFFFFF086  }
0x25: {  	[simem:s6], [sflag:s4] =	dma.local [hbm:s3], $0xF7A  }
0x26: {  	[smem:$0x3FA0] =	sst s1;
	(tag) =	ssettag s2;
	_ =	strace s9  }
0x27: {  	s1 =	sld [smem:$0x3FB0]  }
0x28: {  	s2 =	sld [smem:$0x3FB1]  }
0x29: {  	s4 =	sld [smem:$0x3FB3]  }
0x2a: {  	p0 =	seq.s32 s5, $0x0;
	s5 =	sld [smem:$0x3FB4]  }
0x2b: {  	s6 =	sld [smem:$0x3FB5]  }
0x2c: {  	s7 =	sld [smem:$0x3FB6]  }
0x2d: {  	s3 =	simm.s32 $0x108;
	s8 =	sld [smem:$0x3FB7]  }
0x2e: {  	s3 =	simm.s32 @!p0 $0x1082;
	s9 =	sld [smem:$0x3FB8]  }
0x2f: {  	lr =	sadd.s32 s0, s3;
	s0 =	sld [smem:$0x3FAF]  }
0x30: {  	s3 =	sld [smem:$0x3FB2]  }
0x31: {  	[smem:$0x3FBB] =	sst s10  }
0x32: {  	s10 =	sld [smem:$0x3FB9];
	_ =	sdelay $0x3  }
0x33: {  	p0 =	seq.s32 s10, $0x1;
	s10 =	sld [smem:$0x3FBB];
	_ =	sdelay $0x3  }
0x34: {  	[smem:$0x3FBB] =	sst s10  }
0x35: {  	s10 =	sld [smem:$0x3FBA];
	_ =	sdelay $0x3  }
0x36: {  	p1 =	seq.s32 s10, $0x1;
	s10 =	sld [smem:$0x3FBB];
	_ =	sdelay $0x3  }
0x37: {  	[smem:$0x3FBB] =	sst s10  }
0x38: {  	s10 =	sld [smem:$0x3FBC]  }
0x39: {  	_ = 	snop;
	(pc) =	sbr.ind lr, $3  }
0x3a: {  	_ = 	snop  }
0x3b: {  	_ = 	snop  }
0x3c: {  	p2 =	seq.s32 s10, $0x1;
	s10 =	sld [smem:$0x3FBB]  }
0x3d: {  	_ =	shalt  }
0x3e: {  	_ =	shalt  }
0x3f: {  	_ =	shalt  }
0x40: {  	_ =	shalt  }
0x41: {  	_ =	shalt  }
0x42: {  	_ =	shalt  }
0x43: {  	_ =	shalt  }
0x44: {  	_ =	shalt  }
0x45: {  	_ =	shalt  }
0x46: {  	_ =	shalt  }
0x47: {  	_ =	shalt  }
0x48: {  	_ =	shalt  }
0x49: {  	_ =	shalt  }
0x4a: {  	_ =	shalt  }
0x4b: {  	_ =	shalt  }
0x4c: {  	_ =	shalt  }
0x4d: {  	_ =	shalt  }
0x4e: {  	_ =	shalt  }
0x4f: {  	_ =	shalt  }
0x50: {  	_ =	shalt  }
0x51: {  	_ =	shalt  }
0x52: {  	_ =	shalt  }
0x53: {  	_ =	shalt  }
0x54: {  	_ =	shalt  }
0x55: {  	_ =	shalt  }
0x56: {  	_ =	shalt  }
0x57: {  	_ =	shalt  }
0x58: {  	_ =	shalt  }
0x59: {  	_ =	shalt  }
0x5a: {  	_ =	shalt  }
0x5b: {  	_ =	shalt  }
0x5c: {  	_ =	shalt  }
0x5d: {  	_ =	shalt  }
0x5e: {  	_ =	shalt  }
0x5f: {  	_ =	shalt  }
0x60: {  	_ =	shalt  }
0x61: {  	_ =	shalt  }
0x62: {  	_ =	shalt  }
0x63: {  	_ =	shalt  }
0x64: {  	_ =	shalt  }
0x65: {  	_ =	shalt  }
0x66: {  	_ =	shalt  }
0x67: {  	_ =	shalt  }
0x68: {  	_ =	shalt  }
0x69: {  	_ =	shalt  }
0x6a: {  	_ =	shalt  }
0x6b: {  	_ =	shalt  }
0x6c: {  	_ =	shalt  }
0x6d: {  	_ =	shalt  }
0x6e: {  	_ =	shalt  }
0x6f: {  	_ =	shalt  }
0x70: {  	_ =	shalt  }
0x71: {  	_ =	shalt  }
0x72: {  	_ =	shalt  }
0x73: {  	_ =	shalt  }
0x74: {  	_ =	shalt  }
0x75: {  	_ =	shalt  }
0x76: {  	_ =	shalt  }
0x77: {  	_ =	shalt  }
0x78: {  	_ =	shalt  }
0x79: {  	_ =	shalt  }
0x7a: {  	_ =	shalt  }
0x7b: {  	_ =	shalt  }
0x7c: {  	_ =	shalt  }
0x7d: {  	_ =	shalt  }
0x7e: {  	_ =	shalt  }
0x7f: {  	_ =	shalt  }
0x80: {  	_ =	shalt  }
0x81: {  	_ =	shalt  }
0x82: {  	_ =	shalt  }
0x83: {  	_ =	shalt  }
0x84: {  	_ =	shalt  }
0x85: {  	_ =	shalt  }
0x86: {  	_ =	shalt  }
0x87: {  	_ =	shalt  }
.Lfunc_end0:
.L_simem_size_0:
called_computation_lowered:
.L_overlay_start_0:
0x88: {  	s2 =	sld [smem:$0x3FD9]  }
0x89: {  	s3 =	sld [smem:$0x3FFE];
	_ =	sdelay $0x1  }
0x8a: {  	s1 =	srdreg.scid  }
0x8b: {  	s0 =	sand.u32 $0x1, s1  }
0x8c: {  	s17 =	sshll.u32 s0, $0xA;
	s2 =	sadd.s32 s3, s2  }
0x8d: {  	s2 =	sadd.s32 s2, s17  }
0x8e: {  	[smem:$0x3FC7] =	sst s2  }
0x8f: {  	_ = 	snop  }
0x90: {  	s2 =	sld [smem:$0x3FC9]  }
0x91: {  	s18 =	sld [smem:$0x3FD0];
	(tm) =	ssettm $0x1  }
0x92: {  	s4 =	sld [smem:$0x3FFB];
	_ =	sdelay $0x3  }
0x93: {  	_ =	strace s4  }
0x94: {  	s4 =	sld [smem:$0x3FFC];
	_ =	sdelay $0x3  }
0x95: {  	_ =	strace s4  }
0x96: {  	s4 =	sld [smem:$0x3FFD];
	_ =	sdelay $0x3  }
0x97: {  	_ =	strace s4  }
0x98: {  	_ =	strace $0x8FFFFFFF  }
0x99: {  	s19 =	sld [smem:$0x3FDB];
	_ =	sdelay $0x1  }
0x9a: {  	s5 =	simm.s32 $_scs_section_size  }
0x9b: {  	s6 =	simm.s32 $_size__tile_overlayer_lowered;
	s7 =	simm.s32 $_tile_overlayer_lowered  }
0x9c: {  	s22 =	simm.s32 $0x1BFF;
	s21 =	sshll.u32 s7, $0x1;
	s4 =	sadd.s32 s5, s19  }
0x9d: {  	s8 =	simm.s32 $0x0;
	s20 =	sshll.u32 s6, $0x1;
	s6 =	sadd.s32 s21, s4  }
0x9e: {  	[timem:s8], [sflag:s22] =	dma.local [hbm:s6], s20  }
0x9f: {  	_ =	swait.ge [sflag:s22], s20  }
0xa0: {  	s5 =	ssub.s32 $0x0, s20;
	[sflag:s22] =	ssyncset.done $0x0  }
0xa1: {  	[sflag:s22] =	ssyncadd.s32 s5;
	_ =	sdelay $0x1  }
0xa2: {  	s23 =	simm.s32 $0x1B8B  }
0xa3: {  	_ =	swait.ge [sflag:s23], $0x1  }
0xa4: {  	[sflag:s23] =	ssyncset.done $0x0  }
0xa5: {  	s25 =	simm.s32 $0x1B8E;
	s24 =	sld [smem:$0x3FFE];
	[sflag:s23] =	ssyncadd.s32 $0xFFFFFFFF  }
0xa6: {  	s26 =	simm.s32 $execute0_lowered;
	[smem:$0x3FD2] =	sst s25  }
0xa7: {  	s6 =	sshll.u32 s26, $0x1;
	_ =	strace $0x80000046;
	[dreg:$0x1] =	wrdreg $0xFFFFFFFF  }
0xa8: {  	s28 =	simm.s32 $_size_execute0_lowered;
	s4 =	sadd.s32 s4, s6;
	[dreg:$0x0] =	wrdreg $0x0  }
0xa9: {  	s6 =	sshll.u32 s28, $0x1;
	[dreg:$0x2] =	wrdreg s4  }
0xaa: {  	[dreg:$0x3] =	wrdreg s6  }
0xab: {  	[dreg:$0x4] =	wrdreg $0xC0  }
0xac: {  	_ =	task [dreg:s8], $0x5FFFF  }
0xad: {  	[dreg:$0x1] =	wrdreg $0xFFFFFFFF  }
0xae: {  	[dreg:$0x0] =	wrdreg $0x60  }
0xaf: {  	[dreg:$0x2] =	wrdreg s2  }
0xb0: {  	[dreg:$0x3] =	wrdreg s24  }
0xb1: {  	[dreg:$0x4] =	wrdreg s18  }
0xb2: {  	[dreg:$0x5] =	wrdreg $0x9  }
0xb3: {  	_ =	task.clear_ibuf [dreg:s8], $0x6FFFF;
	_ =	strace $0x90000046  }
0xb4: {  	s29 =	simm.s32 $0x9;
	_ =	strace $0x80000048  }
0xb5: {  	_ =	swait.ge [sflag:s29], $0x1  }
0xb6: {  	[sflag:s29] =	ssyncadd.s32 $0xFFFFFFFF  }
0xb7: {  	_ =	strace $0x90000048  }
0xb8: {  	_ =	sfence  }
0xb9: {  	s30 =	sld [smem:$0x0];
	_ =	sdelay $0x2  }
0xba: {  	s31 =	sshll.u32 s1, $0xD;
	s1 =	sshrl.u32 s1, $0x2  }
0xbb: {  	s3 =	sand.u32 $0x4000, s31;
	s1 =	sadd.s32 s1, s30  }
0xbc: {  	s0 =	sor.u32 s3, s0;
	s1 =	sshll.u32 s1, $0x11  }
0xbd: {  	s0 =	sor.u32 s1, s0  }
0xbe: {  	s0 =	sadd.s32 $0x8F2B, s0  }
0xbf: {  	[sflag:s0] =	ssyncadd.remote.s32 $0x1  }
0xc0: {  	_ =	sfence.sel $0xFFFF  }
0xc1: {  	[dreg:$0x0] =	wrdreg $0xFFFFFFFF;
	(pc) =	sbr.abs _section_cstart, $3  }
0xc2: {  	[dreg:$0x1] =	wrdreg $0xFFFFFFFF  }
0xc3: {  	_ =	task.clear_ibuf [dreg:s8], $0x2FFFF;
	_ =	strace $0x9FFFFFFF  }
0xc4: {  	(tm) =	ssettm $0x7FFFFFFF  }
0xc5: {  	_ =	shalt  }
tec
execute0_lowered:
.L_overlay_start_1:
0x0: {  	(tag) =	ssettag $0x1  }
0x1: {  	s1 =	rddreg [dreg:$0x0]  }
0x2: {  	s0 =	srdreg.scid;
	s12 =	rddreg [dreg:$0x1]  }
0x3: {  	s5 =	stileid.u32;
	s3 =	rddreg [dreg:$0x2]  }
0x4: {  	s4 =	simm.s32 $0x1;
	s6 =	simm.s32 $0x0;
	s28 =	simm.s32 $0xC080  }
0x5: {  	v0 =	vlaneseq.u32;
	s29 =	simm.s32 $0x80;
	s31 =	simm.s32 $0x8080;
	s0 =	sand.u32 $0x1, s0  }
0x6: {  	s30 =	simm.s32 $0x3;
	[smem:$0x7FF] =	sst s6;
	v1 =	vor.u32 $0xFFFFC000, v0;
	s2 =	sor.u32 s0, s5  }
0x7: {  	v24 =	vor.u32 $0x80, v0;
	p1 =	seq.s32 s0, $0x1;
	_ =	strace $0x80000047;
	[tilespmem:$0x1FEC0] =	vst v1;
	p0 =	seq.s32 s2, $0x0  }
0x8: {  	s11 =	simm.s32 $0x6;
	v25 =	vor.u32 $0x90, v0;
	s7 =	ssub.s32 $0x2, s0;
	[tilespmem:$0x1FFD0] =	vst v24;
	p0 =	por !p0, !p1  }
0x9: {  	v27 =	vor.u32 $0xB0, v0;
	s0 =	sshll.u32 s0, $0x18;
	[tilespmem:$0x1FFE0] =	vst v25;
	s9 =	sshrl.u32 s7, $0x1;
	p0 =	por !p0, !p0  }
0xa: {  	v1 =	vor.u32 $0xFFFFC010, v0;
	[tilespmem:$0x1FFF0] =	vst v27;
	s2 =	simm.s32 $0x4;
	s15 =	ssub.s32 s7, s9;
	s4 =	simm.s32 @!p0 $0x0  }
0xb: {  	[tilespmem:$0x1FED0] =	vst v1;
	v1 =	vor.u32 $0xFFFFC020, v0;
	s7 =	simm.s32 $0x14080;
	s9 =	simm.s32 $0x0;
	s4 =	ssub.s32 s5, s4  }
0xc: {  	[tilespmem:$0x1FEE0] =	vst v1;
	v1 =	vor.u32 $0xFFFFC030, v0;
	s26 =	smax.u32 s15, $0x1;
	s13 =	sand.u32 $0x1FFFFFF, s4;
	s4 =	sshll.u32 s4, $0xA  }
0xd: {  	[tilespmem:$0x1FEF0] =	vst v1;
	v1 =	vor.u32 $0xFFFFC040, v0;
	[dreg:$0x10] =	wrdreg s26;
	s26 =	simm.s32 $0x4000;
	s10 =	sadd.s32 s0, s4  }
0xe: {  	[tilespmem:$0x1FF00] =	vst v1;
	v1 =	vor.u32 $0xFFFFC050, v0;
	s5 =	simm.s32 $0x1;
	s8 =	sshll.u32 s13, $0x4;
	s20 =	sadd.s32 $0x80000, s10  }
0xf: {  	[tilespmem:$0x1FF10] =	vst v1;
	v1 =	vor.u32 $0xFFFFC060, v0;
	s14 =	sadd.s32 s8, s12;
	s21 =	sadd.s32 $0xC0000, s10;
	[dreg:$0x8] =	wrdreg s20  }
0x10: {  	[tilespmem:$0x1FF20] =	vst v1;
	v1 =	vor.u32 $0xFFFFC070, v0;
	s4 =	sshrl.u32 s10, $0x3;
	s22 =	sadd.s32 $0x100000, s10;
	[dreg:$0x9] =	wrdreg s21  }
0x11: {  	[tilespmem:$0x1FF30] =	vst v1;
	v1 =	vor.u32 $0xFFFFC080, v0;
	s17 =	sadd.s32 $0x800000, s10;
	s23 =	sadd.s32 $0x140000, s10;
	[dreg:$0xb] =	wrdreg s22  }
0x12: {  	[tilespmem:$0x1FF40] =	vst v1;
	v1 =	vor.u32 $0xFFFFC090, v0;
	s25 =	sadd.s32 $0x880000, s10;
	s0 =	sadd.s32 $0x400, s14;
	[dreg:$0xc] =	wrdreg s23  }
0x13: {  	s16 =	sadd.s32 s1, s4;
	s6 =	smov.u32 s17;
	[tilespmem:$0x1FF50] =	vst v1;
	[dreg:$0xf] =	wrdreg s25;
	v1 =	vor.u32 $0xFFFFC0A0, v0  }
0x14: {  	s19 =	sshrl.u32 s17, $0x3;
	s20 =	sadd.s32 $0x8C0000, s10;
	[dreg:$0x4] =	wrdreg s0;
	[tilespmem:$0x1FF60] =	vst v1;
	v1 =	vor.u32 $0xFFFFC0B0, v0  }
0x15: {  	s21 =	sadd.s32 $0x900000, s10;
	s18 =	sadd.s32 $0xF8000, s16;
	[dreg:$0x5] =	wrdreg s16;
	[tilespmem:$0x1FF70] =	vst v1;
	v1 =	vor.u32 $0xFFFFC0C0, v0  }
0x16: {  	v17 =	vor.u32 $0x10, v0;
	v18 =	vor.u32 $0x20, v0;
	s22 =	sadd.s32 $0x940000, s10;
	s0 =	sadd.s32 $0x8000, s16;
	[dreg:$0x6] =	wrdreg s18;
	[tilespmem:$0x1FF80] =	vst v1;
	v1 =	vor.u32 $0xFFFFC0D0, v0  }
0x17: {  	v19 =	vor.u32 $0x30, v0;
	v20 =	vor.u32 $0x40, v0;
	s25 =	simm.s32 $0x400;
	[dreg:$0x7] =	wrdreg s0;
	s0 =	sadd.s32 s1, s19;
	[tilespmem:$0x1FF90] =	vst v1;
	v1 =	vor.u32 $0xFFFFC0E0, v0  }
0x18: {  	v21 =	vor.u32 $0x50, v0;
	v22 =	vor.u32 $0x60, v0;
	s4 =	simm.s32 $0x2;
	s24 =	sadd.s32 $0xF8000, s0;
	[dreg:$0xa] =	wrdreg s0;
	[tilespmem:$0x1FFA0] =	vst v1;
	v1 =	vor.u32 $0xFFFFC0F0, v0  }
0x19: {  	v23 =	vor.u32 $0x70, v0;
	v28 =	vor.u32 $0xC0, v0;
	s19 =	smov.u32 s10;
	s0 =	sadd.s32 $0x8000, s0;
	[dreg:$0xd] =	wrdreg s24;
	[tilespmem:$0x1FFB0] =	vst v1;
	v1 =	vor.u32 $0xA0, v0  }
0x1a: {  	v29 =	vor.u32 $0xD0, v0;
	v30 =	vor.u32 $0xE0, v0;
	v31 =	vor.u32 $0xF0, v0;
	s10 =	simm.s32 $0x5;
	[dreg:$0xe] =	wrdreg s0;
	s0 =	simm.s32 $0x10080;
	[tilespmem:$0x1FFC0] =	vst v1  }
.LBB2_1:
0x1b: {  	[dreg:$0x11] =	wrdreg s9  }
0x1c: {  	s8 =	simm.s32 $0x0;
	s15 =	rddreg [dreg:$0x4];
	s16 =	simm.s32 $0x7  }
0x1d: {  	[tilespmem:s8], [sflag:$0x7] =	stream.linear.gather [hbm4b:s15+s8], $0x80, $0x38;
	[tilespmem:$0x18080] =	vst v63  }
0x1e: {  	_ =	swait.ge [sflag:s16], $0x80  }
0x1f: {  	[sflag:s16] =	ssyncset.done $0x0  }
0x20: {  	v9 =	vld [tilespmem:$0x1FEC0];
	[sflag:s16] =	ssyncadd.s32 $0xFFFFFF80  }
0x21: {  	v1 =	vld [tilespmem:$0x0]  }
0x22: {  	v63 =	vld [tilespmem:$0x1FF40];
	_ =	sdelay $0x3  }
0x23: {  	v2 =	vld [tilespmem:$0x10];
	v1 =	vshll.u32 v1, $0x7  }
0x24: {  	v32 =	vadd.s32 v9, v1;
	v44 =	vadd.s32 v63, v1;
	v1 =	vld [tilespmem:$0x1FF50];
	_ =	sdelay $0x3  }
0x25: {  	v3 =	vld [tilespmem:$0x20];
	v2 =	vshll.u32 v2, $0x7  }
0x26: {  	v45 =	vadd.s32 v1, v2;
	v1 =	vld [tilespmem:$0x1FF60];
	_ =	sdelay $0x3  }
0x27: {  	v4 =	vld [tilespmem:$0x30];
	v3 =	vshll.u32 v3, $0x7  }
0x28: {  	v46 =	vadd.s32 v1, v3;
	v1 =	vld [tilespmem:$0x1FF70];
	_ =	sdelay $0x3  }
0x29: {  	v5 =	vld [tilespmem:$0x40];
	v4 =	vshll.u32 v4, $0x7  }
0x2a: {  	v47 =	vadd.s32 v1, v4;
	v1 =	vld [tilespmem:$0x1FF80];
	_ =	sdelay $0x3  }
0x2b: {  	v6 =	vld [tilespmem:$0x50];
	v5 =	vshll.u32 v5, $0x7  }
0x2c: {  	v40 =	vadd.s32 v1, v5;
	v1 =	vld [tilespmem:$0x1FF90]  }
0x2d: {  	v56 =	vld [tilespmem:$0x1FED0]  }
0x2e: {  	v57 =	vld [tilespmem:$0x1FEE0]  }
0x2f: {  	s17 =	rddreg [dreg:$0x6];
	v7 =	vld [tilespmem:$0x60]  }
0x30: {  	v8 =	vld [tilespmem:$0x70];
	[tilespmem:s28], [sflag:$0x4] =	stream.strided.gather [hbm4b:s17+s25], $0x4000, s26, s25, $0x38;
	v6 =	vshll.u32 v6, $0x7  }
0x31: {  	s18 =	rddreg [dreg:$0x5];
	v41 =	vadd.s32 v1, v6;
	v1 =	vld [tilespmem:$0x1FFA0]  }
0x32: {  	v58 =	vld [tilespmem:$0x1FEF0];
	[tilespmem:s29], [sflag:$0x1] =	stream.strided.gather [hbm4b:s18+s25], $0x4000, s26, s25, $0x38  }
0x33: {  	s24 =	simm.s32 $0x4080;
	v59 =	vld [tilespmem:$0x1FF00];
	s23 =	rddreg [dreg:$0x7]  }
0x34: {  	v60 =	vld [tilespmem:$0x1FF10];
	[tilespmem:s24], [sflag:$0x2] =	stream.strided.gather [hbm4b:s23+s25], $0x4000, s26, s25, $0x38  }
0x35: {  	v61 =	vld [tilespmem:$0x1FF20];
	v7 =	vshll.u32 v7, $0x7;
	[tilespmem:$0x1FE40] =	vst v44  }
0x36: {  	[tilespmem:$0x1FE50] =	vst v45;
	v42 =	vadd.s32 v1, v7;
	v1 =	vld [tilespmem:$0x1FFB0]  }
0x37: {  	v62 =	vld [tilespmem:$0x1FF30];
	[tilespmem:$0x1FE60] =	vst v46  }
0x38: {  	[tilespmem:$0x1FE70] =	vst v47  }
0x39: {  	[tilespmem:$0x1FE80] =	vst v40  }
0x3a: {  	v8 =	vshll.u32 v8, $0x7;
	v33 =	vadd.s32 v56, v2;
	v34 =	vadd.s32 v57, v3;
	[tilespmem:$0x1FE90] =	vst v41  }
0x3b: {  	v35 =	vadd.s32 v58, v4;
	v36 =	vadd.s32 v59, v5;
	[tilespmem:$0x1FEA0] =	vst v42;
	v26 =	vadd.s32 v1, v8  }
0x3c: {  	s18 =	simm.s32 $0x0;
	v37 =	vadd.s32 v60, v6;
	v38 =	vadd.s32 v61, v7;
	v39 =	vadd.s32 v62, v8;
	[tilespmem:$0x1FEB0] =	vst v26  }
.LBB2_2:
0x3d: {  	s23 =	sshll.u32 s18, $0x14;
	s8 =	rddreg [dreg:$0x8]  }
0x3e: {  	s8 =	sadd.s32 s23, s8  }
0x3f: {  	p0 =	seq.s32 s18, $0x0;
	s12 =	simm.s32 $0x4;
	s8 =	sshrl.u32 s8, $0x3  }
0x40: {  	s17 =	simm.s32 $0x0;
	s12 =	simm.s32 @!p0 $0x1;
	s9 =	sadd.s32 s1, s8  }
0x41: {  	v2 =	vadd.s32 s17, v33;
	[tilespmem:s31], [sflag:$0x3] =	stream.strided.gather [hbm4b:s9+s25], $0x4000, s26, s25, $0x38;
	[tilespmem:$0x18080] =	vst v63  }
0x42: {  	v3 =	vadd.s32 s17, v34;
	v2 =	vand.u32 $0xFF80, v2;
	_ =	swait.ge [sflag:s12], $0x4000  }
0x43: {  	s13 =	simm.s32 $0x1;
	v1 =	vadd.s32 s17, v32;
	v3 =	vand.u32 $0xFF80, v3;
	v2 =	vor.u32 v17, v2;
	[sflag:s12] =	ssyncset.done $0x0  }
0x44: {  	v5 =	vadd.s32 s17, v39;
	s13 =	simm.s32 @!p0 $0x5;
	v1 =	vand.u32 $0xFF80, v1;
	v3 =	vor.u32 v18, v3;
	[sflag:s12] =	ssyncadd.s32 $0xFFFFC000  }
0x45: {  	v7 =	vadd.s32 s17, v26;
	v5 =	vand.u32 $0xFF80, v5;
	v1 =	vor.u32 v0, v1;
	_ =	swait.ge [sflag:s13], $0x4000  }
0x46: {  	v8 =	vadd.s32 s17, v44;
	v7 =	vand.u32 $0xFF80, v7;
	v5 =	vor.u32 v23, v5;
	[sflag:s13] =	ssyncset.done $0x0  }
0x47: {  	v9 =	vadd.s32 s17, v45;
	v8 =	vand.u32 $0xFF80, v8;
	v7 =	vor.u32 v23, v7;
	[sflag:s13] =	ssyncadd.s32 $0xFFFFC000  }
0x48: {  	v6 =	vadd.s32 s17, v36;
	v9 =	vand.u32 $0xFF80, v9;
	v8 =	vor.u32 v0, v8;
	v43 =	vld.idx.msk [tilespmem:v2+s29+$0x0], $0xffff  }
0x49: {  	v6 =	vand.u32 $0xFF80, v6;
	v9 =	vor.u32 v17, v9;
	v2 =	vld.idx.msk [tilespmem:v3+s29+$0x0], $0xffff  }
0x4a: {  	v6 =	vor.u32 v20, v6;
	v1 =	vld.idx.msk [tilespmem:v1+s29+$0x0], $0xffff  }
0x4b: {  	v5 =	vld.idx.msk [tilespmem:v5+s29+$0x0], $0xffff  }
0x4c: {  	v7 =	vld.idx.msk [tilespmem:v7+s29+$0x0], $0xffff  }
0x4d: {  	v4 =	vadd.s32 s17, v35;
	v10 =	vadd.s32 s17, v37;
	v11 =	vadd.s32 s17, v38;
	v8 =	vld.idx.msk [tilespmem:v8+s29+$0x0], $0xffff  }
0x4e: {  	v12 =	vadd.s32 s17, v46;
	v13 =	vadd.s32 s17, v47;
	v4 =	vand.u32 $0xFF80, v4;
	v9 =	vld.idx.msk [tilespmem:v9+s29+$0x0], $0xffff;
	[tilespmem:$0x1FE20] =	vst v2  }
0x4f: {  	v48 =	vadd.s32 s17, v40;
	v11 =	vand.u32 $0xFF80, v11;
	v4 =	vor.u32 v19, v4;
	v2 =	vld.idx.msk [tilespmem:v6+s29+$0x0], $0xffff  }
0x50: {  	v49 =	vadd.s32 s17, v41;
	v10 =	vand.u32 $0xFF80, v10;
	v11 =	vor.u32 v22, v11  }
0x51: {  	s24 =	simm.s32 $0x100;
	v50 =	vadd.s32 s17, v42;
	v12 =	vand.u32 $0xFF80, v12;
	v10 =	vor.u32 v21, v10  }
0x52: {  	v51 =	vadd.s32 s24, v32;
	v13 =	vand.u32 $0xFF80, v13;
	v12 =	vor.u32 v18, v12  }
0x53: {  	v48 =	vand.u32 $0xFF80, v48;
	v50 =	vand.u32 $0xFF80, v50;
	v13 =	vor.u32 v19, v13  }
0x54: {  	v49 =	vand.u32 $0xFF80, v49;
	v48 =	vor.u32 v20, v48;
	v50 =	vor.u32 v22, v50;
	v55 =	vld.idx.msk [tilespmem:v4+s29+$0x0], $0xffff;
	[tilespmem:$0x1FE30] =	vst v2  }
0x55: {  	v54 =	vmin.f32 v1, v8;
	v1 =	vmax.f32 v1, v8;
	v8 =	vld.idx.msk [tilespmem:v11+s29+$0x0], $0xffff;
	v11 =	vadd.s32 s24, v33  }
0x56: {  	v52 =	vadd.s32 s24, v34;
	v49 =	vor.u32 v21, v49;
	v6 =	vld.idx.msk [tilespmem:v10+s29+$0x0], $0xffff;
	v11 =	vand.u32 $0xFF80, v11  }
0x57: {  	v56 =	vadd.s32 s24, v35;
	v51 =	vand.u32 $0xFF80, v51;
	v12 =	vld.idx.msk [tilespmem:v12+s29+$0x0], $0xffff;
	v11 =	vor.u32 v17, v11  }
0x58: {  	v63 =	vadd.s32 s24, v36;
	v52 =	vand.u32 $0xFF80, v52;
	v51 =	vor.u32 v0, v51;
	v13 =	vld.idx.msk [tilespmem:v13+s29+$0x0], $0xffff  }
0x59: {  	v14 =	vadd.s32 s24, v37;
	v52 =	vor.u32 v18, v52;
	v57 =	vld.idx.msk [tilespmem:v48+s29+$0x0], $0xffff;
	v48 =	vand.u32 $0xFF80, v63  }
0x5a: {  	v61 =	vand.u32 $0xFF80, v14;
	v60 =	vld.idx.msk [tilespmem:v50+s29+$0x0], $0xffff;
	v50 =	vadd.s32 s24, v38;
	v58 =	vor.u32 v20, v48  }
0x5b: {  	v15 =	vadd.s32 s24, v46;
	v61 =	vor.u32 v21, v61;
	v59 =	vld.idx.msk [tilespmem:v49+s29+$0x0], $0xffff;
	v50 =	vand.u32 $0xFF80, v50  }
0x5c: {  	v56 =	vand.u32 $0xFF80, v56;
	v15 =	vand.u32 $0xFF80, v15;
	v48 =	vld.idx.msk [tilespmem:v11+s29+$0x0], $0xffff;
	v11 =	vor.u32 v22, v50  }
0x5d: {  	v56 =	vor.u32 v19, v56;
	v49 =	vadd.s32 s24, v39;
	v14 =	vld.idx.msk [tilespmem:v51+s29+$0x0], $0xffff;
	v51 =	vadd.s32 s24, v26  }
0x5e: {  	v63 =	vadd.s32 s24, v44;
	v62 =	vand.u32 $0xFF80, v49;
	v49 =	vld.idx.msk [tilespmem:v52+s29+$0x0], $0xffff;
	v51 =	vand.u32 $0xFF80, v51  }
0x5f: {  	s14 =	simm.s32 $0x10100;
	v53 =	vmax.f32 v5, v7;
	v52 =	vand.u32 $0xFF80, v63;
	v63 =	vor.u32 v23, v51;
	v51 =	vld.idx.msk [tilespmem:v58+s29+$0x0], $0xffff  }
0x60: {  	v3 =	vmin.f32 v43, v9;
	[tilespmem:s14+$0x70] =	vst v53;
	v58 =	vor.u32 v0, v52;
	v52 =	vld.idx.msk [tilespmem:v61+s29+$0x0], $0xffff;
	v61 =	vadd.s32 s24, v47  }
0x61: {  	[tilespmem:s14+$0xFFFFFF80] =	vst v54;
	v53 =	vld.idx.msk [tilespmem:v11+s29+$0x0], $0xffff;
	v11 =	vor.u32 v18, v15;
	v15 =	vand.u32 $0xFF80, v61;
	v61 =	vadd.s32 s24, v40  }
0x62: {  	[tilespmem:s14+$0x0] =	vst v1;
	v62 =	vor.u32 v23, v62;
	v54 =	vand.u32 $0xFF80, v61;
	v61 =	vadd.s32 s24, v41  }
0x63: {  	v5 =	vmin.f32 v5, v7;
	[tilespmem:s14+$0xFFFFFF90] =	vst v3;
	v1 =	vand.u32 $0xFF80, v61;
	v61 =	vadd.s32 s24, v42  }
0x64: {  	[tilespmem:s14+$0xFFFFFFF0] =	vst v5;
	v50 =	vld.idx.msk [tilespmem:v56+s29+$0x0], $0xffff;
	v56 =	vadd.s32 s24, v45;
	v4 =	vor.u32 v21, v1;
	v1 =	vand.u32 $0xFF80, v61  }
0x65: {  	v56 =	vand.u32 $0xFF80, v56;
	v5 =	vor.u32 v22, v1;
	v1 =	vld [tilespmem:$0x1FE20]  }
0x66: {  	v56 =	vor.u32 v17, v56  }
0x67: {  	v16 =	vld.idx.msk [tilespmem:v62+s29+$0x0], $0xffff  }
0x68: {  	v2 =	vld.idx.msk [tilespmem:v63+s29+$0x0], $0xffff;
	v62 =	vor.u32 v20, v54  }
0x69: {  	v7 =	vld.idx.msk [tilespmem:v58+s29+$0x0], $0xffff;
	v15 =	vor.u32 v19, v15  }
0x6a: {  	v3 =	vmin.f32 v1, v12;
	v12 =	vmax.f32 v1, v12;
	v1 =	vld [tilespmem:$0x1FE30]  }
0x6b: {  	v9 =	vmax.f32 v43, v9;
	v63 =	vmax.f32 v6, v59;
	v58 =	vld.idx.msk [tilespmem:v56+s29+$0x0], $0xffff;
	v61 =	vmax.f32 v8, v60  }
0x6c: {  	s24 =	simm.s32 $0x200;
	v54 =	vld.idx.msk [tilespmem:v11+s29+$0x0], $0xffff;
	v11 =	vmin.f32 v55, v13;
	v13 =	vmax.f32 v55, v13;
	[tilespmem:s14+$0x10] =	vst v9  }
0x6d: {  	v56 =	vld.idx.msk [tilespmem:v62+s29+$0x0], $0xffff;
	v62 =	vmin.f32 v8, v60;
	v60 =	vmin.f32 v16, v2;
	[tilespmem:s14+$0xFFFFFFA0] =	vst v3;
	v3 =	vadd.s32 s24, v32  }
0x6e: {  	v55 =	vld.idx.msk [tilespmem:v15+s29+$0x0], $0xffff;
	v2 =	vmax.f32 v16, v2;
	[tilespmem:s14+$0xFFFFFFB0] =	vst v11;
	v11 =	vadd.s32 s24, v39;
	v3 =	vand.u32 $0xFF80, v3  }
0x6f: {  	s17 =	simm.s32 $0x10200;
	v3 =	vor.u32 v0, v3;
	v10 =	vmin.f32 v1, v57;
	v15 =	vmax.f32 v1, v57;
	v57 =	vld.idx.msk [tilespmem:v4+s29+$0x0], $0xffff  }
0x70: {  	v1 =	vmin.f32 v6, v59;
	v59 =	vld.idx.msk [tilespmem:v5+s29+$0x0], $0xffff;
	v4 =	vmin.f32 v14, v7;
	[tilespmem:s17+$0x70] =	vst v2;
	v2 =	vadd.s32 s24, v33  }
0x71: {  	[tilespmem:s14+$0x30] =	vst v13;
	v5 =	vmax.f32 v14, v7;
	v6 =	vadd.s32 s24, v34;
	v2 =	vand.u32 $0xFF80, v2  }
0x72: {  	v7 =	vadd.s32 s24, v37;
	[tilespmem:s17+$0xFFFFFF80] =	vst v4;
	v4 =	vmin.f32 v48, v58;
	v9 =	vor.u32 v17, v2  }
0x73: {  	[tilespmem:s17+$0x0] =	vst v5;
	v5 =	vadd.s32 s24, v35;
	v7 =	vand.u32 $0xFF80, v7;
	v2 =	vand.u32 $0xFF80, v6  }
0x74: {  	[tilespmem:s17+$0xFFFFFF90] =	vst v4;
	v4 =	vadd.s32 s24, v36;
	v8 =	vor.u32 v18, v2;
	v2 =	vand.u32 $0xFF80, v5  }
0x75: {  	[tilespmem:s14+$0x20] =	vst v12;
	v6 =	vor.u32 v19, v2;
	v2 =	vand.u32 $0xFF80, v4;
	v4 =	vadd.s32 s24, v38  }
0x76: {  	[tilespmem:s14+$0xFFFFFFC0] =	vst v10;
	v10 =	vand.u32 $0xFF80, v11;
	v5 =	vor.u32 v20, v2;
	v2 =	vld.idx.msk [tilespmem:v3+s29+$0x0], $0xffff;
	v4 =	vand.u32 $0xFF80, v4  }
0x77: {  	s9 =	simm.s32 $0x300;
	[tilespmem:s14+$0x40] =	vst v15;
	v7 =	vor.u32 v21, v7;
	v4 =	vor.u32 v22, v4;
	v3 =	vld.idx.msk [tilespmem:v9+s29+$0x0], $0xffff;
	v9 =	vadd.s32 s24, v26  }
.LBB2_3:
0x78: {  	v10 =	vor.u32 v23, v10  }
0x79: {  	v8 =	vld.idx.msk [tilespmem:v8+s29+$0x0], $0xffff;
	v11 =	vadd.s32 s24, v44;
	v9 =	vand.u32 $0xFF80, v9;
	[tilespmem:s14+$0xFFFFFFD0] =	vst v1;
	v12 =	vadd.s32 s24, v46  }
0x7a: {  	v6 =	vld.idx.msk [tilespmem:v6+s29+$0x0], $0xffff;
	v1 =	vand.u32 $0xFF80, v11;
	v11 =	vadd.s32 s24, v45;
	v9 =	vor.u32 v23, v9;
	[tilespmem:s14+$0x50] =	vst v63  }
0x7b: {  	v13 =	vadd.s32 s24, v47;
	v5 =	vld.idx.msk [tilespmem:v5+s29+$0x0], $0xffff;
	v1 =	vor.u32 v0, v1;
	v11 =	vand.u32 $0xFF80, v11;
	[tilespmem:s14+$0xFFFFFFE0] =	vst v62  }
0x7c: {  	v43 =	vmin.f32 v51, v56;
	v12 =	vand.u32 $0xFF80, v12;
	v7 =	vld.idx.msk [tilespmem:v7+s29+$0x0], $0xffff;
	v11 =	vor.u32 v17, v11;
	[tilespmem:s14+$0x60] =	vst v61  }
0x7d: {  	v13 =	vand.u32 $0xFF80, v13;
	v12 =	vor.u32 v18, v12;
	v4 =	vld.idx.msk [tilespmem:v4+s29+$0x0], $0xffff;
	v14 =	vadd.s32 s24, v40;
	[tilespmem:s17+$0xFFFFFFF0] =	vst v60  }
0x7e: {  	v13 =	vor.u32 v19, v13;
	v15 =	vadd.s32 s24, v41;
	v10 =	vld.idx.msk [tilespmem:v10+s29+$0x0], $0xffff;
	v14 =	vand.u32 $0xFF80, v14  }
0x7f: {  	v16 =	vadd.s32 s24, v42;
	v15 =	vand.u32 $0xFF80, v15;
	v14 =	vor.u32 v20, v14;
	v9 =	vld.idx.msk [tilespmem:v9+s29+$0x0], $0xffff  }
0x80: {  	v63 =	vmax.f32 v52, v57;
	v15 =	vor.u32 v21, v15;
	v40 =	vld.idx.msk [tilespmem:v1+s29+$0x0], $0xffff;
	v1 =	vand.u32 $0xFF80, v16  }
0x81: {  	v16 =	vmax.f32 v48, v58;
	v48 =	vmov v3;
	v58 =	vld.idx.msk [tilespmem:v11+s29+$0x0], $0xffff;
	v3 =	vor.u32 v22, v1  }
0x82: {  	v62 =	vmin.f32 v53, v59;
	v41 =	vmax.f32 v49, v54;
	v11 =	vmin.f32 v49, v54;
	v54 =	vld.idx.msk [tilespmem:v12+s29+$0x0], $0xffff  }
0x83: {  	v61 =	vmax.f32 v53, v59;
	v42 =	vmax.f32 v50, v55;
	v12 =	vmin.f32 v50, v55;
	v55 =	vld.idx.msk [tilespmem:v13+s29+$0x0], $0xffff  }
0x84: {  	s14 =	smov.u32 s17;
	v13 =	vmax.f32 v51, v56;
	v1 =	vmin.f32 v52, v57;
	v56 =	vld.idx.msk [tilespmem:v14+s29+$0x0], $0xffff;
	[tilespmem:s17+$0x10] =	vst v16  }
0x85: {  	v49 =	vmovc v8;
	v50 =	vmov v6;
	v6 =	vadd.s32 s9, v32;
	v8 =	vmax.f32 v10, v9;
	s17 =	sadd.s32 $0x100, s17;
	v57 =	vld.idx.msk [tilespmem:v15+s29+$0x0], $0xffff;
	[tilespmem:s14+$0xFFFFFFA0] =	vst v11  }
0x86: {  	v51 =	vmovc v5;
	v5 =	vadd.s32 s9, v34;
	v6 =	vand.u32 $0xFF80, v6;
	v59 =	vld.idx.msk [tilespmem:v3+s29+$0x0], $0xffff;
	v3 =	vmin.f32 v2, v40;
	[tilespmem:s17+$0x70] =	vst v8  }
0x87: {  	v5 =	vand.u32 $0xFF80, v5;
	v2 =	vmax.f32 v2, v40;
	v8 =	vadd.s32 s9, v33;
	[tilespmem:s17+$0xFFFFFF80] =	vst v3  }
0x88: {  	v52 =	vmovc v7;
	v7 =	vor.u32 v0, v6;
	v3 =	vmin.f32 v48, v58;
	v6 =	vand.u32 $0xFF80, v8;
	[tilespmem:s17+$0x0] =	vst v2  }
0x89: {  	p1 =	sne.s32 s9, $0x3F00;
	v53 =	vmovc v4;
	v60 =	vmin.f32 v10, v9;
	v9 =	vadd.s32 s9, v37;
	v4 =	vor.u32 v17, v6;
	[tilespmem:s17+$0xFFFFFF90] =	vst v3  }
.Ltmp0:
0x8a: {  	v10 =	vadd.s32 s9, v39;
	v9 =	vand.u32 $0xFF80, v9;
	v40 =	vld [tilespmem:$0x1FE80];
	v2 =	vadd.s32 s9, v35;
	[tilespmem:s14+$0x20] =	vst v41;
	(pc) =	sbr.rel @p1 .LBB2_3-.Ltmp0, $4  }
0x8b: {  	v8 =	vor.u32 v18, v5;
	v3 =	vadd.s32 s9, v36;
	v2 =	vand.u32 $0xFF80, v2;
	v41 =	vld [tilespmem:$0x1FE90];
	[tilespmem:s14+$0x30] =	vst v42  }
0x8c: {  	v42 =	vld [tilespmem:$0x1FEA0];
	v6 =	vor.u32 v19, v2;
	v2 =	vand.u32 $0xFF80, v3;
	[tilespmem:s14+$0xFFFFFFB0] =	vst v12;
	v3 =	vadd.s32 s9, v38  }
0x8d: {  	s24 =	smov.u32 s9;
	v5 =	vor.u32 v20, v2;
	v2 =	vld.idx.msk [tilespmem:v7+s29+$0x0], $0xffff;
	v7 =	vor.u32 v21, v9;
	v9 =	vand.u32 $0xFF80, v3;
	[tilespmem:s14+$0xFFFFFFC0] =	vst v43  }
0x8e: {  	v10 =	vand.u32 $0xFF80, v10;
	s9 =	sadd.s32 $0x100, s9;
	v3 =	vld.idx.msk [tilespmem:v4+s29+$0x0], $0xffff;
	v4 =	vor.u32 v22, v9;
	v9 =	vadd.s32 s24, v26;
	[tilespmem:s14+$0x40] =	vst v13  }
0x8f: {  	_ =	sdelay $0x3  }
0x90: {  	v8 =	vld.idx.msk [tilespmem:v8+s29+$0x0], $0xffff;
	v10 =	vor.u32 v23, v10;
	v11 =	vadd.s32 s24, v44;
	v9 =	vand.u32 $0xFF80, v9  }
0x91: {  	v6 =	vld.idx.msk [tilespmem:v6+s29+$0x0], $0xffff;
	v12 =	vadd.s32 s24, v45;
	v11 =	vand.u32 $0xFF80, v11;
	v9 =	vor.u32 v23, v9  }
0x92: {  	v5 =	vld.idx.msk [tilespmem:v5+s29+$0x0], $0xffff;
	v13 =	vadd.s32 s24, v46;
	v12 =	vand.u32 $0xFF80, v12;
	v11 =	vor.u32 v0, v11  }
0x93: {  	v7 =	vld.idx.msk [tilespmem:v7+s29+$0x0], $0xffff;
	v14 =	vadd.s32 s24, v47;
	v13 =	vand.u32 $0xFF80, v13;
	v12 =	vor.u32 v17, v12  }
0x94: {  	v4 =	vld.idx.msk [tilespmem:v4+s29+$0x0], $0xffff;
	v15 =	vadd.s32 s24, v40;
	v14 =	vand.u32 $0xFF80, v14;
	v13 =	vor.u32 v18, v13  }
0x95: {  	v15 =	vand.u32 $0xFF80, v15;
	v16 =	vadd.s32 s24, v41;
	v14 =	vor.u32 v19, v14;
	v10 =	vld.idx.msk [tilespmem:v10+s29+$0x0], $0xffff  }
0x96: {  	[tilespmem:s14+$0xFFFFFFD0] =	vst v1;
	v15 =	vor.u32 v20, v15;
	v16 =	vand.u32 $0xFF80, v16;
	v46 =	vadd.s32 s24, v42;
	v9 =	vld.idx.msk [tilespmem:v9+s29+$0x0], $0xffff  }
0x97: {  	[tilespmem:s14+$0x50] =	vst v63;
	v1 =	vld.idx.msk [tilespmem:v11+s29+$0x0], $0xffff;
	v11 =	vor.u32 v21, v16;
	v16 =	vand.u32 $0xFF80, v46  }
0x98: {  	[tilespmem:s14+$0xFFFFFFE0] =	vst v62;
	v12 =	vld.idx.msk [tilespmem:v12+s29+$0x0], $0xffff;
	v16 =	vor.u32 v22, v16  }
0x99: {  	[tilespmem:s14+$0x60] =	vst v61;
	v13 =	vld.idx.msk [tilespmem:v13+s29+$0x0], $0xffff  }
0x9a: {  	[tilespmem:s17+$0xFFFFFFF0] =	vst v60;
	v47 =	vmax.f32 v48, v58;
	v14 =	vld.idx.msk [tilespmem:v14+s29+$0x0], $0xffff  }
0x9b: {  	v48 =	vmin.f32 v49, v54;
	[tilespmem:s17+$0x10] =	vst v47;
	v15 =	vld.idx.msk [tilespmem:v15+s29+$0x0], $0xffff  }
0x9c: {  	s9 =	sadd.s32 $0x100, s17;
	[tilespmem:s17+$0xFFFFFFA0] =	vst v48;
	v58 =	vmax.f32 v10, v9;
	v11 =	vld.idx.msk [tilespmem:v11+s29+$0x0], $0xffff  }
0x9d: {  	v60 =	vmin.f32 v2, v1;
	v16 =	vld.idx.msk [tilespmem:v16+s29+$0x0], $0xffff;
	[tilespmem:s9+$0x70] =	vst v58  }
0x9e: {  	v1 =	vmax.f32 v2, v1;
	[tilespmem:s9+$0xFFFFFF80] =	vst v60  }
0x9f: {  	v2 =	vmin.f32 v3, v12;
	[tilespmem:s9+$0x0] =	vst v1  }
0xa0: {  	v1 =	vmax.f32 v49, v54;
	[tilespmem:s9+$0xFFFFFF90] =	vst v2  }
0xa1: {  	v2 =	vmin.f32 v50, v55;
	[tilespmem:s17+$0x20] =	vst v1  }
0xa2: {  	v1 =	vmax.f32 v50, v55;
	[tilespmem:s17+$0xFFFFFFB0] =	vst v2  }
0xa3: {  	v2 =	vmin.f32 v51, v56;
	[tilespmem:s17+$0x30] =	vst v1  }
0xa4: {  	v1 =	vmax.f32 v51, v56;
	[tilespmem:s17+$0xFFFFFFC0] =	vst v2  }
0xa5: {  	v2 =	vmin.f32 v52, v57;
	[tilespmem:s17+$0x40] =	vst v1  }
0xa6: {  	v1 =	vmax.f32 v52, v57;
	[tilespmem:s17+$0xFFFFFFD0] =	vst v2  }
0xa7: {  	v2 =	vmin.f32 v53, v59;
	[tilespmem:s17+$0x50] =	vst v1  }
0xa8: {  	v1 =	vmax.f32 v53, v59;
	[tilespmem:s17+$0xFFFFFFE0] =	vst v2  }
0xa9: {  	v2 =	vmin.f32 v10, v9;
	[tilespmem:s17+$0x60] =	vst v1  }
0xaa: {  	[tilespmem:s9+$0xFFFFFFF0] =	vst v2;
	v1 =	vmax.f32 v3, v12  }
0xab: {  	v2 =	vmin.f32 v8, v13;
	[tilespmem:s9+$0x10] =	vst v1  }
0xac: {  	v1 =	vmax.f32 v8, v13;
	[tilespmem:s9+$0xFFFFFFA0] =	vst v2  }
0xad: {  	v2 =	vmin.f32 v6, v14;
	[tilespmem:s9+$0x20] =	vst v1  }
0xae: {  	v1 =	vmax.f32 v6, v14;
	[tilespmem:s9+$0xFFFFFFB0] =	vst v2  }
0xaf: {  	v2 =	vmin.f32 v5, v15;
	[tilespmem:s9+$0x30] =	vst v1  }
0xb0: {  	v1 =	vmax.f32 v5, v15;
	[tilespmem:s9+$0xFFFFFFC0] =	vst v2  }
0xb1: {  	v2 =	vmin.f32 v7, v11;
	[tilespmem:s9+$0x40] =	vst v1  }
0xb2: {  	v1 =	vmax.f32 v7, v11;
	[tilespmem:s9+$0xFFFFFFD0] =	vst v2  }
0xb3: {  	s24 =	sadd.s32 s23, s19;
	v2 =	vmin.f32 v4, v16;
	[tilespmem:s9+$0x50] =	vst v1  }
0xb4: {  	s12 =	sshrl.u32 s24, $0x3;
	v1 =	vmax.f32 v4, v16;
	[tilespmem:s9+$0xFFFFFFE0] =	vst v2  }
0xb5: {  	s14 =	sadd.s32 s3, s12;
	[tilespmem:s9+$0x60] =	vst v1  }
0xb6: {  	[hbm4b:s14+s25] =	stream.strided.scatter [tilespmem:s0], [sflag:$0x5], $0x4000, s26, s25, $0x38;
	[tilespmem:$0x18080] =	vst v63  }
0xb7: {  	s15 =	rddreg [dreg:$0x9]  }
0xb8: {  	s9 =	sadd.s32 s23, s15  }
0xb9: {  	s14 =	sshrl.u32 s9, $0x3  }
0xba: {  	s16 =	simm.s32 $0x4000;
	s9 =	sadd.s32 s1, s14  }
0xbb: {  	v1 =	vadd.s32 s16, v33;
	[tilespmem:s28], [sflag:$0x4] =	stream.strided.gather [hbm4b:s9+s25], $0x4000, s26, s25, $0x38;
	[tilespmem:$0x18080] =	vst v63  }
0xbc: {  	v2 =	vadd.s32 s16, v32;
	v1 =	vand.u32 $0xFFFFFF80, v1;
	_ =	swait.ge [sflag:s4], $0x4000  }
0xbd: {  	v3 =	vadd.s32 s16, v35;
	v2 =	vand.u32 $0xFFFFFF80, v2;
	v4 =	vor.u32 v17, v1;
	[sflag:s4] =	ssyncset.done $0x0  }
0xbe: {  	v3 =	vand.u32 $0xFFFFFF80, v3;
	v5 =	vadd.s32 v24, v2;
	s9 =	simm.s32 @!p0 $0x6;
	[sflag:s4] =	ssyncadd.s32 $0xFFFFC000  }
0xbf: {  	v6 =	vor.u32 v19, v3;
	_ =	swait.ge @!p0 [sflag:s9], $0x4000  }
0xc0: {  	v7 =	vadd.s32 s16, v38;
	v2 =	vor.u32 v0, v2;
	[sflag:s9] =	ssyncset.done @!p0 $0x0  }
0xc1: {  	v3 =	vadd.s32 v27, v3;
	v7 =	vand.u32 $0xFFFFFF80, v7;
	v26 =	vld [tilespmem:$0x1FFC0];
	[sflag:s9] =	ssyncadd.s32 @!p0 $0xFFFFC000  }
0xc2: {  	v9 =	vadd.s32 v30, v7;
	v10 =	vld.idx.msk [tilespmem:v4+s29+$0x0], $0xffff  }
0xc3: {  	v61 =	vadd.s32 s16, v37;
	v7 =	vor.u32 v22, v7;
	v5 =	vld.idx.msk [tilespmem:v5+s29+$0x0], $0xffff  }
0xc4: {  	v12 =	vand.u32 $0xFFFFFF80, v61;
	s17 =	simm.s32 $0x4100;
	v1 =	vadd.s32 v25, v1;
	v6 =	vld.idx.msk [tilespmem:v6+s29+$0x0], $0xffff  }
0xc5: {  	v45 =	vadd.s32 s17, v35;
	v15 =	vor.u32 v21, v12;
	v12 =	vadd.s32 v29, v12;
	v2 =	vld.idx.msk [tilespmem:v2+s29+$0x0], $0xffff  }
0xc6: {  	v62 =	vadd.s32 s16, v36;
	v40 =	vand.u32 $0xFFFFFF80, v45;
	v3 =	vld.idx.msk [tilespmem:v3+s29+$0x0], $0xffff  }
0xc7: {  	v13 =	vand.u32 $0xFFFFFF80, v62;
	v58 =	vor.u32 v19, v40;
	v40 =	vadd.s32 v27, v40;
	v52 =	vld.idx.msk [tilespmem:v9+s29+$0x0], $0xffff  }
0xc8: {  	v8 =	vadd.s32 s16, v39;
	v9 =	vor.u32 v20, v13;
	v48 =	vld.idx.msk [tilespmem:v7+s29+$0x0], $0xffff  }
0xc9: {  	v4 =	vand.u32 $0xFFFFFF80, v8;
	v7 =	vadd.s32 v28, v13;
	v56 =	vld.idx.msk [tilespmem:v1+s29+$0x0], $0xffff  }
0xca: {  	v8 =	vadd.s32 s16, v34;
	v12 =	vld.idx.msk [tilespmem:v12+s29+$0x0], $0xffff;
	v11 =	vadd.s32 v31, v4  }
0xcb: {  	v44 =	vadd.s32 s17, v32;
	v15 =	vld.idx.msk [tilespmem:v15+s29+$0x0], $0xffff;
	v8 =	vand.u32 $0xFFFFFF80, v8;
	v4 =	vor.u32 v23, v4  }
0xcc: {  	v46 =	vadd.s32 s17, v33;
	v43 =	vadd.s32 s17, v34;
	v61 =	vld.idx.msk [tilespmem:v40+s29+$0x0], $0xffff;
	v63 =	vadd.s32 v26, v8  }
0xcd: {  	v42 =	vand.u32 $0xFFFFFF80, v46;
	v13 =	vand.u32 $0xFFFFFF80, v44;
	v8 =	vor.u32 v18, v8;
	v9 =	vld.idx.msk [tilespmem:v9+s29+$0x0], $0xffff  }
0xce: {  	v43 =	vand.u32 $0xFFFFFF80, v43;
	v41 =	vadd.s32 v24, v13;
	v13 =	vor.u32 v0, v13;
	v45 =	vld.idx.msk [tilespmem:v7+s29+$0x0], $0xffff  }
0xcf: {  	v16 =	vadd.s32 s17, v38;
	v1 =	vadd.s32 v25, v42;
	v55 =	vadd.s32 v26, v43;
	v49 =	vld.idx.msk [tilespmem:v11+s29+$0x0], $0xffff  }
0xd0: {  	v51 =	vmax.f32 v6, v3;
	v57 =	vmin.f32 v6, v3;
	v6 =	vor.u32 v17, v42;
	v50 =	vld.idx.msk [tilespmem:v4+s29+$0x0], $0xffff  }
0xd1: {  	v47 =	vmin.f32 v2, v5;
	v3 =	vor.u32 v18, v43;
	v54 =	vmax.f32 v2, v5;
	v14 =	vld.idx.msk [tilespmem:v63+s29+$0x0], $0xffff  }
0xd2: {  	s9 =	simm.s32 $0x0;
	v11 =	vadd.s32 s17, v39;
	v4 =	vand.u32 $0xFFFFFF80, v16;
	v16 =	vadd.s32 s17, v37;
	v8 =	vld.idx.msk [tilespmem:v8+s29+$0x0], $0xffff  }
0xd3: {  	v59 =	vld.idx.msk [tilespmem:v13+s29+$0x0], $0xffff;
	v11 =	vand.u32 $0xFFFFFF80, v11;
	v16 =	vand.u32 $0xFFFFFF80, v16;
	v62 =	vadd.s32 v30, v4;
	[tilespmem:s9+$0x14080] =	vst v47  }
0xd4: {  	v5 =	vor.u32 v22, v4;
	v53 =	vor.u32 v21, v16;
	v4 =	vor.u32 v23, v11;
	[tilespmem:s9+$0x14100] =	vst v54  }
0xd5: {  	v46 =	vadd.s32 s17, v36;
	v7 =	vadd.s32 v31, v11;
	v47 =	vmin.f32 v10, v56;
	[tilespmem:s9+$0x140B0] =	vst v57;
	v57 =	vld.idx.msk [tilespmem:v58+s29+$0x0], $0xffff  }
0xd6: {  	v11 =	vand.u32 $0xFFFFFF80, v46;
	[tilespmem:s9+$0x14090] =	vst v47;
	v2 =	vld.idx.msk [tilespmem:v6+s29+$0x0], $0xffff;
	v6 =	vmax.f32 v10, v56;
	v10 =	vmin.f32 v15, v12  }
0xd7: {  	v58 =	vadd.s32 v28, v11;
	v56 =	vor.u32 v20, v11;
	[tilespmem:s9+$0x140D0] =	vst v10;
	v11 =	vmin.f32 v8, v14  }
0xd8: {  	v54 =	vld.idx.msk [tilespmem:v41+s29+$0x0], $0xffff;
	v60 =	vadd.s32 v29, v16;
	v8 =	vmax.f32 v8, v14;
	[tilespmem:s9+$0x140A0] =	vst v11  }
0xd9: {  	v10 =	vmax.f32 v9, v45;
	v62 =	vld.idx.msk [tilespmem:v62+s29+$0x0], $0xffff;
	v11 =	vmin.f32 v9, v45;
	[tilespmem:s9+$0x14120] =	vst v8  }
0xda: {  	s13 =	simm.s32 $0x4200;
	s12 =	simm.s32 $0x800;
	s17 =	simm.s32 $0x400;
	v9 =	vmin.f32 v48, v52;
	v8 =	vmin.f32 v50, v49;
	[tilespmem:s9+$0x140C0] =	vst v11;
	v11 =	vmax.f32 v15, v12  }
.LBB2_5:
0xdb: {  	v12 =	vadd.s32 s13, v32;
	p0 =	sne.s32 s12, $0xFC00;
	[tilespmem:s9+$0x14150] =	vst v11;
	v11 =	vmax.f32 v48, v52;
	v48 =	vld.idx.msk [tilespmem:v5+s29+$0x0], $0xffff;
	v5 =	vmax.f32 v50, v49;
	s15 =	smov.u32 s12;
	s12 =	sadd.s32 $0x400, s12  }
0xdc: {  	v13 =	vadd.s32 s13, v38;
	v14 =	vadd.s32 s13, v39;
	v12 =	vand.u32 $0xFFFFFF80, v12;
	v49 =	vld.idx.msk [tilespmem:v7+s29+$0x0], $0xffff;
	[tilespmem:s9+$0x14140] =	vst v10  }
0xdd: {  	v7 =	vadd.s32 s13, v35;
	v10 =	vand.u32 $0xFFFFFF80, v13;
	v13 =	vand.u32 $0xFFFFFF80, v14;
	v50 =	vld.idx.msk [tilespmem:v4+s29+$0x0], $0xffff;
	[tilespmem:s9+$0x14110] =	vst v6  }
0xde: {  	v4 =	vadd.s32 s13, v36;
	v6 =	vadd.s32 s13, v37;
	v14 =	vadd.s32 v24, v12;
	v15 =	vld.idx.msk [tilespmem:v55+s29+$0x0], $0xffff;
	[tilespmem:s9+$0x14130] =	vst v51  }
0xdf: {  	v16 =	vadd.s32 s13, v33;
	v40 =	vadd.s32 s13, v34;
	v51 =	vmax.f32 v57, v61;
	v41 =	vld.idx.msk [tilespmem:v3+s29+$0x0], $0xffff;
	[tilespmem:s9+$0x140E0] =	vst v9  }
0xe0: {  	v3 =	vand.u32 $0xFFFFFF80, v16;
	v9 =	vand.u32 $0xFFFFFF80, v6;
	v16 =	vmin.f32 v57, v61;
	v52 =	vmovc v62;
	v6 =	vld.idx.msk [tilespmem:v1+s29+$0x0], $0xffff;
	[tilespmem:s9+$0x14160] =	vst v11  }
0xe1: {  	v7 =	vand.u32 $0xFFFFFF80, v7;
	v11 =	vor.u32 v17, v3;
	v42 =	vor.u32 v21, v9;
	v43 =	vld.idx.msk [tilespmem:v60+s29+$0x0], $0xffff;
	[tilespmem:s9+$0x140F0] =	vst v8  }
0xe2: {  	v57 =	vmin.f32 v59, v54;
	v1 =	vadd.s32 v25, v3;
	v8 =	vand.u32 $0xFFFFFF80, v40;
	v40 =	vld.idx.msk [tilespmem:v53+s29+$0x0], $0xffff;
	[tilespmem:s9+$0x14170] =	vst v5  }
0xe3: {  	v54 =	vmax.f32 v59, v54;
	v3 =	vor.u32 v18, v8;
	v55 =	vadd.s32 v26, v8;
	v8 =	vld.idx.msk [tilespmem:v56+s29+$0x0], $0xffff  }
0xe4: {  	v59 =	vor.u32 v19, v7;
	v61 =	vand.u32 $0xFFFFFF80, v4;
	v62 =	vadd.s32 v30, v10;
	s9 =	sshra.s32 s17, $0x2;
	v53 =	vmovc v42;
	s17 =	smov.u32 s15;
	v63 =	vld.idx.msk [tilespmem:v58+s29+$0x0], $0xffff  }
0xe5: {  	v12 =	vor.u32 v0, v12;
	v5 =	vor.u32 v22, v10;
	v42 =	vadd.s32 v27, v7;
	[tilespmem:s9+$0x14080] =	vst v57  }
0xe6: {  	v4 =	vor.u32 v23, v13;
	v7 =	vadd.s32 v31, v13;
	v44 =	vld.idx.msk [tilespmem:v11+s29+$0x0], $0xffff;
	[tilespmem:s9+$0x14100] =	vst v54  }
0xe7: {  	v10 =	vmin.f32 v2, v6;
	v6 =	vmax.f32 v2, v6;
	v54 =	vld.idx.msk [tilespmem:v14+s29+$0x0], $0xffff;
	[tilespmem:s9+$0x140B0] =	vst v16  }
.Ltmp1:
0xe8: {  	v60 =	vadd.s32 v29, v9;
	v56 =	vor.u32 v20, v61;
	v2 =	vmin.f32 v40, v43;
	[tilespmem:s9+$0x14090] =	vst v10;
	(pc) =	sbr.rel @p0 .LBB2_5-.Ltmp1, $4  }
0xe9: {  	v58 =	vadd.s32 v28, v61;
	v9 =	vmin.f32 v41, v15;
	v57 =	vld.idx.msk [tilespmem:v59+s29+$0x0], $0xffff;
	[tilespmem:s9+$0x140D0] =	vst v2  }
0xea: {  	v10 =	vmax.f32 v8, v63;
	v59 =	vld.idx.msk [tilespmem:v12+s29+$0x0], $0xffff;
	[tilespmem:s9+$0x140A0] =	vst v9;
	v12 =	vmin.f32 v8, v63  }
0xeb: {  	v11 =	vmax.f32 v40, v43;
	v8 =	vmax.f32 v41, v15;
	v61 =	vld.idx.msk [tilespmem:v42+s29+$0x0], $0xffff;
	[tilespmem:s9+$0x140C0] =	vst v12  }
0xec: {  	s13 =	sadd.s32 $0x100, s13;
	v9 =	vmin.f32 v48, v52;
	v2 =	vmov v44;
	v62 =	vld.idx.msk [tilespmem:v62+s29+$0x0], $0xffff;
	[tilespmem:s9+$0x14120] =	vst v8;
	v8 =	vmin.f32 v50, v49  }
0xed: {  	_ =	sdelay $0x3  }
0xee: {  	v5 =	vld.idx.msk [tilespmem:v5+s29+$0x0], $0xffff  }
0xef: {  	v7 =	vld.idx.msk [tilespmem:v7+s29+$0x0], $0xffff;
	[tilespmem:s9+$0x14150] =	vst v11  }
0xf0: {  	v4 =	vld.idx.msk [tilespmem:v4+s29+$0x0], $0xffff;
	[tilespmem:s9+$0x14140] =	vst v10  }
0xf1: {  	v10 =	vld.idx.msk [tilespmem:v55+s29+$0x0], $0xffff;
	[tilespmem:s9+$0x14110] =	vst v6  }
0xf2: {  	v3 =	vld.idx.msk [tilespmem:v3+s29+$0x0], $0xffff;
	[tilespmem:s9+$0x14130] =	vst v51  }
0xf3: {  	v1 =	vld.idx.msk [tilespmem:v1+s29+$0x0], $0xffff;
	[tilespmem:s9+$0x140E0] =	vst v9  }
0xf4: {  	v6 =	vmax.f32 v48, v52;
	v9 =	vld.idx.msk [tilespmem:v60+s29+$0x0], $0xffff;
	[tilespmem:s9+$0x140F0] =	vst v8  }
0xf5: {  	v11 =	vmax.f32 v50, v49;
	v8 =	vld.idx.msk [tilespmem:v56+s29+$0x0], $0xffff;
	[tilespmem:s9+$0x14160] =	vst v6  }
0xf6: {  	s13 =	sshra.s32 s17, $0x2;
	v6 =	vld.idx.msk [tilespmem:v53+s29+$0x0], $0xffff;
	[tilespmem:s9+$0x14170] =	vst v11;
	v12 =	vmin.f32 v59, v54  }
0xf7: {  	v11 =	vld.idx.msk [tilespmem:v58+s29+$0x0], $0xffff;
	v13 =	vmax.f32 v59, v54;
	[tilespmem:s13+$0x14080] =	vst v12  }
0xf8: {  	v12 =	vmin.f32 v57, v61;
	[tilespmem:s13+$0x14100] =	vst v13  }
0xf9: {  	[tilespmem:s13+$0x140B0] =	vst v12;
	v13 =	vmin.f32 v2, v1  }
0xfa: {  	v1 =	vmax.f32 v2, v1;
	[tilespmem:s13+$0x14090] =	vst v13  }
0xfb: {  	v2 =	vmax.f32 v57, v61;
	[tilespmem:s13+$0x14110] =	vst v1  }
0xfc: {  	v12 =	vmin.f32 v6, v9;
	[tilespmem:s13+$0x14130] =	vst v2  }
0xfd: {  	v13 =	vmin.f32 v3, v10;
	[tilespmem:s13+$0x140D0] =	vst v12  }
0xfe: {  	v3 =	vmax.f32 v3, v10;
	[tilespmem:s13+$0x140A0] =	vst v13  }
0xff: {  	v6 =	vmax.f32 v6, v9;
	[tilespmem:s13+$0x14120] =	vst v3  }
0x100: {  	v1 =	vmin.f32 v5, v62;
	[tilespmem:s13+$0x14150] =	vst v6  }
0x101: {  	v2 =	vmax.f32 v5, v62;
	[tilespmem:s13+$0x140E0] =	vst v1  }
0x102: {  	v12 =	vmin.f32 v8, v11;
	[tilespmem:s13+$0x14160] =	vst v2  }
0x103: {  	v3 =	vmax.f32 v8, v11;
	[tilespmem:s13+$0x140C0] =	vst v12  }
0x104: {  	s12 =	sadd.s32 $0x40000, s24;
	v1 =	vmin.f32 v4, v7;
	[tilespmem:s13+$0x14140] =	vst v3  }
0x105: {  	s12 =	sshrl.u32 s12, $0x3;
	v2 =	vmax.f32 v4, v7;
	[tilespmem:s13+$0x140F0] =	vst v1  }
0x106: {  	s15 =	sadd.s32 s3, s12;
	[tilespmem:s13+$0x14170] =	vst v2  }
0x107: {  	[hbm4b:s15+s25] =	stream.strided.scatter [tilespmem:s7], [sflag:$0x6], $0x4000, s26, s25, $0x38;
	[tilespmem:$0x18080] =	vst v63  }
0x108: {  	p0 =	seq.s32 s18, $0x7;
	s9 =	rddreg [dreg:$0xb]  }
0x109: {  	s9 =	sadd.s32 @!p0 s23, s9  }
0x10a: {  	s16 =	simm.s32 $0x8000;
	s12 =	simm.s32 @!p0 $0x400;
	s9 =	sshrl.u32 @!p0 s9, $0x3  }
0x10b: {  	s13 =	simm.s32 @!p0 $0x4000;
	s15 =	simm.s32 @!p0 $0x80;
	s9 =	sadd.s32 @!p0 s1, s9  }
0x10c: {  	v1 =	vadd.s32 s16, v39;
	[tilespmem:s15], [sflag:$0x1] =	stream.strided.gather @!p0 [hbm4b:s9+s12], $0x4000, s13, s12, $0x38;
	[tilespmem:$0x18080] =	vst v63  }
0x10d: {  	v1 =	vand.u32 $0xFFFFFF80, v1;
	_ =	swait.ge [sflag:s30], $0x4000  }
0x10e: {  	v3 =	vadd.s32 s16, v33;
	v2 =	vadd.s32 v31, v1;
	[sflag:s30] =	ssyncset.done $0x0  }
0x10f: {  	v4 =	vadd.s32 s16, v37;
	v3 =	vand.u32 $0xFFFFFF80, v3;
	v1 =	vor.u32 v23, v1;
	[sflag:s30] =	ssyncadd.s32 $0xFFFFC000  }
0x110: {  	v5 =	vadd.s32 s16, v34;
	v4 =	vand.u32 $0xFFFFFF80, v4;
	v6 =	vor.u32 v17, v3;
	_ =	swait.ge [sflag:s10], $0x4000  }
0x111: {  	v5 =	vand.u32 $0xFFFFFF80, v5;
	v7 =	vor.u32 v21, v4;
	[sflag:s10] =	ssyncset.done $0x0  }
0x112: {  	v8 =	vadd.s32 v26, v5;
	[sflag:s10] =	ssyncadd.s32 $0xFFFFC000  }
0x113: {  	s24 =	simm.s32 $0x8100;
	v5 =	vor.u32 v18, v5;
	v2 =	vld.idx.msk [tilespmem:v2+s29+$0x0], $0xffff  }
0x114: {  	v44 =	vadd.s32 s24, v33;
	v3 =	vadd.s32 v25, v3;
	v11 =	vld.idx.msk [tilespmem:v1+s29+$0x0], $0xffff  }
0x115: {  	v43 =	vadd.s32 s24, v37;
	v44 =	vand.u32 $0xFFFFFF80, v44;
	v4 =	vadd.s32 v29, v4;
	v48 =	vld.idx.msk [tilespmem:v6+s29+$0x0], $0xffff  }
0x116: {  	v43 =	vand.u32 $0xFFFFFF80, v43;
	v53 =	vor.u32 v17, v44;
	v9 =	vadd.s32 s16, v38;
	v7 =	vld.idx.msk [tilespmem:v7+s29+$0x0], $0xffff  }
0x117: {  	v58 =	vor.u32 v21, v43;
	v10 =	vadd.s32 s16, v35;
	v9 =	vand.u32 $0xFFFFFF80, v9;
	v63 =	vld.idx.msk [tilespmem:v8+s29+$0x0], $0xffff  }
0x118: {  	v1 =	vand.u32 $0xFFFFFF80, v10;
	v10 =	vor.u32 v22, v9;
	v15 =	vld.idx.msk [tilespmem:v5+s29+$0x0], $0xffff  }
0x119: {  	v13 =	vadd.s32 s16, v32;
	v52 =	vld.idx.msk [tilespmem:v3+s29+$0x0], $0xffff;
	v9 =	vadd.s32 v30, v9  }
0x11a: {  	v13 =	vand.u32 $0xFFFFFF80, v13;
	v6 =	vadd.s32 s16, v36;
	v4 =	vld.idx.msk [tilespmem:v4+s29+$0x0], $0xffff;
	v12 =	vor.u32 v19, v1  }
0x11b: {  	v60 =	vld.idx.msk [tilespmem:v53+s29+$0x0], $0xffff;
	v6 =	vand.u32 $0xFFFFFF80, v6;
	v3 =	vadd.s32 v27, v1;
	v1 =	vadd.s32 v24, v13  }
0x11c: {  	v53 =	vld.idx.msk [tilespmem:v58+s29+$0x0], $0xffff;
	v14 =	vadd.s32 v28, v6  }
0x11d: {  	v5 =	vor.u32 v20, v6;
	v6 =	vor.u32 v0, v13;
	v13 =	vld.idx.msk [tilespmem:v10+s29+$0x0], $0xffff  }
0x11e: {  	v45 =	vld.idx.msk [tilespmem:v9+s29+$0x0], $0xffff  }
0x11f: {  	v16 =	vadd.s32 s24, v38;
	v40 =	vadd.s32 s24, v35;
	v42 =	vadd.s32 s24, v36;
	v12 =	vld.idx.msk [tilespmem:v12+s29+$0x0], $0xffff  }
0x120: {  	v59 =	vand.u32 $0xFFFFFF80, v16;
	v16 =	vadd.s32 v25, v44;
	v10 =	vadd.s32 s24, v39;
	v1 =	vld.idx.msk [tilespmem:v1+s29+$0x0], $0xffff  }
0x121: {  	v40 =	vand.u32 $0xFFFFFF80, v40;
	v46 =	vor.u32 v22, v59;
	v10 =	vand.u32 $0xFFFFFF80, v10;
	v14 =	vld.idx.msk [tilespmem:v14+s29+$0x0], $0xffff  }
0x122: {  	v49 =	vmax.f32 v11, v2;
	v9 =	vand.u32 $0xFFFFFF80, v42;
	v41 =	vadd.s32 v31, v10;
	v54 =	vld.idx.msk [tilespmem:v6+s29+$0x0], $0xffff  }
0x123: {  	v57 =	vmin.f32 v11, v2;
	v2 =	vadd.s32 s24, v32;
	v10 =	vor.u32 v23, v10;
	v47 =	vld.idx.msk [tilespmem:v5+s29+$0x0], $0xffff  }
0x124: {  	v56 =	vld.idx.msk [tilespmem:v3+s29+$0x0], $0xffff;
	v55 =	vor.u32 v20, v9;
	v8 =	vand.u32 $0xFFFFFF80, v2;
	v6 =	vadd.s32 s24, v34  }
0x125: {  	s9 =	simm.s32 $0x10100;
	v61 =	vld.idx.msk [tilespmem:v16+s29+$0x0], $0xffff;
	v11 =	vadd.s32 v28, v9;
	v3 =	vand.u32 $0xFFFFFF80, v6;
	v6 =	vmin.f32 v7, v4  }
0x126: {  	v5 =	vor.u32 v19, v40;
	v9 =	vadd.s32 v24, v8;
	v44 =	vadd.s32 v26, v3;
	[tilespmem:s9+$0xFFFFFFD0] =	vst v6  }
0x127: {  	v6 =	vor.u32 v0, v8;
	v51 =	vld.idx.msk [tilespmem:v41+s29+$0x0], $0xffff;
	v41 =	vor.u32 v18, v3;
	v3 =	vmax.f32 v15, v63  }
0x128: {  	v50 =	vld.idx.msk [tilespmem:v10+s29+$0x0], $0xffff;
	v10 =	vadd.s32 v29, v43;
	v8 =	vmin.f32 v47, v14;
	v62 =	vmax.f32 v54, v1  }
0x129: {  	[tilespmem:s9+$0x20] =	vst v3;
	v3 =	vmax.f32 v7, v4;
	v7 =	vmin.f32 v12, v56;
	v4 =	vmax.f32 v12, v56  }
0x12a: {  	v12 =	vmin.f32 v15, v63;
	v63 =	vadd.s32 v27, v40;
	[tilespmem:s9+$0xFFFFFFC0] =	vst v8;
	v56 =	vld.idx.msk [tilespmem:v46+s29+$0x0], $0xffff  }
0x12b: {  	v2 =	vld.idx.msk [tilespmem:v44+s29+$0x0], $0xffff;
	[tilespmem:s9+$0xFFFFFFA0] =	vst v12;
	v12 =	vmax.f32 v47, v14;
	v14 =	vmin.f32 v13, v45  }
0x12c: {  	s17 =	simm.s32 $0x10200;
	s12 =	simm.s32 $0x8200;
	s24 =	simm.s32 $0x10200;
	v8 =	vmin.f32 v48, v52;
	v13 =	vmax.f32 v13, v45;
	[tilespmem:s9+$0xFFFFFFE0] =	vst v14;
	v58 =	vld.idx.msk [tilespmem:v41+s29+$0x0], $0xffff  }
.LBB2_7:
0x12d: {  	p1 =	sne.s32 s12, $0xBF00  }
0x12e: {  	v14 =	vadd.s32 s12, v38;
	v15 =	vadd.s32 s12, v39;
	v16 =	vld.idx.msk [tilespmem:v5+s29+$0x0], $0xffff;
	s24 =	sadd.s32 $0x100, s24;
	v5 =	vmax.f32 v48, v52;
	[tilespmem:s9+$0x60] =	vst v13;
	v48 =	vmovc v60;
	s13 =	smov.u32 s12;
	s12 =	sadd.s32 $0x100, s12  }
0x12f: {  	v40 =	vmax.f32 v50, v51;
	v13 =	vadd.s32 s13, v32;
	v15 =	vand.u32 $0xFFFFFF80, v15;
	v10 =	vld.idx.msk [tilespmem:v10+s29+$0x0], $0xffff;
	[tilespmem:s9+$0x40] =	vst v12  }
0x130: {  	v1 =	vmin.f32 v54, v1;
	v12 =	vadd.s32 s13, v35;
	v41 =	vadd.s32 v31, v15;
	v42 =	vld.idx.msk [tilespmem:v11+s29+$0x0], $0xffff;
	[tilespmem:s9+$0xFFFFFFB0] =	vst v7  }
0x131: {  	v7 =	vadd.s32 s13, v36;
	v11 =	vadd.s32 s13, v37;
	v54 =	vld.idx.msk [tilespmem:v6+s29+$0x0], $0xffff;
	v6 =	vadd.s32 v30, v59;
	[tilespmem:s9+$0xFFFFFF80] =	vst v1  }
0x132: {  	v43 =	vadd.s32 s13, v33;
	v44 =	vadd.s32 s13, v34;
	v13 =	vand.u32 $0xFFFFFF80, v13;
	v52 =	vmovc v61;
	v1 =	vld.idx.msk [tilespmem:v9+s29+$0x0], $0xffff;
	[tilespmem:s9+$0x30] =	vst v4  }
0x133: {  	v11 =	vand.u32 $0xFFFFFF80, v11;
	v4 =	vand.u32 $0xFFFFFF80, v43;
	v9 =	vand.u32 $0xFFFFFF80, v12;
	v12 =	vld.idx.msk [tilespmem:v63+s29+$0x0], $0xffff;
	[tilespmem:s9+$0x70] =	vst v49;
	v49 =	vmovc v40  }
0x134: {  	v15 =	vor.u32 v23, v15;
	v43 =	vor.u32 v21, v11;
	v40 =	vor.u32 v17, v4;
	[tilespmem:s9+$0x50] =	vst v3  }
0x135: {  	v59 =	vand.u32 $0xFFFFFF80, v14;
	v14 =	vadd.s32 v25, v4;
	v3 =	vand.u32 $0xFFFFFF80, v44;
	v41 =	vld.idx.msk [tilespmem:v41+s29+$0x0], $0xffff;
	[tilespmem:s9+$0xFFFFFFF0] =	vst v57  }
0x136: {  	v44 =	vor.u32 v18, v3;
	v61 =	vadd.s32 v26, v3;
	v45 =	vld.idx.msk [tilespmem:v6+s29+$0x0], $0xffff;
	[tilespmem:s9+$0xFFFFFF90] =	vst v8  }
0x137: {  	v46 =	vor.u32 v22, v59;
	v8 =	vand.u32 $0xFFFFFF80, v7;
	v6 =	vmin.f32 v53, v10;
	v47 =	vld.idx.msk [tilespmem:v55+s29+$0x0], $0xffff;
	[tilespmem:s9+$0x10] =	vst v5  }
0x138: {  	v3 =	vmax.f32 v58, v2;
	v57 =	vmin.f32 v50, v51;
	v5 =	vor.u32 v19, v9;
	[tilespmem:s9+$0x0] =	vst v62;
	s9 =	smov.u32 s17;
	s17 =	smov.u32 s24  }
0x139: {  	v55 =	vor.u32 v20, v8;
	v50 =	vld.idx.msk [tilespmem:v15+s29+$0x0], $0xffff;
	[tilespmem:s9+$0x20] =	vst v3;
	v3 =	vmax.f32 v53, v10  }
0x13a: {  	v7 =	vmin.f32 v16, v12;
	v4 =	vmax.f32 v16, v12;
	v60 =	vld.idx.msk [tilespmem:v40+s29+$0x0], $0xffff;
	[tilespmem:s9+$0xFFFFFFD0] =	vst v6  }
.Ltmp2:
0x13b: {  	v12 =	vmin.f32 v58, v2;
	v10 =	vadd.s32 v29, v11;
	v6 =	vor.u32 v0, v13;
	v53 =	vld.idx.msk [tilespmem:v43+s29+$0x0], $0xffff;
	(pc) =	sbr.rel @p1 .LBB2_7-.Ltmp2, $4  }
0x13c: {  	v63 =	vadd.s32 v27, v9;
	v11 =	vadd.s32 v28, v8;
	v51 =	vmov v41;
	v2 =	vld.idx.msk [tilespmem:v61+s29+$0x0], $0xffff;
	[tilespmem:s9+$0xFFFFFFA0] =	vst v12  }
0x13d: {  	v9 =	vadd.s32 v24, v13;
	v8 =	vmin.f32 v47, v42;
	v12 =	vmax.f32 v47, v42;
	v58 =	vld.idx.msk [tilespmem:v44+s29+$0x0], $0xffff  }
0x13e: {  	v13 =	vmax.f32 v56, v45;
	v61 =	vld.idx.msk [tilespmem:v14+s29+$0x0], $0xffff;
	[tilespmem:s9+$0xFFFFFFC0] =	vst v8;
	v14 =	vmin.f32 v56, v45  }
0x13f: {  	v62 =	vmax.f32 v54, v1;
	v8 =	vmin.f32 v48, v52;
	v56 =	vld.idx.msk [tilespmem:v46+s29+$0x0], $0xffff;
	[tilespmem:s9+$0xFFFFFFE0] =	vst v14  }
0x140: {  	[tilespmem:s9+$0x60] =	vst v13  }
0x141: {  	[tilespmem:s9+$0x40] =	vst v12  }
0x142: {  	[tilespmem:s9+$0xFFFFFFB0] =	vst v7  }
0x143: {  	[tilespmem:s9+$0x30] =	vst v4  }
0x144: {  	v5 =	vld.idx.msk [tilespmem:v5+s29+$0x0], $0xffff;
	[tilespmem:s9+$0x70] =	vst v49  }
0x145: {  	v4 =	vld.idx.msk [tilespmem:v11+s29+$0x0], $0xffff;
	[tilespmem:s9+$0x50] =	vst v3  }
0x146: {  	v7 =	vadd.s32 v30, v59;
	v6 =	vld.idx.msk [tilespmem:v6+s29+$0x0], $0xffff;
	[tilespmem:s9+$0xFFFFFFF0] =	vst v57  }
0x147: {  	v1 =	vmin.f32 v54, v1;
	[tilespmem:s9+$0xFFFFFF90] =	vst v8;
	v8 =	vld.idx.msk [tilespmem:v55+s29+$0x0], $0xffff  }
0x148: {  	[tilespmem:s9+$0xFFFFFF80] =	vst v1;
	v1 =	vld.idx.msk [tilespmem:v10+s29+$0x0], $0xffff  }
0x149: {  	v3 =	vld.idx.msk [tilespmem:v9+s29+$0x0], $0xffff;
	v9 =	vmax.f32 v48, v52;
	[tilespmem:s9+$0x0] =	vst v62  }
0x14a: {  	[tilespmem:s9+$0x10] =	vst v9;
	v9 =	vld.idx.msk [tilespmem:v63+s29+$0x0], $0xffff;
	v10 =	vmax.f32 v58, v2  }
0x14b: {  	v2 =	vmin.f32 v58, v2;
	v7 =	vld.idx.msk [tilespmem:v7+s29+$0x0], $0xffff;
	[tilespmem:s17+$0x20] =	vst v10  }
0x14c: {  	[tilespmem:s17+$0xFFFFFFA0] =	vst v2;
	v2 =	vmin.f32 v8, v4  }
0x14d: {  	v11 =	vmin.f32 v53, v1;
	[tilespmem:s17+$0xFFFFFFC0] =	vst v2  }
0x14e: {  	v1 =	vmax.f32 v53, v1;
	[tilespmem:s17+$0xFFFFFFD0] =	vst v11  }
0x14f: {  	[tilespmem:s17+$0x50] =	vst v1;
	v1 =	vmin.f32 v60, v61  }
0x150: {  	[tilespmem:s17+$0xFFFFFF90] =	vst v1;
	v1 =	vmax.f32 v6, v3  }
0x151: {  	[tilespmem:s17+$0x0] =	vst v1;
	v2 =	vmin.f32 v56, v7  }
0x152: {  	v7 =	vmax.f32 v56, v7;
	[tilespmem:s17+$0xFFFFFFE0] =	vst v2  }
0x153: {  	v2 =	vmax.f32 v8, v4;
	[tilespmem:s17+$0x60] =	vst v7  }
0x154: {  	v4 =	vmin.f32 v5, v9;
	[tilespmem:s17+$0x40] =	vst v2  }
0x155: {  	v2 =	vmin.f32 v6, v3;
	[tilespmem:s17+$0xFFFFFFB0] =	vst v4  }
0x156: {  	v4 =	vmax.f32 v5, v9;
	[tilespmem:s17+$0xFFFFFF80] =	vst v2  }
0x157: {  	v2 =	vmax.f32 v50, v51;
	[tilespmem:s17+$0x30] =	vst v4  }
0x158: {  	[tilespmem:s17+$0x70] =	vst v2;
	v2 =	vmin.f32 v50, v51  }
0x159: {  	[tilespmem:s17+$0xFFFFFFF0] =	vst v2;
	v2 =	vmax.f32 v60, v61  }
0x15a: {  	s8 =	sadd.s32 s3, s8;
	[tilespmem:s17+$0x10] =	vst v2  }
0x15b: {  	[hbm4b:s8+s25] =	stream.strided.scatter [tilespmem:s0], [sflag:$0x5], $0x4000, s26, s25, $0x38;
	[tilespmem:$0x18080] =	vst v63  }
0x15c: {  	s8 =	rddreg [dreg:$0xc]  }
0x15d: {  	s8 =	sadd.s32 @!p0 s23, s8  }
0x15e: {  	s12 =	simm.s32 @!p0 $0x4000;
	s13 =	simm.s32 @!p0 $0x4080;
	s8 =	sshrl.u32 @!p0 s8, $0x3  }
0x15f: {  	s15 =	simm.s32 $0xC000;
	s9 =	simm.s32 @!p0 $0x400;
	s8 =	sadd.s32 @!p0 s1, s8  }
0x160: {  	v1 =	vadd.s32 s15, v33;
	[tilespmem:s13], [sflag:$0x2] =	stream.strided.gather @!p0 [hbm4b:s8+s9], $0x4000, s12, s9, $0x38;
	[tilespmem:$0x18080] =	vst v63  }
0x161: {  	v1 =	vand.u32 $0xFFFFFF80, v1;
	v2 =	vadd.s32 s15, v32;
	_ =	swait.ge [sflag:s2], $0x4000  }
0x162: {  	v3 =	vadd.s32 s15, v35;
	v4 =	vor.u32 v17, v1;
	v2 =	vand.u32 $0xFFFFFF80, v2;
	[sflag:s2] =	ssyncset.done $0x0  }
0x163: {  	v3 =	vand.u32 $0xFFFFFF80, v3;
	v5 =	vadd.s32 v24, v2;
	[sflag:s2] =	ssyncadd.s32 $0xFFFFC000  }
0x164: {  	v6 =	vor.u32 v19, v3;
	_ =	swait.ge [sflag:s11], $0x4000  }
0x165: {  	v7 =	vadd.s32 s15, v38;
	v2 =	vor.u32 v0, v2;
	[sflag:s11] =	ssyncset.done $0x0  }
0x166: {  	v7 =	vand.u32 $0xFFFFFF80, v7;
	v3 =	vadd.s32 v27, v3;
	[sflag:s11] =	ssyncadd.s32 $0xFFFFC000  }
0x167: {  	v9 =	vadd.s32 v30, v7;
	v10 =	vld.idx.msk [tilespmem:v4+s29+$0x0], $0xffff  }
0x168: {  	v55 =	vadd.s32 s15, v37;
	v7 =	vor.u32 v22, v7;
	v5 =	vld.idx.msk [tilespmem:v5+s29+$0x0], $0xffff  }
0x169: {  	v12 =	vand.u32 $0xFFFFFF80, v55;
	v1 =	vadd.s32 v25, v1;
	v6 =	vld.idx.msk [tilespmem:v6+s29+$0x0], $0xffff  }
0x16a: {  	s24 =	simm.s32 $0xC100;
	v15 =	vor.u32 v21, v12;
	v12 =	vadd.s32 v29, v12;
	v56 =	vadd.s32 s15, v36;
	v2 =	vld.idx.msk [tilespmem:v2+s29+$0x0], $0xffff  }
0x16b: {  	v57 =	vadd.s32 s24, v32;
	v13 =	vand.u32 $0xFFFFFF80, v56;
	v3 =	vld.idx.msk [tilespmem:v3+s29+$0x0], $0xffff  }
0x16c: {  	v16 =	vadd.s32 s24, v38;
	v8 =	vadd.s32 s15, v39;
	v52 =	vld.idx.msk [tilespmem:v9+s29+$0x0], $0xffff;
	v9 =	vor.u32 v20, v13  }
0x16d: {  	v40 =	vadd.s32 s24, v35;
	v4 =	vand.u32 $0xFFFFFF80, v8;
	v48 =	vld.idx.msk [tilespmem:v7+s29+$0x0], $0xffff;
	v7 =	vadd.s32 v28, v13  }
0x16e: {  	v42 =	vadd.s32 s24, v33;
	v8 =	vadd.s32 s15, v34;
	v44 =	vld.idx.msk [tilespmem:v1+s29+$0x0], $0xffff;
	v11 =	vadd.s32 v31, v4  }
0x16f: {  	v43 =	vadd.s32 s24, v34;
	v12 =	vld.idx.msk [tilespmem:v12+s29+$0x0], $0xffff;
	v8 =	vand.u32 $0xFFFFFF80, v8;
	v4 =	vor.u32 v23, v4  }
0x170: {  	v63 =	vadd.s32 s24, v36;
	v42 =	vand.u32 $0xFFFFFF80, v42;
	v15 =	vld.idx.msk [tilespmem:v15+s29+$0x0], $0xffff;
	v14 =	vadd.s32 v26, v8  }
0x171: {  	v43 =	vand.u32 $0xFFFFFF80, v43;
	v13 =	vand.u32 $0xFFFFFF80, v57;
	v8 =	vor.u32 v18, v8;
	v9 =	vld.idx.msk [tilespmem:v9+s29+$0x0], $0xffff  }
0x172: {  	v40 =	vand.u32 $0xFFFFFF80, v40;
	v55 =	vadd.s32 v26, v43;
	v41 =	vadd.s32 v24, v13;
	v61 =	vld.idx.msk [tilespmem:v7+s29+$0x0], $0xffff  }
0x173: {  	v46 =	vor.u32 v19, v40;
	v40 =	vadd.s32 v27, v40;
	v1 =	vadd.s32 v25, v42;
	v49 =	vld.idx.msk [tilespmem:v11+s29+$0x0], $0xffff  }
0x174: {  	v13 =	vor.u32 v0, v13;
	v51 =	vmax.f32 v6, v3;
	v45 =	vmin.f32 v6, v3;
	v50 =	vld.idx.msk [tilespmem:v4+s29+$0x0], $0xffff  }
0x175: {  	s8 =	simm.s32 $0x0;
	v6 =	vor.u32 v17, v42;
	v58 =	vmin.f32 v2, v5;
	v3 =	vor.u32 v18, v43;
	v14 =	vld.idx.msk [tilespmem:v14+s29+$0x0], $0xffff  }
0x176: {  	v59 =	vmax.f32 v2, v5;
	v11 =	vadd.s32 s24, v39;
	v4 =	vand.u32 $0xFFFFFF80, v16;
	v8 =	vld.idx.msk [tilespmem:v8+s29+$0x0], $0xffff;
	[tilespmem:s8+$0x14080] =	vst v58  }
0x177: {  	v16 =	vadd.s32 s24, v37;
	v54 =	vld.idx.msk [tilespmem:v41+s29+$0x0], $0xffff;
	v41 =	vmin.f32 v10, v44;
	v47 =	vadd.s32 v30, v4;
	[tilespmem:s8+$0x14100] =	vst v59  }
0x178: {  	v57 =	vld.idx.msk [tilespmem:v46+s29+$0x0], $0xffff;
	v11 =	vand.u32 $0xFFFFFF80, v11;
	v16 =	vand.u32 $0xFFFFFF80, v16;
	v5 =	vor.u32 v22, v4;
	[tilespmem:s8+$0x140B0] =	vst v45  }
0x179: {  	v59 =	vld.idx.msk [tilespmem:v13+s29+$0x0], $0xffff;
	v53 =	vor.u32 v21, v16;
	v4 =	vor.u32 v23, v11;
	v7 =	vadd.s32 v31, v11  }
0x17a: {  	[tilespmem:s8+$0x14090] =	vst v41;
	v11 =	vand.u32 $0xFFFFFF80, v63;
	v2 =	vld.idx.msk [tilespmem:v6+s29+$0x0], $0xffff;
	v6 =	vmax.f32 v10, v44;
	v10 =	vmin.f32 v15, v12  }
0x17b: {  	v56 =	vor.u32 v20, v11;
	v58 =	vadd.s32 v28, v11;
	[tilespmem:s8+$0x140D0] =	vst v10;
	v11 =	vmin.f32 v8, v14  }
0x17c: {  	v60 =	vadd.s32 v29, v16;
	v8 =	vmax.f32 v8, v14;
	v62 =	vld.idx.msk [tilespmem:v47+s29+$0x0], $0xffff;
	[tilespmem:s8+$0x140A0] =	vst v11  }
0x17d: {  	v10 =	vmax.f32 v9, v61;
	v11 =	vmin.f32 v9, v61;
	v61 =	vld.idx.msk [tilespmem:v40+s29+$0x0], $0xffff;
	[tilespmem:s8+$0x14120] =	vst v8  }
0x17e: {  	s9 =	simm.s32 $0x400;
	s12 =	simm.s32 $0x800;
	s13 =	simm.s32 $0xC200;
	v9 =	vmin.f32 v48, v52;
	v8 =	vmin.f32 v50, v49;
	[tilespmem:s8+$0x140C0] =	vst v11;
	v11 =	vmax.f32 v15, v12  }
.LBB2_9:
0x17f: {  	v12 =	vadd.s32 s13, v32;
	p0 =	sne.s32 s12, $0xFC00;
	[tilespmem:s8+$0x14150] =	vst v11;
	v11 =	vmax.f32 v48, v52;
	v48 =	vld.idx.msk [tilespmem:v5+s29+$0x0], $0xffff;
	v5 =	vmax.f32 v50, v49;
	s15 =	smov.u32 s12;
	s12 =	sadd.s32 $0x400, s12  }
0x180: {  	v13 =	vadd.s32 s13, v38;
	v14 =	vadd.s32 s13, v39;
	v12 =	vand.u32 $0xFFFFFF80, v12;
	v49 =	vld.idx.msk [tilespmem:v7+s29+$0x0], $0xffff;
	[tilespmem:s8+$0x14140] =	vst v10  }
0x181: {  	v7 =	vadd.s32 s13, v35;
	v10 =	vand.u32 $0xFFFFFF80, v13;
	v13 =	vand.u32 $0xFFFFFF80, v14;
	v50 =	vld.idx.msk [tilespmem:v4+s29+$0x0], $0xffff;
	[tilespmem:s8+$0x14110] =	vst v6  }
0x182: {  	v4 =	vadd.s32 s13, v36;
	v6 =	vadd.s32 s13, v37;
	v14 =	vadd.s32 v24, v12;
	v15 =	vld.idx.msk [tilespmem:v55+s29+$0x0], $0xffff;
	[tilespmem:s8+$0x14130] =	vst v51  }
0x183: {  	v16 =	vadd.s32 s13, v33;
	v40 =	vadd.s32 s13, v34;
	v51 =	vmax.f32 v57, v61;
	v41 =	vld.idx.msk [tilespmem:v3+s29+$0x0], $0xffff;
	[tilespmem:s8+$0x140E0] =	vst v9  }
0x184: {  	v3 =	vand.u32 $0xFFFFFF80, v16;
	v9 =	vand.u32 $0xFFFFFF80, v6;
	v16 =	vmin.f32 v57, v61;
	v52 =	vmovc v62;
	v6 =	vld.idx.msk [tilespmem:v1+s29+$0x0], $0xffff;
	[tilespmem:s8+$0x14160] =	vst v11  }
0x185: {  	v7 =	vand.u32 $0xFFFFFF80, v7;
	v11 =	vor.u32 v17, v3;
	v42 =	vor.u32 v21, v9;
	v43 =	vld.idx.msk [tilespmem:v60+s29+$0x0], $0xffff;
	[tilespmem:s8+$0x140F0] =	vst v8  }
0x186: {  	v44 =	vmin.f32 v59, v54;
	v1 =	vadd.s32 v25, v3;
	v8 =	vand.u32 $0xFFFFFF80, v40;
	v40 =	vld.idx.msk [tilespmem:v53+s29+$0x0], $0xffff;
	[tilespmem:s8+$0x14170] =	vst v5  }
0x187: {  	v45 =	vmax.f32 v59, v54;
	v3 =	vor.u32 v18, v8;
	v55 =	vadd.s32 v26, v8;
	v8 =	vld.idx.msk [tilespmem:v56+s29+$0x0], $0xffff  }
0x188: {  	v46 =	vor.u32 v19, v7;
	v47 =	vand.u32 $0xFFFFFF80, v4;
	v62 =	vadd.s32 v30, v10;
	s8 =	sshra.s32 s9, $0x2;
	v53 =	vmovc v42;
	s9 =	smov.u32 s15;
	v61 =	vld.idx.msk [tilespmem:v58+s29+$0x0], $0xffff  }
0x189: {  	v12 =	vor.u32 v0, v12;
	v5 =	vor.u32 v22, v10;
	v42 =	vadd.s32 v27, v7;
	[tilespmem:s8+$0x14080] =	vst v44  }
0x18a: {  	v4 =	vor.u32 v23, v13;
	v7 =	vadd.s32 v31, v13;
	v44 =	vld.idx.msk [tilespmem:v11+s29+$0x0], $0xffff;
	[tilespmem:s8+$0x14100] =	vst v45  }
0x18b: {  	v10 =	vmin.f32 v2, v6;
	v6 =	vmax.f32 v2, v6;
	v54 =	vld.idx.msk [tilespmem:v14+s29+$0x0], $0xffff;
	[tilespmem:s8+$0x140B0] =	vst v16  }
.Ltmp3:
0x18c: {  	v60 =	vadd.s32 v29, v9;
	v56 =	vor.u32 v20, v47;
	v2 =	vmin.f32 v40, v43;
	[tilespmem:s8+$0x14090] =	vst v10;
	(pc) =	sbr.rel @p0 .LBB2_9-.Ltmp3, $4  }
0x18d: {  	v58 =	vadd.s32 v28, v47;
	v9 =	vmin.f32 v41, v15;
	v57 =	vld.idx.msk [tilespmem:v46+s29+$0x0], $0xffff;
	[tilespmem:s8+$0x140D0] =	vst v2  }
0x18e: {  	v10 =	vmax.f32 v8, v61;
	v59 =	vld.idx.msk [tilespmem:v12+s29+$0x0], $0xffff;
	[tilespmem:s8+$0x140A0] =	vst v9;
	v12 =	vmin.f32 v8, v61  }
0x18f: {  	v11 =	vmax.f32 v40, v43;
	v8 =	vmax.f32 v41, v15;
	v61 =	vld.idx.msk [tilespmem:v42+s29+$0x0], $0xffff;
	[tilespmem:s8+$0x140C0] =	vst v12  }
0x190: {  	s13 =	sadd.s32 $0x100, s13;
	v9 =	vmin.f32 v48, v52;
	v2 =	vmov v44;
	v62 =	vld.idx.msk [tilespmem:v62+s29+$0x0], $0xffff;
	[tilespmem:s8+$0x14120] =	vst v8;
	v8 =	vmin.f32 v50, v49  }
0x191: {  	_ =	sdelay $0x3  }
0x192: {  	v5 =	vld.idx.msk [tilespmem:v5+s29+$0x0], $0xffff  }
0x193: {  	v7 =	vld.idx.msk [tilespmem:v7+s29+$0x0], $0xffff;
	[tilespmem:s8+$0x14150] =	vst v11  }
0x194: {  	v4 =	vld.idx.msk [tilespmem:v4+s29+$0x0], $0xffff;
	[tilespmem:s8+$0x14140] =	vst v10  }
0x195: {  	v46 =	vld.idx.msk [tilespmem:v55+s29+$0x0], $0xffff;
	[tilespmem:s8+$0x14110] =	vst v6  }
0x196: {  	v3 =	vld.idx.msk [tilespmem:v3+s29+$0x0], $0xffff;
	[tilespmem:s8+$0x14130] =	vst v51  }
0x197: {  	v1 =	vld.idx.msk [tilespmem:v1+s29+$0x0], $0xffff;
	[tilespmem:s8+$0x140E0] =	vst v9  }
0x198: {  	v47 =	vmax.f32 v48, v52;
	v48 =	vld.idx.msk [tilespmem:v60+s29+$0x0], $0xffff;
	[tilespmem:s8+$0x140F0] =	vst v8  }
0x199: {  	v51 =	vld.idx.msk [tilespmem:v53+s29+$0x0], $0xffff;
	v52 =	vmax.f32 v50, v49;
	[tilespmem:s8+$0x14160] =	vst v47  }
0x19a: {  	v53 =	vld.idx.msk [tilespmem:v56+s29+$0x0], $0xffff;
	s23 =	sshra.s32 s9, $0x2;
	[tilespmem:s8+$0x14170] =	vst v52;
	v12 =	vmin.f32 v59, v54  }
0x19b: {  	v55 =	vld.idx.msk [tilespmem:v58+s29+$0x0], $0xffff;
	v13 =	vmax.f32 v59, v54;
	[tilespmem:s23+$0x14080] =	vst v12  }
0x19c: {  	v56 =	vmin.f32 v57, v61;
	[tilespmem:s23+$0x14100] =	vst v13  }
0x19d: {  	[tilespmem:s23+$0x140B0] =	vst v56;
	v58 =	vmin.f32 v2, v1  }
0x19e: {  	v59 =	vmin.f32 v51, v48;
	[tilespmem:s23+$0x14090] =	vst v58  }
0x19f: {  	v60 =	vmin.f32 v3, v46;
	[tilespmem:s23+$0x140D0] =	vst v59  }
0x1a0: {  	v63 =	vmin.f32 v53, v55;
	[tilespmem:s23+$0x140A0] =	vst v60  }
0x1a1: {  	v3 =	vmax.f32 v3, v46;
	[tilespmem:s23+$0x140C0] =	vst v63  }
0x1a2: {  	v6 =	vmax.f32 v51, v48;
	[tilespmem:s23+$0x14120] =	vst v3  }
0x1a3: {  	v1 =	vmax.f32 v2, v1;
	[tilespmem:s23+$0x14150] =	vst v6  }
0x1a4: {  	v2 =	vmax.f32 v57, v61;
	[tilespmem:s23+$0x14110] =	vst v1  }
0x1a5: {  	v3 =	vmax.f32 v53, v55;
	[tilespmem:s23+$0x14130] =	vst v2  }
0x1a6: {  	v1 =	vmin.f32 v5, v62;
	[tilespmem:s23+$0x14140] =	vst v3  }
0x1a7: {  	v2 =	vmax.f32 v5, v62;
	[tilespmem:s23+$0x140E0] =	vst v1  }
0x1a8: {  	v1 =	vmin.f32 v4, v7;
	[tilespmem:s23+$0x14160] =	vst v2  }
0x1a9: {  	v2 =	vmax.f32 v4, v7;
	[tilespmem:s23+$0x140F0] =	vst v1  }
0x1aa: {  	[tilespmem:s23+$0x14170] =	vst v2  }
0x1ab: {  	v44 =	vld [tilespmem:$0x1FE40]  }
0x1ac: {  	s18 =	sadd.s32 $0x1, s18;
	v45 =	vld [tilespmem:$0x1FE50]  }
0x1ad: {  	p0 =	sne.s32 s18, $0x8;
	v46 =	vld [tilespmem:$0x1FE60]  }
.Ltmp4:
0x1ae: {  	v47 =	vld [tilespmem:$0x1FE70];
	(pc) =	sbr.rel @p0 .LBB2_2-.Ltmp4, $4  }
0x1af: {  	v40 =	vld [tilespmem:$0x1FE80]  }
0x1b0: {  	v41 =	vld [tilespmem:$0x1FE90]  }
0x1b1: {  	s24 =	sadd.s32 s3, s14;
	v42 =	vld [tilespmem:$0x1FEA0]  }
0x1b2: {  	[hbm4b:s24+s25] =	stream.strided.scatter [tilespmem:s7], [sflag:$0x6], $0x4000, s26, s25, $0x38;
	v26 =	vld [tilespmem:$0x1FEB0]  }
0x1b3: {  	s8 =	rddreg [dreg:$0xd]  }
0x1b4: {  	s23 =	rddreg [dreg:$0xa]  }
0x1b5: {  	[tilespmem:s28], [sflag:$0x4] =	stream.strided.gather [hbm4b:s8+s25], $0x4000, s26, s25, $0x38;
	[tilespmem:$0x18080] =	vst v63  }
0x1b6: {  	s24 =	rddreg [dreg:$0xe]  }
0x1b7: {  	[tilespmem:s29], [sflag:$0x1] =	stream.strided.gather [hbm4b:s23+s25], $0x4000, s26, s25, $0x38;
	[tilespmem:$0x18080] =	vst v63  }
0x1b8: {  	s9 =	simm.s32 $0x4080;
	s18 =	simm.s32 $0x0;
	s23 =	simm.s32 $0x0  }
0x1b9: {  	[tilespmem:s9], [sflag:$0x2] =	stream.strided.gather [hbm4b:s24+s25], $0x4000, s26, s25, $0x38;
	[tilespmem:$0x18080] =	vst v63  }
.LBB2_12:
0x1ba: {  	s8 =	sshll.u32 s23, $0x14;
	s9 =	rddreg [dreg:$0xf]  }
0x1bb: {  	s9 =	sadd.s32 s8, s9  }
0x1bc: {  	s14 =	sshrl.u32 s9, $0x3  }
0x1bd: {  	p0 =	sne.s32 s23, $0x0;
	s9 =	sadd.s32 s1, s14  }
0x1be: {  	[tilespmem:s31], [sflag:$0x3] =	stream.strided.gather [hbm4b:s9+s25], $0x4000, s26, s25, $0x38;
	[tilespmem:$0x18080] =	vst v63  }
0x1bf: {  	s9 =	simm.s32 @!p0 $0x4  }
0x1c0: {  	_ =	swait.ge @!p0 [sflag:s9], $0x4000  }
0x1c1: {  	[sflag:s9] =	ssyncset.done @!p0 $0x0  }
0x1c2: {  	[sflag:s9] =	ssyncadd.s32 @!p0 $0xFFFFC000  }
0x1c3: {  	v1 =	vadd.s32 s18, v32;
	v2 =	vadd.s32 s18, v33;
	_ =	swait.ge [sflag:s5], $0x4000  }
0x1c4: {  	v3 =	vadd.s32 s18, v34;
	v5 =	vadd.s32 s18, v39;
	v7 =	vadd.s32 s18, v26;
	[sflag:s5] =	ssyncset.done $0x0  }
0x1c5: {  	v8 =	vadd.s32 s18, v44;
	v9 =	vadd.s32 s18, v45;
	v1 =	vand.u32 $0xFF80, v1;
	[sflag:s5] =	ssyncadd.s32 $0xFFFFC000  }
0x1c6: {  	v13 =	vadd.s32 s18, v47;
	v2 =	vand.u32 $0xFF80, v2;
	v1 =	vor.u32 v0, v1;
	_ =	swait.ge [sflag:s10], $0x4000  }
0x1c7: {  	s24 =	simm.s32 $0x100;
	v5 =	vand.u32 $0xFF80, v5;
	v7 =	vand.u32 $0xFF80, v7;
	v2 =	vor.u32 v17, v2;
	v60 =	vld [tilespmem:$0x1FE40]  }
0x1c8: {  	v8 =	vand.u32 $0xFF80, v8;
	v56 =	vadd.s32 s24, v35;
	v5 =	vor.u32 v23, v5;
	v62 =	vld [tilespmem:$0x1FE50]  }
0x1c9: {  	v58 =	vadd.s32 s24, v37;
	v7 =	vor.u32 v23, v7;
	v45 =	vand.u32 $0xFF80, v56;
	[sflag:s10] =	ssyncset.done $0x0;
	v56 =	vld [tilespmem:$0x1FE60]  }
0x1ca: {  	v9 =	vand.u32 $0xFF80, v9;
	v8 =	vor.u32 v0, v8;
	v47 =	vand.u32 $0xFF80, v58;
	v58 =	vld [tilespmem:$0x1FE70];
	[sflag:s10] =	ssyncadd.s32 $0xFFFFC000  }
0x1cb: {  	v4 =	vadd.s32 s18, v35;
	v3 =	vand.u32 $0xFF80, v3;
	v9 =	vor.u32 v17, v9;
	v1 =	vld.idx.msk [tilespmem:v1+s29+$0x0], $0xffff  }
0x1cc: {  	v6 =	vadd.s32 s18, v36;
	v4 =	vand.u32 $0xFF80, v4;
	v3 =	vor.u32 v18, v3;
	v2 =	vld.idx.msk [tilespmem:v2+s29+$0x0], $0xffff  }
0x1cd: {  	v10 =	vadd.s32 s18, v37;
	v6 =	vand.u32 $0xFF80, v6;
	v4 =	vor.u32 v19, v4;
	v5 =	vld.idx.msk [tilespmem:v5+s29+$0x0], $0xffff  }
0x1ce: {  	v12 =	vadd.s32 s18, v46;
	v10 =	vand.u32 $0xFF80, v10;
	v6 =	vor.u32 v20, v6;
	v7 =	vld.idx.msk [tilespmem:v7+s29+$0x0], $0xffff  }
0x1cf: {  	v11 =	vadd.s32 s18, v38;
	v12 =	vand.u32 $0xFF80, v12;
	v10 =	vor.u32 v21, v10;
	v8 =	vld.idx.msk [tilespmem:v8+s29+$0x0], $0xffff  }
0x1d0: {  	v14 =	vadd.s32 s18, v40;
	v13 =	vand.u32 $0xFF80, v13;
	v12 =	vor.u32 v18, v12;
	v9 =	vld.idx.msk [tilespmem:v9+s29+$0x0], $0xffff  }
0x1d1: {  	v15 =	vadd.s32 s18, v41;
	v14 =	vand.u32 $0xFF80, v14;
	v13 =	vor.u32 v19, v13;
	v3 =	vld.idx.msk [tilespmem:v3+s29+$0x0], $0xffff  }
0x1d2: {  	v15 =	vand.u32 $0xFF80, v15;
	v55 =	vadd.s32 s24, v34;
	v14 =	vor.u32 v20, v14;
	v4 =	vld.idx.msk [tilespmem:v4+s29+$0x0], $0xffff  }
0x1d3: {  	v16 =	vadd.s32 s18, v42;
	v15 =	vor.u32 v21, v15;
	v44 =	vand.u32 $0xFF80, v55;
	v6 =	vld.idx.msk [tilespmem:v6+s29+$0x0], $0xffff  }
0x1d4: {  	v27 =	vlaneseq.u32;
	v11 =	vand.u32 $0xFF80, v11;
	v44 =	vor.u32 v18, v44;
	v10 =	vld.idx.msk [tilespmem:v10+s29+$0x0], $0xffff  }
0x1d5: {  	v16 =	vand.u32 $0xFF80, v16;
	v54 =	vadd.s32 s24, v32;
	v11 =	vor.u32 v22, v11;
	v12 =	vld.idx.msk [tilespmem:v12+s29+$0x0], $0xffff  }
0x1d6: {  	v24 =	vmovc v41;
	v57 =	vadd.s32 s24, v36;
	v16 =	vor.u32 v22, v16;
	v41 =	vand.u32 $0xFF80, v54;
	v13 =	vld.idx.msk [tilespmem:v13+s29+$0x0], $0xffff  }
0x1d7: {  	v49 =	vadd.s32 s24, v39;
	v46 =	vand.u32 $0xFF80, v57;
	v41 =	vor.u32 v27, v41;
	v14 =	vld.idx.msk [tilespmem:v14+s29+$0x0], $0xffff  }
0x1d8: {  	v51 =	vadd.s32 s24, v26;
	v59 =	vand.u32 $0xFF80, v49;
	v46 =	vor.u32 v20, v46;
	v15 =	vld.idx.msk [tilespmem:v15+s29+$0x0], $0xffff  }
0x1d9: {  	v51 =	vand.u32 $0xFF80, v51;
	v47 =	vor.u32 v21, v47;
	v49 =	vld.idx.msk [tilespmem:v44+s29+$0x0], $0xffff;
	v44 =	vor.u32 v23, v59  }
0x1da: {  	v25 =	vmovc v42;
	v42 =	vmin.f32 v1, v8;
	v1 =	vmax.f32 v1, v8;
	v8 =	vld.idx.msk [tilespmem:v11+s29+$0x0], $0xffff;
	v11 =	vadd.s32 s24, v33  }
0x1db: {  	v54 =	vor.u32 v23, v51;
	v16 =	vld.idx.msk [tilespmem:v16+s29+$0x0], $0xffff;
	v11 =	vand.u32 $0xFF80, v11  }
0x1dc: {  	v41 =	vld.idx.msk [tilespmem:v41+s29+$0x0], $0xffff;
	v52 =	vadd.s32 s24, v60;
	v11 =	vor.u32 v17, v11  }
0x1dd: {  	v45 =	vor.u32 v19, v45;
	v51 =	vld.idx.msk [tilespmem:v46+s29+$0x0], $0xffff;
	v61 =	vand.u32 $0xFF80, v52;
	v52 =	vadd.s32 s24, v62  }
0x1de: {  	s17 =	simm.s32 $0x10100;
	v48 =	vadd.s32 s24, v38;
	v0 =	vmovc v40;
	v55 =	vadd.s32 s24, v58;
	v63 =	vand.u32 $0xFF80, v52;
	v52 =	vld.idx.msk [tilespmem:v47+s29+$0x0], $0xffff  }
0x1df: {  	v59 =	vand.u32 $0xFF80, v55;
	v40 =	vmax.f32 v5, v7;
	v46 =	vor.u32 v17, v63;
	[tilespmem:s17+$0xFFFFFF80] =	vst v42;
	v42 =	vld.idx.msk [tilespmem:v44+s29+$0x0], $0xffff  }
0x1e0: {  	v50 =	vand.u32 $0xFF80, v48;
	[tilespmem:s17+$0x70] =	vst v40;
	v40 =	vor.u32 v19, v59;
	v59 =	vld.idx.msk [tilespmem:v54+s29+$0x0], $0xffff  }
0x1e1: {  	v43 =	vmin.f32 v2, v9;
	[tilespmem:s17+$0x0] =	vst v1;
	v48 =	vld.idx.msk [tilespmem:v11+s29+$0x0], $0xffff;
	v11 =	vor.u32 v22, v50  }
0x1e2: {  	v62 =	vadd.s32 s24, v24;
	[tilespmem:s17+$0xFFFFFF90] =	vst v43;
	v50 =	vld.idx.msk [tilespmem:v45+s29+$0x0], $0xffff;
	v45 =	vor.u32 v27, v61  }
0x1e3: {  	v1 =	vand.u32 $0xFF80, v62;
	v47 =	vld [tilespmem:$0x1FE70]  }
0x1e4: {  	v60 =	vadd.s32 s24, v0;
	v43 =	vor.u32 v21, v1;
	v58 =	vld.idx.msk [tilespmem:v46+s29+$0x0], $0xffff  }
0x1e5: {  	v53 =	vadd.s32 s24, v56;
	v55 =	vld.idx.msk [tilespmem:v40+s29+$0x0], $0xffff;
	v61 =	vand.u32 $0xFF80, v60  }
0x1e6: {  	v57 =	vand.u32 $0xFF80, v53;
	v44 =	vor.u32 v20, v61;
	v53 =	vld.idx.msk [tilespmem:v11+s29+$0x0], $0xffff  }
0x1e7: {  	v5 =	vmin.f32 v5, v7;
	v63 =	vadd.s32 s24, v25;
	v7 =	vld.idx.msk [tilespmem:v45+s29+$0x0], $0xffff  }
0x1e8: {  	v1 =	vand.u32 $0xFF80, v63;
	v11 =	vor.u32 v18, v57;
	v45 =	vld [tilespmem:$0x1FE50]  }
0x1e9: {  	v2 =	vmax.f32 v2, v9;
	[tilespmem:s17+$0xFFFFFFF0] =	vst v5;
	v5 =	vor.u32 v22, v1;
	v57 =	vld.idx.msk [tilespmem:v43+s29+$0x0], $0xffff  }
0x1ea: {  	v9 =	vmin.f32 v3, v12;
	v3 =	vmax.f32 v3, v12;
	v12 =	vmin.f32 v6, v14;
	v46 =	vld [tilespmem:$0x1FE60]  }
0x1eb: {  	s9 =	simm.s32 $0x200;
	v63 =	vmax.f32 v10, v15;
	v62 =	vmin.f32 v8, v16;
	v40 =	vmax.f32 v6, v14;
	v56 =	vld.idx.msk [tilespmem:v44+s29+$0x0], $0xffff  }
0x1ec: {  	v60 =	vmin.f32 v42, v59;
	v61 =	vmax.f32 v8, v16;
	v8 =	vadd.s32 s9, v34;
	v44 =	vld [tilespmem:$0x1FE40];
	[tilespmem:s17+$0x10] =	vst v2  }
0x1ed: {  	v1 =	vmin.f32 v10, v15;
	v43 =	vadd.s32 s9, v39;
	v2 =	vmax.f32 v42, v59;
	[tilespmem:s17+$0xFFFFFFA0] =	vst v9;
	v54 =	vld.idx.msk [tilespmem:v11+s29+$0x0], $0xffff  }
0x1ee: {  	s24 =	simm.s32 $0x10200;
	[tilespmem:s17+$0x20] =	vst v3;
	v3 =	vadd.s32 s9, v37;
	v11 =	vmin.f32 v4, v13;
	v59 =	vld.idx.msk [tilespmem:v5+s29+$0x0], $0xffff;
	v5 =	vadd.s32 s9, v32  }
0x1ef: {  	v6 =	vmin.f32 v41, v7;
	[tilespmem:s24+$0x70] =	vst v2;
	v2 =	vadd.s32 s9, v33;
	v5 =	vand.u32 $0xFF80, v5  }
0x1f0: {  	v7 =	vmax.f32 v41, v7;
	[tilespmem:s24+$0xFFFFFF80] =	vst v6;
	v2 =	vand.u32 $0xFF80, v2;
	v9 =	vor.u32 v27, v5  }
0x1f1: {  	v4 =	vmax.f32 v4, v13;
	v6 =	vmin.f32 v48, v58;
	[tilespmem:s24+$0x0] =	vst v7;
	v10 =	vor.u32 v17, v2  }
0x1f2: {  	v7 =	vadd.s32 s9, v36;
	[tilespmem:s17+$0xFFFFFFB0] =	vst v11;
	v5 =	vadd.s32 s9, v35;
	v2 =	vand.u32 $0xFF80, v8  }
0x1f3: {  	v11 =	vadd.s32 s9, v38;
	[tilespmem:s17+$0x30] =	vst v4;
	v8 =	vor.u32 v18, v2;
	v2 =	vand.u32 $0xFF80, v5  }
0x1f4: {  	[tilespmem:s24+$0xFFFFFF90] =	vst v6;
	v4 =	vand.u32 $0xFF80, v11;
	v6 =	vor.u32 v19, v2;
	v2 =	vand.u32 $0xFF80, v7  }
0x1f5: {  	[tilespmem:s17+$0xFFFFFFC0] =	vst v12;
	v3 =	vand.u32 $0xFF80, v3;
	v4 =	vor.u32 v22, v4;
	v5 =	vor.u32 v20, v2;
	v2 =	vld.idx.msk [tilespmem:v9+s29+$0x0], $0xffff  }
0x1f6: {  	s12 =	simm.s32 $0x300;
	[tilespmem:s17+$0x40] =	vst v40;
	v7 =	vor.u32 v21, v3;
	v3 =	vld.idx.msk [tilespmem:v10+s29+$0x0], $0xffff;
	v10 =	vand.u32 $0xFF80, v43;
	v9 =	vadd.s32 s9, v26  }
.LBB2_13:
0x1f7: {  	v10 =	vor.u32 v23, v10  }
0x1f8: {  	p0 =	sne.s32 s12, $0x3F00;
	v8 =	vld.idx.msk [tilespmem:v8+s29+$0x0], $0xffff;
	v11 =	vadd.s32 s9, v44;
	v9 =	vand.u32 $0xFF80, v9;
	[tilespmem:s17+$0xFFFFFFD0] =	vst v1;
	v27 =	vlaneseq.u32  }
0x1f9: {  	v6 =	vld.idx.msk [tilespmem:v6+s29+$0x0], $0xffff;
	v1 =	vand.u32 $0xFF80, v11;
	v11 =	vadd.s32 s9, v45;
	v9 =	vor.u32 v23, v9;
	[tilespmem:s17+$0x50] =	vst v63  }
0x1fa: {  	v12 =	vadd.s32 s9, v46;
	v5 =	vld.idx.msk [tilespmem:v5+s29+$0x0], $0xffff;
	v1 =	vor.u32 v27, v1;
	v11 =	vand.u32 $0xFF80, v11;
	[tilespmem:s17+$0xFFFFFFE0] =	vst v62  }
0x1fb: {  	v13 =	vadd.s32 s9, v47;
	v12 =	vand.u32 $0xFF80, v12;
	v7 =	vld.idx.msk [tilespmem:v7+s29+$0x0], $0xffff;
	v11 =	vor.u32 v17, v11;
	[tilespmem:s17+$0x60] =	vst v61;
	s17 =	smov.u32 s24  }
0x1fc: {  	v14 =	vadd.s32 s9, v0;
	v13 =	vand.u32 $0xFF80, v13;
	v12 =	vor.u32 v18, v12;
	v4 =	vld.idx.msk [tilespmem:v4+s29+$0x0], $0xffff;
	[tilespmem:s24+$0xFFFFFFF0] =	vst v60  }
0x1fd: {  	v15 =	vadd.s32 s9, v24;
	v14 =	vand.u32 $0xFF80, v14;
	v13 =	vor.u32 v19, v13;
	v10 =	vld.idx.msk [tilespmem:v10+s29+$0x0], $0xffff  }
0x1fe: {  	v16 =	vadd.s32 s9, v25;
	v15 =	vand.u32 $0xFF80, v15;
	s9 =	smov.u32 s12;
	v14 =	vor.u32 v20, v14;
	v9 =	vld.idx.msk [tilespmem:v9+s29+$0x0], $0xffff  }
0x1ff: {  	v15 =	vor.u32 v21, v15;
	v40 =	vld.idx.msk [tilespmem:v1+s29+$0x0], $0xffff;
	v1 =	vand.u32 $0xFF80, v16;
	v16 =	vmax.f32 v48, v58;
	v48 =	vmovc v3  }
0x200: {  	v41 =	vmax.f32 v49, v54;
	v58 =	vld.idx.msk [tilespmem:v11+s29+$0x0], $0xffff;
	v3 =	vor.u32 v22, v1;
	v11 =	vmin.f32 v49, v54  }
0x201: {  	v42 =	vmax.f32 v50, v55;
	v43 =	vmin.f32 v51, v56;
	v54 =	vld.idx.msk [tilespmem:v12+s29+$0x0], $0xffff;
	v12 =	vmin.f32 v50, v55  }
0x202: {  	v63 =	vmax.f32 v52, v57;
	v1 =	vmin.f32 v52, v57;
	v55 =	vld.idx.msk [tilespmem:v13+s29+$0x0], $0xffff;
	v13 =	vmax.f32 v51, v56  }
0x203: {  	v62 =	vmin.f32 v53, v59;
	v61 =	vmax.f32 v53, v59;
	v49 =	vmov v8;
	v56 =	vld.idx.msk [tilespmem:v14+s29+$0x0], $0xffff;
	[tilespmem:s24+$0x10] =	vst v16  }
0x204: {  	v50 =	vmov v6;
	v60 =	vmin.f32 v10, v9;
	v8 =	vmax.f32 v10, v9;
	s24 =	sadd.s32 $0x100, s24;
	v57 =	vld.idx.msk [tilespmem:v15+s29+$0x0], $0xffff;
	[tilespmem:s17+$0xFFFFFFA0] =	vst v11  }
0x205: {  	v6 =	vadd.s32 s12, v32;
	v59 =	vld.idx.msk [tilespmem:v3+s29+$0x0], $0xffff;
	v3 =	vmin.f32 v2, v40;
	v2 =	vmax.f32 v2, v40;
	[tilespmem:s24+$0x70] =	vst v8  }
0x206: {  	v52 =	vmovc v7;
	v6 =	vand.u32 $0xFF80, v6;
	v51 =	vmovc v5;
	v8 =	vadd.s32 s12, v33;
	[tilespmem:s24+$0xFFFFFF80] =	vst v3;
	v3 =	vmin.f32 v48, v58  }
0x207: {  	v53 =	vmovc v4;
	v5 =	vadd.s32 s12, v34;
	v7 =	vor.u32 v27, v6;
	v6 =	vand.u32 $0xFF80, v8;
	[tilespmem:s24+$0x0] =	vst v2  }
0x208: {  	v5 =	vand.u32 $0xFF80, v5;
	v2 =	vadd.s32 s12, v35;
	v4 =	vor.u32 v17, v6;
	[tilespmem:s24+$0xFFFFFF90] =	vst v3  }
.Ltmp5:
0x209: {  	v8 =	vor.u32 v18, v5;
	v3 =	vadd.s32 s12, v36;
	v2 =	vand.u32 $0xFF80, v2;
	[tilespmem:s17+$0x20] =	vst v41;
	(pc) =	sbr.rel @p0 .LBB2_13-.Ltmp5, $4  }
0x20a: {  	v9 =	vadd.s32 s12, v37;
	v6 =	vor.u32 v19, v2;
	v2 =	vand.u32 $0xFF80, v3;
	[tilespmem:s17+$0xFFFFFFB0] =	vst v12  }
0x20b: {  	v9 =	vand.u32 $0xFF80, v9;
	v3 =	vadd.s32 s12, v38;
	v5 =	vor.u32 v20, v2;
	[tilespmem:s17+$0x30] =	vst v42  }
0x20c: {  	v10 =	vadd.s32 s12, v39;
	v2 =	vld.idx.msk [tilespmem:v7+s29+$0x0], $0xffff;
	v7 =	vor.u32 v21, v9;
	v9 =	vand.u32 $0xFF80, v3;
	[tilespmem:s17+$0xFFFFFFC0] =	vst v43  }
0x20d: {  	v10 =	vand.u32 $0xFF80, v10;
	s12 =	sadd.s32 $0x100, s12;
	v3 =	vld.idx.msk [tilespmem:v4+s29+$0x0], $0xffff;
	v4 =	vor.u32 v22, v9;
	v9 =	vadd.s32 s9, v26;
	[tilespmem:s17+$0x40] =	vst v13  }
0x20e: {  	_ =	sdelay $0x2  }
0x20f: {  	v10 =	vor.u32 v23, v10  }
0x210: {  	v8 =	vld.idx.msk [tilespmem:v8+s29+$0x0], $0xffff;
	v11 =	vadd.s32 s9, v44;
	v9 =	vand.u32 $0xFF80, v9;
	v12 =	vadd.s32 s9, v45  }
0x211: {  	v6 =	vld.idx.msk [tilespmem:v6+s29+$0x0], $0xffff;
	v13 =	vlaneseq.u32;
	v11 =	vand.u32 $0xFF80, v11;
	v9 =	vor.u32 v23, v9  }
0x212: {  	v5 =	vld.idx.msk [tilespmem:v5+s29+$0x0], $0xffff;
	v14 =	vadd.s32 s9, v47;
	v12 =	vand.u32 $0xFF80, v12;
	v11 =	vor.u32 v13, v11  }
0x213: {  	v7 =	vld.idx.msk [tilespmem:v7+s29+$0x0], $0xffff;
	v15 =	vadd.s32 s9, v0;
	v14 =	vand.u32 $0xFF80, v14;
	v12 =	vor.u32 v17, v12  }
0x214: {  	v46 =	vadd.s32 s9, v46;
	v4 =	vld.idx.msk [tilespmem:v4+s29+$0x0], $0xffff;
	v15 =	vand.u32 $0xFF80, v15;
	v14 =	vor.u32 v19, v14  }
0x215: {  	v16 =	vadd.s32 s9, v24;
	v13 =	vand.u32 $0xFF80, v46;
	v15 =	vor.u32 v20, v15;
	v10 =	vld.idx.msk [tilespmem:v10+s29+$0x0], $0xffff  }
0x216: {  	v40 =	vadd.s32 s9, v25;
	[tilespmem:s17+$0xFFFFFFD0] =	vst v1;
	v16 =	vand.u32 $0xFF80, v16;
	v13 =	vor.u32 v18, v13;
	v9 =	vld.idx.msk [tilespmem:v9+s29+$0x0], $0xffff  }
0x217: {  	[tilespmem:s17+$0x50] =	vst v63;
	v1 =	vld.idx.msk [tilespmem:v11+s29+$0x0], $0xffff;
	v11 =	vor.u32 v21, v16;
	v16 =	vand.u32 $0xFF80, v40  }
0x218: {  	[tilespmem:s17+$0xFFFFFFE0] =	vst v62;
	v12 =	vld.idx.msk [tilespmem:v12+s29+$0x0], $0xffff;
	v16 =	vor.u32 v22, v16  }
0x219: {  	[tilespmem:s17+$0x60] =	vst v61;
	v14 =	vld.idx.msk [tilespmem:v14+s29+$0x0], $0xffff  }
0x21a: {  	[tilespmem:s24+$0xFFFFFFF0] =	vst v60;
	v62 =	vmax.f32 v48, v58;
	v15 =	vld.idx.msk [tilespmem:v15+s29+$0x0], $0xffff  }
0x21b: {  	v41 =	vmin.f32 v49, v54;
	[tilespmem:s24+$0x10] =	vst v62;
	v13 =	vld.idx.msk [tilespmem:v13+s29+$0x0], $0xffff  }
0x21c: {  	s16 =	sadd.s32 $0x100, s24;
	[tilespmem:s24+$0xFFFFFFA0] =	vst v41;
	v63 =	vmax.f32 v10, v9;
	v11 =	vld.idx.msk [tilespmem:v11+s29+$0x0], $0xffff  }
0x21d: {  	v44 =	vmin.f32 v2, v1;
	v16 =	vld.idx.msk [tilespmem:v16+s29+$0x0], $0xffff;
	[tilespmem:s16+$0x70] =	vst v63  }
0x21e: {  	v1 =	vmax.f32 v2, v1;
	[tilespmem:s16+$0xFFFFFF80] =	vst v44  }
0x21f: {  	v2 =	vmin.f32 v3, v12;
	[tilespmem:s16+$0x0] =	vst v1  }
0x220: {  	v1 =	vmax.f32 v49, v54;
	[tilespmem:s16+$0xFFFFFF90] =	vst v2  }
0x221: {  	v2 =	vmin.f32 v50, v55;
	[tilespmem:s24+$0x20] =	vst v1  }
0x222: {  	v1 =	vmax.f32 v50, v55;
	[tilespmem:s24+$0xFFFFFFB0] =	vst v2  }
0x223: {  	v2 =	vmin.f32 v51, v56;
	[tilespmem:s24+$0x30] =	vst v1  }
0x224: {  	v1 =	vmax.f32 v51, v56;
	[tilespmem:s24+$0xFFFFFFC0] =	vst v2  }
0x225: {  	v2 =	vmin.f32 v52, v57;
	[tilespmem:s24+$0x40] =	vst v1  }
0x226: {  	v1 =	vmax.f32 v52, v57;
	[tilespmem:s24+$0xFFFFFFD0] =	vst v2  }
0x227: {  	v2 =	vmin.f32 v53, v59;
	[tilespmem:s24+$0x50] =	vst v1  }
0x228: {  	v1 =	vmax.f32 v53, v59;
	[tilespmem:s24+$0xFFFFFFE0] =	vst v2  }
0x229: {  	v2 =	vmin.f32 v10, v9;
	[tilespmem:s24+$0x60] =	vst v1  }
0x22a: {  	[tilespmem:s16+$0xFFFFFFF0] =	vst v2;
	v1 =	vmax.f32 v3, v12  }
0x22b: {  	v2 =	vmin.f32 v8, v13;
	[tilespmem:s16+$0x10] =	vst v1  }
0x22c: {  	v1 =	vmax.f32 v8, v13;
	[tilespmem:s16+$0xFFFFFFA0] =	vst v2  }
0x22d: {  	v2 =	vmin.f32 v6, v14;
	[tilespmem:s16+$0x20] =	vst v1  }
0x22e: {  	v1 =	vmax.f32 v6, v14;
	[tilespmem:s16+$0xFFFFFFB0] =	vst v2  }
0x22f: {  	v2 =	vmin.f32 v5, v15;
	[tilespmem:s16+$0x30] =	vst v1  }
0x230: {  	v1 =	vmax.f32 v5, v15;
	[tilespmem:s16+$0xFFFFFFC0] =	vst v2  }
0x231: {  	v2 =	vmin.f32 v7, v11;
	[tilespmem:s16+$0x40] =	vst v1  }
0x232: {  	v1 =	vmax.f32 v7, v11;
	[tilespmem:s16+$0xFFFFFFD0] =	vst v2  }
0x233: {  	s17 =	sadd.s32 s8, s6;
	v2 =	vmin.f32 v4, v16;
	[tilespmem:s16+$0x50] =	vst v1  }
0x234: {  	s15 =	sadd.s32 s8, s20;
	s12 =	sshrl.u32 s17, $0x3;
	v1 =	vmax.f32 v4, v16;
	[tilespmem:s16+$0xFFFFFFE0] =	vst v2  }
0x235: {  	s13 =	simm.s32 $0x4000;
	s12 =	sadd.s32 s3, s12;
	s24 =	sshrl.u32 s15, $0x3;
	[tilespmem:s16+$0x60] =	vst v1  }
0x236: {  	[hbm4b:s12+s25] =	stream.strided.scatter [tilespmem:s0], [sflag:$0x5], $0x4000, s13, s25, $0x38;
	[tilespmem:$0x18080] =	vst v63  }
0x237: {  	s9 =	sadd.s32 s1, s24  }
0x238: {  	[tilespmem:s28], [sflag:$0x4] =	stream.strided.gather [hbm4b:s9+s25], $0x4000, s13, s25, $0x38;
	[tilespmem:$0x18080] =	vst v63  }
0x239: {  	v1 =	vadd.s32 s13, v33;
	_ =	swait.ge [sflag:s4], $0x4000  }
0x23a: {  	v3 =	vadd.s32 s13, v35;
	v1 =	vand.u32 $0xFFFFFF80, v1;
	[sflag:s4] =	ssyncset.done $0x0  }
0x23b: {  	v3 =	vand.u32 $0xFFFFFF80, v3;
	v7 =	vadd.s32 s13, v38;
	v4 =	vor.u32 v17, v1;
	[sflag:s4] =	ssyncadd.s32 $0xFFFFC000  }
0x23c: {  	v6 =	vor.u32 v19, v3;
	v7 =	vand.u32 $0xFFFFFF80, v7;
	v24 =	vld [tilespmem:$0x1FFD0];
	_ =	swait.ge [sflag:s11], $0x4000  }
0x23d: {  	v45 =	vadd.s32 s13, v37;
	v9 =	vadd.s32 v30, v7;
	v27 =	vld [tilespmem:$0x1FFF0]  }
0x23e: {  	v12 =	vand.u32 $0xFFFFFF80, v45;
	v7 =	vor.u32 v22, v7;
	[sflag:s11] =	ssyncset.done $0x0;
	v26 =	vld [tilespmem:$0x1FFC0]  }
0x23f: {  	v15 =	vor.u32 v21, v12;
	v12 =	vadd.s32 v29, v12;
	v2 =	vadd.s32 s13, v32;
	v25 =	vld [tilespmem:$0x1FFE0];
	[sflag:s11] =	ssyncadd.s32 $0xFFFFC000  }
0x240: {  	v2 =	vand.u32 $0xFFFFFF80, v2;
	v10 =	vld.idx.msk [tilespmem:v4+s29+$0x0], $0xffff  }
0x241: {  	v0 =	vlaneseq.u32;
	v46 =	vadd.s32 s13, v36;
	v5 =	vadd.s32 v24, v2;
	v6 =	vld.idx.msk [tilespmem:v6+s29+$0x0], $0xffff  }
0x242: {  	v8 =	vadd.s32 s13, v39;
	v13 =	vand.u32 $0xFFFFFF80, v46;
	v2 =	vor.u32 v0, v2;
	v52 =	vld.idx.msk [tilespmem:v9+s29+$0x0], $0xffff  }
0x243: {  	v4 =	vand.u32 $0xFFFFFF80, v8;
	v9 =	vor.u32 v20, v13;
	v48 =	vld.idx.msk [tilespmem:v7+s29+$0x0], $0xffff  }
0x244: {  	v12 =	vld.idx.msk [tilespmem:v12+s29+$0x0], $0xffff;
	v11 =	vadd.s32 v31, v4  }
0x245: {  	v8 =	vadd.s32 s13, v34;
	v15 =	vld.idx.msk [tilespmem:v15+s29+$0x0], $0xffff;
	v4 =	vor.u32 v23, v4  }
0x246: {  	s16 =	simm.s32 $0x4100;
	v8 =	vand.u32 $0xFFFFFF80, v8;
	v3 =	vadd.s32 v27, v3;
	v5 =	vld.idx.msk [tilespmem:v5+s29+$0x0], $0xffff  }
0x247: {  	v55 =	vadd.s32 s16, v32;
	v16 =	vadd.s32 s16, v38;
	v47 =	vadd.s32 v26, v8;
	v2 =	vld.idx.msk [tilespmem:v2+s29+$0x0], $0xffff  }
0x248: {  	v56 =	vadd.s32 s16, v35;
	v42 =	vadd.s32 s16, v33;
	v1 =	vadd.s32 v25, v1;
	v9 =	vld.idx.msk [tilespmem:v9+s29+$0x0], $0xffff  }
0x249: {  	v43 =	vadd.s32 s16, v34;
	v63 =	vadd.s32 s16, v36;
	v8 =	vor.u32 v18, v8;
	v49 =	vld.idx.msk [tilespmem:v11+s29+$0x0], $0xffff  }
0x24a: {  	v42 =	vand.u32 $0xFFFFFF80, v42;
	v40 =	vand.u32 $0xFFFFFF80, v56;
	v7 =	vadd.s32 v28, v13;
	v50 =	vld.idx.msk [tilespmem:v4+s29+$0x0], $0xffff  }
0x24b: {  	v43 =	vand.u32 $0xFFFFFF80, v43;
	v46 =	vor.u32 v19, v40;
	v13 =	vand.u32 $0xFFFFFF80, v55;
	v3 =	vld.idx.msk [tilespmem:v3+s29+$0x0], $0xffff  }
0x24c: {  	v41 =	vadd.s32 v24, v13;
	v13 =	vor.u32 v0, v13;
	v55 =	vadd.s32 v26, v43;
	v14 =	vld.idx.msk [tilespmem:v47+s29+$0x0], $0xffff  }
0x24d: {  	v11 =	vadd.s32 s16, v39;
	v4 =	vand.u32 $0xFFFFFF80, v16;
	v16 =	vadd.s32 s16, v37;
	v44 =	vld.idx.msk [tilespmem:v1+s29+$0x0], $0xffff  }
0x24e: {  	v40 =	vadd.s32 v27, v40;
	v11 =	vand.u32 $0xFFFFFF80, v11;
	v16 =	vand.u32 $0xFFFFFF80, v16;
	v8 =	vld.idx.msk [tilespmem:v8+s29+$0x0], $0xffff  }
0x24f: {  	s9 =	simm.s32 $0x0;
	v61 =	vld.idx.msk [tilespmem:v7+s29+$0x0], $0xffff;
	v53 =	vor.u32 v21, v16;
	v47 =	vadd.s32 v30, v4;
	v58 =	vmin.f32 v2, v5  }
0x250: {  	v7 =	vadd.s32 v31, v11;
	v59 =	vmax.f32 v2, v5;
	v5 =	vor.u32 v22, v4;
	[tilespmem:s9+$0x14080] =	vst v58  }
0x251: {  	v54 =	vld.idx.msk [tilespmem:v41+s29+$0x0], $0xffff;
	v4 =	vor.u32 v23, v11;
	v11 =	vand.u32 $0xFFFFFF80, v63;
	[tilespmem:s9+$0x14100] =	vst v59;
	v57 =	vmin.f32 v6, v3  }
0x252: {  	v51 =	vmax.f32 v6, v3;
	v6 =	vor.u32 v17, v42;
	v41 =	vmin.f32 v10, v44;
	[tilespmem:s9+$0x140B0] =	vst v57  }
0x253: {  	v56 =	vor.u32 v20, v11;
	v58 =	vadd.s32 v28, v11;
	v11 =	vmin.f32 v8, v14;
	[tilespmem:s9+$0x14090] =	vst v41  }
0x254: {  	v1 =	vadd.s32 v25, v42;
	v59 =	vld.idx.msk [tilespmem:v13+s29+$0x0], $0xffff;
	v8 =	vmax.f32 v8, v14;
	[tilespmem:s9+$0x140A0] =	vst v11  }
0x255: {  	v60 =	vadd.s32 v29, v16;
	v62 =	vld.idx.msk [tilespmem:v47+s29+$0x0], $0xffff;
	v11 =	vmin.f32 v9, v61;
	[tilespmem:s9+$0x14120] =	vst v8  }
0x256: {  	v3 =	vor.u32 v18, v43;
	v57 =	vld.idx.msk [tilespmem:v46+s29+$0x0], $0xffff;
	v8 =	vmin.f32 v50, v49;
	[tilespmem:s9+$0x140C0] =	vst v11  }
0x257: {  	v11 =	vmax.f32 v15, v12;
	v2 =	vld.idx.msk [tilespmem:v6+s29+$0x0], $0xffff;
	v6 =	vmax.f32 v10, v44;
	v10 =	vmin.f32 v15, v12  }
0x258: {  	s15 =	simm.s32 $0x4200;
	s12 =	simm.s32 $0x400;
	s13 =	simm.s32 $0x800;
	v0 =	vlaneseq.u32;
	[tilespmem:s9+$0x140D0] =	vst v10;
	v10 =	vmax.f32 v9, v61;
	v61 =	vld.idx.msk [tilespmem:v40+s29+$0x0], $0xffff;
	v9 =	vmin.f32 v48, v52  }
.LBB2_15:
0x259: {  	v12 =	vadd.s32 s15, v32;
	p0 =	sne.s32 s13, $0xFC00;
	[tilespmem:s9+$0x14150] =	vst v11;
	v11 =	vmax.f32 v48, v52;
	v48 =	vld.idx.msk [tilespmem:v5+s29+$0x0], $0xffff;
	v5 =	vmax.f32 v50, v49;
	s16 =	smov.u32 s13;
	s13 =	sadd.s32 $0x400, s13  }
0x25a: {  	v13 =	vadd.s32 s15, v38;
	v14 =	vadd.s32 s15, v39;
	v12 =	vand.u32 $0xFFFFFF80, v12;
	v49 =	vld.idx.msk [tilespmem:v7+s29+$0x0], $0xffff;
	[tilespmem:s9+$0x14140] =	vst v10  }
0x25b: {  	v7 =	vadd.s32 s15, v35;
	v10 =	vand.u32 $0xFFFFFF80, v13;
	v13 =	vand.u32 $0xFFFFFF80, v14;
	v50 =	vld.idx.msk [tilespmem:v4+s29+$0x0], $0xffff;
	[tilespmem:s9+$0x14110] =	vst v6  }
0x25c: {  	v4 =	vadd.s32 s15, v36;
	v6 =	vadd.s32 s15, v37;
	v14 =	vadd.s32 v24, v12;
	v15 =	vld.idx.msk [tilespmem:v55+s29+$0x0], $0xffff;
	[tilespmem:s9+$0x14130] =	vst v51  }
0x25d: {  	v16 =	vadd.s32 s15, v33;
	v40 =	vadd.s32 s15, v34;
	v51 =	vmax.f32 v57, v61;
	v41 =	vld.idx.msk [tilespmem:v3+s29+$0x0], $0xffff;
	[tilespmem:s9+$0x140E0] =	vst v9  }
0x25e: {  	v3 =	vand.u32 $0xFFFFFF80, v16;
	v9 =	vand.u32 $0xFFFFFF80, v6;
	v16 =	vmin.f32 v57, v61;
	v52 =	vmovc v62;
	v6 =	vld.idx.msk [tilespmem:v1+s29+$0x0], $0xffff;
	[tilespmem:s9+$0x14160] =	vst v11  }
0x25f: {  	v7 =	vand.u32 $0xFFFFFF80, v7;
	v11 =	vor.u32 v17, v3;
	v42 =	vor.u32 v21, v9;
	v43 =	vld.idx.msk [tilespmem:v60+s29+$0x0], $0xffff;
	[tilespmem:s9+$0x140F0] =	vst v8  }
0x260: {  	v44 =	vmin.f32 v59, v54;
	v1 =	vadd.s32 v25, v3;
	v8 =	vand.u32 $0xFFFFFF80, v40;
	v40 =	vld.idx.msk [tilespmem:v53+s29+$0x0], $0xffff;
	[tilespmem:s9+$0x14170] =	vst v5  }
0x261: {  	v45 =	vmax.f32 v59, v54;
	v3 =	vor.u32 v18, v8;
	v55 =	vadd.s32 v26, v8;
	v8 =	vld.idx.msk [tilespmem:v56+s29+$0x0], $0xffff  }
0x262: {  	v46 =	vor.u32 v19, v7;
	v47 =	vand.u32 $0xFFFFFF80, v4;
	v62 =	vadd.s32 v30, v10;
	s9 =	sshra.s32 s12, $0x2;
	v53 =	vmovc v42;
	s12 =	smov.u32 s16;
	v61 =	vld.idx.msk [tilespmem:v58+s29+$0x0], $0xffff  }
0x263: {  	v12 =	vor.u32 v0, v12;
	v5 =	vor.u32 v22, v10;
	v42 =	vadd.s32 v27, v7;
	[tilespmem:s9+$0x14080] =	vst v44  }
0x264: {  	v4 =	vor.u32 v23, v13;
	v7 =	vadd.s32 v31, v13;
	v44 =	vld.idx.msk [tilespmem:v11+s29+$0x0], $0xffff;
	[tilespmem:s9+$0x14100] =	vst v45  }
0x265: {  	v10 =	vmin.f32 v2, v6;
	v6 =	vmax.f32 v2, v6;
	v54 =	vld.idx.msk [tilespmem:v14+s29+$0x0], $0xffff;
	[tilespmem:s9+$0x140B0] =	vst v16  }
.Ltmp6:
0x266: {  	v60 =	vadd.s32 v29, v9;
	v56 =	vor.u32 v20, v47;
	v2 =	vmin.f32 v40, v43;
	[tilespmem:s9+$0x14090] =	vst v10;
	(pc) =	sbr.rel @p0 .LBB2_15-.Ltmp6, $4  }
0x267: {  	v58 =	vadd.s32 v28, v47;
	v9 =	vmin.f32 v41, v15;
	v57 =	vld.idx.msk [tilespmem:v46+s29+$0x0], $0xffff;
	[tilespmem:s9+$0x140D0] =	vst v2  }
0x268: {  	v10 =	vmax.f32 v8, v61;
	v59 =	vld.idx.msk [tilespmem:v12+s29+$0x0], $0xffff;
	[tilespmem:s9+$0x140A0] =	vst v9;
	v12 =	vmin.f32 v8, v61  }
0x269: {  	v11 =	vmax.f32 v40, v43;
	v8 =	vmax.f32 v41, v15;
	v61 =	vld.idx.msk [tilespmem:v42+s29+$0x0], $0xffff;
	[tilespmem:s9+$0x140C0] =	vst v12  }
0x26a: {  	s15 =	sadd.s32 $0x100, s15;
	v9 =	vmin.f32 v48, v52;
	v2 =	vmov v44;
	v62 =	vld.idx.msk [tilespmem:v62+s29+$0x0], $0xffff;
	[tilespmem:s9+$0x14120] =	vst v8;
	v8 =	vmin.f32 v50, v49  }
0x26b: {  	_ =	sdelay $0x3  }
0x26c: {  	v5 =	vld.idx.msk [tilespmem:v5+s29+$0x0], $0xffff  }
0x26d: {  	v7 =	vld.idx.msk [tilespmem:v7+s29+$0x0], $0xffff;
	[tilespmem:s9+$0x14150] =	vst v11  }
0x26e: {  	v4 =	vld.idx.msk [tilespmem:v4+s29+$0x0], $0xffff;
	[tilespmem:s9+$0x14140] =	vst v10  }
0x26f: {  	v10 =	vld.idx.msk [tilespmem:v55+s29+$0x0], $0xffff;
	[tilespmem:s9+$0x14110] =	vst v6  }
0x270: {  	v3 =	vld.idx.msk [tilespmem:v3+s29+$0x0], $0xffff;
	[tilespmem:s9+$0x14130] =	vst v51  }
0x271: {  	v1 =	vld.idx.msk [tilespmem:v1+s29+$0x0], $0xffff;
	[tilespmem:s9+$0x140E0] =	vst v9  }
0x272: {  	v6 =	vmax.f32 v48, v52;
	v9 =	vld.idx.msk [tilespmem:v60+s29+$0x0], $0xffff;
	[tilespmem:s9+$0x140F0] =	vst v8  }
0x273: {  	v11 =	vmax.f32 v50, v49;
	v8 =	vld.idx.msk [tilespmem:v56+s29+$0x0], $0xffff;
	[tilespmem:s9+$0x14160] =	vst v6  }
0x274: {  	s13 =	sshra.s32 s12, $0x2;
	v6 =	vld.idx.msk [tilespmem:v53+s29+$0x0], $0xffff;
	[tilespmem:s9+$0x14170] =	vst v11;
	v12 =	vmin.f32 v59, v54  }
0x275: {  	v11 =	vld.idx.msk [tilespmem:v58+s29+$0x0], $0xffff;
	v13 =	vmax.f32 v59, v54;
	[tilespmem:s13+$0x14080] =	vst v12  }
0x276: {  	v12 =	vmin.f32 v57, v61;
	[tilespmem:s13+$0x14100] =	vst v13  }
0x277: {  	[tilespmem:s13+$0x140B0] =	vst v12;
	v13 =	vmin.f32 v2, v1  }
0x278: {  	v1 =	vmax.f32 v2, v1;
	[tilespmem:s13+$0x14090] =	vst v13  }
0x279: {  	v2 =	vmax.f32 v57, v61;
	[tilespmem:s13+$0x14110] =	vst v1  }
0x27a: {  	v12 =	vmin.f32 v6, v9;
	[tilespmem:s13+$0x14130] =	vst v2  }
0x27b: {  	v13 =	vmin.f32 v3, v10;
	[tilespmem:s13+$0x140D0] =	vst v12  }
0x27c: {  	v3 =	vmax.f32 v3, v10;
	[tilespmem:s13+$0x140A0] =	vst v13  }
0x27d: {  	v6 =	vmax.f32 v6, v9;
	[tilespmem:s13+$0x14120] =	vst v3  }
0x27e: {  	v1 =	vmin.f32 v5, v62;
	[tilespmem:s13+$0x14150] =	vst v6  }
0x27f: {  	v2 =	vmax.f32 v5, v62;
	[tilespmem:s13+$0x140E0] =	vst v1  }
0x280: {  	v12 =	vmin.f32 v8, v11;
	[tilespmem:s13+$0x14160] =	vst v2  }
0x281: {  	v3 =	vmax.f32 v8, v11;
	[tilespmem:s13+$0x140C0] =	vst v12  }
0x282: {  	s15 =	sadd.s32 $0x40000, s17;
	p0 =	seq.s32 s23, $0x7;
	v1 =	vmin.f32 v4, v7;
	[tilespmem:s13+$0x14140] =	vst v3  }
0x283: {  	s12 =	sshrl.u32 s15, $0x3;
	s9 =	sadd.s32 @!p0 s8, s21;
	s15 =	simm.s32 @!p0 $0x80;
	v2 =	vmax.f32 v4, v7;
	[tilespmem:s13+$0x140F0] =	vst v1  }
0x284: {  	s16 =	sadd.s32 s3, s12;
	s9 =	sshrl.u32 @!p0 s9, $0x3;
	s12 =	simm.s32 @!p0 $0x400;
	[tilespmem:s13+$0x14170] =	vst v2  }
0x285: {  	[hbm4b:s16+s25] =	stream.strided.scatter [tilespmem:s7], [sflag:$0x6], $0x4000, s26, s25, $0x38;
	[tilespmem:$0x18080] =	vst v63  }
0x286: {  	s9 =	sadd.s32 @!p0 s1, s9;
	s13 =	simm.s32 @!p0 $0x4000;
	s16 =	simm.s32 $0x8000  }
0x287: {  	v1 =	vadd.s32 s16, v39;
	[tilespmem:s15], [sflag:$0x1] =	stream.strided.gather @!p0 [hbm4b:s9+s12], $0x4000, s13, s12, $0x38;
	[tilespmem:$0x18080] =	vst v63  }
0x288: {  	v1 =	vand.u32 $0xFFFFFF80, v1;
	_ =	swait.ge [sflag:s30], $0x4000  }
0x289: {  	v3 =	vadd.s32 s16, v33;
	v2 =	vadd.s32 v31, v1;
	[sflag:s30] =	ssyncset.done $0x0  }
0x28a: {  	v4 =	vadd.s32 s16, v37;
	v3 =	vand.u32 $0xFFFFFF80, v3;
	v1 =	vor.u32 v23, v1;
	[sflag:s30] =	ssyncadd.s32 $0xFFFFC000  }
0x28b: {  	v5 =	vadd.s32 s16, v34;
	v4 =	vand.u32 $0xFFFFFF80, v4;
	v6 =	vor.u32 v17, v3;
	_ =	swait.ge [sflag:s10], $0x4000  }
0x28c: {  	v5 =	vand.u32 $0xFFFFFF80, v5;
	v7 =	vor.u32 v21, v4;
	[sflag:s10] =	ssyncset.done $0x0  }
0x28d: {  	v8 =	vadd.s32 v26, v5;
	[sflag:s10] =	ssyncadd.s32 $0xFFFFC000  }
0x28e: {  	s17 =	simm.s32 $0x8100;
	v5 =	vor.u32 v18, v5;
	v2 =	vld.idx.msk [tilespmem:v2+s29+$0x0], $0xffff  }
0x28f: {  	v44 =	vadd.s32 s17, v33;
	v3 =	vadd.s32 v25, v3;
	v11 =	vld.idx.msk [tilespmem:v1+s29+$0x0], $0xffff  }
0x290: {  	v43 =	vadd.s32 s17, v37;
	v44 =	vand.u32 $0xFFFFFF80, v44;
	v4 =	vadd.s32 v29, v4;
	v48 =	vld.idx.msk [tilespmem:v6+s29+$0x0], $0xffff  }
0x291: {  	v43 =	vand.u32 $0xFFFFFF80, v43;
	v45 =	vor.u32 v17, v44;
	v9 =	vadd.s32 s16, v38;
	v7 =	vld.idx.msk [tilespmem:v7+s29+$0x0], $0xffff  }
0x292: {  	v47 =	vor.u32 v21, v43;
	v10 =	vadd.s32 s16, v35;
	v9 =	vand.u32 $0xFFFFFF80, v9;
	v8 =	vld.idx.msk [tilespmem:v8+s29+$0x0], $0xffff  }
0x293: {  	v1 =	vand.u32 $0xFFFFFF80, v10;
	v10 =	vor.u32 v22, v9;
	v15 =	vld.idx.msk [tilespmem:v5+s29+$0x0], $0xffff  }
0x294: {  	v52 =	vld.idx.msk [tilespmem:v3+s29+$0x0], $0xffff;
	v9 =	vadd.s32 v30, v9  }
0x295: {  	v6 =	vadd.s32 s16, v36;
	v4 =	vld.idx.msk [tilespmem:v4+s29+$0x0], $0xffff;
	v12 =	vor.u32 v19, v1  }
0x296: {  	v13 =	vadd.s32 s16, v32;
	v60 =	vld.idx.msk [tilespmem:v45+s29+$0x0], $0xffff;
	v6 =	vand.u32 $0xFFFFFF80, v6;
	v3 =	vadd.s32 v27, v1  }
0x297: {  	v13 =	vand.u32 $0xFFFFFF80, v13;
	v53 =	vld.idx.msk [tilespmem:v47+s29+$0x0], $0xffff;
	v14 =	vadd.s32 v28, v6  }
0x298: {  	v1 =	vadd.s32 v24, v13;
	v5 =	vor.u32 v20, v6;
	v6 =	vor.u32 v0, v13;
	v13 =	vld.idx.msk [tilespmem:v10+s29+$0x0], $0xffff  }
0x299: {  	v16 =	vadd.s32 s17, v38;
	v10 =	vadd.s32 s17, v39;
	v56 =	vld.idx.msk [tilespmem:v9+s29+$0x0], $0xffff  }
0x29a: {  	v40 =	vadd.s32 s17, v35;
	v42 =	vadd.s32 s17, v36;
	v12 =	vld.idx.msk [tilespmem:v12+s29+$0x0], $0xffff;
	v10 =	vand.u32 $0xFFFFFF80, v10  }
0x29b: {  	v40 =	vand.u32 $0xFFFFFF80, v40;
	v59 =	vand.u32 $0xFFFFFF80, v16;
	v46 =	vld.idx.msk [tilespmem:v3+s29+$0x0], $0xffff;
	v41 =	vadd.s32 v31, v10  }
0x29c: {  	v16 =	vadd.s32 v25, v44;
	v63 =	vadd.s32 v27, v40;
	v14 =	vld.idx.msk [tilespmem:v14+s29+$0x0], $0xffff;
	v10 =	vor.u32 v23, v10  }
0x29d: {  	v49 =	vmax.f32 v11, v2;
	v9 =	vand.u32 $0xFFFFFF80, v42;
	v42 =	vor.u32 v22, v59;
	v54 =	vld.idx.msk [tilespmem:v6+s29+$0x0], $0xffff  }
0x29e: {  	v57 =	vmin.f32 v11, v2;
	v55 =	vor.u32 v20, v9;
	v6 =	vadd.s32 s17, v34;
	v61 =	vld.idx.msk [tilespmem:v5+s29+$0x0], $0xffff  }
0x29f: {  	s9 =	simm.s32 $0x10100;
	v1 =	vld.idx.msk [tilespmem:v1+s29+$0x0], $0xffff;
	v11 =	vadd.s32 v28, v9;
	v3 =	vand.u32 $0xFFFFFF80, v6;
	v6 =	vmin.f32 v7, v4  }
0x2a0: {  	v2 =	vadd.s32 s17, v32;
	v5 =	vor.u32 v19, v40;
	v44 =	vadd.s32 v26, v3;
	[tilespmem:s9+$0xFFFFFFD0] =	vst v6;
	v51 =	vld.idx.msk [tilespmem:v41+s29+$0x0], $0xffff  }
0x2a1: {  	v41 =	vor.u32 v18, v3;
	v3 =	vmax.f32 v15, v8;
	v50 =	vld.idx.msk [tilespmem:v10+s29+$0x0], $0xffff;
	v8 =	vmin.f32 v15, v8  }
0x2a2: {  	[tilespmem:s9+$0x20] =	vst v3;
	v3 =	vmax.f32 v7, v4;
	v7 =	vmin.f32 v12, v46;
	v4 =	vmax.f32 v12, v46  }
0x2a3: {  	v62 =	vand.u32 $0xFFFFFF80, v2;
	[tilespmem:s9+$0xFFFFFFA0] =	vst v8;
	v8 =	vmin.f32 v61, v14;
	v12 =	vmax.f32 v61, v14;
	v61 =	vld.idx.msk [tilespmem:v16+s29+$0x0], $0xffff  }
0x2a4: {  	v10 =	vadd.s32 v29, v43;
	v14 =	vmin.f32 v13, v56;
	v13 =	vmax.f32 v13, v56;
	v56 =	vld.idx.msk [tilespmem:v42+s29+$0x0], $0xffff  }
0x2a5: {  	v9 =	vadd.s32 v24, v62;
	v6 =	vor.u32 v0, v62;
	v2 =	vld.idx.msk [tilespmem:v44+s29+$0x0], $0xffff;
	[tilespmem:s9+$0xFFFFFFC0] =	vst v8  }
0x2a6: {  	s12 =	simm.s32 $0x8200;
	s13 =	simm.s32 $0x10200;
	s17 =	simm.s32 $0x10200;
	v62 =	vmax.f32 v54, v1;
	v8 =	vmin.f32 v48, v52;
	[tilespmem:s9+$0xFFFFFFE0] =	vst v14;
	v58 =	vld.idx.msk [tilespmem:v41+s29+$0x0], $0xffff  }
.LBB2_17:
0x2a7: {  	p1 =	sne.s32 s12, $0xBF00  }
0x2a8: {  	v14 =	vadd.s32 s12, v38;
	v15 =	vadd.s32 s12, v39;
	v16 =	vld.idx.msk [tilespmem:v5+s29+$0x0], $0xffff;
	s13 =	sadd.s32 $0x100, s13;
	v5 =	vmax.f32 v48, v52;
	[tilespmem:s9+$0x60] =	vst v13;
	v48 =	vmovc v60;
	s15 =	smov.u32 s12;
	s12 =	sadd.s32 $0x100, s12  }
0x2a9: {  	v40 =	vmax.f32 v50, v51;
	v13 =	vadd.s32 s15, v32;
	v15 =	vand.u32 $0xFFFFFF80, v15;
	v10 =	vld.idx.msk [tilespmem:v10+s29+$0x0], $0xffff;
	[tilespmem:s9+$0x40] =	vst v12  }
0x2aa: {  	v1 =	vmin.f32 v54, v1;
	v12 =	vadd.s32 s15, v35;
	v41 =	vadd.s32 v31, v15;
	v42 =	vld.idx.msk [tilespmem:v11+s29+$0x0], $0xffff;
	[tilespmem:s9+$0xFFFFFFB0] =	vst v7  }
0x2ab: {  	v7 =	vadd.s32 s15, v36;
	v11 =	vadd.s32 s15, v37;
	v54 =	vld.idx.msk [tilespmem:v6+s29+$0x0], $0xffff;
	v6 =	vadd.s32 v30, v59;
	[tilespmem:s9+$0xFFFFFF80] =	vst v1  }
0x2ac: {  	v43 =	vadd.s32 s15, v33;
	v44 =	vadd.s32 s15, v34;
	v13 =	vand.u32 $0xFFFFFF80, v13;
	v52 =	vmovc v61;
	v1 =	vld.idx.msk [tilespmem:v9+s29+$0x0], $0xffff;
	[tilespmem:s9+$0x30] =	vst v4  }
0x2ad: {  	v11 =	vand.u32 $0xFFFFFF80, v11;
	v4 =	vand.u32 $0xFFFFFF80, v43;
	v9 =	vand.u32 $0xFFFFFF80, v12;
	v12 =	vld.idx.msk [tilespmem:v63+s29+$0x0], $0xffff;
	[tilespmem:s9+$0x70] =	vst v49;
	v49 =	vmovc v40  }
0x2ae: {  	v15 =	vor.u32 v23, v15;
	v43 =	vor.u32 v21, v11;
	v40 =	vor.u32 v17, v4;
	[tilespmem:s9+$0x50] =	vst v3  }
0x2af: {  	v59 =	vand.u32 $0xFFFFFF80, v14;
	v14 =	vadd.s32 v25, v4;
	v3 =	vand.u32 $0xFFFFFF80, v44;
	v41 =	vld.idx.msk [tilespmem:v41+s29+$0x0], $0xffff;
	[tilespmem:s9+$0xFFFFFFF0] =	vst v57  }
0x2b0: {  	v44 =	vor.u32 v18, v3;
	v45 =	vadd.s32 v26, v3;
	v46 =	vld.idx.msk [tilespmem:v6+s29+$0x0], $0xffff;
	[tilespmem:s9+$0xFFFFFF90] =	vst v8  }
0x2b1: {  	v47 =	vor.u32 v22, v59;
	v8 =	vand.u32 $0xFFFFFF80, v7;
	v6 =	vmin.f32 v53, v10;
	v61 =	vld.idx.msk [tilespmem:v55+s29+$0x0], $0xffff;
	[tilespmem:s9+$0x10] =	vst v5  }
0x2b2: {  	v3 =	vmax.f32 v58, v2;
	v57 =	vmin.f32 v50, v51;
	v5 =	vor.u32 v19, v9;
	[tilespmem:s9+$0x0] =	vst v62;
	s9 =	smov.u32 s17;
	s17 =	smov.u32 s13  }
0x2b3: {  	v55 =	vor.u32 v20, v8;
	v50 =	vld.idx.msk [tilespmem:v15+s29+$0x0], $0xffff;
	[tilespmem:s9+$0x20] =	vst v3;
	v3 =	vmax.f32 v53, v10  }
0x2b4: {  	v7 =	vmin.f32 v16, v12;
	v4 =	vmax.f32 v16, v12;
	v60 =	vld.idx.msk [tilespmem:v40+s29+$0x0], $0xffff;
	[tilespmem:s9+$0xFFFFFFD0] =	vst v6  }
.Ltmp7:
0x2b5: {  	v12 =	vmin.f32 v58, v2;
	v10 =	vadd.s32 v29, v11;
	v6 =	vor.u32 v0, v13;
	v53 =	vld.idx.msk [tilespmem:v43+s29+$0x0], $0xffff;
	(pc) =	sbr.rel @p1 .LBB2_17-.Ltmp7, $4  }
0x2b6: {  	v63 =	vadd.s32 v27, v9;
	v11 =	vadd.s32 v28, v8;
	v51 =	vmov v41;
	v2 =	vld.idx.msk [tilespmem:v45+s29+$0x0], $0xffff;
	[tilespmem:s9+$0xFFFFFFA0] =	vst v12  }
0x2b7: {  	v9 =	vadd.s32 v24, v13;
	v8 =	vmin.f32 v61, v42;
	v12 =	vmax.f32 v61, v42;
	v58 =	vld.idx.msk [tilespmem:v44+s29+$0x0], $0xffff  }
0x2b8: {  	v13 =	vmax.f32 v56, v46;
	v61 =	vld.idx.msk [tilespmem:v14+s29+$0x0], $0xffff;
	[tilespmem:s9+$0xFFFFFFC0] =	vst v8;
	v14 =	vmin.f32 v56, v46  }
0x2b9: {  	v62 =	vmax.f32 v54, v1;
	v8 =	vmin.f32 v48, v52;
	v56 =	vld.idx.msk [tilespmem:v47+s29+$0x0], $0xffff;
	[tilespmem:s9+$0xFFFFFFE0] =	vst v14  }
0x2ba: {  	[tilespmem:s9+$0x60] =	vst v13  }
0x2bb: {  	[tilespmem:s9+$0x40] =	vst v12  }
0x2bc: {  	[tilespmem:s9+$0xFFFFFFB0] =	vst v7  }
0x2bd: {  	[tilespmem:s9+$0x30] =	vst v4  }
0x2be: {  	v5 =	vld.idx.msk [tilespmem:v5+s29+$0x0], $0xffff;
	[tilespmem:s9+$0x70] =	vst v49  }
0x2bf: {  	v4 =	vld.idx.msk [tilespmem:v11+s29+$0x0], $0xffff;
	[tilespmem:s9+$0x50] =	vst v3  }
0x2c0: {  	v7 =	vadd.s32 v30, v59;
	v6 =	vld.idx.msk [tilespmem:v6+s29+$0x0], $0xffff;
	[tilespmem:s9+$0xFFFFFFF0] =	vst v57  }
0x2c1: {  	v1 =	vmin.f32 v54, v1;
	[tilespmem:s9+$0xFFFFFF90] =	vst v8;
	v8 =	vld.idx.msk [tilespmem:v55+s29+$0x0], $0xffff  }
0x2c2: {  	[tilespmem:s9+$0xFFFFFF80] =	vst v1;
	v1 =	vld.idx.msk [tilespmem:v10+s29+$0x0], $0xffff  }
0x2c3: {  	v3 =	vld.idx.msk [tilespmem:v9+s29+$0x0], $0xffff;
	v9 =	vmax.f32 v48, v52;
	[tilespmem:s9+$0x0] =	vst v62  }
0x2c4: {  	[tilespmem:s9+$0x10] =	vst v9;
	v9 =	vld.idx.msk [tilespmem:v63+s29+$0x0], $0xffff;
	v10 =	vmax.f32 v58, v2  }
0x2c5: {  	v2 =	vmin.f32 v58, v2;
	v7 =	vld.idx.msk [tilespmem:v7+s29+$0x0], $0xffff;
	[tilespmem:s17+$0x20] =	vst v10  }
0x2c6: {  	[tilespmem:s17+$0xFFFFFFA0] =	vst v2;
	v2 =	vmin.f32 v8, v4  }
0x2c7: {  	v11 =	vmin.f32 v53, v1;
	[tilespmem:s17+$0xFFFFFFC0] =	vst v2  }
0x2c8: {  	v1 =	vmax.f32 v53, v1;
	[tilespmem:s17+$0xFFFFFFD0] =	vst v11  }
0x2c9: {  	[tilespmem:s17+$0x50] =	vst v1;
	v1 =	vmin.f32 v60, v61  }
0x2ca: {  	[tilespmem:s17+$0xFFFFFF90] =	vst v1;
	v1 =	vmax.f32 v6, v3  }
0x2cb: {  	[tilespmem:s17+$0x0] =	vst v1;
	v2 =	vmin.f32 v56, v7  }
0x2cc: {  	v7 =	vmax.f32 v56, v7;
	[tilespmem:s17+$0xFFFFFFE0] =	vst v2  }
0x2cd: {  	v2 =	vmax.f32 v8, v4;
	[tilespmem:s17+$0x60] =	vst v7  }
0x2ce: {  	v4 =	vmin.f32 v5, v9;
	[tilespmem:s17+$0x40] =	vst v2  }
0x2cf: {  	v2 =	vmin.f32 v6, v3;
	[tilespmem:s17+$0xFFFFFFB0] =	vst v4  }
0x2d0: {  	v4 =	vmax.f32 v5, v9;
	[tilespmem:s17+$0xFFFFFF80] =	vst v2  }
0x2d1: {  	v2 =	vmax.f32 v50, v51;
	[tilespmem:s17+$0x30] =	vst v4  }
0x2d2: {  	[tilespmem:s17+$0x70] =	vst v2;
	v2 =	vmin.f32 v50, v51  }
0x2d3: {  	s15 =	sadd.s32 s3, s14;
	s8 =	sadd.s32 @!p0 s8, s22;
	[tilespmem:s17+$0xFFFFFFF0] =	vst v2;
	v2 =	vmax.f32 v60, v61  }
0x2d4: {  	s12 =	simm.s32 @!p0 $0x4000;
	s13 =	simm.s32 @!p0 $0x4080;
	s8 =	sshrl.u32 @!p0 s8, $0x3;
	[tilespmem:s17+$0x10] =	vst v2  }
0x2d5: {  	[hbm4b:s15+s25] =	stream.strided.scatter [tilespmem:s0], [sflag:$0x5], $0x4000, s26, s25, $0x38;
	[tilespmem:$0x18080] =	vst v63  }
0x2d6: {  	s16 =	simm.s32 $0xC000;
	s9 =	simm.s32 @!p0 $0x400;
	s8 =	sadd.s32 @!p0 s1, s8  }
0x2d7: {  	v1 =	vadd.s32 s16, v33;
	[tilespmem:s13], [sflag:$0x2] =	stream.strided.gather @!p0 [hbm4b:s8+s9], $0x4000, s12, s9, $0x38;
	[tilespmem:$0x18080] =	vst v63  }
0x2d8: {  	v1 =	vand.u32 $0xFFFFFF80, v1;
	v2 =	vadd.s32 s16, v32;
	_ =	swait.ge [sflag:s2], $0x4000  }
0x2d9: {  	v3 =	vadd.s32 s16, v35;
	v4 =	vor.u32 v17, v1;
	v2 =	vand.u32 $0xFFFFFF80, v2;
	[sflag:s2] =	ssyncset.done $0x0  }
0x2da: {  	v3 =	vand.u32 $0xFFFFFF80, v3;
	v5 =	vadd.s32 v24, v2;
	[sflag:s2] =	ssyncadd.s32 $0xFFFFC000  }
0x2db: {  	v6 =	vor.u32 v19, v3;
	_ =	swait.ge [sflag:s11], $0x4000  }
0x2dc: {  	v7 =	vadd.s32 s16, v38;
	v2 =	vor.u32 v0, v2;
	[sflag:s11] =	ssyncset.done $0x0  }
0x2dd: {  	v7 =	vand.u32 $0xFFFFFF80, v7;
	v3 =	vadd.s32 v27, v3;
	[sflag:s11] =	ssyncadd.s32 $0xFFFFC000  }
0x2de: {  	v9 =	vadd.s32 v30, v7;
	v10 =	vld.idx.msk [tilespmem:v4+s29+$0x0], $0xffff  }
0x2df: {  	v55 =	vadd.s32 s16, v37;
	v7 =	vor.u32 v22, v7;
	v5 =	vld.idx.msk [tilespmem:v5+s29+$0x0], $0xffff  }
0x2e0: {  	v12 =	vand.u32 $0xFFFFFF80, v55;
	v1 =	vadd.s32 v25, v1;
	v6 =	vld.idx.msk [tilespmem:v6+s29+$0x0], $0xffff  }
0x2e1: {  	v15 =	vor.u32 v21, v12;
	v12 =	vadd.s32 v29, v12;
	v56 =	vadd.s32 s16, v36;
	v2 =	vld.idx.msk [tilespmem:v2+s29+$0x0], $0xffff  }
0x2e2: {  	v8 =	vadd.s32 s16, v39;
	v13 =	vand.u32 $0xFFFFFF80, v56;
	s17 =	simm.s32 $0xC100;
	v3 =	vld.idx.msk [tilespmem:v3+s29+$0x0], $0xffff  }
0x2e3: {  	v57 =	vadd.s32 s17, v32;
	v16 =	vadd.s32 s17, v38;
	v52 =	vld.idx.msk [tilespmem:v9+s29+$0x0], $0xffff;
	v9 =	vor.u32 v20, v13  }
0x2e4: {  	v40 =	vadd.s32 s17, v35;
	v4 =	vand.u32 $0xFFFFFF80, v8;
	v48 =	vld.idx.msk [tilespmem:v7+s29+$0x0], $0xffff;
	v7 =	vadd.s32 v28, v13  }
0x2e5: {  	v42 =	vadd.s32 s17, v33;
	v8 =	vadd.s32 s16, v34;
	v44 =	vld.idx.msk [tilespmem:v1+s29+$0x0], $0xffff;
	v11 =	vadd.s32 v31, v4  }
0x2e6: {  	v43 =	vadd.s32 s17, v34;
	v12 =	vld.idx.msk [tilespmem:v12+s29+$0x0], $0xffff;
	v8 =	vand.u32 $0xFFFFFF80, v8;
	v4 =	vor.u32 v23, v4  }
0x2e7: {  	v63 =	vadd.s32 s17, v36;
	v42 =	vand.u32 $0xFFFFFF80, v42;
	v15 =	vld.idx.msk [tilespmem:v15+s29+$0x0], $0xffff;
	v14 =	vadd.s32 v26, v8  }
0x2e8: {  	v43 =	vand.u32 $0xFFFFFF80, v43;
	v13 =	vand.u32 $0xFFFFFF80, v57;
	v8 =	vor.u32 v18, v8;
	v9 =	vld.idx.msk [tilespmem:v9+s29+$0x0], $0xffff  }
0x2e9: {  	v40 =	vand.u32 $0xFFFFFF80, v40;
	v55 =	vadd.s32 v26, v43;
	v41 =	vadd.s32 v24, v13;
	v61 =	vld.idx.msk [tilespmem:v7+s29+$0x0], $0xffff  }
0x2ea: {  	v46 =	vor.u32 v19, v40;
	v40 =	vadd.s32 v27, v40;
	v1 =	vadd.s32 v25, v42;
	v49 =	vld.idx.msk [tilespmem:v11+s29+$0x0], $0xffff  }
0x2eb: {  	v13 =	vor.u32 v0, v13;
	v51 =	vmax.f32 v6, v3;
	v45 =	vmin.f32 v6, v3;
	v50 =	vld.idx.msk [tilespmem:v4+s29+$0x0], $0xffff  }
0x2ec: {  	s8 =	simm.s32 $0x0;
	v6 =	vor.u32 v17, v42;
	v58 =	vmin.f32 v2, v5;
	v3 =	vor.u32 v18, v43;
	v14 =	vld.idx.msk [tilespmem:v14+s29+$0x0], $0xffff  }
0x2ed: {  	v59 =	vmax.f32 v2, v5;
	v11 =	vadd.s32 s17, v39;
	v4 =	vand.u32 $0xFFFFFF80, v16;
	v8 =	vld.idx.msk [tilespmem:v8+s29+$0x0], $0xffff;
	[tilespmem:s8+$0x14080] =	vst v58  }
0x2ee: {  	v16 =	vadd.s32 s17, v37;
	v54 =	vld.idx.msk [tilespmem:v41+s29+$0x0], $0xffff;
	v41 =	vmin.f32 v10, v44;
	v47 =	vadd.s32 v30, v4;
	[tilespmem:s8+$0x14100] =	vst v59  }
0x2ef: {  	v57 =	vld.idx.msk [tilespmem:v46+s29+$0x0], $0xffff;
	v11 =	vand.u32 $0xFFFFFF80, v11;
	v16 =	vand.u32 $0xFFFFFF80, v16;
	v5 =	vor.u32 v22, v4;
	[tilespmem:s8+$0x140B0] =	vst v45  }
0x2f0: {  	v59 =	vld.idx.msk [tilespmem:v13+s29+$0x0], $0xffff;
	v53 =	vor.u32 v21, v16;
	v4 =	vor.u32 v23, v11;
	v7 =	vadd.s32 v31, v11  }
0x2f1: {  	[tilespmem:s8+$0x14090] =	vst v41;
	v11 =	vand.u32 $0xFFFFFF80, v63;
	v2 =	vld.idx.msk [tilespmem:v6+s29+$0x0], $0xffff;
	v6 =	vmax.f32 v10, v44;
	v10 =	vmin.f32 v15, v12  }
0x2f2: {  	v56 =	vor.u32 v20, v11;
	v58 =	vadd.s32 v28, v11;
	[tilespmem:s8+$0x140D0] =	vst v10;
	v11 =	vmin.f32 v8, v14  }
0x2f3: {  	v60 =	vadd.s32 v29, v16;
	v8 =	vmax.f32 v8, v14;
	v62 =	vld.idx.msk [tilespmem:v47+s29+$0x0], $0xffff;
	[tilespmem:s8+$0x140A0] =	vst v11  }
0x2f4: {  	v10 =	vmax.f32 v9, v61;
	v11 =	vmin.f32 v9, v61;
	v61 =	vld.idx.msk [tilespmem:v40+s29+$0x0], $0xffff;
	[tilespmem:s8+$0x14120] =	vst v8  }
0x2f5: {  	s9 =	simm.s32 $0x400;
	s12 =	simm.s32 $0x800;
	s13 =	simm.s32 $0xC200;
	v9 =	vmin.f32 v48, v52;
	v8 =	vmin.f32 v50, v49;
	[tilespmem:s8+$0x140C0] =	vst v11;
	v11 =	vmax.f32 v15, v12  }
.LBB2_19:
0x2f6: {  	v12 =	vadd.s32 s13, v32;
	p0 =	sne.s32 s12, $0xFC00;
	[tilespmem:s8+$0x14150] =	vst v11;
	v11 =	vmax.f32 v48, v52;
	v48 =	vld.idx.msk [tilespmem:v5+s29+$0x0], $0xffff;
	v5 =	vmax.f32 v50, v49;
	s14 =	smov.u32 s12;
	s12 =	sadd.s32 $0x400, s12  }
0x2f7: {  	v13 =	vadd.s32 s13, v38;
	v14 =	vadd.s32 s13, v39;
	v12 =	vand.u32 $0xFFFFFF80, v12;
	v49 =	vld.idx.msk [tilespmem:v7+s29+$0x0], $0xffff;
	[tilespmem:s8+$0x14140] =	vst v10  }
0x2f8: {  	v7 =	vadd.s32 s13, v35;
	v10 =	vand.u32 $0xFFFFFF80, v13;
	v13 =	vand.u32 $0xFFFFFF80, v14;
	v50 =	vld.idx.msk [tilespmem:v4+s29+$0x0], $0xffff;
	[tilespmem:s8+$0x14110] =	vst v6  }
0x2f9: {  	v4 =	vadd.s32 s13, v36;
	v6 =	vadd.s32 s13, v37;
	v14 =	vadd.s32 v24, v12;
	v15 =	vld.idx.msk [tilespmem:v55+s29+$0x0], $0xffff;
	[tilespmem:s8+$0x14130] =	vst v51  }
0x2fa: {  	v16 =	vadd.s32 s13, v33;
	v40 =	vadd.s32 s13, v34;
	v51 =	vmax.f32 v57, v61;
	v41 =	vld.idx.msk [tilespmem:v3+s29+$0x0], $0xffff;
	[tilespmem:s8+$0x140E0] =	vst v9  }
0x2fb: {  	v3 =	vand.u32 $0xFFFFFF80, v16;
	v9 =	vand.u32 $0xFFFFFF80, v6;
	v16 =	vmin.f32 v57, v61;
	v52 =	vmovc v62;
	v6 =	vld.idx.msk [tilespmem:v1+s29+$0x0], $0xffff;
	[tilespmem:s8+$0x14160] =	vst v11  }
0x2fc: {  	v7 =	vand.u32 $0xFFFFFF80, v7;
	v11 =	vor.u32 v17, v3;
	v42 =	vor.u32 v21, v9;
	v43 =	vld.idx.msk [tilespmem:v60+s29+$0x0], $0xffff;
	[tilespmem:s8+$0x140F0] =	vst v8  }
0x2fd: {  	v44 =	vmin.f32 v59, v54;
	v1 =	vadd.s32 v25, v3;
	v8 =	vand.u32 $0xFFFFFF80, v40;
	v40 =	vld.idx.msk [tilespmem:v53+s29+$0x0], $0xffff;
	[tilespmem:s8+$0x14170] =	vst v5  }
0x2fe: {  	v45 =	vmax.f32 v59, v54;
	v3 =	vor.u32 v18, v8;
	v55 =	vadd.s32 v26, v8;
	v8 =	vld.idx.msk [tilespmem:v56+s29+$0x0], $0xffff  }
0x2ff: {  	v46 =	vor.u32 v19, v7;
	v47 =	vand.u32 $0xFFFFFF80, v4;
	v62 =	vadd.s32 v30, v10;
	s8 =	sshra.s32 s9, $0x2;
	v53 =	vmovc v42;
	s9 =	smov.u32 s14;
	v61 =	vld.idx.msk [tilespmem:v58+s29+$0x0], $0xffff  }
0x300: {  	v12 =	vor.u32 v0, v12;
	v5 =	vor.u32 v22, v10;
	v42 =	vadd.s32 v27, v7;
	[tilespmem:s8+$0x14080] =	vst v44  }
0x301: {  	v4 =	vor.u32 v23, v13;
	v7 =	vadd.s32 v31, v13;
	v44 =	vld.idx.msk [tilespmem:v11+s29+$0x0], $0xffff;
	[tilespmem:s8+$0x14100] =	vst v45  }
0x302: {  	v10 =	vmin.f32 v2, v6;
	v6 =	vmax.f32 v2, v6;
	v54 =	vld.idx.msk [tilespmem:v14+s29+$0x0], $0xffff;
	[tilespmem:s8+$0x140B0] =	vst v16  }
.Ltmp8:
0x303: {  	v60 =	vadd.s32 v29, v9;
	v56 =	vor.u32 v20, v47;
	v2 =	vmin.f32 v40, v43;
	[tilespmem:s8+$0x14090] =	vst v10;
	(pc) =	sbr.rel @p0 .LBB2_19-.Ltmp8, $4  }
0x304: {  	v58 =	vadd.s32 v28, v47;
	v9 =	vmin.f32 v41, v15;
	v57 =	vld.idx.msk [tilespmem:v46+s29+$0x0], $0xffff;
	[tilespmem:s8+$0x140D0] =	vst v2  }
0x305: {  	v10 =	vmax.f32 v8, v61;
	v59 =	vld.idx.msk [tilespmem:v12+s29+$0x0], $0xffff;
	[tilespmem:s8+$0x140A0] =	vst v9;
	v12 =	vmin.f32 v8, v61  }
0x306: {  	v11 =	vmax.f32 v40, v43;
	v8 =	vmax.f32 v41, v15;
	v61 =	vld.idx.msk [tilespmem:v42+s29+$0x0], $0xffff;
	[tilespmem:s8+$0x140C0] =	vst v12  }
0x307: {  	s13 =	sadd.s32 $0x100, s13;
	v9 =	vmin.f32 v48, v52;
	v2 =	vmov v44;
	v62 =	vld.idx.msk [tilespmem:v62+s29+$0x0], $0xffff;
	[tilespmem:s8+$0x14120] =	vst v8;
	v8 =	vmin.f32 v50, v49  }
0x308: {  	_ =	sdelay $0x3  }
0x309: {  	v5 =	vld.idx.msk [tilespmem:v5+s29+$0x0], $0xffff  }
0x30a: {  	v7 =	vld.idx.msk [tilespmem:v7+s29+$0x0], $0xffff;
	[tilespmem:s8+$0x14150] =	vst v11  }
0x30b: {  	v4 =	vld.idx.msk [tilespmem:v4+s29+$0x0], $0xffff;
	[tilespmem:s8+$0x14140] =	vst v10  }
0x30c: {  	v46 =	vld.idx.msk [tilespmem:v55+s29+$0x0], $0xffff;
	[tilespmem:s8+$0x14110] =	vst v6  }
0x30d: {  	v3 =	vld.idx.msk [tilespmem:v3+s29+$0x0], $0xffff;
	[tilespmem:s8+$0x14130] =	vst v51  }
0x30e: {  	v1 =	vld.idx.msk [tilespmem:v1+s29+$0x0], $0xffff;
	[tilespmem:s8+$0x140E0] =	vst v9  }
0x30f: {  	v47 =	vmax.f32 v48, v52;
	v48 =	vld.idx.msk [tilespmem:v60+s29+$0x0], $0xffff;
	[tilespmem:s8+$0x140F0] =	vst v8  }
0x310: {  	v51 =	vld.idx.msk [tilespmem:v53+s29+$0x0], $0xffff;
	v52 =	vmax.f32 v50, v49;
	[tilespmem:s8+$0x14160] =	vst v47  }
0x311: {  	v53 =	vld.idx.msk [tilespmem:v56+s29+$0x0], $0xffff;
	s17 =	sshra.s32 s9, $0x2;
	[tilespmem:s8+$0x14170] =	vst v52;
	v12 =	vmin.f32 v59, v54  }
0x312: {  	v55 =	vld.idx.msk [tilespmem:v58+s29+$0x0], $0xffff;
	v13 =	vmax.f32 v59, v54;
	[tilespmem:s17+$0x14080] =	vst v12  }
0x313: {  	v56 =	vmin.f32 v57, v61;
	[tilespmem:s17+$0x14100] =	vst v13  }
0x314: {  	[tilespmem:s17+$0x140B0] =	vst v56;
	v58 =	vmin.f32 v2, v1  }
0x315: {  	v59 =	vmin.f32 v51, v48;
	[tilespmem:s17+$0x14090] =	vst v58  }
0x316: {  	v60 =	vmin.f32 v3, v46;
	[tilespmem:s17+$0x140D0] =	vst v59  }
0x317: {  	v63 =	vmin.f32 v53, v55;
	[tilespmem:s17+$0x140A0] =	vst v60  }
0x318: {  	v3 =	vmax.f32 v3, v46;
	[tilespmem:s17+$0x140C0] =	vst v63  }
0x319: {  	v6 =	vmax.f32 v51, v48;
	[tilespmem:s17+$0x14120] =	vst v3  }
0x31a: {  	v1 =	vmax.f32 v2, v1;
	[tilespmem:s17+$0x14150] =	vst v6  }
0x31b: {  	v2 =	vmax.f32 v57, v61;
	[tilespmem:s17+$0x14110] =	vst v1  }
0x31c: {  	v3 =	vmax.f32 v53, v55;
	[tilespmem:s17+$0x14130] =	vst v2  }
0x31d: {  	v1 =	vmin.f32 v5, v62;
	[tilespmem:s17+$0x14140] =	vst v3  }
0x31e: {  	v2 =	vmax.f32 v5, v62;
	[tilespmem:s17+$0x140E0] =	vst v1  }
0x31f: {  	v1 =	vmin.f32 v4, v7;
	[tilespmem:s17+$0x14160] =	vst v2  }
0x320: {  	v2 =	vmax.f32 v4, v7;
	[tilespmem:s17+$0x140F0] =	vst v1  }
0x321: {  	[tilespmem:s17+$0x14170] =	vst v2  }
0x322: {  	v44 =	vld [tilespmem:$0x1FE40]  }
0x323: {  	s23 =	sadd.s32 $0x1, s23;
	v45 =	vld [tilespmem:$0x1FE50]  }
0x324: {  	p0 =	sne.s32 s23, $0x8;
	v46 =	vld [tilespmem:$0x1FE60]  }
.Ltmp9:
0x325: {  	v47 =	vld [tilespmem:$0x1FE70];
	(pc) =	sbr.rel @p0 .LBB2_12-.Ltmp9, $4  }
0x326: {  	v40 =	vld [tilespmem:$0x1FE80]  }
0x327: {  	v41 =	vld [tilespmem:$0x1FE90]  }
0x328: {  	s24 =	sadd.s32 s3, s24;
	v42 =	vld [tilespmem:$0x1FEA0]  }
0x329: {  	[hbm4b:s24+s25] =	stream.strided.scatter [tilespmem:s7], [sflag:$0x6], $0x4000, s26, s25, $0x38;
	v26 =	vld [tilespmem:$0x1FEB0]  }
0x32a: {  	_ =	swait.ge [sflag:s10], $0x4000  }
0x32b: {  	[sflag:s10] =	ssyncset.done $0x0  }
0x32c: {  	[sflag:s10] =	ssyncadd.s32 $0xFFFFC000  }
0x32d: {  	_ =	swait.ge [sflag:s11], $0x4000  }
0x32e: {  	s9 =	rddreg [dreg:$0x11]  }
0x32f: {  	s8 =	rddreg [dreg:$0x10];
	s9 =	sadd.s32 $0x1, s9  }
0x330: {  	p0 =	sne.s32 s9, s8  }
.Ltmp10:
0x331: {  	_ = 	snop;
	(pc) =	sbr.rel @p0 .LBB2_1-.Ltmp10, $3  }
0x332: {  	_ =	sdelay $0x1  }
0x333: {  	[sflag:s11] =	ssyncset.done $0x0  }
0x334: {  	[sflag:s11] =	ssyncadd.s32 $0xFFFFC000  }
0x335: {  	_ =	sfence.sel $0x180000  }
0x336: {  	[bflag:$0x0] =	sbarrier.arrive $0xFFFF  }
0x337: {  	_ =	strace $0x90000047  }
0x338: {  	s0 =	stileid.u32;
	[bflag:$0x2] =	sbarrier.arrive $0xFFFF  }
0x339: {  	p0 =	sne.s32 s0, $0x0;
	s0 =	rddreg [dreg:$0x3]  }
0x33a: {  	s0 =	sadd.s32 @!p0 $0x100000, s0  }
0x33b: {  	[sflag:s0] =	ssyncadd.tile.s32 @!p0 $0x1;
	_ =	shalt  }
.Lfunc_end2:
_tile_overlayer_lowered:
.L_overlay_start_2:
0x33c: {  	(tag) =	ssettag $0x2  }
0x33d: {  	s0 =	rddreg [dreg:$0x0];
	s2 =	stileid.u32  }
0x33e: {  	s1 =	rddreg [dreg:$0x1];
	p0 =	sne.s32 s2, $0x0  }
0x33f: {  	s3 =	rddreg [dreg:$0x2];
	[bflag:$0x3] =	sbarrier.arrive $0xFFFF;
	s2 =	simm.s32 @!p0 $0x1C07  }
0x340: {  	[timem:s3], [sflag:s2] =	dma.local @!p0 [hbm:s0], s1  }
0x341: {  	s0 =	simm.s32 @!p0 $0x7  }
0x342: {  	_ =	swait.ge @!p0 [sflag:s0], s1  }
0x343: {  	s1 =	ssub.s32 @!p0 $0x0, s1;
	[sflag:s0] =	ssyncset.done @!p0 $0x0  }
0x344: {  	[sflag:s0] =	ssyncadd.s32 @!p0 s1  }
0x345: {  	[bflag:$0x3] =	sbarrier.arrive $0xFFFF  }
0x346: {  	_ =	shalt  }

</sc_bundles>
